<compile_context>
chip_gen: v7x
topology: tpu7x:2x2x1
jax: 0.10.2.dev20260603
libtpu: 0.0.44.dev20260713+nightly
codegen_flags: <defaults>
</compile_context>

<pallas_src>
import functools

import jax
import jax.numpy as jnp
from jax import lax
from jax.experimental import pallas as pl
from jax.experimental.pallas import tpu as pltpu
from jax.experimental.pallas import tpu_sc as plsc

N = 10000
E = 320000
ND = 128
IED = 16
ED = 128

NC = 2
NS = 16
NW = NC * NS

EH = E // 2

N_ACC = 10240

GCHUNK = 320
PER_TILE = 5120
GITERS = PER_TILE // GCHUNK
GITERS_LAST = (EH - 31 * PER_TILE) // GCHUNK

IW = 128
JROWS = EH // IW
JROWS_PAD = NW * (PER_TILE // IW)
TROWS = PER_TILE // IW
TROWS_LAST = JROWS - 31 * TROWS
NSLICE = N_ACC // NS

BD = 3200
ND_BLOCKS = EH // BD
BDE = 6400

BF = 1000
NF_BLOCKS = N // BF


def _silu(x):
    return x * jax.nn.sigmoid(x)


def _node_embed_kernel(species_ref, wa_ref, ba_ref, f_ref):
    f_ref[...] = (
        jnp.dot(species_ref[...], wa_ref[...],
                preferred_element_type=jnp.float32)
        + ba_ref[...]
    )


def _node_embed(species, Wa, ba):
    return pl.pallas_call(
        _node_embed_kernel,
        out_shape=jax.ShapeDtypeStruct((N, ND), jnp.float32),
    )(species, Wa, ba.reshape(1, ND))


def _gather_body(f_hbm, i_hbm, j_hbm, fi_hbm, fj_hbm,
                 idxi_v, idxj_v, rowsi_v, rowsj_v,
                 gsem, wsem_i, wsem_j):
    cid = lax.axis_index("c")
    sid = lax.axis_index("s")
    wid = cid * NS + sid
    base = wid * PER_TILE
    niter = jnp.where(wid == NW - 1, GITERS_LAST, GITERS)

    @pl.loop(0, niter)
    def _(k):
        off = base + k * GCHUNK
        pltpu.sync_copy(i_hbm.at[pl.ds(off, GCHUNK)], idxi_v)
        pltpu.sync_copy(j_hbm.at[pl.ds(off, GCHUNK)], idxj_v)

        @pl.when(k > 0)
        def _():
            pltpu.make_async_copy(rowsi_v, fi_hbm.at[pl.ds(off, GCHUNK)],
                                  wsem_i).wait()
        pltpu.async_copy(f_hbm.at[idxi_v], rowsi_v, gsem).wait()
        pltpu.async_copy(rowsi_v, fi_hbm.at[pl.ds(off, GCHUNK)], wsem_i)

        @pl.when(k > 0)
        def _():
            pltpu.make_async_copy(rowsj_v, fj_hbm.at[pl.ds(off, GCHUNK)],
                                  wsem_j).wait()
        pltpu.async_copy(f_hbm.at[idxj_v], rowsj_v, gsem).wait()
        pltpu.async_copy(rowsj_v, fj_hbm.at[pl.ds(off, GCHUNK)], wsem_j)

    pltpu.make_async_copy(rowsi_v, fi_hbm.at[pl.ds(base, GCHUNK)],
                          wsem_i).wait()
    pltpu.make_async_copy(rowsj_v, fj_hbm.at[pl.ds(base, GCHUNK)],
                          wsem_j).wait()


def _gather_sc(f, i, j):
    mesh = plsc.VectorSubcoreMesh(core_axis_name="c", subcore_axis_name="s")
    fs = jax.ShapeDtypeStruct((EH, ND), jnp.float32)
    run = pl.kernel(
        _gather_body,
        out_type=(fs, fs),
        mesh=mesh,
        scratch_types=[
            pltpu.VMEM((GCHUNK,), jnp.int32),
            pltpu.VMEM((GCHUNK,), jnp.int32),
            pltpu.VMEM((GCHUNK, ND), jnp.float32),
            pltpu.VMEM((GCHUNK, ND), jnp.float32),
            pltpu.SemaphoreType.DMA,
            pltpu.SemaphoreType.DMA,
            pltpu.SemaphoreType.DMA,
        ],
    )
    return run(f, i, j)


def _edge_ea_kernel(eattr_ref, wb1_ref, bb1_ref, wb2_ref, bb2_ref, ea_ref):
    f32 = jnp.float32
    eh = _silu(lax.dot_general(eattr_ref[...].astype(jnp.bfloat16),
                               wb1_ref[...], (((0,), (0,)), ((), ())),
                               preferred_element_type=f32) + bb1_ref[...])
    ea_ref[...] = jnp.dot(eh.astype(jnp.bfloat16), wb2_ref[...],
                          preferred_element_type=f32) + bb2_ref[...]


def _edge_ea(eattr_t, Wb1, bb1, Wb2, bb2):
    bf16 = jnp.bfloat16
    full = lambda *shape: pl.BlockSpec(shape, lambda b: (0,) * len(shape))
    return pl.pallas_call(
        _edge_ea_kernel,
        grid=(E // BDE,),
        in_specs=[
            pl.BlockSpec((IED, BDE), lambda b: (0, b)),
            full(IED, ED), full(1, ED), full(ED, ED), full(1, ED),
        ],
        out_specs=pl.BlockSpec((BDE, ND), lambda b: (b, 0)),
        out_shape=jax.ShapeDtypeStruct((E, ND), jnp.float32),
    )(eattr_t, Wb1.astype(bf16), bb1.reshape(1, ED),
      Wb2.astype(bf16), bb2.reshape(1, ED))


def _edge_mlp_kernel(fi_ref, fj_ref, ea_ref, evec_ref,
                     w1_ref, b1_ref, w2_ref, b2_ref,
                     s_ref, t0_ref, t1_ref, t2_ref):
    f32 = jnp.float32
    bf16 = jnp.bfloat16
    fi32 = fi_ref[...]
    fi = fi32.astype(bf16)
    fj = fj_ref[...].astype(bf16)

    h = _silu(
        jnp.dot(fi, w1_ref[0:ND, :], preferred_element_type=f32)
        + jnp.dot(fj, w1_ref[ND:2 * ND, :], preferred_element_type=f32)
        + jnp.dot(ea_ref[...].astype(bf16), w1_ref[2 * ND:, :],
                  preferred_element_type=f32)
        + b1_ref[...]
    ).astype(bf16)
    sp = jnp.dot(h, w2_ref[...], preferred_element_type=f32) + b2_ref[...]

    s_ref[...] = sp[:, 0:ND] * fi32
    pv = sp[:, ND:]
    ev = jnp.transpose(evec_ref[...])
    t0_ref[...] = pv * ev[:, 0:1]
    t1_ref[...] = pv * ev[:, 1:2]
    t2_ref[...] = pv * ev[:, 2:3]


def _edge_mlps(fi, fj, ea_full, evec_t, half,
               Ws1, bs1, Ws2, bs2, Wv1, bv1, Wv2, bv2):
    bf16 = jnp.bfloat16
    w1 = jnp.concatenate([Ws1, Wv1], axis=1).astype(bf16)
    b1 = jnp.concatenate([bs1, bv1]).reshape(1, 2 * ND)
    w2 = jnp.zeros((2 * ND, 2 * ND), jnp.float32)
    w2 = w2.at[0:ND, 0:ND].set(Ws2).at[ND:, ND:].set(Wv2).astype(bf16)
    b2 = jnp.concatenate([bs2, bv2]).reshape(1, 2 * ND)

    hoff = half * (EH // BD)
    eb = lambda: pl.BlockSpec((BD, ND), lambda b: (b, 0))
    full = lambda *shape: pl.BlockSpec(shape, lambda b: (0,) * len(shape))
    fs = jax.ShapeDtypeStruct((EH, ND), jnp.float32)
    return pl.pallas_call(
        _edge_mlp_kernel,
        grid=(ND_BLOCKS,),
        in_specs=[
            eb(), eb(),
            pl.BlockSpec((BD, ND), lambda b: (hoff + b, 0)),
            pl.BlockSpec((3, BD), lambda b: (0, b)),
            full(2 * ND + ED, 2 * ND), full(1, 2 * ND),
            full(2 * ND, 2 * ND), full(1, 2 * ND),
        ],
        out_specs=[eb()] * 4,
        out_shape=[fs] * 4,
    )(fi, fj, ea_full, evec_t, w1, b1, w2, b2)


def _scatter_body(s_hbm, t0_hbm, t1_hbm, t2_hbm, j2_hbm, z_hbm, out_hbm,
                  idx_v, vals0_v, vals1_v, acc, dsem0, dsem1):
    cid = lax.axis_index("c")
    sid = lax.axis_index("s")
    tile = cid * NS + sid
    row0 = tile * TROWS
    ebase = tile * PER_TILE
    pairs = jnp.where(tile == NW - 1, TROWS_LAST // 2, TROWS // 2)

    pltpu.sync_copy(j2_hbm.at[pl.ds(row0, TROWS)], idx_v)

    for p, vals_hbm in enumerate((s_hbm, t0_hbm, t1_hbm, t2_hbm)):
        pltpu.sync_copy(z_hbm.at[pl.ds(sid * NSLICE, NSLICE)],
                        acc.at[pl.ds(sid * NSLICE, NSLICE)])
        plsc.subcore_barrier()

        pltpu.async_copy(vals_hbm.at[pl.ds(ebase, IW)], vals0_v, dsem0)

        @pl.loop(0, pairs)
        def _(g):
            q0 = 2 * g
            pltpu.async_copy(vals_hbm.at[pl.ds(ebase + (q0 + 1) * IW, IW)],
                             vals1_v, dsem1)
            pltpu.make_async_copy(vals_hbm.at[pl.ds(ebase, IW)], vals0_v,
                                  dsem0).wait()
            pltpu.sync_copy(vals0_v, acc.at[idx_v.at[q0]], add=True)

            @pl.when(g < pairs - 1)
            def _():
                pltpu.async_copy(
                    vals_hbm.at[pl.ds(ebase + (q0 + 2) * IW, IW)],
                    vals0_v, dsem0)
            pltpu.make_async_copy(vals_hbm.at[pl.ds(ebase, IW)], vals1_v,
                                  dsem1).wait()
            pltpu.sync_copy(vals1_v, acc.at[idx_v.at[q0 + 1]], add=True)

        plsc.subcore_barrier()
        pltpu.sync_copy(acc.at[pl.ds(sid * NSLICE, NSLICE)],
                        out_hbm.at[p, cid, pl.ds(sid * NSLICE, NSLICE)])
        plsc.subcore_barrier()


def _scatter_sc(s, t0, t1, t2, j):
    mesh = plsc.VectorSubcoreMesh(core_axis_name="c", subcore_axis_name="s")
    j2 = jnp.concatenate(
        [j, jnp.zeros(JROWS_PAD * IW - EH, jnp.int32)]).reshape(JROWS_PAD, IW)
    zeros = jnp.zeros((N_ACC, ND), jnp.float32)
    run = pl.kernel(
        _scatter_body,
        out_type=jax.ShapeDtypeStruct((4, NC, N_ACC, ND), jnp.float32),
        mesh=mesh,
        scratch_types=[
            pltpu.VMEM((TROWS, IW), jnp.int32),
            pltpu.VMEM((IW, ND), jnp.float32),
            pltpu.VMEM((IW, ND), jnp.float32),
            pltpu.VMEM_SHARED((N_ACC, ND), jnp.float32),
            pltpu.SemaphoreType.DMA,
            pltpu.SemaphoreType.DMA,
        ],
    )
    return run(s, t0, t1, t2, j2, zeros)


def _final_kernel(f_ref, p0_ref, p1_ref, wh1_ref, bh1_ref, wh2_ref, bh2_ref,
                  h0_ref, v0_ref, v1_ref, v2_ref):
    f32 = jnp.float32
    agg = (p0_ref[0, 0] + p0_ref[0, 1]) + (p1_ref[0, 0] + p1_ref[0, 1])
    hh = _silu(
        jnp.dot(f_ref[...], wh1_ref[0:ND, :], preferred_element_type=f32)
        + jnp.dot(agg, wh1_ref[ND:, :], preferred_element_type=f32)
        + bh1_ref[...]
    )
    h0_ref[...] = jnp.dot(hh, wh2_ref[...], preferred_element_type=f32) \
        + bh2_ref[...]
    v0_ref[...] = (p0_ref[1, 0] + p0_ref[1, 1]) + (p1_ref[1, 0] + p1_ref[1, 1])
    v1_ref[...] = (p0_ref[2, 0] + p0_ref[2, 1]) + (p1_ref[2, 0] + p1_ref[2, 1])
    v2_ref[...] = (p0_ref[3, 0] + p0_ref[3, 1]) + (p1_ref[3, 0] + p1_ref[3, 1])


def _final_tc(f, partials0, partials1, Wh1, bh1, Wh2, bh2):
    nb = lambda: pl.BlockSpec((BF, ND), lambda b: (b, 0))
    full = lambda *shape: pl.BlockSpec(shape, lambda b: (0,) * len(shape))
    ps = pl.BlockSpec((4, NC, BF, ND), lambda b: (0, 0, b, 0))
    fs = jax.ShapeDtypeStruct((N, ND), jnp.float32)
    return pl.pallas_call(
        _final_kernel,
        grid=(NF_BLOCKS,),
        in_specs=[
            nb(), ps, ps,
            full(2 * ND, ED), full(1, ED), full(ED, ND), full(1, ND),
        ],
        out_specs=[nb()] * 4,
        out_shape=[fs] * 4,
    )(f, partials0, partials1,
      Wh1, bh1.reshape(1, ED), Wh2, bh2.reshape(1, ND))


def kernel(species, edge_index, edge_attr, edge_vec,
           Wa, ba, Wb1, bb1, Wb2, bb2,
           Ws1, bs1, Ws2, bs2,
           Wh1, bh1, Wh2, bh2,
           Wv1, bv1, Wv2, bv2):
    i = edge_index[0]
    j = edge_index[1]

    f = _node_embed(species, Wa, ba)
    ea = _edge_ea(edge_attr.T, Wb1, bb1, Wb2, bb2)

    part_h = []
    for h in range(2):
        sl = slice(h * EH, (h + 1) * EH)
        fi, fj = _gather_sc(f, i[sl], j[sl])
        s, t0, t1, t2 = _edge_mlps(
            fi, fj, ea, edge_vec[sl].T, h,
            Ws1, bs1, Ws2, bs2, Wv1, bv1, Wv2, bv2)
        part_h.append(_scatter_sc(s, t0, t1, t2, j[sl]))

    h0, v00, v01, v02 = _final_tc(f, part_h[0], part_h[1],
                                  Wh1, bh1, Wh2, bh2)
    v0 = jnp.stack([v00, v01, v02], axis=-1)
    return (h0, v0, ea)

# --- scband reference (transcript-rebuilt; emitter-appended) ---
"""Pipeline reference for scband-encoder-6777458393829 (READ-ONLY COPY).

The authoritative reference and input builder live on the scoring server;
editing this copy changes nothing except your own understanding.
"""

import jax, jax.numpy as jnp
import numpy as np

N = 10000
E = 320000
ND = 128   # node_dim
IED = 16   # init_edge_dim
ED = 128   # edge_dim

def _mk(key, shape, scale):
    return jax.random.normal(key, shape, dtype=jnp.float32) * scale

def setup_inputs(seed: int = 0) -> dict:
    key = jax.random.key(seed)
    ks = jax.random.split(key, 24)
    inp = {}
    inp['species'] = jax.random.normal(ks[0], (N, 5), dtype=jnp.float32)
    inp['edge_index'] = jax.random.randint(ks[1], (2, E), 0, N, dtype=jnp.int64 if jax.config.read('jax_enable_x64') else jnp.int32).astype(jnp.int32)
    inp['edge_attr'] = jax.random.normal(ks[2], (E, IED), dtype=jnp.float32)
    inp['edge_vec'] = jax.random.normal(ks[3], (E, 3), dtype=jnp.float32)
    # embed_atom: Linear(5, node_dim)
    inp['Wa'] = _mk(ks[4], (5, ND), (1.0/5)**0.5); inp['ba'] = jnp.zeros((ND,), jnp.float32)
    # embed_bond: MLP [IED -> ED -> ED]
    inp['Wb1'] = _mk(ks[5], (IED, ED), (1.0/IED)**0.5); inp['bb1'] = jnp.zeros((ED,), jnp.float32)
    inp['Wb2'] = _mk(ks[6], (ED, ED), (1.0/ED)**0.5); inp['bb2'] = jnp.zeros((ED,), jnp.float32)
    # phi_s: MLP [2*ND+ED -> ED -> ND]
    inp['Ws1'] = _mk(ks[7], (2*ND+ED, ED), (1.0/(2*ND+ED))**0.5); inp['bs1'] = jnp.zeros((ED,), jnp.float32)
    inp['Ws2'] = _mk(ks[8], (ED, ND), (1.0/ED)**0.5); inp['bs2'] = jnp.zeros((ND,), jnp.float32)
    # phi_h: MLP [2*ND -> ED -> ND]
    inp['Wh1'] = _mk(ks[9], (2*ND, ED), (1.0/(2*ND))**0.5); inp['bh1'] = jnp.zeros((ED,), jnp.float32)
    inp['Wh2'] = _mk(ks[10], (ED, ND), (1.0/ED)**0.5); inp['bh2'] = jnp.zeros((ND,), jnp.float32)
    # phi_v: MLP [2*ND+ED -> ED -> ND]
    inp['Wv1'] = _mk(ks[11], (2*ND+ED, ED), (1.0/(2*ND+ED))**0.5); inp['bv1'] = jnp.zeros((ED,), jnp.float32)
    inp['Wv2'] = _mk(ks[12], (ED, ND), (1.0/ED)**0.5); inp['bv2'] = jnp.zeros((ND,), jnp.float32)
    return inp

def _mlp2(x, W1, b1, W2, b2):
    return jax.nn.silu(x @ W1 + b1) @ W2 + b2

def reference(species, edge_index, edge_attr, edge_vec,
              Wa, ba, Wb1, bb1, Wb2, bb2,
              Ws1, bs1, Ws2, bs2,
              Wh1, bh1, Wh2, bh2,
              Wv1, bv1, Wv2, bv2):
    num_nodes = species.shape[0]
    i = edge_index[0]
    j = edge_index[1]
    f = species @ Wa + ba                                   # [N, ND]
    ea = _mlp2(edge_attr, Wb1, bb1, Wb2, bb2)               # [E, ED]
    fi = jnp.take(f, i, axis=0)                             # gather [E, ND]
    fj = jnp.take(f, j, axis=0)                             # gather [E, ND]
    e = jnp.concatenate([fi, fj, ea], axis=-1)              # [E, 2*ND+ED]
    s = _mlp2(e, Ws1, bs1, Ws2, bs2) * fi                   # [E, ND]
    agg = jax.ops.segment_sum(s, j, num_segments=num_nodes) # scatter-add [N, ND]
    h0 = _mlp2(jnp.concatenate([f, agg], axis=-1), Wh1, bh1, Wh2, bh2)
    pv = _mlp2(e, Wv1, bv1, Wv2, bv2)                       # [E, ND]
    vmsg = edge_vec[:, None, :] * pv[:, :, None]            # [E, ND, 3]
    v0 = jax.ops.segment_sum(vmsg, j, num_segments=num_nodes)  # [N, ND, 3]
    return (h0, v0, ea)

if __name__ == "__main__":
    import jax
    _d = setup_inputs()
    print(jax.jit(kernel)(*tuple(_d.values())))

</pallas_src>

<mosaic_0001>
#map = affine_map<(d0, d1) -> (0, 0)>
#map1 = affine_map<(d0, d1) -> (0)>
module attributes {stable_mosaic.version = 14 : i64} {
  func.func @_gather_body(%arg0: i32, %arg1: i32, %arg2: memref<10000x128xf32, #tpu.memory_space<hbm>>, %arg3: memref<160000xi32, #tpu.memory_space<hbm>>, %arg4: memref<160000xi32, #tpu.memory_space<hbm>>, %arg5: memref<160000x128xf32, #tpu.memory_space<hbm>>, %arg6: memref<160000x128xf32, #tpu.memory_space<hbm>>, %arg7: memref<320xi32, #tpu.memory_space<vmem>>, %arg8: memref<320xi32, #tpu.memory_space<vmem>>, %arg9: memref<320x128xf32, #tpu.memory_space<vmem>>, %arg10: memref<320x128xf32, #tpu.memory_space<vmem>>, %arg11: memref<!tpu.dma_semaphore, #tpu.memory_space<semaphore_mem>>, %arg12: memref<!tpu.dma_semaphore, #tpu.memory_space<semaphore_mem>>, %arg13: memref<!tpu.dma_semaphore, #tpu.memory_space<semaphore_mem>>) attributes {dimension_semantics = [#tpu.dimension_semantics<core_parallel>, #tpu.dimension_semantics<subcore_parallel>], iteration_bounds = array<i64: 2, 16>, scalar_prefetch = 0 : i64, scratch_operands = 7 : i64, tpu.core_type = #tpu.core_type<sc_vector_subcore>, window_params = [{transform_indices = #map}, {transform_indices = #map1}, {transform_indices = #map1}, {transform_indices = #map}, {transform_indices = #map}]} {
    %mul3A = arith.constant 16 : i32
    %mul3A_0 = arith.muli %arg0, %mul3A : i32
    %add3A = arith.addi %mul3A_0, %arg1 : i32
    %mul3A_1 = arith.constant 5120 : i32
    %mul3A_2 = arith.muli %add3A, %mul3A_1 : i32
    %eq3A = arith.constant 31 : i32
    %eq3A_3 = arith.cmpi eq, %add3A, %eq3A : i32
    %jit3A = arith.constant 4 : i32
    %jit3A_4 = arith.constant 16 : i32
    %select_n3A = arith.select %eq3A_3, %jit3A, %jit3A_4 : i32
    %sub3A = arith.constant 0 : i32
    %sub3A_5 = arith.subi %select_n3A, %sub3A : i32
    %sub3A_6 = arith.constant 1 : i32
    %sub3A_7 = arith.constant 1 : i32
    %sub3A_8 = arith.subi %sub3A_6, %sub3A_7 : i32
    %add3A_9 = arith.addi %sub3A_5, %sub3A_8 : i32
    %div3A = arith.constant 1 : i32
    %div3A_10 = arith.divsi %add3A_9, %div3A : i32
    %while3A = arith.constant 1 : i32
    %while3A_11 = arith.constant 0 : i32
    %while3A_12 = arith.constant 0 : i32
    %while3A_13 = arith.subi %div3A_10, %while3A_12 : i32
    %while3A_14 = arith.addi %while3A_12, %while3A_13 : i32
    %while3A_15 = arith.constant 1 : i32
    %while3A_16 = arith.divsi %while3A_13, %while3A_15 : i32
    %while3A_17 = arith.muli %while3A_16, %while3A_15 : i32
    %while3A_18 = arith.addi %while3A_12, %while3A_17 : i32
    %while3A_19 = arith.constant 1 : i32
    scf.for %while3A_28 = %while3A_12 to %while3A_18 step %while3A_19  : i32 {
      %mul3A_29 = arith.muli %while3A_28, %while3A : i32
      %add3A_30 = arith.addi %while3A_11, %mul3A_29 : i32
      %mul3A_31 = arith.constant 320 : i32
      %mul3A_32 = arith.muli %add3A_30, %mul3A_31 : i32
      %add3A_33 = arith.addi %mul3A_2, %mul3A_32 : i32
      "tpu.region"() ({
        %run_scoped3A = tpu.sem_alloc : memref<!tpu.dma_semaphore, #tpu.memory_space<semaphore_mem>>
        %dma_start3A_60 = tpu.memref_slice %arg3[%add3A_33] : memref<160000xi32, #tpu.memory_space<hbm>> -> memref<320xi32, #tpu.memory_space<hbm>>
        %dma_start3A_61 = tpu.memref_slice %arg3[%add3A_33] : memref<160000xi32, #tpu.memory_space<hbm>> -> memref<320xi32, #tpu.memory_space<hbm>>
        tpu.enqueue_dma source(%dma_start3A_61 : memref<320xi32, #tpu.memory_space<hbm>>) target(%arg7 : memref<320xi32, #tpu.memory_space<vmem>>) target_semaphore(%run_scoped3A : memref<!tpu.dma_semaphore, #tpu.memory_space<semaphore_mem>>)
        %dma_wait3A_62 = tpu.memref_slice %arg3[%add3A_33] : memref<160000xi32, #tpu.memory_space<hbm>> -> memref<320xi32, #tpu.memory_space<hbm>>
        %dma_wait3A_63 = tpu.memref_slice %arg3[%add3A_33] : memref<160000xi32, #tpu.memory_space<hbm>> -> memref<320xi32, #tpu.memory_space<hbm>>
        tpu.wait_dma2 semaphore(%run_scoped3A : memref<!tpu.dma_semaphore, #tpu.memory_space<semaphore_mem>>) src(%dma_wait3A_63 : memref<320xi32, #tpu.memory_space<hbm>>) dst(%arg7 : memref<320xi32, #tpu.memory_space<vmem>>)
        tpu.yield
      }) : () -> ()
      "tpu.region"() ({
        %run_scoped3A = tpu.sem_alloc : memref<!tpu.dma_semaphore, #tpu.memory_space<semaphore_mem>>
        %dma_start3A_60 = tpu.memref_slice %arg4[%add3A_33] : memref<160000xi32, #tpu.memory_space<hbm>> -> memref<320xi32, #tpu.memory_space<hbm>>
        %dma_start3A_61 = tpu.memref_slice %arg4[%add3A_33] : memref<160000xi32, #tpu.memory_space<hbm>> -> memref<320xi32, #tpu.memory_space<hbm>>
        tpu.enqueue_dma source(%dma_start3A_61 : memref<320xi32, #tpu.memory_space<hbm>>) target(%arg8 : memref<320xi32, #tpu.memory_space<vmem>>) target_semaphore(%run_scoped3A : memref<!tpu.dma_semaphore, #tpu.memory_space<semaphore_mem>>)
        %dma_wait3A_62 = tpu.memref_slice %arg4[%add3A_33] : memref<160000xi32, #tpu.memory_space<hbm>> -> memref<320xi32, #tpu.memory_space<hbm>>
        %dma_wait3A_63 = tpu.memref_slice %arg4[%add3A_33] : memref<160000xi32, #tpu.memory_space<hbm>> -> memref<320xi32, #tpu.memory_space<hbm>>
        tpu.wait_dma2 semaphore(%run_scoped3A : memref<!tpu.dma_semaphore, #tpu.memory_space<semaphore_mem>>) src(%dma_wait3A_63 : memref<320xi32, #tpu.memory_space<hbm>>) dst(%arg8 : memref<320xi32, #tpu.memory_space<vmem>>)
        tpu.yield
      }) : () -> ()
      %gt3A = arith.constant 0 : i32
      %gt3A_34 = arith.cmpi sgt, %add3A_30, %gt3A : i32
      %convert_element_type3A = arith.extui %gt3A_34 : i1 to i32
      %cond3A = arith.constant 0 : i32
      %cond3A_35 = arith.cmpi ne, %convert_element_type3A, %cond3A : i32
      scf.if %cond3A_35 {
        %dma_wait3A_60 = arith.constant 0 : i32
        %dma_wait3A_61 = tpu.memref_slice %arg5[%add3A_33, %dma_wait3A_60] : memref<160000x128xf32, #tpu.memory_space<hbm>> -> memref<320x128xf32, #tpu.memory_space<hbm>>
        %dma_wait3A_62 = arith.constant 0 : i32
        %dma_wait3A_63 = tpu.memref_slice %arg5[%add3A_33, %dma_wait3A_62] : memref<160000x128xf32, #tpu.memory_space<hbm>> -> memref<320x128xf32, #tpu.memory_space<hbm>>
        tpu.wait_dma2 semaphore(%arg12 : memref<!tpu.dma_semaphore, #tpu.memory_space<semaphore_mem>>) src(%arg9 : memref<320x128xf32, #tpu.memory_space<vmem>>) dst(%dma_wait3A_63 : memref<320x128xf32, #tpu.memory_space<hbm>>)
      } else {
      }
      %dma_start3A = arith.constant 0 : i32
      %dma_start3A_36 = arith.constant 0 : i32
      %dma_start3A_37 = tpu.memref_slice %arg2[%dma_start3A, %dma_start3A_36] : memref<10000x128xf32, #tpu.memory_space<hbm>> -> memref<10000x128xf32, #tpu.memory_space<hbm>>
      tpu.enqueue_indirect_dma source(%dma_start3A_37 : memref<10000x128xf32, #tpu.memory_space<hbm>>) target(%arg9 : memref<320x128xf32, #tpu.memory_space<vmem>>) offsets(%arg7 : memref<320xi32, #tpu.memory_space<vmem>>) semaphore(%arg11 : memref<!tpu.dma_semaphore, #tpu.memory_space<semaphore_mem>>)
      %dma_wait3A_38 = arith.constant 0 : i32
      %dma_wait3A_39 = arith.constant 0 : i32
      %dma_wait3A_40 = tpu.memref_slice %arg2[%dma_wait3A_38, %dma_wait3A_39] : memref<10000x128xf32, #tpu.memory_space<hbm>> -> memref<10000x128xf32, #tpu.memory_space<hbm>>
      tpu.wait_indirect_dma semaphore(%arg11 : memref<!tpu.dma_semaphore, #tpu.memory_space<semaphore_mem>>) src(%dma_wait3A_40 : memref<10000x128xf32, #tpu.memory_space<hbm>>) dst(%arg9 : memref<320x128xf32, #tpu.memory_space<vmem>>)
      %dma_start3A_41 = arith.constant 0 : i32
      %dma_start3A_42 = tpu.memref_slice %arg5[%add3A_33, %dma_start3A_41] : memref<160000x128xf32, #tpu.memory_space<hbm>> -> memref<320x128xf32, #tpu.memory_space<hbm>>
      %dma_start3A_43 = arith.constant 0 : i32
      %dma_start3A_44 = tpu.memref_slice %arg5[%add3A_33, %dma_start3A_43] : memref<160000x128xf32, #tpu.memory_space<hbm>> -> memref<320x128xf32, #tpu.memory_space<hbm>>
      tpu.enqueue_dma source(%arg9 : memref<320x128xf32, #tpu.memory_space<vmem>>) target(%dma_start3A_44 : memref<320x128xf32, #tpu.memory_space<hbm>>) target_semaphore(%arg12 : memref<!tpu.dma_semaphore, #tpu.memory_space<semaphore_mem>>)
      %gt3A_45 = arith.constant 0 : i32
      %gt3A_46 = arith.cmpi sgt, %add3A_30, %gt3A_45 : i32
      %convert_element_type3A_47 = arith.extui %gt3A_46 : i1 to i32
      %cond3A_48 = arith.constant 0 : i32
      %cond3A_49 = arith.cmpi ne, %convert_element_type3A_47, %cond3A_48 : i32
      scf.if %cond3A_49 {
        %dma_wait3A_60 = arith.constant 0 : i32
        %dma_wait3A_61 = tpu.memref_slice %arg6[%add3A_33, %dma_wait3A_60] : memref<160000x128xf32, #tpu.memory_space<hbm>> -> memref<320x128xf32, #tpu.memory_space<hbm>>
        %dma_wait3A_62 = arith.constant 0 : i32
        %dma_wait3A_63 = tpu.memref_slice %arg6[%add3A_33, %dma_wait3A_62] : memref<160000x128xf32, #tpu.memory_space<hbm>> -> memref<320x128xf32, #tpu.memory_space<hbm>>
        tpu.wait_dma2 semaphore(%arg13 : memref<!tpu.dma_semaphore, #tpu.memory_space<semaphore_mem>>) src(%arg10 : memref<320x128xf32, #tpu.memory_space<vmem>>) dst(%dma_wait3A_63 : memref<320x128xf32, #tpu.memory_space<hbm>>)
      } else {
      }
      %dma_start3A_50 = arith.constant 0 : i32
      %dma_start3A_51 = arith.constant 0 : i32
      %dma_start3A_52 = tpu.memref_slice %arg2[%dma_start3A_50, %dma_start3A_51] : memref<10000x128xf32, #tpu.memory_space<hbm>> -> memref<10000x128xf32, #tpu.memory_space<hbm>>
      tpu.enqueue_indirect_dma source(%dma_start3A_52 : memref<10000x128xf32, #tpu.memory_space<hbm>>) target(%arg10 : memref<320x128xf32, #tpu.memory_space<vmem>>) offsets(%arg8 : memref<320xi32, #tpu.memory_space<vmem>>) semaphore(%arg11 : memref<!tpu.dma_semaphore, #tpu.memory_space<semaphore_mem>>)
      %dma_wait3A_53 = arith.constant 0 : i32
      %dma_wait3A_54 = arith.constant 0 : i32
      %dma_wait3A_55 = tpu.memref_slice %arg2[%dma_wait3A_53, %dma_wait3A_54] : memref<10000x128xf32, #tpu.memory_space<hbm>> -> memref<10000x128xf32, #tpu.memory_space<hbm>>
      tpu.wait_indirect_dma semaphore(%arg11 : memref<!tpu.dma_semaphore, #tpu.memory_space<semaphore_mem>>) src(%dma_wait3A_55 : memref<10000x128xf32, #tpu.memory_space<hbm>>) dst(%arg10 : memref<320x128xf32, #tpu.memory_space<vmem>>)
      %dma_start3A_56 = arith.constant 0 : i32
      %dma_start3A_57 = tpu.memref_slice %arg6[%add3A_33, %dma_start3A_56] : memref<160000x128xf32, #tpu.memory_space<hbm>> -> memref<320x128xf32, #tpu.memory_space<hbm>>
      %dma_start3A_58 = arith.constant 0 : i32
      %dma_start3A_59 = tpu.memref_slice %arg6[%add3A_33, %dma_start3A_58] : memref<160000x128xf32, #tpu.memory_space<hbm>> -> memref<320x128xf32, #tpu.memory_space<hbm>>
      tpu.enqueue_dma source(%arg10 : memref<320x128xf32, #tpu.memory_space<vmem>>) target(%dma_start3A_59 : memref<320x128xf32, #tpu.memory_space<hbm>>) target_semaphore(%arg13 : memref<!tpu.dma_semaphore, #tpu.memory_space<semaphore_mem>>)
    }
    %while3A_20 = arith.constant 1 : i32
    scf.for %while3A_28 = %while3A_18 to %while3A_14 step %while3A_20  : i32 {
      %mul3A_29 = arith.muli %while3A_28, %while3A : i32
      %add3A_30 = arith.addi %while3A_11, %mul3A_29 : i32
      %mul3A_31 = arith.constant 320 : i32
      %mul3A_32 = arith.muli %add3A_30, %mul3A_31 : i32
      %add3A_33 = arith.addi %mul3A_2, %mul3A_32 : i32
      "tpu.region"() ({
        %run_scoped3A = tpu.sem_alloc : memref<!tpu.dma_semaphore, #tpu.memory_space<semaphore_mem>>
        %dma_start3A_60 = tpu.memref_slice %arg3[%add3A_33] : memref<160000xi32, #tpu.memory_space<hbm>> -> memref<320xi32, #tpu.memory_space<hbm>>
        %dma_start3A_61 = tpu.memref_slice %arg3[%add3A_33] : memref<160000xi32, #tpu.memory_space<hbm>> -> memref<320xi32, #tpu.memory_space<hbm>>
        tpu.enqueue_dma source(%dma_start3A_61 : memref<320xi32, #tpu.memory_space<hbm>>) target(%arg7 : memref<320xi32, #tpu.memory_space<vmem>>) target_semaphore(%run_scoped3A : memref<!tpu.dma_semaphore, #tpu.memory_space<semaphore_mem>>)
        %dma_wait3A_62 = tpu.memref_slice %arg3[%add3A_33] : memref<160000xi32, #tpu.memory_space<hbm>> -> memref<320xi32, #tpu.memory_space<hbm>>
        %dma_wait3A_63 = tpu.memref_slice %arg3[%add3A_33] : memref<160000xi32, #tpu.memory_space<hbm>> -> memref<320xi32, #tpu.memory_space<hbm>>
        tpu.wait_dma2 semaphore(%run_scoped3A : memref<!tpu.dma_semaphore, #tpu.memory_space<semaphore_mem>>) src(%dma_wait3A_63 : memref<320xi32, #tpu.memory_space<hbm>>) dst(%arg7 : memref<320xi32, #tpu.memory_space<vmem>>)
        tpu.yield
      }) : () -> ()
      "tpu.region"() ({
        %run_scoped3A = tpu.sem_alloc : memref<!tpu.dma_semaphore, #tpu.memory_space<semaphore_mem>>
        %dma_start3A_60 = tpu.memref_slice %arg4[%add3A_33] : memref<160000xi32, #tpu.memory_space<hbm>> -> memref<320xi32, #tpu.memory_space<hbm>>
        %dma_start3A_61 = tpu.memref_slice %arg4[%add3A_33] : memref<160000xi32, #tpu.memory_space<hbm>> -> memref<320xi32, #tpu.memory_space<hbm>>
        tpu.enqueue_dma source(%dma_start3A_61 : memref<320xi32, #tpu.memory_space<hbm>>) target(%arg8 : memref<320xi32, #tpu.memory_space<vmem>>) target_semaphore(%run_scoped3A : memref<!tpu.dma_semaphore, #tpu.memory_space<semaphore_mem>>)
        %dma_wait3A_62 = tpu.memref_slice %arg4[%add3A_33] : memref<160000xi32, #tpu.memory_space<hbm>> -> memref<320xi32, #tpu.memory_space<hbm>>
        %dma_wait3A_63 = tpu.memref_slice %arg4[%add3A_33] : memref<160000xi32, #tpu.memory_space<hbm>> -> memref<320xi32, #tpu.memory_space<hbm>>
        tpu.wait_dma2 semaphore(%run_scoped3A : memref<!tpu.dma_semaphore, #tpu.memory_space<semaphore_mem>>) src(%dma_wait3A_63 : memref<320xi32, #tpu.memory_space<hbm>>) dst(%arg8 : memref<320xi32, #tpu.memory_space<vmem>>)
        tpu.yield
      }) : () -> ()
      %gt3A = arith.constant 0 : i32
      %gt3A_34 = arith.cmpi sgt, %add3A_30, %gt3A : i32
      %convert_element_type3A = arith.extui %gt3A_34 : i1 to i32
      %cond3A = arith.constant 0 : i32
      %cond3A_35 = arith.cmpi ne, %convert_element_type3A, %cond3A : i32
      scf.if %cond3A_35 {
        %dma_wait3A_60 = arith.constant 0 : i32
        %dma_wait3A_61 = tpu.memref_slice %arg5[%add3A_33, %dma_wait3A_60] : memref<160000x128xf32, #tpu.memory_space<hbm>> -> memref<320x128xf32, #tpu.memory_space<hbm>>
        %dma_wait3A_62 = arith.constant 0 : i32
        %dma_wait3A_63 = tpu.memref_slice %arg5[%add3A_33, %dma_wait3A_62] : memref<160000x128xf32, #tpu.memory_space<hbm>> -> memref<320x128xf32, #tpu.memory_space<hbm>>
        tpu.wait_dma2 semaphore(%arg12 : memref<!tpu.dma_semaphore, #tpu.memory_space<semaphore_mem>>) src(%arg9 : memref<320x128xf32, #tpu.memory_space<vmem>>) dst(%dma_wait3A_63 : memref<320x128xf32, #tpu.memory_space<hbm>>)
      } else {
      }
      %dma_start3A = arith.constant 0 : i32
      %dma_start3A_36 = arith.constant 0 : i32
      %dma_start3A_37 = tpu.memref_slice %arg2[%dma_start3A, %dma_start3A_36] : memref<10000x128xf32, #tpu.memory_space<hbm>> -> memref<10000x128xf32, #tpu.memory_space<hbm>>
      tpu.enqueue_indirect_dma source(%dma_start3A_37 : memref<10000x128xf32, #tpu.memory_space<hbm>>) target(%arg9 : memref<320x128xf32, #tpu.memory_space<vmem>>) offsets(%arg7 : memref<320xi32, #tpu.memory_space<vmem>>) semaphore(%arg11 : memref<!tpu.dma_semaphore, #tpu.memory_space<semaphore_mem>>)
      %dma_wait3A_38 = arith.constant 0 : i32
      %dma_wait3A_39 = arith.constant 0 : i32
      %dma_wait3A_40 = tpu.memref_slice %arg2[%dma_wait3A_38, %dma_wait3A_39] : memref<10000x128xf32, #tpu.memory_space<hbm>> -> memref<10000x128xf32, #tpu.memory_space<hbm>>
      tpu.wait_indirect_dma semaphore(%arg11 : memref<!tpu.dma_semaphore, #tpu.memory_space<semaphore_mem>>) src(%dma_wait3A_40 : memref<10000x128xf32, #tpu.memory_space<hbm>>) dst(%arg9 : memref<320x128xf32, #tpu.memory_space<vmem>>)
      %dma_start3A_41 = arith.constant 0 : i32
      %dma_start3A_42 = tpu.memref_slice %arg5[%add3A_33, %dma_start3A_41] : memref<160000x128xf32, #tpu.memory_space<hbm>> -> memref<320x128xf32, #tpu.memory_space<hbm>>
      %dma_start3A_43 = arith.constant 0 : i32
      %dma_start3A_44 = tpu.memref_slice %arg5[%add3A_33, %dma_start3A_43] : memref<160000x128xf32, #tpu.memory_space<hbm>> -> memref<320x128xf32, #tpu.memory_space<hbm>>
      tpu.enqueue_dma source(%arg9 : memref<320x128xf32, #tpu.memory_space<vmem>>) target(%dma_start3A_44 : memref<320x128xf32, #tpu.memory_space<hbm>>) target_semaphore(%arg12 : memref<!tpu.dma_semaphore, #tpu.memory_space<semaphore_mem>>)
      %gt3A_45 = arith.constant 0 : i32
      %gt3A_46 = arith.cmpi sgt, %add3A_30, %gt3A_45 : i32
      %convert_element_type3A_47 = arith.extui %gt3A_46 : i1 to i32
      %cond3A_48 = arith.constant 0 : i32
      %cond3A_49 = arith.cmpi ne, %convert_element_type3A_47, %cond3A_48 : i32
      scf.if %cond3A_49 {
        %dma_wait3A_60 = arith.constant 0 : i32
        %dma_wait3A_61 = tpu.memref_slice %arg6[%add3A_33, %dma_wait3A_60] : memref<160000x128xf32, #tpu.memory_space<hbm>> -> memref<320x128xf32, #tpu.memory_space<hbm>>
        %dma_wait3A_62 = arith.constant 0 : i32
        %dma_wait3A_63 = tpu.memref_slice %arg6[%add3A_33, %dma_wait3A_62] : memref<160000x128xf32, #tpu.memory_space<hbm>> -> memref<320x128xf32, #tpu.memory_space<hbm>>
        tpu.wait_dma2 semaphore(%arg13 : memref<!tpu.dma_semaphore, #tpu.memory_space<semaphore_mem>>) src(%arg10 : memref<320x128xf32, #tpu.memory_space<vmem>>) dst(%dma_wait3A_63 : memref<320x128xf32, #tpu.memory_space<hbm>>)
      } else {
      }
      %dma_start3A_50 = arith.constant 0 : i32
      %dma_start3A_51 = arith.constant 0 : i32
      %dma_start3A_52 = tpu.memref_slice %arg2[%dma_start3A_50, %dma_start3A_51] : memref<10000x128xf32, #tpu.memory_space<hbm>> -> memref<10000x128xf32, #tpu.memory_space<hbm>>
      tpu.enqueue_indirect_dma source(%dma_start3A_52 : memref<10000x128xf32, #tpu.memory_space<hbm>>) target(%arg10 : memref<320x128xf32, #tpu.memory_space<vmem>>) offsets(%arg8 : memref<320xi32, #tpu.memory_space<vmem>>) semaphore(%arg11 : memref<!tpu.dma_semaphore, #tpu.memory_space<semaphore_mem>>)
      %dma_wait3A_53 = arith.constant 0 : i32
      %dma_wait3A_54 = arith.constant 0 : i32
      %dma_wait3A_55 = tpu.memref_slice %arg2[%dma_wait3A_53, %dma_wait3A_54] : memref<10000x128xf32, #tpu.memory_space<hbm>> -> memref<10000x128xf32, #tpu.memory_space<hbm>>
      tpu.wait_indirect_dma semaphore(%arg11 : memref<!tpu.dma_semaphore, #tpu.memory_space<semaphore_mem>>) src(%dma_wait3A_55 : memref<10000x128xf32, #tpu.memory_space<hbm>>) dst(%arg10 : memref<320x128xf32, #tpu.memory_space<vmem>>)
      %dma_start3A_56 = arith.constant 0 : i32
      %dma_start3A_57 = tpu.memref_slice %arg6[%add3A_33, %dma_start3A_56] : memref<160000x128xf32, #tpu.memory_space<hbm>> -> memref<320x128xf32, #tpu.memory_space<hbm>>
      %dma_start3A_58 = arith.constant 0 : i32
      %dma_start3A_59 = tpu.memref_slice %arg6[%add3A_33, %dma_start3A_58] : memref<160000x128xf32, #tpu.memory_space<hbm>> -> memref<320x128xf32, #tpu.memory_space<hbm>>
      tpu.enqueue_dma source(%arg10 : memref<320x128xf32, #tpu.memory_space<vmem>>) target(%dma_start3A_59 : memref<320x128xf32, #tpu.memory_space<hbm>>) target_semaphore(%arg13 : memref<!tpu.dma_semaphore, #tpu.memory_space<semaphore_mem>>)
    }
    %dma_wait3A = arith.constant 0 : i32
    %dma_wait3A_21 = tpu.memref_slice %arg5[%mul3A_2, %dma_wait3A] : memref<160000x128xf32, #tpu.memory_space<hbm>> -> memref<320x128xf32, #tpu.memory_space<hbm>>
    %dma_wait3A_22 = arith.constant 0 : i32
    %dma_wait3A_23 = tpu.memref_slice %arg5[%mul3A_2, %dma_wait3A_22] : memref<160000x128xf32, #tpu.memory_space<hbm>> -> memref<320x128xf32, #tpu.memory_space<hbm>>
    tpu.wait_dma2 semaphore(%arg12 : memref<!tpu.dma_semaphore, #tpu.memory_space<semaphore_mem>>) src(%arg9 : memref<320x128xf32, #tpu.memory_space<vmem>>) dst(%dma_wait3A_23 : memref<320x128xf32, #tpu.memory_space<hbm>>)
    %dma_wait3A_24 = arith.constant 0 : i32
    %dma_wait3A_25 = tpu.memref_slice %arg6[%mul3A_2, %dma_wait3A_24] : memref<160000x128xf32, #tpu.memory_space<hbm>> -> memref<320x128xf32, #tpu.memory_space<hbm>>
    %dma_wait3A_26 = arith.constant 0 : i32
    %dma_wait3A_27 = tpu.memref_slice %arg6[%mul3A_2, %dma_wait3A_26] : memref<160000x128xf32, #tpu.memory_space<hbm>> -> memref<320x128xf32, #tpu.memory_space<hbm>>
    tpu.wait_dma2 semaphore(%arg13 : memref<!tpu.dma_semaphore, #tpu.memory_space<semaphore_mem>>) src(%arg10 : memref<320x128xf32, #tpu.memory_space<vmem>>) dst(%dma_wait3A_27 : memref<320x128xf32, #tpu.memory_space<hbm>>)
    return
  }
}

#map = affine_map<(d0, d1) -> (0, 0)>
#map1 = affine_map<(d0, d1) -> (0, 0, 0, 0)>
module attributes {stable_mosaic.version = 14 : i64} {
  func.func @_scatter_body(%arg0: i32, %arg1: i32, %arg2: memref<160000x128xf32, #tpu.memory_space<hbm>>, %arg3: memref<160000x128xf32, #tpu.memory_space<hbm>>, %arg4: memref<160000x128xf32, #tpu.memory_space<hbm>>, %arg5: memref<160000x128xf32, #tpu.memory_space<hbm>>, %arg6: memref<1280x128xi32, #tpu.memory_space<hbm>>, %arg7: memref<10240x128xf32, #tpu.memory_space<hbm>>, %arg8: memref<4x2x10240x128xf32, #tpu.memory_space<hbm>>, %arg9: memref<40x128xi32, #tpu.memory_space<vmem>>, %arg10: memref<128x128xf32, #tpu.memory_space<vmem>>, %arg11: memref<128x128xf32, #tpu.memory_space<vmem>>, %arg12: memref<10240x128xf32, #tpu.memory_space<vmem_shared>>, %arg13: memref<!tpu.dma_semaphore, #tpu.memory_space<semaphore_mem>>, %arg14: memref<!tpu.dma_semaphore, #tpu.memory_space<semaphore_mem>>) attributes {dimension_semantics = [#tpu.dimension_semantics<core_parallel>, #tpu.dimension_semantics<subcore_parallel>], iteration_bounds = array<i64: 2, 16>, scalar_prefetch = 0 : i64, scratch_operands = 6 : i64, tpu.core_type = #tpu.core_type<sc_vector_subcore>, window_params = [{transform_indices = #map}, {transform_indices = #map}, {transform_indices = #map}, {transform_indices = #map}, {transform_indices = #map}, {transform_indices = #map}, {transform_indices = #map1}]} {
    %mul3A = arith.constant 16 : i32
    %mul3A_0 = arith.muli %arg0, %mul3A : i32
    %add3A = arith.addi %mul3A_0, %arg1 : i32
    %mul3A_1 = arith.constant 40 : i32
    %mul3A_2 = arith.muli %add3A, %mul3A_1 : i32
    %mul3A_3 = arith.constant 5120 : i32
    %mul3A_4 = arith.muli %add3A, %mul3A_3 : i32
    %eq3A = arith.constant 31 : i32
    %eq3A_5 = arith.cmpi eq, %add3A, %eq3A : i32
    %jit3A = arith.constant 5 : i32
    %jit3A_6 = arith.constant 20 : i32
    %select_n3A = arith.select %eq3A_5, %jit3A, %jit3A_6 : i32
    "tpu.region"() ({
      %run_scoped3A_141 = tpu.sem_alloc : memref<!tpu.dma_semaphore, #tpu.memory_space<semaphore_mem>>
      %dma_start3A_142 = arith.constant 0 : i32
      %dma_start3A_143 = tpu.memref_slice %arg6[%mul3A_2, %dma_start3A_142] : memref<1280x128xi32, #tpu.memory_space<hbm>> -> memref<40x128xi32, #tpu.memory_space<hbm>>
      %dma_start3A_144 = arith.constant 0 : i32
      %dma_start3A_145 = tpu.memref_slice %arg6[%mul3A_2, %dma_start3A_144] : memref<1280x128xi32, #tpu.memory_space<hbm>> -> memref<40x128xi32, #tpu.memory_space<hbm>>
      tpu.enqueue_dma source(%dma_start3A_145 : memref<40x128xi32, #tpu.memory_space<hbm>>) target(%arg9 : memref<40x128xi32, #tpu.memory_space<vmem>>) target_semaphore(%run_scoped3A_141 : memref<!tpu.dma_semaphore, #tpu.memory_space<semaphore_mem>>)
      %dma_wait3A = arith.constant 0 : i32
      %dma_wait3A_146 = tpu.memref_slice %arg6[%mul3A_2, %dma_wait3A] : memref<1280x128xi32, #tpu.memory_space<hbm>> -> memref<40x128xi32, #tpu.memory_space<hbm>>
      %dma_wait3A_147 = arith.constant 0 : i32
      %dma_wait3A_148 = tpu.memref_slice %arg6[%mul3A_2, %dma_wait3A_147] : memref<1280x128xi32, #tpu.memory_space<hbm>> -> memref<40x128xi32, #tpu.memory_space<hbm>>
      tpu.wait_dma2 semaphore(%run_scoped3A_141 : memref<!tpu.dma_semaphore, #tpu.memory_space<semaphore_mem>>) src(%dma_wait3A_148 : memref<40x128xi32, #tpu.memory_space<hbm>>) dst(%arg9 : memref<40x128xi32, #tpu.memory_space<vmem>>)
      tpu.yield
    }) : () -> ()
    %mul3A_7 = arith.constant 640 : i32
    %mul3A_8 = arith.muli %arg1, %mul3A_7 : i32
    %mul3A_9 = arith.constant 640 : i32
    %mul3A_10 = arith.muli %arg1, %mul3A_9 : i32
    "tpu.region"() ({
      %run_scoped3A_141 = tpu.sem_alloc : memref<!tpu.dma_semaphore, #tpu.memory_space<semaphore_mem>>
      %dma_start3A_142 = arith.constant 0 : i32
      %dma_start3A_143 = tpu.memref_slice %arg12[%mul3A_10, %dma_start3A_142] : memref<10240x128xf32, #tpu.memory_space<vmem_shared>> -> memref<640x128xf32, #tpu.memory_space<vmem_shared>>
      %dma_start3A_144 = arith.constant 0 : i32
      %dma_start3A_145 = tpu.memref_slice %arg7[%mul3A_8, %dma_start3A_144] : memref<10240x128xf32, #tpu.memory_space<hbm>> -> memref<640x128xf32, #tpu.memory_space<hbm>>
      tpu.enqueue_dma source(%dma_start3A_145 : memref<640x128xf32, #tpu.memory_space<hbm>>) target(%dma_start3A_143 : memref<640x128xf32, #tpu.memory_space<vmem_shared>>) target_semaphore(%run_scoped3A_141 : memref<!tpu.dma_semaphore, #tpu.memory_space<semaphore_mem>>)
      %dma_wait3A = arith.constant 0 : i32
      %dma_wait3A_146 = tpu.memref_slice %arg12[%mul3A_10, %dma_wait3A] : memref<10240x128xf32, #tpu.memory_space<vmem_shared>> -> memref<640x128xf32, #tpu.memory_space<vmem_shared>>
      %dma_wait3A_147 = arith.constant 0 : i32
      %dma_wait3A_148 = tpu.memref_slice %arg7[%mul3A_8, %dma_wait3A_147] : memref<10240x128xf32, #tpu.memory_space<hbm>> -> memref<640x128xf32, #tpu.memory_space<hbm>>
      tpu.wait_dma2 semaphore(%run_scoped3A_141 : memref<!tpu.dma_semaphore, #tpu.memory_space<semaphore_mem>>) src(%dma_wait3A_148 : memref<640x128xf32, #tpu.memory_space<hbm>>) dst(%dma_wait3A_146 : memref<640x128xf32, #tpu.memory_space<vmem_shared>>)
      tpu.yield
    }) : () -> ()
    %barrier3A = arith.constant 0 : index
    tpu.barrier barrier_id(%barrier3A)
    %dma_start3A = arith.constant 0 : i32
    %dma_start3A_11 = tpu.memref_slice %arg2[%mul3A_4, %dma_start3A] : memref<160000x128xf32, #tpu.memory_space<hbm>> -> memref<128x128xf32, #tpu.memory_space<hbm>>
    %dma_start3A_12 = arith.constant 0 : i32
    %dma_start3A_13 = tpu.memref_slice %arg2[%mul3A_4, %dma_start3A_12] : memref<160000x128xf32, #tpu.memory_space<hbm>> -> memref<128x128xf32, #tpu.memory_space<hbm>>
    tpu.enqueue_dma source(%dma_start3A_13 : memref<128x128xf32, #tpu.memory_space<hbm>>) target(%arg10 : memref<128x128xf32, #tpu.memory_space<vmem>>) target_semaphore(%arg13 : memref<!tpu.dma_semaphore, #tpu.memory_space<semaphore_mem>>)
    %sub3A = arith.constant 0 : i32
    %sub3A_14 = arith.subi %select_n3A, %sub3A : i32
    %sub3A_15 = arith.constant 1 : i32
    %sub3A_16 = arith.constant 1 : i32
    %sub3A_17 = arith.subi %sub3A_15, %sub3A_16 : i32
    %add3A_18 = arith.addi %sub3A_14, %sub3A_17 : i32
    %div3A = arith.constant 1 : i32
    %div3A_19 = arith.divsi %add3A_18, %div3A : i32
    %while3A = arith.constant 1 : i32
    %while3A_20 = arith.constant 0 : i32
    %while3A_21 = arith.constant 0 : i32
    %while3A_22 = arith.subi %div3A_19, %while3A_21 : i32
    %while3A_23 = arith.addi %while3A_21, %while3A_22 : i32
    %while3A_24 = arith.constant 1 : i32
    %while3A_25 = arith.divsi %while3A_22, %while3A_24 : i32
    %while3A_26 = arith.muli %while3A_25, %while3A_24 : i32
    %while3A_27 = arith.addi %while3A_21, %while3A_26 : i32
    %while3A_28 = arith.constant 1 : i32
    scf.for %while3A_141 = %while3A_21 to %while3A_27 step %while3A_28  : i32 {
      %mul3A_142 = arith.muli %while3A_141, %while3A : i32
      %add3A_143 = arith.addi %while3A_20, %mul3A_142 : i32
      %mul3A_144 = arith.constant 2 : i32
      %mul3A_145 = arith.muli %mul3A_144, %add3A_143 : i32
      %add3A_146 = arith.constant 1 : i32
      %add3A_147 = arith.addi %mul3A_145, %add3A_146 : i32
      %mul3A_148 = arith.constant 128 : i32
      %mul3A_149 = arith.muli %add3A_147, %mul3A_148 : i32
      %add3A_150 = arith.addi %mul3A_4, %mul3A_149 : i32
      %dma_start3A_151 = arith.constant 0 : i32
      %dma_start3A_152 = tpu.memref_slice %arg2[%add3A_150, %dma_start3A_151] : memref<160000x128xf32, #tpu.memory_space<hbm>> -> memref<128x128xf32, #tpu.memory_space<hbm>>
      %dma_start3A_153 = arith.constant 0 : i32
      %dma_start3A_154 = tpu.memref_slice %arg2[%add3A_150, %dma_start3A_153] : memref<160000x128xf32, #tpu.memory_space<hbm>> -> memref<128x128xf32, #tpu.memory_space<hbm>>
      tpu.enqueue_dma source(%dma_start3A_154 : memref<128x128xf32, #tpu.memory_space<hbm>>) target(%arg11 : memref<128x128xf32, #tpu.memory_space<vmem>>) target_semaphore(%arg14 : memref<!tpu.dma_semaphore, #tpu.memory_space<semaphore_mem>>)
      %dma_wait3A = arith.constant 0 : i32
      %dma_wait3A_155 = tpu.memref_slice %arg2[%mul3A_4, %dma_wait3A] : memref<160000x128xf32, #tpu.memory_space<hbm>> -> memref<128x128xf32, #tpu.memory_space<hbm>>
      %dma_wait3A_156 = arith.constant 0 : i32
      %dma_wait3A_157 = tpu.memref_slice %arg2[%mul3A_4, %dma_wait3A_156] : memref<160000x128xf32, #tpu.memory_space<hbm>> -> memref<128x128xf32, #tpu.memory_space<hbm>>
      tpu.wait_dma2 semaphore(%arg13 : memref<!tpu.dma_semaphore, #tpu.memory_space<semaphore_mem>>) src(%dma_wait3A_157 : memref<128x128xf32, #tpu.memory_space<hbm>>) dst(%arg10 : memref<128x128xf32, #tpu.memory_space<vmem>>)
      "tpu.region"() ({
        %run_scoped3A_167 = tpu.sem_alloc : memref<!tpu.dma_semaphore, #tpu.memory_space<semaphore_mem>>
        %dma_start3A_168 = arith.constant 0 : i32
        %dma_start3A_169 = tpu.memref_slice %arg9[%mul3A_145, %dma_start3A_168] : memref<40x128xi32, #tpu.memory_space<vmem>> -> memref<1x128xi32, #tpu.memory_space<vmem>>
        %dma_start3A_170 = tpu.memref_squeeze %dma_start3A_169 : memref<1x128xi32, #tpu.memory_space<vmem>> -> memref<128xi32, #tpu.memory_space<vmem>>
        %dma_start3A_171 = arith.constant 0 : i32
        %dma_start3A_172 = arith.constant 0 : i32
        %dma_start3A_173 = tpu.memref_slice %arg12[%dma_start3A_171, %dma_start3A_172] : memref<10240x128xf32, #tpu.memory_space<vmem_shared>> -> memref<10240x128xf32, #tpu.memory_space<vmem_shared>>
        tpu.enqueue_indirect_dma source(%arg10 : memref<128x128xf32, #tpu.memory_space<vmem>>) target(%dma_start3A_173 : memref<10240x128xf32, #tpu.memory_space<vmem_shared>>) offsets(%dma_start3A_170 : memref<128xi32, #tpu.memory_space<vmem>>) semaphore(%run_scoped3A_167 : memref<!tpu.dma_semaphore, #tpu.memory_space<semaphore_mem>>) {add = true}
        %dma_wait3A_174 = arith.constant 0 : i32
        %dma_wait3A_175 = tpu.memref_slice %arg9[%mul3A_145, %dma_wait3A_174] : memref<40x128xi32, #tpu.memory_space<vmem>> -> memref<1x128xi32, #tpu.memory_space<vmem>>
        %dma_wait3A_176 = tpu.memref_squeeze %dma_wait3A_175 : memref<1x128xi32, #tpu.memory_space<vmem>> -> memref<128xi32, #tpu.memory_space<vmem>>
        %dma_wait3A_177 = arith.constant 0 : i32
        %dma_wait3A_178 = arith.constant 0 : i32
        %dma_wait3A_179 = tpu.memref_slice %arg12[%dma_wait3A_177, %dma_wait3A_178] : memref<10240x128xf32, #tpu.memory_space<vmem_shared>> -> memref<10240x128xf32, #tpu.memory_space<vmem_shared>>
        tpu.wait_indirect_dma semaphore(%run_scoped3A_167 : memref<!tpu.dma_semaphore, #tpu.memory_space<semaphore_mem>>) src(%arg10 : memref<128x128xf32, #tpu.memory_space<vmem>>) dst(%dma_wait3A_179 : memref<10240x128xf32, #tpu.memory_space<vmem_shared>>)
        tpu.yield
      }) : () -> ()
      %sub3A_158 = arith.constant 1 : i32
      %sub3A_159 = arith.subi %select_n3A, %sub3A_158 : i32
      %lt3A = arith.cmpi slt, %add3A_143, %sub3A_159 : i32
      %convert_element_type3A = arith.extui %lt3A : i1 to i32
      %cond3A = arith.constant 0 : i32
      %cond3A_160 = arith.cmpi ne, %convert_element_type3A, %cond3A : i32
      scf.if %cond3A_160 {
        %add3A_167 = arith.constant 2 : i32
        %add3A_168 = arith.addi %mul3A_145, %add3A_167 : i32
        %mul3A_169 = arith.constant 128 : i32
        %mul3A_170 = arith.muli %add3A_168, %mul3A_169 : i32
        %add3A_171 = arith.addi %mul3A_4, %mul3A_170 : i32
        %dma_start3A_172 = arith.constant 0 : i32
        %dma_start3A_173 = tpu.memref_slice %arg2[%add3A_171, %dma_start3A_172] : memref<160000x128xf32, #tpu.memory_space<hbm>> -> memref<128x128xf32, #tpu.memory_space<hbm>>
        %dma_start3A_174 = arith.constant 0 : i32
        %dma_start3A_175 = tpu.memref_slice %arg2[%add3A_171, %dma_start3A_174] : memref<160000x128xf32, #tpu.memory_space<hbm>> -> memref<128x128xf32, #tpu.memory_space<hbm>>
        tpu.enqueue_dma source(%dma_start3A_175 : memref<128x128xf32, #tpu.memory_space<hbm>>) target(%arg10 : memref<128x128xf32, #tpu.memory_space<vmem>>) target_semaphore(%arg13 : memref<!tpu.dma_semaphore, #tpu.memory_space<semaphore_mem>>)
      } else {
      }
      %dma_wait3A_161 = arith.constant 0 : i32
      %dma_wait3A_162 = tpu.memref_slice %arg2[%mul3A_4, %dma_wait3A_161] : memref<160000x128xf32, #tpu.memory_space<hbm>> -> memref<128x128xf32, #tpu.memory_space<hbm>>
      %dma_wait3A_163 = arith.constant 0 : i32
      %dma_wait3A_164 = tpu.memref_slice %arg2[%mul3A_4, %dma_wait3A_163] : memref<160000x128xf32, #tpu.memory_space<hbm>> -> memref<128x128xf32, #tpu.memory_space<hbm>>
      tpu.wait_dma2 semaphore(%arg14 : memref<!tpu.dma_semaphore, #tpu.memory_space<semaphore_mem>>) src(%dma_wait3A_164 : memref<128x128xf32, #tpu.memory_space<hbm>>) dst(%arg11 : memref<128x128xf32, #tpu.memory_space<vmem>>)
      %add3A_165 = arith.constant 1 : i32
      %add3A_166 = arith.addi %mul3A_145, %add3A_165 : i32
      "tpu.region"() ({
        %run_scoped3A_167 = tpu.sem_alloc : memref<!tpu.dma_semaphore, #tpu.memory_space<semaphore_mem>>
        %dma_start3A_168 = arith.constant 0 : i32
        %dma_start3A_169 = tpu.memref_slice %arg9[%add3A_166, %dma_start3A_168] : memref<40x128xi32, #tpu.memory_space<vmem>> -> memref<1x128xi32, #tpu.memory_space<vmem>>
        %dma_start3A_170 = tpu.memref_squeeze %dma_start3A_169 : memref<1x128xi32, #tpu.memory_space<vmem>> -> memref<128xi32, #tpu.memory_space<vmem>>
        %dma_start3A_171 = arith.constant 0 : i32
        %dma_start3A_172 = arith.constant 0 : i32
        %dma_start3A_173 = tpu.memref_slice %arg12[%dma_start3A_171, %dma_start3A_172] : memref<10240x128xf32, #tpu.memory_space<vmem_shared>> -> memref<10240x128xf32, #tpu.memory_space<vmem_shared>>
        tpu.enqueue_indirect_dma source(%arg11 : memref<128x128xf32, #tpu.memory_space<vmem>>) target(%dma_start3A_173 : memref<10240x128xf32, #tpu.memory_space<vmem_shared>>) offsets(%dma_start3A_170 : memref<128xi32, #tpu.memory_space<vmem>>) semaphore(%run_scoped3A_167 : memref<!tpu.dma_semaphore, #tpu.memory_space<semaphore_mem>>) {add = true}
        %dma_wait3A_174 = arith.constant 0 : i32
        %dma_wait3A_175 = tpu.memref_slice %arg9[%add3A_166, %dma_wait3A_174] : memref<40x128xi32, #tpu.memory_space<vmem>> -> memref<1x128xi32, #tpu.memory_space<vmem>>
        %dma_wait3A_176 = tpu.memref_squeeze %dma_wait3A_175 : memref<1x128xi32, #tpu.memory_space<vmem>> -> memref<128xi32, #tpu.memory_space<vmem>>
        %dma_wait3A_177 = arith.constant 0 : i32
        %dma_wait3A_178 = arith.constant 0 : i32
        %dma_wait3A_179 = tpu.memref_slice %arg12[%dma_wait3A_177, %dma_wait3A_178] : memref<10240x128xf32, #tpu.memory_space<vmem_shared>> -> memref<10240x128xf32, #tpu.memory_space<vmem_shared>>
        tpu.wait_indirect_dma semaphore(%run_scoped3A_167 : memref<!tpu.dma_semaphore, #tpu.memory_space<semaphore_mem>>) src(%arg11 : memref<128x128xf32, #tpu.memory_space<vmem>>) dst(%dma_wait3A_179 : memref<10240x128xf32, #tpu.memory_space<vmem_shared>>)
        tpu.yield
      }) : () -> ()
    }
    %while3A_29 = arith.constant 1 : i32
    scf.for %while3A_141 = %while3A_27 to %while3A_23 step %while3A_29  : i32 {
      %mul3A_142 = arith.muli %while3A_141, %while3A : i32
      %add3A_143 = arith.addi %while3A_20, %mul3A_142 : i32
      %mul3A_144 = arith.constant 2 : i32
      %mul3A_145 = arith.muli %mul3A_144, %add3A_143 : i32
      %add3A_146 = arith.constant 1 : i32
      %add3A_147 = arith.addi %mul3A_145, %add3A_146 : i32
      %mul3A_148 = arith.constant 128 : i32
      %mul3A_149 = arith.muli %add3A_147, %mul3A_148 : i32
      %add3A_150 = arith.addi %mul3A_4, %mul3A_149 : i32
      %dma_start3A_151 = arith.constant 0 : i32
      %dma_start3A_152 = tpu.memref_slice %arg2[%add3A_150, %dma_start3A_151] : memref<160000x128xf32, #tpu.memory_space<hbm>> -> memref<128x128xf32, #tpu.memory_space<hbm>>
      %dma_start3A_153 = arith.constant 0 : i32
      %dma_start3A_154 = tpu.memref_slice %arg2[%add3A_150, %dma_start3A_153] : memref<160000x128xf32, #tpu.memory_space<hbm>> -> memref<128x128xf32, #tpu.memory_space<hbm>>
      tpu.enqueue_dma source(%dma_start3A_154 : memref<128x128xf32, #tpu.memory_space<hbm>>) target(%arg11 : memref<128x128xf32, #tpu.memory_space<vmem>>) target_semaphore(%arg14 : memref<!tpu.dma_semaphore, #tpu.memory_space<semaphore_mem>>)
      %dma_wait3A = arith.constant 0 : i32
      %dma_wait3A_155 = tpu.memref_slice %arg2[%mul3A_4, %dma_wait3A] : memref<160000x128xf32, #tpu.memory_space<hbm>> -> memref<128x128xf32, #tpu.memory_space<hbm>>
      %dma_wait3A_156 = arith.constant 0 : i32
      %dma_wait3A_157 = tpu.memref_slice %arg2[%mul3A_4, %dma_wait3A_156] : memref<160000x128xf32, #tpu.memory_space<hbm>> -> memref<128x128xf32, #tpu.memory_space<hbm>>
      tpu.wait_dma2 semaphore(%arg13 : memref<!tpu.dma_semaphore, #tpu.memory_space<semaphore_mem>>) src(%dma_wait3A_157 : memref<128x128xf32, #tpu.memory_space<hbm>>) dst(%arg10 : memref<128x128xf32, #tpu.memory_space<vmem>>)
      "tpu.region"() ({
        %run_scoped3A_167 = tpu.sem_alloc : memref<!tpu.dma_semaphore, #tpu.memory_space<semaphore_mem>>
        %dma_start3A_168 = arith.constant 0 : i32
        %dma_start3A_169 = tpu.memref_slice %arg9[%mul3A_145, %dma_start3A_168] : memref<40x128xi32, #tpu.memory_space<vmem>> -> memref<1x128xi32, #tpu.memory_space<vmem>>
        %dma_start3A_170 = tpu.memref_squeeze %dma_start3A_169 : memref<1x128xi32, #tpu.memory_space<vmem>> -> memref<128xi32, #tpu.memory_space<vmem>>
        %dma_start3A_171 = arith.constant 0 : i32
        %dma_start3A_172 = arith.constant 0 : i32
        %dma_start3A_173 = tpu.memref_slice %arg12[%dma_start3A_171, %dma_start3A_172] : memref<10240x128xf32, #tpu.memory_space<vmem_shared>> -> memref<10240x128xf32, #tpu.memory_space<vmem_shared>>
        tpu.enqueue_indirect_dma source(%arg10 : memref<128x128xf32, #tpu.memory_space<vmem>>) target(%dma_start3A_173 : memref<10240x128xf32, #tpu.memory_space<vmem_shared>>) offsets(%dma_start3A_170 : memref<128xi32, #tpu.memory_space<vmem>>) semaphore(%run_scoped3A_167 : memref<!tpu.dma_semaphore, #tpu.memory_space<semaphore_mem>>) {add = true}
        %dma_wait3A_174 = arith.constant 0 : i32
        %dma_wait3A_175 = tpu.memref_slice %arg9[%mul3A_145, %dma_wait3A_174] : memref<40x128xi32, #tpu.memory_space<vmem>> -> memref<1x128xi32, #tpu.memory_space<vmem>>
        %dma_wait3A_176 = tpu.memref_squeeze %dma_wait3A_175 : memref<1x128xi32, #tpu.memory_space<vmem>> -> memref<128xi32, #tpu.memory_space<vmem>>
        %dma_wait3A_177 = arith.constant 0 : i32
        %dma_wait3A_178 = arith.constant 0 : i32
        %dma_wait3A_179 = tpu.memref_slice %arg12[%dma_wait3A_177, %dma_wait3A_178] : memref<10240x128xf32, #tpu.memory_space<vmem_shared>> -> memref<10240x128xf32, #tpu.memory_space<vmem_shared>>
        tpu.wait_indirect_dma semaphore(%run_scoped3A_167 : memref<!tpu.dma_semaphore, #tpu.memory_space<semaphore_mem>>) src(%arg10 : memref<128x128xf32, #tpu.memory_space<vmem>>) dst(%dma_wait3A_179 : memref<10240x128xf32, #tpu.memory_space<vmem_shared>>)
        tpu.yield
      }) : () -> ()
      %sub3A_158 = arith.constant 1 : i32
      %sub3A_159 = arith.subi %select_n3A, %sub3A_158 : i32
      %lt3A = arith.cmpi slt, %add3A_143, %sub3A_159 : i32
      %convert_element_type3A = arith.extui %lt3A : i1 to i32
      %cond3A = arith.constant 0 : i32
      %cond3A_160 = arith.cmpi ne, %convert_element_type3A, %cond3A : i32
      scf.if %cond3A_160 {
        %add3A_167 = arith.constant 2 : i32
        %add3A_168 = arith.addi %mul3A_145, %add3A_167 : i32
        %mul3A_169 = arith.constant 128 : i32
        %mul3A_170 = arith.muli %add3A_168, %mul3A_169 : i32
        %add3A_171 = arith.addi %mul3A_4, %mul3A_170 : i32
        %dma_start3A_172 = arith.constant 0 : i32
        %dma_start3A_173 = tpu.memref_slice %arg2[%add3A_171, %dma_start3A_172] : memref<160000x128xf32, #tpu.memory_space<hbm>> -> memref<128x128xf32, #tpu.memory_space<hbm>>
        %dma_start3A_174 = arith.constant 0 : i32
        %dma_start3A_175 = tpu.memref_slice %arg2[%add3A_171, %dma_start3A_174] : memref<160000x128xf32, #tpu.memory_space<hbm>> -> memref<128x128xf32, #tpu.memory_space<hbm>>
        tpu.enqueue_dma source(%dma_start3A_175 : memref<128x128xf32, #tpu.memory_space<hbm>>) target(%arg10 : memref<128x128xf32, #tpu.memory_space<vmem>>) target_semaphore(%arg13 : memref<!tpu.dma_semaphore, #tpu.memory_space<semaphore_mem>>)
      } else {
      }
      %dma_wait3A_161 = arith.constant 0 : i32
      %dma_wait3A_162 = tpu.memref_slice %arg2[%mul3A_4, %dma_wait3A_161] : memref<160000x128xf32, #tpu.memory_space<hbm>> -> memref<128x128xf32, #tpu.memory_space<hbm>>
      %dma_wait3A_163 = arith.constant 0 : i32
      %dma_wait3A_164 = tpu.memref_slice %arg2[%mul3A_4, %dma_wait3A_163] : memref<160000x128xf32, #tpu.memory_space<hbm>> -> memref<128x128xf32, #tpu.memory_space<hbm>>
      tpu.wait_dma2 semaphore(%arg14 : memref<!tpu.dma_semaphore, #tpu.memory_space<semaphore_mem>>) src(%dma_wait3A_164 : memref<128x128xf32, #tpu.memory_space<hbm>>) dst(%arg11 : memref<128x128xf32, #tpu.memory_space<vmem>>)
      %add3A_165 = arith.constant 1 : i32
      %add3A_166 = arith.addi %mul3A_145, %add3A_165 : i32
      "tpu.region"() ({
        %run_scoped3A_167 = tpu.sem_alloc : memref<!tpu.dma_semaphore, #tpu.memory_space<semaphore_mem>>
        %dma_start3A_168 = arith.constant 0 : i32
        %dma_start3A_169 = tpu.memref_slice %arg9[%add3A_166, %dma_start3A_168] : memref<40x128xi32, #tpu.memory_space<vmem>> -> memref<1x128xi32, #tpu.memory_space<vmem>>
        %dma_start3A_170 = tpu.memref_squeeze %dma_start3A_169 : memref<1x128xi32, #tpu.memory_space<vmem>> -> memref<128xi32, #tpu.memory_space<vmem>>
        %dma_start3A_171 = arith.constant 0 : i32
        %dma_start3A_172 = arith.constant 0 : i32
        %dma_start3A_173 = tpu.memref_slice %arg12[%dma_start3A_171, %dma_start3A_172] : memref<10240x128xf32, #tpu.memory_space<vmem_shared>> -> memref<10240x128xf32, #tpu.memory_space<vmem_shared>>
        tpu.enqueue_indirect_dma source(%arg11 : memref<128x128xf32, #tpu.memory_space<vmem>>) target(%dma_start3A_173 : memref<10240x128xf32, #tpu.memory_space<vmem_shared>>) offsets(%dma_start3A_170 : memref<128xi32, #tpu.memory_space<vmem>>) semaphore(%run_scoped3A_167 : memref<!tpu.dma_semaphore, #tpu.memory_space<semaphore_mem>>) {add = true}
        %dma_wait3A_174 = arith.constant 0 : i32
        %dma_wait3A_175 = tpu.memref_slice %arg9[%add3A_166, %dma_wait3A_174] : memref<40x128xi32, #tpu.memory_space<vmem>> -> memref<1x128xi32, #tpu.memory_space<vmem>>
        %dma_wait3A_176 = tpu.memref_squeeze %dma_wait3A_175 : memref<1x128xi32, #tpu.memory_space<vmem>> -> memref<128xi32, #tpu.memory_space<vmem>>
        %dma_wait3A_177 = arith.constant 0 : i32
        %dma_wait3A_178 = arith.constant 0 : i32
        %dma_wait3A_179 = tpu.memref_slice %arg12[%dma_wait3A_177, %dma_wait3A_178] : memref<10240x128xf32, #tpu.memory_space<vmem_shared>> -> memref<10240x128xf32, #tpu.memory_space<vmem_shared>>
        tpu.wait_indirect_dma semaphore(%run_scoped3A_167 : memref<!tpu.dma_semaphore, #tpu.memory_space<semaphore_mem>>) src(%arg11 : memref<128x128xf32, #tpu.memory_space<vmem>>) dst(%dma_wait3A_179 : memref<10240x128xf32, #tpu.memory_space<vmem_shared>>)
        tpu.yield
      }) : () -> ()
    }
    %barrier3A_30 = arith.constant 0 : index
    tpu.barrier barrier_id(%barrier3A_30)
    %mul3A_31 = arith.constant 640 : i32
    %mul3A_32 = arith.muli %arg1, %mul3A_31 : i32
    %mul3A_33 = arith.constant 640 : i32
    %mul3A_34 = arith.muli %arg1, %mul3A_33 : i32
    %run_scoped3A = arith.constant 0 : i32
    "tpu.region"() ({
      %run_scoped3A_141 = tpu.sem_alloc : memref<!tpu.dma_semaphore, #tpu.memory_space<semaphore_mem>>
      %dma_start3A_142 = arith.constant 0 : i32
      %dma_start3A_143 = tpu.memref_slice %arg8[%run_scoped3A, %arg0, %mul3A_34, %dma_start3A_142] : memref<4x2x10240x128xf32, #tpu.memory_space<hbm>> -> memref<1x1x640x128xf32, #tpu.memory_space<hbm>>
      %dma_start3A_144 = tpu.memref_squeeze %dma_start3A_143 : memref<1x1x640x128xf32, #tpu.memory_space<hbm>> -> memref<640x128xf32, #tpu.memory_space<hbm>>
      %dma_start3A_145 = arith.constant 0 : i32
      %dma_start3A_146 = tpu.memref_slice %arg12[%mul3A_32, %dma_start3A_145] : memref<10240x128xf32, #tpu.memory_space<vmem_shared>> -> memref<640x128xf32, #tpu.memory_space<vmem_shared>>
      tpu.enqueue_dma source(%dma_start3A_146 : memref<640x128xf32, #tpu.memory_space<vmem_shared>>) target(%dma_start3A_144 : memref<640x128xf32, #tpu.memory_space<hbm>>) target_semaphore(%run_scoped3A_141 : memref<!tpu.dma_semaphore, #tpu.memory_space<semaphore_mem>>)
      %dma_wait3A = arith.constant 0 : i32
      %dma_wait3A_147 = tpu.memref_slice %arg8[%run_scoped3A, %arg0, %mul3A_34, %dma_wait3A] : memref<4x2x10240x128xf32, #tpu.memory_space<hbm>> -> memref<1x1x640x128xf32, #tpu.memory_space<hbm>>
      %dma_wait3A_148 = tpu.memref_squeeze %dma_wait3A_147 : memref<1x1x640x128xf32, #tpu.memory_space<hbm>> -> memref<640x128xf32, #tpu.memory_space<hbm>>
      %dma_wait3A_149 = arith.constant 0 : i32
      %dma_wait3A_150 = tpu.memref_slice %arg12[%mul3A_32, %dma_wait3A_149] : memref<10240x128xf32, #tpu.memory_space<vmem_shared>> -> memref<640x128xf32, #tpu.memory_space<vmem_shared>>
      tpu.wait_dma2 semaphore(%run_scoped3A_141 : memref<!tpu.dma_semaphore, #tpu.memory_space<semaphore_mem>>) src(%dma_wait3A_150 : memref<640x128xf32, #tpu.memory_space<vmem_shared>>) dst(%dma_wait3A_148 : memref<640x128xf32, #tpu.memory_space<hbm>>)
      tpu.yield
    }) : () -> ()
    %barrier3A_35 = arith.constant 0 : index
    tpu.barrier barrier_id(%barrier3A_35)
    %mul3A_36 = arith.constant 640 : i32
    %mul3A_37 = arith.muli %arg1, %mul3A_36 : i32
    %mul3A_38 = arith.constant 640 : i32
    %mul3A_39 = arith.muli %arg1, %mul3A_38 : i32
    "tpu.region"() ({
      %run_scoped3A_141 = tpu.sem_alloc : memref<!tpu.dma_semaphore, #tpu.memory_space<semaphore_mem>>
      %dma_start3A_142 = arith.constant 0 : i32
      %dma_start3A_143 = tpu.memref_slice %arg12[%mul3A_39, %dma_start3A_142] : memref<10240x128xf32, #tpu.memory_space<vmem_shared>> -> memref<640x128xf32, #tpu.memory_space<vmem_shared>>
      %dma_start3A_144 = arith.constant 0 : i32
      %dma_start3A_145 = tpu.memref_slice %arg7[%mul3A_37, %dma_start3A_144] : memref<10240x128xf32, #tpu.memory_space<hbm>> -> memref<640x128xf32, #tpu.memory_space<hbm>>
      tpu.enqueue_dma source(%dma_start3A_145 : memref<640x128xf32, #tpu.memory_space<hbm>>) target(%dma_start3A_143 : memref<640x128xf32, #tpu.memory_space<vmem_shared>>) target_semaphore(%run_scoped3A_141 : memref<!tpu.dma_semaphore, #tpu.memory_space<semaphore_mem>>)
      %dma_wait3A = arith.constant 0 : i32
      %dma_wait3A_146 = tpu.memref_slice %arg12[%mul3A_39, %dma_wait3A] : memref<10240x128xf32, #tpu.memory_space<vmem_shared>> -> memref<640x128xf32, #tpu.memory_space<vmem_shared>>
      %dma_wait3A_147 = arith.constant 0 : i32
      %dma_wait3A_148 = tpu.memref_slice %arg7[%mul3A_37, %dma_wait3A_147] : memref<10240x128xf32, #tpu.memory_space<hbm>> -> memref<640x128xf32, #tpu.memory_space<hbm>>
      tpu.wait_dma2 semaphore(%run_scoped3A_141 : memref<!tpu.dma_semaphore, #tpu.memory_space<semaphore_mem>>) src(%dma_wait3A_148 : memref<640x128xf32, #tpu.memory_space<hbm>>) dst(%dma_wait3A_146 : memref<640x128xf32, #tpu.memory_space<vmem_shared>>)
      tpu.yield
    }) : () -> ()
    %barrier3A_40 = arith.constant 0 : index
    tpu.barrier barrier_id(%barrier3A_40)
    %dma_start3A_41 = arith.constant 0 : i32
    %dma_start3A_42 = tpu.memref_slice %arg3[%mul3A_4, %dma_start3A_41] : memref<160000x128xf32, #tpu.memory_space<hbm>> -> memref<128x128xf32, #tpu.memory_space<hbm>>
    %dma_start3A_43 = arith.constant 0 : i32
    %dma_start3A_44 = tpu.memref_slice %arg3[%mul3A_4, %dma_start3A_43] : memref<160000x128xf32, #tpu.memory_space<hbm>> -> memref<128x128xf32, #tpu.memory_space<hbm>>
    tpu.enqueue_dma source(%dma_start3A_44 : memref<128x128xf32, #tpu.memory_space<hbm>>) target(%arg10 : memref<128x128xf32, #tpu.memory_space<vmem>>) target_semaphore(%arg13 : memref<!tpu.dma_semaphore, #tpu.memory_space<semaphore_mem>>)
    %sub3A_45 = arith.constant 0 : i32
    %sub3A_46 = arith.subi %select_n3A, %sub3A_45 : i32
    %sub3A_47 = arith.constant 1 : i32
    %sub3A_48 = arith.constant 1 : i32
    %sub3A_49 = arith.subi %sub3A_47, %sub3A_48 : i32
    %add3A_50 = arith.addi %sub3A_46, %sub3A_49 : i32
    %div3A_51 = arith.constant 1 : i32
    %div3A_52 = arith.divsi %add3A_50, %div3A_51 : i32
    %while3A_53 = arith.constant 1 : i32
    %while3A_54 = arith.constant 0 : i32
    %while3A_55 = arith.constant 0 : i32
    %while3A_56 = arith.subi %div3A_52, %while3A_55 : i32
    %while3A_57 = arith.addi %while3A_55, %while3A_56 : i32
    %while3A_58 = arith.constant 1 : i32
    %while3A_59 = arith.divsi %while3A_56, %while3A_58 : i32
    %while3A_60 = arith.muli %while3A_59, %while3A_58 : i32
    %while3A_61 = arith.addi %while3A_55, %while3A_60 : i32
    %while3A_62 = arith.constant 1 : i32
    scf.for %while3A_141 = %while3A_55 to %while3A_61 step %while3A_62  : i32 {
      %mul3A_142 = arith.muli %while3A_141, %while3A_53 : i32
      %add3A_143 = arith.addi %while3A_54, %mul3A_142 : i32
      %mul3A_144 = arith.constant 2 : i32
      %mul3A_145 = arith.muli %mul3A_144, %add3A_143 : i32
      %add3A_146 = arith.constant 1 : i32
      %add3A_147 = arith.addi %mul3A_145, %add3A_146 : i32
      %mul3A_148 = arith.constant 128 : i32
      %mul3A_149 = arith.muli %add3A_147, %mul3A_148 : i32
      %add3A_150 = arith.addi %mul3A_4, %mul3A_149 : i32
      %dma_start3A_151 = arith.constant 0 : i32
      %dma_start3A_152 = tpu.memref_slice %arg3[%add3A_150, %dma_start3A_151] : memref<160000x128xf32, #tpu.memory_space<hbm>> -> memref<128x128xf32, #tpu.memory_space<hbm>>
      %dma_start3A_153 = arith.constant 0 : i32
      %dma_start3A_154 = tpu.memref_slice %arg3[%add3A_150, %dma_start3A_153] : memref<160000x128xf32, #tpu.memory_space<hbm>> -> memref<128x128xf32, #tpu.memory_space<hbm>>
      tpu.enqueue_dma source(%dma_start3A_154 : memref<128x128xf32, #tpu.memory_space<hbm>>) target(%arg11 : memref<128x128xf32, #tpu.memory_space<vmem>>) target_semaphore(%arg14 : memref<!tpu.dma_semaphore, #tpu.memory_space<semaphore_mem>>)
      %dma_wait3A = arith.constant 0 : i32
      %dma_wait3A_155 = tpu.memref_slice %arg3[%mul3A_4, %dma_wait3A] : memref<160000x128xf32, #tpu.memory_space<hbm>> -> memref<128x128xf32, #tpu.memory_space<hbm>>
      %dma_wait3A_156 = arith.constant 0 : i32
      %dma_wait3A_157 = tpu.memref_slice %arg3[%mul3A_4, %dma_wait3A_156] : memref<160000x128xf32, #tpu.memory_space<hbm>> -> memref<128x128xf32, #tpu.memory_space<hbm>>
      tpu.wait_dma2 semaphore(%arg13 : memref<!tpu.dma_semaphore, #tpu.memory_space<semaphore_mem>>) src(%dma_wait3A_157 : memref<128x128xf32, #tpu.memory_space<hbm>>) dst(%arg10 : memref<128x128xf32, #tpu.memory_space<vmem>>)
      "tpu.region"() ({
        %run_scoped3A_167 = tpu.sem_alloc : memref<!tpu.dma_semaphore, #tpu.memory_space<semaphore_mem>>
        %dma_start3A_168 = arith.constant 0 : i32
        %dma_start3A_169 = tpu.memref_slice %arg9[%mul3A_145, %dma_start3A_168] : memref<40x128xi32, #tpu.memory_space<vmem>> -> memref<1x128xi32, #tpu.memory_space<vmem>>
        %dma_start3A_170 = tpu.memref_squeeze %dma_start3A_169 : memref<1x128xi32, #tpu.memory_space<vmem>> -> memref<128xi32, #tpu.memory_space<vmem>>
        %dma_start3A_171 = arith.constant 0 : i32
        %dma_start3A_172 = arith.constant 0 : i32
        %dma_start3A_173 = tpu.memref_slice %arg12[%dma_start3A_171, %dma_start3A_172] : memref<10240x128xf32, #tpu.memory_space<vmem_shared>> -> memref<10240x128xf32, #tpu.memory_space<vmem_shared>>
        tpu.enqueue_indirect_dma source(%arg10 : memref<128x128xf32, #tpu.memory_space<vmem>>) target(%dma_start3A_173 : memref<10240x128xf32, #tpu.memory_space<vmem_shared>>) offsets(%dma_start3A_170 : memref<128xi32, #tpu.memory_space<vmem>>) semaphore(%run_scoped3A_167 : memref<!tpu.dma_semaphore, #tpu.memory_space<semaphore_mem>>) {add = true}
        %dma_wait3A_174 = arith.constant 0 : i32
        %dma_wait3A_175 = tpu.memref_slice %arg9[%mul3A_145, %dma_wait3A_174] : memref<40x128xi32, #tpu.memory_space<vmem>> -> memref<1x128xi32, #tpu.memory_space<vmem>>
        %dma_wait3A_176 = tpu.memref_squeeze %dma_wait3A_175 : memref<1x128xi32, #tpu.memory_space<vmem>> -> memref<128xi32, #tpu.memory_space<vmem>>
        %dma_wait3A_177 = arith.constant 0 : i32
        %dma_wait3A_178 = arith.constant 0 : i32
        %dma_wait3A_179 = tpu.memref_slice %arg12[%dma_wait3A_177, %dma_wait3A_178] : memref<10240x128xf32, #tpu.memory_space<vmem_shared>> -> memref<10240x128xf32, #tpu.memory_space<vmem_shared>>
        tpu.wait_indirect_dma semaphore(%run_scoped3A_167 : memref<!tpu.dma_semaphore, #tpu.memory_space<semaphore_mem>>) src(%arg10 : memref<128x128xf32, #tpu.memory_space<vmem>>) dst(%dma_wait3A_179 : memref<10240x128xf32, #tpu.memory_space<vmem_shared>>)
        tpu.yield
      }) : () -> ()
      %sub3A_158 = arith.constant 1 : i32
      %sub3A_159 = arith.subi %select_n3A, %sub3A_158 : i32
      %lt3A = arith.cmpi slt, %add3A_143, %sub3A_159 : i32
      %convert_element_type3A = arith.extui %lt3A : i1 to i32
      %cond3A = arith.constant 0 : i32
      %cond3A_160 = arith.cmpi ne, %convert_element_type3A, %cond3A : i32
      scf.if %cond3A_160 {
        %add3A_167 = arith.constant 2 : i32
        %add3A_168 = arith.addi %mul3A_145, %add3A_167 : i32
        %mul3A_169 = arith.constant 128 : i32
        %mul3A_170 = arith.muli %add3A_168, %mul3A_169 : i32
        %add3A_171 = arith.addi %mul3A_4, %mul3A_170 : i32
        %dma_start3A_172 = arith.constant 0 : i32
        %dma_start3A_173 = tpu.memref_slice %arg3[%add3A_171, %dma_start3A_172] : memref<160000x128xf32, #tpu.memory_space<hbm>> -> memref<128x128xf32, #tpu.memory_space<hbm>>
        %dma_start3A_174 = arith.constant 0 : i32
        %dma_start3A_175 = tpu.memref_slice %arg3[%add3A_171, %dma_start3A_174] : memref<160000x128xf32, #tpu.memory_space<hbm>> -> memref<128x128xf32, #tpu.memory_space<hbm>>
        tpu.enqueue_dma source(%dma_start3A_175 : memref<128x128xf32, #tpu.memory_space<hbm>>) target(%arg10 : memref<128x128xf32, #tpu.memory_space<vmem>>) target_semaphore(%arg13 : memref<!tpu.dma_semaphore, #tpu.memory_space<semaphore_mem>>)
      } else {
      }
      %dma_wait3A_161 = arith.constant 0 : i32
      %dma_wait3A_162 = tpu.memref_slice %arg3[%mul3A_4, %dma_wait3A_161] : memref<160000x128xf32, #tpu.memory_space<hbm>> -> memref<128x128xf32, #tpu.memory_space<hbm>>
      %dma_wait3A_163 = arith.constant 0 : i32
      %dma_wait3A_164 = tpu.memref_slice %arg3[%mul3A_4, %dma_wait3A_163] : memref<160000x128xf32, #tpu.memory_space<hbm>> -> memref<128x128xf32, #tpu.memory_space<hbm>>
      tpu.wait_dma2 semaphore(%arg14 : memref<!tpu.dma_semaphore, #tpu.memory_space<semaphore_mem>>) src(%dma_wait3A_164 : memref<128x128xf32, #tpu.memory_space<hbm>>) dst(%arg11 : memref<128x128xf32, #tpu.memory_space<vmem>>)
      %add3A_165 = arith.constant 1 : i32
      %add3A_166 = arith.addi %mul3A_145, %add3A_165 : i32
      "tpu.region"() ({
        %run_scoped3A_167 = tpu.sem_alloc : memref<!tpu.dma_semaphore, #tpu.memory_space<semaphore_mem>>
        %dma_start3A_168 = arith.constant 0 : i32
        %dma_start3A_169 = tpu.memref_slice %arg9[%add3A_166, %dma_start3A_168] : memref<40x128xi32, #tpu.memory_space<vmem>> -> memref<1x128xi32, #tpu.memory_space<vmem>>
        %dma_start3A_170 = tpu.memref_squeeze %dma_start3A_169 : memref<1x128xi32, #tpu.memory_space<vmem>> -> memref<128xi32, #tpu.memory_space<vmem>>
        %dma_start3A_171 = arith.constant 0 : i32
        %dma_start3A_172 = arith.constant 0 : i32
        %dma_start3A_173 = tpu.memref_slice %arg12[%dma_start3A_171, %dma_start3A_172] : memref<10240x128xf32, #tpu.memory_space<vmem_shared>> -> memref<10240x128xf32, #tpu.memory_space<vmem_shared>>
        tpu.enqueue_indirect_dma source(%arg11 : memref<128x128xf32, #tpu.memory_space<vmem>>) target(%dma_start3A_173 : memref<10240x128xf32, #tpu.memory_space<vmem_shared>>) offsets(%dma_start3A_170 : memref<128xi32, #tpu.memory_space<vmem>>) semaphore(%run_scoped3A_167 : memref<!tpu.dma_semaphore, #tpu.memory_space<semaphore_mem>>) {add = true}
        %dma_wait3A_174 = arith.constant 0 : i32
        %dma_wait3A_175 = tpu.memref_slice %arg9[%add3A_166, %dma_wait3A_174] : memref<40x128xi32, #tpu.memory_space<vmem>> -> memref<1x128xi32, #tpu.memory_space<vmem>>
        %dma_wait3A_176 = tpu.memref_squeeze %dma_wait3A_175 : memref<1x128xi32, #tpu.memory_space<vmem>> -> memref<128xi32, #tpu.memory_space<vmem>>
        %dma_wait3A_177 = arith.constant 0 : i32
        %dma_wait3A_178 = arith.constant 0 : i32
        %dma_wait3A_179 = tpu.memref_slice %arg12[%dma_wait3A_177, %dma_wait3A_178] : memref<10240x128xf32, #tpu.memory_space<vmem_shared>> -> memref<10240x128xf32, #tpu.memory_space<vmem_shared>>
        tpu.wait_indirect_dma semaphore(%run_scoped3A_167 : memref<!tpu.dma_semaphore, #tpu.memory_space<semaphore_mem>>) src(%arg11 : memref<128x128xf32, #tpu.memory_space<vmem>>) dst(%dma_wait3A_179 : memref<10240x128xf32, #tpu.memory_space<vmem_shared>>)
        tpu.yield
      }) : () -> ()
    }
    %while3A_63 = arith.constant 1 : i32
    scf.for %while3A_141 = %while3A_61 to %while3A_57 step %while3A_63  : i32 {
      %mul3A_142 = arith.muli %while3A_141, %while3A_53 : i32
      %add3A_143 = arith.addi %while3A_54, %mul3A_142 : i32
      %mul3A_144 = arith.constant 2 : i32
      %mul3A_145 = arith.muli %mul3A_144, %add3A_143 : i32
      %add3A_146 = arith.constant 1 : i32
      %add3A_147 = arith.addi %mul3A_145, %add3A_146 : i32
      %mul3A_148 = arith.constant 128 : i32
      %mul3A_149 = arith.muli %add3A_147, %mul3A_148 : i32
      %add3A_150 = arith.addi %mul3A_4, %mul3A_149 : i32
      %dma_start3A_151 = arith.constant 0 : i32
      %dma_start3A_152 = tpu.memref_slice %arg3[%add3A_150, %dma_start3A_151] : memref<160000x128xf32, #tpu.memory_space<hbm>> -> memref<128x128xf32, #tpu.memory_space<hbm>>
      %dma_start3A_153 = arith.constant 0 : i32
      %dma_start3A_154 = tpu.memref_slice %arg3[%add3A_150, %dma_start3A_153] : memref<160000x128xf32, #tpu.memory_space<hbm>> -> memref<128x128xf32, #tpu.memory_space<hbm>>
      tpu.enqueue_dma source(%dma_start3A_154 : memref<128x128xf32, #tpu.memory_space<hbm>>) target(%arg11 : memref<128x128xf32, #tpu.memory_space<vmem>>) target_semaphore(%arg14 : memref<!tpu.dma_semaphore, #tpu.memory_space<semaphore_mem>>)
      %dma_wait3A = arith.constant 0 : i32
      %dma_wait3A_155 = tpu.memref_slice %arg3[%mul3A_4, %dma_wait3A] : memref<160000x128xf32, #tpu.memory_space<hbm>> -> memref<128x128xf32, #tpu.memory_space<hbm>>
      %dma_wait3A_156 = arith.constant 0 : i32
      %dma_wait3A_157 = tpu.memref_slice %arg3[%mul3A_4, %dma_wait3A_156] : memref<160000x128xf32, #tpu.memory_space<hbm>> -> memref<128x128xf32, #tpu.memory_space<hbm>>
      tpu.wait_dma2 semaphore(%arg13 : memref<!tpu.dma_semaphore, #tpu.memory_space<semaphore_mem>>) src(%dma_wait3A_157 : memref<128x128xf32, #tpu.memory_space<hbm>>) dst(%arg10 : memref<128x128xf32, #tpu.memory_space<vmem>>)
      "tpu.region"() ({
        %run_scoped3A_167 = tpu.sem_alloc : memref<!tpu.dma_semaphore, #tpu.memory_space<semaphore_mem>>
        %dma_start3A_168 = arith.constant 0 : i32
        %dma_start3A_169 = tpu.memref_slice %arg9[%mul3A_145, %dma_start3A_168] : memref<40x128xi32, #tpu.memory_space<vmem>> -> memref<1x128xi32, #tpu.memory_space<vmem>>
        %dma_start3A_170 = tpu.memref_squeeze %dma_start3A_169 : memref<1x128xi32, #tpu.memory_space<vmem>> -> memref<128xi32, #tpu.memory_space<vmem>>
        %dma_start3A_171 = arith.constant 0 : i32
        %dma_start3A_172 = arith.constant 0 : i32
        %dma_start3A_173 = tpu.memref_slice %arg12[%dma_start3A_171, %dma_start3A_172] : memref<10240x128xf32, #tpu.memory_space<vmem_shared>> -> memref<10240x128xf32, #tpu.memory_space<vmem_shared>>
        tpu.enqueue_indirect_dma source(%arg10 : memref<128x128xf32, #tpu.memory_space<vmem>>) target(%dma_start3A_173 : memref<10240x128xf32, #tpu.memory_space<vmem_shared>>) offsets(%dma_start3A_170 : memref<128xi32, #tpu.memory_space<vmem>>) semaphore(%run_scoped3A_167 : memref<!tpu.dma_semaphore, #tpu.memory_space<semaphore_mem>>) {add = true}
        %dma_wait3A_174 = arith.constant 0 : i32
        %dma_wait3A_175 = tpu.memref_slice %arg9[%mul3A_145, %dma_wait3A_174] : memref<40x128xi32, #tpu.memory_space<vmem>> -> memref<1x128xi32, #tpu.memory_space<vmem>>
        %dma_wait3A_176 = tpu.memref_squeeze %dma_wait3A_175 : memref<1x128xi32, #tpu.memory_space<vmem>> -> memref<128xi32, #tpu.memory_space<vmem>>
        %dma_wait3A_177 = arith.constant 0 : i32
        %dma_wait3A_178 = arith.constant 0 : i32
        %dma_wait3A_179 = tpu.memref_slice %arg12[%dma_wait3A_177, %dma_wait3A_178] : memref<10240x128xf32, #tpu.memory_space<vmem_shared>> -> memref<10240x128xf32, #tpu.memory_space<vmem_shared>>
        tpu.wait_indirect_dma semaphore(%run_scoped3A_167 : memref<!tpu.dma_semaphore, #tpu.memory_space<semaphore_mem>>) src(%arg10 : memref<128x128xf32, #tpu.memory_space<vmem>>) dst(%dma_wait3A_179 : memref<10240x128xf32, #tpu.memory_space<vmem_shared>>)
        tpu.yield
      }) : () -> ()
      %sub3A_158 = arith.constant 1 : i32
      %sub3A_159 = arith.subi %select_n3A, %sub3A_158 : i32
      %lt3A = arith.cmpi slt, %add3A_143, %sub3A_159 : i32
      %convert_element_type3A = arith.extui %lt3A : i1 to i32
      %cond3A = arith.constant 0 : i32
      %cond3A_160 = arith.cmpi ne, %convert_element_type3A, %cond3A : i32
      scf.if %cond3A_160 {
        %add3A_167 = arith.constant 2 : i32
        %add3A_168 = arith.addi %mul3A_145, %add3A_167 : i32
        %mul3A_169 = arith.constant 128 : i32
        %mul3A_170 = arith.muli %add3A_168, %mul3A_169 : i32
        %add3A_171 = arith.addi %mul3A_4, %mul3A_170 : i32
        %dma_start3A_172 = arith.constant 0 : i32
        %dma_start3A_173 = tpu.memref_slice %arg3[%add3A_171, %dma_start3A_172] : memref<160000x128xf32, #tpu.memory_space<hbm>> -> memref<128x128xf32, #tpu.memory_space<hbm>>
        %dma_start3A_174 = arith.constant 0 : i32
        %dma_start3A_175 = tpu.memref_slice %arg3[%add3A_171, %dma_start3A_174] : memref<160000x128xf32, #tpu.memory_space<hbm>> -> memref<128x128xf32, #tpu.memory_space<hbm>>
        tpu.enqueue_dma source(%dma_start3A_175 : memref<128x128xf32, #tpu.memory_space<hbm>>) target(%arg10 : memref<128x128xf32, #tpu.memory_space<vmem>>) target_semaphore(%arg13 : memref<!tpu.dma_semaphore, #tpu.memory_space<semaphore_mem>>)
      } else {
      }
      %dma_wait3A_161 = arith.constant 0 : i32
      %dma_wait3A_162 = tpu.memref_slice %arg3[%mul3A_4, %dma_wait3A_161] : memref<160000x128xf32, #tpu.memory_space<hbm>> -> memref<128x128xf32, #tpu.memory_space<hbm>>
      %dma_wait3A_163 = arith.constant 0 : i32
      %dma_wait3A_164 = tpu.memref_slice %arg3[%mul3A_4, %dma_wait3A_163] : memref<160000x128xf32, #tpu.memory_space<hbm>> -> memref<128x128xf32, #tpu.memory_space<hbm>>
      tpu.wait_dma2 semaphore(%arg14 : memref<!tpu.dma_semaphore, #tpu.memory_space<semaphore_mem>>) src(%dma_wait3A_164 : memref<128x128xf32, #tpu.memory_space<hbm>>) dst(%arg11 : memref<128x128xf32, #tpu.memory_space<vmem>>)
      %add3A_165 = arith.constant 1 : i32
      %add3A_166 = arith.addi %mul3A_145, %add3A_165 : i32
      "tpu.region"() ({
        %run_scoped3A_167 = tpu.sem_alloc : memref<!tpu.dma_semaphore, #tpu.memory_space<semaphore_mem>>
        %dma_start3A_168 = arith.constant 0 : i32
        %dma_start3A_169 = tpu.memref_slice %arg9[%add3A_166, %dma_start3A_168] : memref<40x128xi32, #tpu.memory_space<vmem>> -> memref<1x128xi32, #tpu.memory_space<vmem>>
        %dma_start3A_170 = tpu.memref_squeeze %dma_start3A_169 : memref<1x128xi32, #tpu.memory_space<vmem>> -> memref<128xi32, #tpu.memory_space<vmem>>
        %dma_start3A_171 = arith.constant 0 : i32
        %dma_start3A_172 = arith.constant 0 : i32
        %dma_start3A_173 = tpu.memref_slice %arg12[%dma_start3A_171, %dma_start3A_172] : memref<10240x128xf32, #tpu.memory_space<vmem_shared>> -> memref<10240x128xf32, #tpu.memory_space<vmem_shared>>
        tpu.enqueue_indirect_dma source(%arg11 : memref<128x128xf32, #tpu.memory_space<vmem>>) target(%dma_start3A_173 : memref<10240x128xf32, #tpu.memory_space<vmem_shared>>) offsets(%dma_start3A_170 : memref<128xi32, #tpu.memory_space<vmem>>) semaphore(%run_scoped3A_167 : memref<!tpu.dma_semaphore, #tpu.memory_space<semaphore_mem>>) {add = true}
        %dma_wait3A_174 = arith.constant 0 : i32
        %dma_wait3A_175 = tpu.memref_slice %arg9[%add3A_166, %dma_wait3A_174] : memref<40x128xi32, #tpu.memory_space<vmem>> -> memref<1x128xi32, #tpu.memory_space<vmem>>
        %dma_wait3A_176 = tpu.memref_squeeze %dma_wait3A_175 : memref<1x128xi32, #tpu.memory_space<vmem>> -> memref<128xi32, #tpu.memory_space<vmem>>
        %dma_wait3A_177 = arith.constant 0 : i32
        %dma_wait3A_178 = arith.constant 0 : i32
        %dma_wait3A_179 = tpu.memref_slice %arg12[%dma_wait3A_177, %dma_wait3A_178] : memref<10240x128xf32, #tpu.memory_space<vmem_shared>> -> memref<10240x128xf32, #tpu.memory_space<vmem_shared>>
        tpu.wait_indirect_dma semaphore(%run_scoped3A_167 : memref<!tpu.dma_semaphore, #tpu.memory_space<semaphore_mem>>) src(%arg11 : memref<128x128xf32, #tpu.memory_space<vmem>>) dst(%dma_wait3A_179 : memref<10240x128xf32, #tpu.memory_space<vmem_shared>>)
        tpu.yield
      }) : () -> ()
    }
    %barrier3A_64 = arith.constant 0 : index
    tpu.barrier barrier_id(%barrier3A_64)
    %mul3A_65 = arith.constant 640 : i32
    %mul3A_66 = arith.muli %arg1, %mul3A_65 : i32
    %mul3A_67 = arith.constant 640 : i32
    %mul3A_68 = arith.muli %arg1, %mul3A_67 : i32
    %run_scoped3A_69 = arith.constant 1 : i32
    "tpu.region"() ({
      %run_scoped3A_141 = tpu.sem_alloc : memref<!tpu.dma_semaphore, #tpu.memory_space<semaphore_mem>>
      %dma_start3A_142 = arith.constant 0 : i32
      %dma_start3A_143 = tpu.memref_slice %arg8[%run_scoped3A_69, %arg0, %mul3A_68, %dma_start3A_142] : memref<4x2x10240x128xf32, #tpu.memory_space<hbm>> -> memref<1x1x640x128xf32, #tpu.memory_space<hbm>>
      %dma_start3A_144 = tpu.memref_squeeze %dma_start3A_143 : memref<1x1x640x128xf32, #tpu.memory_space<hbm>> -> memref<640x128xf32, #tpu.memory_space<hbm>>
      %dma_start3A_145 = arith.constant 0 : i32
      %dma_start3A_146 = tpu.memref_slice %arg12[%mul3A_66, %dma_start3A_145] : memref<10240x128xf32, #tpu.memory_space<vmem_shared>> -> memref<640x128xf32, #tpu.memory_space<vmem_shared>>
      tpu.enqueue_dma source(%dma_start3A_146 : memref<640x128xf32, #tpu.memory_space<vmem_shared>>) target(%dma_start3A_144 : memref<640x128xf32, #tpu.memory_space<hbm>>) target_semaphore(%run_scoped3A_141 : memref<!tpu.dma_semaphore, #tpu.memory_space<semaphore_mem>>)
      %dma_wait3A = arith.constant 0 : i32
      %dma_wait3A_147 = tpu.memref_slice %arg8[%run_scoped3A_69, %arg0, %mul3A_68, %dma_wait3A] : memref<4x2x10240x128xf32, #tpu.memory_space<hbm>> -> memref<1x1x640x128xf32, #tpu.memory_space<hbm>>
      %dma_wait3A_148 = tpu.memref_squeeze %dma_wait3A_147 : memref<1x1x640x128xf32, #tpu.memory_space<hbm>> -> memref<640x128xf32, #tpu.memory_space<hbm>>
      %dma_wait3A_149 = arith.constant 0 : i32
      %dma_wait3A_150 = tpu.memref_slice %arg12[%mul3A_66, %dma_wait3A_149] : memref<10240x128xf32, #tpu.memory_space<vmem_shared>> -> memref<640x128xf32, #tpu.memory_space<vmem_shared>>
      tpu.wait_dma2 semaphore(%run_scoped3A_141 : memref<!tpu.dma_semaphore, #tpu.memory_space<semaphore_mem>>) src(%dma_wait3A_150 : memref<640x128xf32, #tpu.memory_space<vmem_shared>>) dst(%dma_wait3A_148 : memref<640x128xf32, #tpu.memory_space<hbm>>)
      tpu.yield
    }) : () -> ()
    %barrier3A_70 = arith.constant 0 : index
    tpu.barrier barrier_id(%barrier3A_70)
    %mul3A_71 = arith.constant 640 : i32
    %mul3A_72 = arith.muli %arg1, %mul3A_71 : i32
    %mul3A_73 = arith.constant 640 : i32
    %mul3A_74 = arith.muli %arg1, %mul3A_73 : i32
    "tpu.region"() ({
      %run_scoped3A_141 = tpu.sem_alloc : memref<!tpu.dma_semaphore, #tpu.memory_space<semaphore_mem>>
      %dma_start3A_142 = arith.constant 0 : i32
      %dma_start3A_143 = tpu.memref_slice %arg12[%mul3A_74, %dma_start3A_142] : memref<10240x128xf32, #tpu.memory_space<vmem_shared>> -> memref<640x128xf32, #tpu.memory_space<vmem_shared>>
      %dma_start3A_144 = arith.constant 0 : i32
      %dma_start3A_145 = tpu.memref_slice %arg7[%mul3A_72, %dma_start3A_144] : memref<10240x128xf32, #tpu.memory_space<hbm>> -> memref<640x128xf32, #tpu.memory_space<hbm>>
      tpu.enqueue_dma source(%dma_start3A_145 : memref<640x128xf32, #tpu.memory_space<hbm>>) target(%dma_start3A_143 : memref<640x128xf32, #tpu.memory_space<vmem_shared>>) target_semaphore(%run_scoped3A_141 : memref<!tpu.dma_semaphore, #tpu.memory_space<semaphore_mem>>)
      %dma_wait3A = arith.constant 0 : i32
      %dma_wait3A_146 = tpu.memref_slice %arg12[%mul3A_74, %dma_wait3A] : memref<10240x128xf32, #tpu.memory_space<vmem_shared>> -> memref<640x128xf32, #tpu.memory_space<vmem_shared>>
      %dma_wait3A_147 = arith.constant 0 : i32
      %dma_wait3A_148 = tpu.memref_slice %arg7[%mul3A_72, %dma_wait3A_147] : memref<10240x128xf32, #tpu.memory_space<hbm>> -> memref<640x128xf32, #tpu.memory_space<hbm>>
      tpu.wait_dma2 semaphore(%run_scoped3A_141 : memref<!tpu.dma_semaphore, #tpu.memory_space<semaphore_mem>>) src(%dma_wait3A_148 : memref<640x128xf32, #tpu.memory_space<hbm>>) dst(%dma_wait3A_146 : memref<640x128xf32, #tpu.memory_space<vmem_shared>>)
      tpu.yield
    }) : () -> ()
    %barrier3A_75 = arith.constant 0 : index
    tpu.barrier barrier_id(%barrier3A_75)
    %dma_start3A_76 = arith.constant 0 : i32
    %dma_start3A_77 = tpu.memref_slice %arg4[%mul3A_4, %dma_start3A_76] : memref<160000x128xf32, #tpu.memory_space<hbm>> -> memref<128x128xf32, #tpu.memory_space<hbm>>
    %dma_start3A_78 = arith.constant 0 : i32
    %dma_start3A_79 = tpu.memref_slice %arg4[%mul3A_4, %dma_start3A_78] : memref<160000x128xf32, #tpu.memory_space<hbm>> -> memref<128x128xf32, #tpu.memory_space<hbm>>
    tpu.enqueue_dma source(%dma_start3A_79 : memref<128x128xf32, #tpu.memory_space<hbm>>) target(%arg10 : memref<128x128xf32, #tpu.memory_space<vmem>>) target_semaphore(%arg13 : memref<!tpu.dma_semaphore, #tpu.memory_space<semaphore_mem>>)
    %sub3A_80 = arith.constant 0 : i32
    %sub3A_81 = arith.subi %select_n3A, %sub3A_80 : i32
    %sub3A_82 = arith.constant 1 : i32
    %sub3A_83 = arith.constant 1 : i32
    %sub3A_84 = arith.subi %sub3A_82, %sub3A_83 : i32
    %add3A_85 = arith.addi %sub3A_81, %sub3A_84 : i32
    %div3A_86 = arith.constant 1 : i32
    %div3A_87 = arith.divsi %add3A_85, %div3A_86 : i32
    %while3A_88 = arith.constant 1 : i32
    %while3A_89 = arith.constant 0 : i32
    %while3A_90 = arith.constant 0 : i32
    %while3A_91 = arith.subi %div3A_87, %while3A_90 : i32
    %while3A_92 = arith.addi %while3A_90, %while3A_91 : i32
    %while3A_93 = arith.constant 1 : i32
    %while3A_94 = arith.divsi %while3A_91, %while3A_93 : i32
    %while3A_95 = arith.muli %while3A_94, %while3A_93 : i32
    %while3A_96 = arith.addi %while3A_90, %while3A_95 : i32
    %while3A_97 = arith.constant 1 : i32
    scf.for %while3A_141 = %while3A_90 to %while3A_96 step %while3A_97  : i32 {
      %mul3A_142 = arith.muli %while3A_141, %while3A_88 : i32
      %add3A_143 = arith.addi %while3A_89, %mul3A_142 : i32
      %mul3A_144 = arith.constant 2 : i32
      %mul3A_145 = arith.muli %mul3A_144, %add3A_143 : i32
      %add3A_146 = arith.constant 1 : i32
      %add3A_147 = arith.addi %mul3A_145, %add3A_146 : i32
      %mul3A_148 = arith.constant 128 : i32
      %mul3A_149 = arith.muli %add3A_147, %mul3A_148 : i32
      %add3A_150 = arith.addi %mul3A_4, %mul3A_149 : i32
      %dma_start3A_151 = arith.constant 0 : i32
      %dma_start3A_152 = tpu.memref_slice %arg4[%add3A_150, %dma_start3A_151] : memref<160000x128xf32, #tpu.memory_space<hbm>> -> memref<128x128xf32, #tpu.memory_space<hbm>>
      %dma_start3A_153 = arith.constant 0 : i32
      %dma_start3A_154 = tpu.memref_slice %arg4[%add3A_150, %dma_start3A_153] : memref<160000x128xf32, #tpu.memory_space<hbm>> -> memref<128x128xf32, #tpu.memory_space<hbm>>
      tpu.enqueue_dma source(%dma_start3A_154 : memref<128x128xf32, #tpu.memory_space<hbm>>) target(%arg11 : memref<128x128xf32, #tpu.memory_space<vmem>>) target_semaphore(%arg14 : memref<!tpu.dma_semaphore, #tpu.memory_space<semaphore_mem>>)
      %dma_wait3A = arith.constant 0 : i32
      %dma_wait3A_155 = tpu.memref_slice %arg4[%mul3A_4, %dma_wait3A] : memref<160000x128xf32, #tpu.memory_space<hbm>> -> memref<128x128xf32, #tpu.memory_space<hbm>>
      %dma_wait3A_156 = arith.constant 0 : i32
      %dma_wait3A_157 = tpu.memref_slice %arg4[%mul3A_4, %dma_wait3A_156] : memref<160000x128xf32, #tpu.memory_space<hbm>> -> memref<128x128xf32, #tpu.memory_space<hbm>>
      tpu.wait_dma2 semaphore(%arg13 : memref<!tpu.dma_semaphore, #tpu.memory_space<semaphore_mem>>) src(%dma_wait3A_157 : memref<128x128xf32, #tpu.memory_space<hbm>>) dst(%arg10 : memref<128x128xf32, #tpu.memory_space<vmem>>)
      "tpu.region"() ({
        %run_scoped3A_167 = tpu.sem_alloc : memref<!tpu.dma_semaphore, #tpu.memory_space<semaphore_mem>>
        %dma_start3A_168 = arith.constant 0 : i32
        %dma_start3A_169 = tpu.memref_slice %arg9[%mul3A_145, %dma_start3A_168] : memref<40x128xi32, #tpu.memory_space<vmem>> -> memref<1x128xi32, #tpu.memory_space<vmem>>
        %dma_start3A_170 = tpu.memref_squeeze %dma_start3A_169 : memref<1x128xi32, #tpu.memory_space<vmem>> -> memref<128xi32, #tpu.memory_space<vmem>>
        %dma_start3A_171 = arith.constant 0 : i32
        %dma_start3A_172 = arith.constant 0 : i32
        %dma_start3A_173 = tpu.memref_slice %arg12[%dma_start3A_171, %dma_start3A_172] : memref<10240x128xf32, #tpu.memory_space<vmem_shared>> -> memref<10240x128xf32, #tpu.memory_space<vmem_shared>>
        tpu.enqueue_indirect_dma source(%arg10 : memref<128x128xf32, #tpu.memory_space<vmem>>) target(%dma_start3A_173 : memref<10240x128xf32, #tpu.memory_space<vmem_shared>>) offsets(%dma_start3A_170 : memref<128xi32, #tpu.memory_space<vmem>>) semaphore(%run_scoped3A_167 : memref<!tpu.dma_semaphore, #tpu.memory_space<semaphore_mem>>) {add = true}
        %dma_wait3A_174 = arith.constant 0 : i32
        %dma_wait3A_175 = tpu.memref_slice %arg9[%mul3A_145, %dma_wait3A_174] : memref<40x128xi32, #tpu.memory_space<vmem>> -> memref<1x128xi32, #tpu.memory_space<vmem>>
        %dma_wait3A_176 = tpu.memref_squeeze %dma_wait3A_175 : memref<1x128xi32, #tpu.memory_space<vmem>> -> memref<128xi32, #tpu.memory_space<vmem>>
        %dma_wait3A_177 = arith.constant 0 : i32
        %dma_wait3A_178 = arith.constant 0 : i32
        %dma_wait3A_179 = tpu.memref_slice %arg12[%dma_wait3A_177, %dma_wait3A_178] : memref<10240x128xf32, #tpu.memory_space<vmem_shared>> -> memref<10240x128xf32, #tpu.memory_space<vmem_shared>>
        tpu.wait_indirect_dma semaphore(%run_scoped3A_167 : memref<!tpu.dma_semaphore, #tpu.memory_space<semaphore_mem>>) src(%arg10 : memref<128x128xf32, #tpu.memory_space<vmem>>) dst(%dma_wait3A_179 : memref<10240x128xf32, #tpu.memory_space<vmem_shared>>)
        tpu.yield
      }) : () -> ()
      %sub3A_158 = arith.constant 1 : i32
      %sub3A_159 = arith.subi %select_n3A, %sub3A_158 : i32
      %lt3A = arith.cmpi slt, %add3A_143, %sub3A_159 : i32
      %convert_element_type3A = arith.extui %lt3A : i1 to i32
      %cond3A = arith.constant 0 : i32
      %cond3A_160 = arith.cmpi ne, %convert_element_type3A, %cond3A : i32
      scf.if %cond3A_160 {
        %add3A_167 = arith.constant 2 : i32
        %add3A_168 = arith.addi %mul3A_145, %add3A_167 : i32
        %mul3A_169 = arith.constant 128 : i32
        %mul3A_170 = arith.muli %add3A_168, %mul3A_169 : i32
        %add3A_171 = arith.addi %mul3A_4, %mul3A_170 : i32
        %dma_start3A_172 = arith.constant 0 : i32
        %dma_start3A_173 = tpu.memref_slice %arg4[%add3A_171, %dma_start3A_172] : memref<160000x128xf32, #tpu.memory_space<hbm>> -> memref<128x128xf32, #tpu.memory_space<hbm>>
        %dma_start3A_174 = arith.constant 0 : i32
        %dma_start3A_175 = tpu.memref_slice %arg4[%add3A_171, %dma_start3A_174] : memref<160000x128xf32, #tpu.memory_space<hbm>> -> memref<128x128xf32, #tpu.memory_space<hbm>>
        tpu.enqueue_dma source(%dma_start3A_175 : memref<128x128xf32, #tpu.memory_space<hbm>>) target(%arg10 : memref<128x128xf32, #tpu.memory_space<vmem>>) target_semaphore(%arg13 : memref<!tpu.dma_semaphore, #tpu.memory_space<semaphore_mem>>)
      } else {
      }
      %dma_wait3A_161 = arith.constant 0 : i32
      %dma_wait3A_162 = tpu.memref_slice %arg4[%mul3A_4, %dma_wait3A_161] : memref<160000x128xf32, #tpu.memory_space<hbm>> -> memref<128x128xf32, #tpu.memory_space<hbm>>
      %dma_wait3A_163 = arith.constant 0 : i32
      %dma_wait3A_164 = tpu.memref_slice %arg4[%mul3A_4, %dma_wait3A_163] : memref<160000x128xf32, #tpu.memory_space<hbm>> -> memref<128x128xf32, #tpu.memory_space<hbm>>
      tpu.wait_dma2 semaphore(%arg14 : memref<!tpu.dma_semaphore, #tpu.memory_space<semaphore_mem>>) src(%dma_wait3A_164 : memref<128x128xf32, #tpu.memory_space<hbm>>) dst(%arg11 : memref<128x128xf32, #tpu.memory_space<vmem>>)
      %add3A_165 = arith.constant 1 : i32
      %add3A_166 = arith.addi %mul3A_145, %add3A_165 : i32
      "tpu.region"() ({
        %run_scoped3A_167 = tpu.sem_alloc : memref<!tpu.dma_semaphore, #tpu.memory_space<semaphore_mem>>
        %dma_start3A_168 = arith.constant 0 : i32
        %dma_start3A_169 = tpu.memref_slice %arg9[%add3A_166, %dma_start3A_168] : memref<40x128xi32, #tpu.memory_space<vmem>> -> memref<1x128xi32, #tpu.memory_space<vmem>>
        %dma_start3A_170 = tpu.memref_squeeze %dma_start3A_169 : memref<1x128xi32, #tpu.memory_space<vmem>> -> memref<128xi32, #tpu.memory_space<vmem>>
        %dma_start3A_171 = arith.constant 0 : i32
        %dma_start3A_172 = arith.constant 0 : i32
        %dma_start3A_173 = tpu.memref_slice %arg12[%dma_start3A_171, %dma_start3A_172] : memref<10240x128xf32, #tpu.memory_space<vmem_shared>> -> memref<10240x128xf32, #tpu.memory_space<vmem_shared>>
        tpu.enqueue_indirect_dma source(%arg11 : memref<128x128xf32, #tpu.memory_space<vmem>>) target(%dma_start3A_173 : memref<10240x128xf32, #tpu.memory_space<vmem_shared>>) offsets(%dma_start3A_170 : memref<128xi32, #tpu.memory_space<vmem>>) semaphore(%run_scoped3A_167 : memref<!tpu.dma_semaphore, #tpu.memory_space<semaphore_mem>>) {add = true}
        %dma_wait3A_174 = arith.constant 0 : i32
        %dma_wait3A_175 = tpu.memref_slice %arg9[%add3A_166, %dma_wait3A_174] : memref<40x128xi32, #tpu.memory_space<vmem>> -> memref<1x128xi32, #tpu.memory_space<vmem>>
        %dma_wait3A_176 = tpu.memref_squeeze %dma_wait3A_175 : memref<1x128xi32, #tpu.memory_space<vmem>> -> memref<128xi32, #tpu.memory_space<vmem>>
        %dma_wait3A_177 = arith.constant 0 : i32
        %dma_wait3A_178 = arith.constant 0 : i32
        %dma_wait3A_179 = tpu.memref_slice %arg12[%dma_wait3A_177, %dma_wait3A_178] : memref<10240x128xf32, #tpu.memory_space<vmem_shared>> -> memref<10240x128xf32, #tpu.memory_space<vmem_shared>>
        tpu.wait_indirect_dma semaphore(%run_scoped3A_167 : memref<!tpu.dma_semaphore, #tpu.memory_space<semaphore_mem>>) src(%arg11 : memref<128x128xf32, #tpu.memory_space<vmem>>) dst(%dma_wait3A_179 : memref<10240x128xf32, #tpu.memory_space<vmem_shared>>)
        tpu.yield
      }) : () -> ()
    }
    %while3A_98 = arith.constant 1 : i32
    scf.for %while3A_141 = %while3A_96 to %while3A_92 step %while3A_98  : i32 {
      %mul3A_142 = arith.muli %while3A_141, %while3A_88 : i32
      %add3A_143 = arith.addi %while3A_89, %mul3A_142 : i32
      %mul3A_144 = arith.constant 2 : i32
      %mul3A_145 = arith.muli %mul3A_144, %add3A_143 : i32
      %add3A_146 = arith.constant 1 : i32
      %add3A_147 = arith.addi %mul3A_145, %add3A_146 : i32
      %mul3A_148 = arith.constant 128 : i32
      %mul3A_149 = arith.muli %add3A_147, %mul3A_148 : i32
      %add3A_150 = arith.addi %mul3A_4, %mul3A_149 : i32
      %dma_start3A_151 = arith.constant 0 : i32
      %dma_start3A_152 = tpu.memref_slice %arg4[%add3A_150, %dma_start3A_151] : memref<160000x128xf32, #tpu.memory_space<hbm>> -> memref<128x128xf32, #tpu.memory_space<hbm>>
      %dma_start3A_153 = arith.constant 0 : i32
      %dma_start3A_154 = tpu.memref_slice %arg4[%add3A_150, %dma_start3A_153] : memref<160000x128xf32, #tpu.memory_space<hbm>> -> memref<128x128xf32, #tpu.memory_space<hbm>>
      tpu.enqueue_dma source(%dma_start3A_154 : memref<128x128xf32, #tpu.memory_space<hbm>>) target(%arg11 : memref<128x128xf32, #tpu.memory_space<vmem>>) target_semaphore(%arg14 : memref<!tpu.dma_semaphore, #tpu.memory_space<semaphore_mem>>)
      %dma_wait3A = arith.constant 0 : i32
      %dma_wait3A_155 = tpu.memref_slice %arg4[%mul3A_4, %dma_wait3A] : memref<160000x128xf32, #tpu.memory_space<hbm>> -> memref<128x128xf32, #tpu.memory_space<hbm>>
      %dma_wait3A_156 = arith.constant 0 : i32
      %dma_wait3A_157 = tpu.memref_slice %arg4[%mul3A_4, %dma_wait3A_156] : memref<160000x128xf32, #tpu.memory_space<hbm>> -> memref<128x128xf32, #tpu.memory_space<hbm>>
      tpu.wait_dma2 semaphore(%arg13 : memref<!tpu.dma_semaphore, #tpu.memory_space<semaphore_mem>>) src(%dma_wait3A_157 : memref<128x128xf32, #tpu.memory_space<hbm>>) dst(%arg10 : memref<128x128xf32, #tpu.memory_space<vmem>>)
      "tpu.region"() ({
        %run_scoped3A_167 = tpu.sem_alloc : memref<!tpu.dma_semaphore, #tpu.memory_space<semaphore_mem>>
        %dma_start3A_168 = arith.constant 0 : i32
        %dma_start3A_169 = tpu.memref_slice %arg9[%mul3A_145, %dma_start3A_168] : memref<40x128xi32, #tpu.memory_space<vmem>> -> memref<1x128xi32, #tpu.memory_space<vmem>>
        %dma_start3A_170 = tpu.memref_squeeze %dma_start3A_169 : memref<1x128xi32, #tpu.memory_space<vmem>> -> memref<128xi32, #tpu.memory_space<vmem>>
        %dma_start3A_171 = arith.constant 0 : i32
        %dma_start3A_172 = arith.constant 0 : i32
        %dma_start3A_173 = tpu.memref_slice %arg12[%dma_start3A_171, %dma_start3A_172] : memref<10240x128xf32, #tpu.memory_space<vmem_shared>> -> memref<10240x128xf32, #tpu.memory_space<vmem_shared>>
        tpu.enqueue_indirect_dma source(%arg10 : memref<128x128xf32, #tpu.memory_space<vmem>>) target(%dma_start3A_173 : memref<10240x128xf32, #tpu.memory_space<vmem_shared>>) offsets(%dma_start3A_170 : memref<128xi32, #tpu.memory_space<vmem>>) semaphore(%run_scoped3A_167 : memref<!tpu.dma_semaphore, #tpu.memory_space<semaphore_mem>>) {add = true}
        %dma_wait3A_174 = arith.constant 0 : i32
        %dma_wait3A_175 = tpu.memref_slice %arg9[%mul3A_145, %dma_wait3A_174] : memref<40x128xi32, #tpu.memory_space<vmem>> -> memref<1x128xi32, #tpu.memory_space<vmem>>
        %dma_wait3A_176 = tpu.memref_squeeze %dma_wait3A_175 : memref<1x128xi32, #tpu.memory_space<vmem>> -> memref<128xi32, #tpu.memory_space<vmem>>
        %dma_wait3A_177 = arith.constant 0 : i32
        %dma_wait3A_178 = arith.constant 0 : i32
        %dma_wait3A_179 = tpu.memref_slice %arg12[%dma_wait3A_177, %dma_wait3A_178] : memref<10240x128xf32, #tpu.memory_space<vmem_shared>> -> memref<10240x128xf32, #tpu.memory_space<vmem_shared>>
        tpu.wait_indirect_dma semaphore(%run_scoped3A_167 : memref<!tpu.dma_semaphore, #tpu.memory_space<semaphore_mem>>) src(%arg10 : memref<128x128xf32, #tpu.memory_space<vmem>>) dst(%dma_wait3A_179 : memref<10240x128xf32, #tpu.memory_space<vmem_shared>>)
        tpu.yield
      }) : () -> ()
      %sub3A_158 = arith.constant 1 : i32
      %sub3A_159 = arith.subi %select_n3A, %sub3A_158 : i32
      %lt3A = arith.cmpi slt, %add3A_143, %sub3A_159 : i32
      %convert_element_type3A = arith.extui %lt3A : i1 to i32
      %cond3A = arith.constant 0 : i32
      %cond3A_160 = arith.cmpi ne, %convert_element_type3A, %cond3A : i32
      scf.if %cond3A_160 {
        %add3A_167 = arith.constant 2 : i32
        %add3A_168 = arith.addi %mul3A_145, %add3A_167 : i32
        %mul3A_169 = arith.constant 128 : i32
        %mul3A_170 = arith.muli %add3A_168, %mul3A_169 : i32
        %add3A_171 = arith.addi %mul3A_4, %mul3A_170 : i32
        %dma_start3A_172 = arith.constant 0 : i32
        %dma_start3A_173 = tpu.memref_slice %arg4[%add3A_171, %dma_start3A_172] : memref<160000x128xf32, #tpu.memory_space<hbm>> -> memref<128x128xf32, #tpu.memory_space<hbm>>
        %dma_start3A_174 = arith.constant 0 : i32
        %dma_start3A_175 = tpu.memref_slice %arg4[%add3A_171, %dma_start3A_174] : memref<160000x128xf32, #tpu.memory_space<hbm>> -> memref<128x128xf32, #tpu.memory_space<hbm>>
        tpu.enqueue_dma source(%dma_start3A_175 : memref<128x128xf32, #tpu.memory_space<hbm>>) target(%arg10 : memref<128x128xf32, #tpu.memory_space<vmem>>) target_semaphore(%arg13 : memref<!tpu.dma_semaphore, #tpu.memory_space<semaphore_mem>>)
      } else {
      }
      %dma_wait3A_161 = arith.constant 0 : i32
      %dma_wait3A_162 = tpu.memref_slice %arg4[%mul3A_4, %dma_wait3A_161] : memref<160000x128xf32, #tpu.memory_space<hbm>> -> memref<128x128xf32, #tpu.memory_space<hbm>>
      %dma_wait3A_163 = arith.constant 0 : i32
      %dma_wait3A_164 = tpu.memref_slice %arg4[%mul3A_4, %dma_wait3A_163] : memref<160000x128xf32, #tpu.memory_space<hbm>> -> memref<128x128xf32, #tpu.memory_space<hbm>>
      tpu.wait_dma2 semaphore(%arg14 : memref<!tpu.dma_semaphore, #tpu.memory_space<semaphore_mem>>) src(%dma_wait3A_164 : memref<128x128xf32, #tpu.memory_space<hbm>>) dst(%arg11 : memref<128x128xf32, #tpu.memory_space<vmem>>)
      %add3A_165 = arith.constant 1 : i32
      %add3A_166 = arith.addi %mul3A_145, %add3A_165 : i32
      "tpu.region"() ({
        %run_scoped3A_167 = tpu.sem_alloc : memref<!tpu.dma_semaphore, #tpu.memory_space<semaphore_mem>>
        %dma_start3A_168 = arith.constant 0 : i32
        %dma_start3A_169 = tpu.memref_slice %arg9[%add3A_166, %dma_start3A_168] : memref<40x128xi32, #tpu.memory_space<vmem>> -> memref<1x128xi32, #tpu.memory_space<vmem>>
        %dma_start3A_170 = tpu.memref_squeeze %dma_start3A_169 : memref<1x128xi32, #tpu.memory_space<vmem>> -> memref<128xi32, #tpu.memory_space<vmem>>
        %dma_start3A_171 = arith.constant 0 : i32
        %dma_start3A_172 = arith.constant 0 : i32
        %dma_start3A_173 = tpu.memref_slice %arg12[%dma_start3A_171, %dma_start3A_172] : memref<10240x128xf32, #tpu.memory_space<vmem_shared>> -> memref<10240x128xf32, #tpu.memory_space<vmem_shared>>
        tpu.enqueue_indirect_dma source(%arg11 : memref<128x128xf32, #tpu.memory_space<vmem>>) target(%dma_start3A_173 : memref<10240x128xf32, #tpu.memory_space<vmem_shared>>) offsets(%dma_start3A_170 : memref<128xi32, #tpu.memory_space<vmem>>) semaphore(%run_scoped3A_167 : memref<!tpu.dma_semaphore, #tpu.memory_space<semaphore_mem>>) {add = true}
        %dma_wait3A_174 = arith.constant 0 : i32
        %dma_wait3A_175 = tpu.memref_slice %arg9[%add3A_166, %dma_wait3A_174] : memref<40x128xi32, #tpu.memory_space<vmem>> -> memref<1x128xi32, #tpu.memory_space<vmem>>
        %dma_wait3A_176 = tpu.memref_squeeze %dma_wait3A_175 : memref<1x128xi32, #tpu.memory_space<vmem>> -> memref<128xi32, #tpu.memory_space<vmem>>
        %dma_wait3A_177 = arith.constant 0 : i32
        %dma_wait3A_178 = arith.constant 0 : i32
        %dma_wait3A_179 = tpu.memref_slice %arg12[%dma_wait3A_177, %dma_wait3A_178] : memref<10240x128xf32, #tpu.memory_space<vmem_shared>> -> memref<10240x128xf32, #tpu.memory_space<vmem_shared>>
        tpu.wait_indirect_dma semaphore(%run_scoped3A_167 : memref<!tpu.dma_semaphore, #tpu.memory_space<semaphore_mem>>) src(%arg11 : memref<128x128xf32, #tpu.memory_space<vmem>>) dst(%dma_wait3A_179 : memref<10240x128xf32, #tpu.memory_space<vmem_shared>>)
        tpu.yield
      }) : () -> ()
    }
    %barrier3A_99 = arith.constant 0 : index
    tpu.barrier barrier_id(%barrier3A_99)
    %mul3A_100 = arith.constant 640 : i32
    %mul3A_101 = arith.muli %arg1, %mul3A_100 : i32
    %mul3A_102 = arith.constant 640 : i32
    %mul3A_103 = arith.muli %arg1, %mul3A_102 : i32
    %run_scoped3A_104 = arith.constant 2 : i32
    "tpu.region"() ({
      %run_scoped3A_141 = tpu.sem_alloc : memref<!tpu.dma_semaphore, #tpu.memory_space<semaphore_mem>>
      %dma_start3A_142 = arith.constant 0 : i32
      %dma_start3A_143 = tpu.memref_slice %arg8[%run_scoped3A_104, %arg0, %mul3A_103, %dma_start3A_142] : memref<4x2x10240x128xf32, #tpu.memory_space<hbm>> -> memref<1x1x640x128xf32, #tpu.memory_space<hbm>>
      %dma_start3A_144 = tpu.memref_squeeze %dma_start3A_143 : memref<1x1x640x128xf32, #tpu.memory_space<hbm>> -> memref<640x128xf32, #tpu.memory_space<hbm>>
      %dma_start3A_145 = arith.constant 0 : i32
      %dma_start3A_146 = tpu.memref_slice %arg12[%mul3A_101, %dma_start3A_145] : memref<10240x128xf32, #tpu.memory_space<vmem_shared>> -> memref<640x128xf32, #tpu.memory_space<vmem_shared>>
      tpu.enqueue_dma source(%dma_start3A_146 : memref<640x128xf32, #tpu.memory_space<vmem_shared>>) target(%dma_start3A_144 : memref<640x128xf32, #tpu.memory_space<hbm>>) target_semaphore(%run_scoped3A_141 : memref<!tpu.dma_semaphore, #tpu.memory_space<semaphore_mem>>)
      %dma_wait3A = arith.constant 0 : i32
      %dma_wait3A_147 = tpu.memref_slice %arg8[%run_scoped3A_104, %arg0, %mul3A_103, %dma_wait3A] : memref<4x2x10240x128xf32, #tpu.memory_space<hbm>> -> memref<1x1x640x128xf32, #tpu.memory_space<hbm>>
      %dma_wait3A_148 = tpu.memref_squeeze %dma_wait3A_147 : memref<1x1x640x128xf32, #tpu.memory_space<hbm>> -> memref<640x128xf32, #tpu.memory_space<hbm>>
      %dma_wait3A_149 = arith.constant 0 : i32
      %dma_wait3A_150 = tpu.memref_slice %arg12[%mul3A_101, %dma_wait3A_149] : memref<10240x128xf32, #tpu.memory_space<vmem_shared>> -> memref<640x128xf32, #tpu.memory_space<vmem_shared>>
      tpu.wait_dma2 semaphore(%run_scoped3A_141 : memref<!tpu.dma_semaphore, #tpu.memory_space<semaphore_mem>>) src(%dma_wait3A_150 : memref<640x128xf32, #tpu.memory_space<vmem_shared>>) dst(%dma_wait3A_148 : memref<640x128xf32, #tpu.memory_space<hbm>>)
      tpu.yield
    }) : () -> ()
    %barrier3A_105 = arith.constant 0 : index
    tpu.barrier barrier_id(%barrier3A_105)
    %mul3A_106 = arith.constant 640 : i32
    %mul3A_107 = arith.muli %arg1, %mul3A_106 : i32
    %mul3A_108 = arith.constant 640 : i32
    %mul3A_109 = arith.muli %arg1, %mul3A_108 : i32
    "tpu.region"() ({
      %run_scoped3A_141 = tpu.sem_alloc : memref<!tpu.dma_semaphore, #tpu.memory_space<semaphore_mem>>
      %dma_start3A_142 = arith.constant 0 : i32
      %dma_start3A_143 = tpu.memref_slice %arg12[%mul3A_109, %dma_start3A_142] : memref<10240x128xf32, #tpu.memory_space<vmem_shared>> -> memref<640x128xf32, #tpu.memory_space<vmem_shared>>
      %dma_start3A_144 = arith.constant 0 : i32
      %dma_start3A_145 = tpu.memref_slice %arg7[%mul3A_107, %dma_start3A_144] : memref<10240x128xf32, #tpu.memory_space<hbm>> -> memref<640x128xf32, #tpu.memory_space<hbm>>
      tpu.enqueue_dma source(%dma_start3A_145 : memref<640x128xf32, #tpu.memory_space<hbm>>) target(%dma_start3A_143 : memref<640x128xf32, #tpu.memory_space<vmem_shared>>) target_semaphore(%run_scoped3A_141 : memref<!tpu.dma_semaphore, #tpu.memory_space<semaphore_mem>>)
      %dma_wait3A = arith.constant 0 : i32
      %dma_wait3A_146 = tpu.memref_slice %arg12[%mul3A_109, %dma_wait3A] : memref<10240x128xf32, #tpu.memory_space<vmem_shared>> -> memref<640x128xf32, #tpu.memory_space<vmem_shared>>
      %dma_wait3A_147 = arith.constant 0 : i32
      %dma_wait3A_148 = tpu.memref_slice %arg7[%mul3A_107, %dma_wait3A_147] : memref<10240x128xf32, #tpu.memory_space<hbm>> -> memref<640x128xf32, #tpu.memory_space<hbm>>
      tpu.wait_dma2 semaphore(%run_scoped3A_141 : memref<!tpu.dma_semaphore, #tpu.memory_space<semaphore_mem>>) src(%dma_wait3A_148 : memref<640x128xf32, #tpu.memory_space<hbm>>) dst(%dma_wait3A_146 : memref<640x128xf32, #tpu.memory_space<vmem_shared>>)
      tpu.yield
    }) : () -> ()
    %barrier3A_110 = arith.constant 0 : index
    tpu.barrier barrier_id(%barrier3A_110)
    %dma_start3A_111 = arith.constant 0 : i32
    %dma_start3A_112 = tpu.memref_slice %arg5[%mul3A_4, %dma_start3A_111] : memref<160000x128xf32, #tpu.memory_space<hbm>> -> memref<128x128xf32, #tpu.memory_space<hbm>>
    %dma_start3A_113 = arith.constant 0 : i32
    %dma_start3A_114 = tpu.memref_slice %arg5[%mul3A_4, %dma_start3A_113] : memref<160000x128xf32, #tpu.memory_space<hbm>> -> memref<128x128xf32, #tpu.memory_space<hbm>>
    tpu.enqueue_dma source(%dma_start3A_114 : memref<128x128xf32, #tpu.memory_space<hbm>>) target(%arg10 : memref<128x128xf32, #tpu.memory_space<vmem>>) target_semaphore(%arg13 : memref<!tpu.dma_semaphore, #tpu.memory_space<semaphore_mem>>)
    %sub3A_115 = arith.constant 0 : i32
    %sub3A_116 = arith.subi %select_n3A, %sub3A_115 : i32
    %sub3A_117 = arith.constant 1 : i32
    %sub3A_118 = arith.constant 1 : i32
    %sub3A_119 = arith.subi %sub3A_117, %sub3A_118 : i32
    %add3A_120 = arith.addi %sub3A_116, %sub3A_119 : i32
    %div3A_121 = arith.constant 1 : i32
    %div3A_122 = arith.divsi %add3A_120, %div3A_121 : i32
    %while3A_123 = arith.constant 1 : i32
    %while3A_124 = arith.constant 0 : i32
    %while3A_125 = arith.constant 0 : i32
    %while3A_126 = arith.subi %div3A_122, %while3A_125 : i32
    %while3A_127 = arith.addi %while3A_125, %while3A_126 : i32
    %while3A_128 = arith.constant 1 : i32
    %while3A_129 = arith.divsi %while3A_126, %while3A_128 : i32
    %while3A_130 = arith.muli %while3A_129, %while3A_128 : i32
    %while3A_131 = arith.addi %while3A_125, %while3A_130 : i32
    %while3A_132 = arith.constant 1 : i32
    scf.for %while3A_141 = %while3A_125 to %while3A_131 step %while3A_132  : i32 {
      %mul3A_142 = arith.muli %while3A_141, %while3A_123 : i32
      %add3A_143 = arith.addi %while3A_124, %mul3A_142 : i32
      %mul3A_144 = arith.constant 2 : i32
      %mul3A_145 = arith.muli %mul3A_144, %add3A_143 : i32
      %add3A_146 = arith.constant 1 : i32
      %add3A_147 = arith.addi %mul3A_145, %add3A_146 : i32
      %mul3A_148 = arith.constant 128 : i32
      %mul3A_149 = arith.muli %add3A_147, %mul3A_148 : i32
      %add3A_150 = arith.addi %mul3A_4, %mul3A_149 : i32
      %dma_start3A_151 = arith.constant 0 : i32
      %dma_start3A_152 = tpu.memref_slice %arg5[%add3A_150, %dma_start3A_151] : memref<160000x128xf32, #tpu.memory_space<hbm>> -> memref<128x128xf32, #tpu.memory_space<hbm>>
      %dma_start3A_153 = arith.constant 0 : i32
      %dma_start3A_154 = tpu.memref_slice %arg5[%add3A_150, %dma_start3A_153] : memref<160000x128xf32, #tpu.memory_space<hbm>> -> memref<128x128xf32, #tpu.memory_space<hbm>>
      tpu.enqueue_dma source(%dma_start3A_154 : memref<128x128xf32, #tpu.memory_space<hbm>>) target(%arg11 : memref<128x128xf32, #tpu.memory_space<vmem>>) target_semaphore(%arg14 : memref<!tpu.dma_semaphore, #tpu.memory_space<semaphore_mem>>)
      %dma_wait3A = arith.constant 0 : i32
      %dma_wait3A_155 = tpu.memref_slice %arg5[%mul3A_4, %dma_wait3A] : memref<160000x128xf32, #tpu.memory_space<hbm>> -> memref<128x128xf32, #tpu.memory_space<hbm>>
      %dma_wait3A_156 = arith.constant 0 : i32
      %dma_wait3A_157 = tpu.memref_slice %arg5[%mul3A_4, %dma_wait3A_156] : memref<160000x128xf32, #tpu.memory_space<hbm>> -> memref<128x128xf32, #tpu.memory_space<hbm>>
      tpu.wait_dma2 semaphore(%arg13 : memref<!tpu.dma_semaphore, #tpu.memory_space<semaphore_mem>>) src(%dma_wait3A_157 : memref<128x128xf32, #tpu.memory_space<hbm>>) dst(%arg10 : memref<128x128xf32, #tpu.memory_space<vmem>>)
      "tpu.region"() ({
        %run_scoped3A_167 = tpu.sem_alloc : memref<!tpu.dma_semaphore, #tpu.memory_space<semaphore_mem>>
        %dma_start3A_168 = arith.constant 0 : i32
        %dma_start3A_169 = tpu.memref_slice %arg9[%mul3A_145, %dma_start3A_168] : memref<40x128xi32, #tpu.memory_space<vmem>> -> memref<1x128xi32, #tpu.memory_space<vmem>>
        %dma_start3A_170 = tpu.memref_squeeze %dma_start3A_169 : memref<1x128xi32, #tpu.memory_space<vmem>> -> memref<128xi32, #tpu.memory_space<vmem>>
        %dma_start3A_171 = arith.constant 0 : i32
        %dma_start3A_172 = arith.constant 0 : i32
        %dma_start3A_173 = tpu.memref_slice %arg12[%dma_start3A_171, %dma_start3A_172] : memref<10240x128xf32, #tpu.memory_space<vmem_shared>> -> memref<10240x128xf32, #tpu.memory_space<vmem_shared>>
        tpu.enqueue_indirect_dma source(%arg10 : memref<128x128xf32, #tpu.memory_space<vmem>>) target(%dma_start3A_173 : memref<10240x128xf32, #tpu.memory_space<vmem_shared>>) offsets(%dma_start3A_170 : memref<128xi32, #tpu.memory_space<vmem>>) semaphore(%run_scoped3A_167 : memref<!tpu.dma_semaphore, #tpu.memory_space<semaphore_mem>>) {add = true}
        %dma_wait3A_174 = arith.constant 0 : i32
        %dma_wait3A_175 = tpu.memref_slice %arg9[%mul3A_145, %dma_wait3A_174] : memref<40x128xi32, #tpu.memory_space<vmem>> -> memref<1x128xi32, #tpu.memory_space<vmem>>
        %dma_wait3A_176 = tpu.memref_squeeze %dma_wait3A_175 : memref<1x128xi32, #tpu.memory_space<vmem>> -> memref<128xi32, #tpu.memory_space<vmem>>
        %dma_wait3A_177 = arith.constant 0 : i32
        %dma_wait3A_178 = arith.constant 0 : i32
        %dma_wait3A_179 = tpu.memref_slice %arg12[%dma_wait3A_177, %dma_wait3A_178] : memref<10240x128xf32, #tpu.memory_space<vmem_shared>> -> memref<10240x128xf32, #tpu.memory_space<vmem_shared>>
        tpu.wait_indirect_dma semaphore(%run_scoped3A_167 : memref<!tpu.dma_semaphore, #tpu.memory_space<semaphore_mem>>) src(%arg10 : memref<128x128xf32, #tpu.memory_space<vmem>>) dst(%dma_wait3A_179 : memref<10240x128xf32, #tpu.memory_space<vmem_shared>>)
        tpu.yield
      }) : () -> ()
      %sub3A_158 = arith.constant 1 : i32
      %sub3A_159 = arith.subi %select_n3A, %sub3A_158 : i32
      %lt3A = arith.cmpi slt, %add3A_143, %sub3A_159 : i32
      %convert_element_type3A = arith.extui %lt3A : i1 to i32
      %cond3A = arith.constant 0 : i32
      %cond3A_160 = arith.cmpi ne, %convert_element_type3A, %cond3A : i32
      scf.if %cond3A_160 {
        %add3A_167 = arith.constant 2 : i32
        %add3A_168 = arith.addi %mul3A_145, %add3A_167 : i32
        %mul3A_169 = arith.constant 128 : i32
        %mul3A_170 = arith.muli %add3A_168, %mul3A_169 : i32
        %add3A_171 = arith.addi %mul3A_4, %mul3A_170 : i32
        %dma_start3A_172 = arith.constant 0 : i32
        %dma_start3A_173 = tpu.memref_slice %arg5[%add3A_171, %dma_start3A_172] : memref<160000x128xf32, #tpu.memory_space<hbm>> -> memref<128x128xf32, #tpu.memory_space<hbm>>
        %dma_start3A_174 = arith.constant 0 : i32
        %dma_start3A_175 = tpu.memref_slice %arg5[%add3A_171, %dma_start3A_174] : memref<160000x128xf32, #tpu.memory_space<hbm>> -> memref<128x128xf32, #tpu.memory_space<hbm>>
        tpu.enqueue_dma source(%dma_start3A_175 : memref<128x128xf32, #tpu.memory_space<hbm>>) target(%arg10 : memref<128x128xf32, #tpu.memory_space<vmem>>) target_semaphore(%arg13 : memref<!tpu.dma_semaphore, #tpu.memory_space<semaphore_mem>>)
      } else {
      }
      %dma_wait3A_161 = arith.constant 0 : i32
      %dma_wait3A_162 = tpu.memref_slice %arg5[%mul3A_4, %dma_wait3A_161] : memref<160000x128xf32, #tpu.memory_space<hbm>> -> memref<128x128xf32, #tpu.memory_space<hbm>>
      %dma_wait3A_163 = arith.constant 0 : i32
      %dma_wait3A_164 = tpu.memref_slice %arg5[%mul3A_4, %dma_wait3A_163] : memref<160000x128xf32, #tpu.memory_space<hbm>> -> memref<128x128xf32, #tpu.memory_space<hbm>>
      tpu.wait_dma2 semaphore(%arg14 : memref<!tpu.dma_semaphore, #tpu.memory_space<semaphore_mem>>) src(%dma_wait3A_164 : memref<128x128xf32, #tpu.memory_space<hbm>>) dst(%arg11 : memref<128x128xf32, #tpu.memory_space<vmem>>)
      %add3A_165 = arith.constant 1 : i32
      %add3A_166 = arith.addi %mul3A_145, %add3A_165 : i32
      "tpu.region"() ({
        %run_scoped3A_167 = tpu.sem_alloc : memref<!tpu.dma_semaphore, #tpu.memory_space<semaphore_mem>>
        %dma_start3A_168 = arith.constant 0 : i32
        %dma_start3A_169 = tpu.memref_slice %arg9[%add3A_166, %dma_start3A_168] : memref<40x128xi32, #tpu.memory_space<vmem>> -> memref<1x128xi32, #tpu.memory_space<vmem>>
        %dma_start3A_170 = tpu.memref_squeeze %dma_start3A_169 : memref<1x128xi32, #tpu.memory_space<vmem>> -> memref<128xi32, #tpu.memory_space<vmem>>
        %dma_start3A_171 = arith.constant 0 : i32
        %dma_start3A_172 = arith.constant 0 : i32
        %dma_start3A_173 = tpu.memref_slice %arg12[%dma_start3A_171, %dma_start3A_172] : memref<10240x128xf32, #tpu.memory_space<vmem_shared>> -> memref<10240x128xf32, #tpu.memory_space<vmem_shared>>
        tpu.enqueue_indirect_dma source(%arg11 : memref<128x128xf32, #tpu.memory_space<vmem>>) target(%dma_start3A_173 : memref<10240x128xf32, #tpu.memory_space<vmem_shared>>) offsets(%dma_start3A_170 : memref<128xi32, #tpu.memory_space<vmem>>) semaphore(%run_scoped3A_167 : memref<!tpu.dma_semaphore, #tpu.memory_space<semaphore_mem>>) {add = true}
        %dma_wait3A_174 = arith.constant 0 : i32
        %dma_wait3A_175 = tpu.memref_slice %arg9[%add3A_166, %dma_wait3A_174] : memref<40x128xi32, #tpu.memory_space<vmem>> -> memref<1x128xi32, #tpu.memory_space<vmem>>
        %dma_wait3A_176 = tpu.memref_squeeze %dma_wait3A_175 : memref<1x128xi32, #tpu.memory_space<vmem>> -> memref<128xi32, #tpu.memory_space<vmem>>
        %dma_wait3A_177 = arith.constant 0 : i32
        %dma_wait3A_178 = arith.constant 0 : i32
        %dma_wait3A_179 = tpu.memref_slice %arg12[%dma_wait3A_177, %dma_wait3A_178] : memref<10240x128xf32, #tpu.memory_space<vmem_shared>> -> memref<10240x128xf32, #tpu.memory_space<vmem_shared>>
        tpu.wait_indirect_dma semaphore(%run_scoped3A_167 : memref<!tpu.dma_semaphore, #tpu.memory_space<semaphore_mem>>) src(%arg11 : memref<128x128xf32, #tpu.memory_space<vmem>>) dst(%dma_wait3A_179 : memref<10240x128xf32, #tpu.memory_space<vmem_shared>>)
        tpu.yield
      }) : () -> ()
    }
    %while3A_133 = arith.constant 1 : i32
    scf.for %while3A_141 = %while3A_131 to %while3A_127 step %while3A_133  : i32 {
      %mul3A_142 = arith.muli %while3A_141, %while3A_123 : i32
      %add3A_143 = arith.addi %while3A_124, %mul3A_142 : i32
      %mul3A_144 = arith.constant 2 : i32
      %mul3A_145 = arith.muli %mul3A_144, %add3A_143 : i32
      %add3A_146 = arith.constant 1 : i32
      %add3A_147 = arith.addi %mul3A_145, %add3A_146 : i32
      %mul3A_148 = arith.constant 128 : i32
      %mul3A_149 = arith.muli %add3A_147, %mul3A_148 : i32
      %add3A_150 = arith.addi %mul3A_4, %mul3A_149 : i32
      %dma_start3A_151 = arith.constant 0 : i32
      %dma_start3A_152 = tpu.memref_slice %arg5[%add3A_150, %dma_start3A_151] : memref<160000x128xf32, #tpu.memory_space<hbm>> -> memref<128x128xf32, #tpu.memory_space<hbm>>
      %dma_start3A_153 = arith.constant 0 : i32
      %dma_start3A_154 = tpu.memref_slice %arg5[%add3A_150, %dma_start3A_153] : memref<160000x128xf32, #tpu.memory_space<hbm>> -> memref<128x128xf32, #tpu.memory_space<hbm>>
      tpu.enqueue_dma source(%dma_start3A_154 : memref<128x128xf32, #tpu.memory_space<hbm>>) target(%arg11 : memref<128x128xf32, #tpu.memory_space<vmem>>) target_semaphore(%arg14 : memref<!tpu.dma_semaphore, #tpu.memory_space<semaphore_mem>>)
      %dma_wait3A = arith.constant 0 : i32
      %dma_wait3A_155 = tpu.memref_slice %arg5[%mul3A_4, %dma_wait3A] : memref<160000x128xf32, #tpu.memory_space<hbm>> -> memref<128x128xf32, #tpu.memory_space<hbm>>
      %dma_wait3A_156 = arith.constant 0 : i32
      %dma_wait3A_157 = tpu.memref_slice %arg5[%mul3A_4, %dma_wait3A_156] : memref<160000x128xf32, #tpu.memory_space<hbm>> -> memref<128x128xf32, #tpu.memory_space<hbm>>
      tpu.wait_dma2 semaphore(%arg13 : memref<!tpu.dma_semaphore, #tpu.memory_space<semaphore_mem>>) src(%dma_wait3A_157 : memref<128x128xf32, #tpu.memory_space<hbm>>) dst(%arg10 : memref<128x128xf32, #tpu.memory_space<vmem>>)
      "tpu.region"() ({
        %run_scoped3A_167 = tpu.sem_alloc : memref<!tpu.dma_semaphore, #tpu.memory_space<semaphore_mem>>
        %dma_start3A_168 = arith.constant 0 : i32
        %dma_start3A_169 = tpu.memref_slice %arg9[%mul3A_145, %dma_start3A_168] : memref<40x128xi32, #tpu.memory_space<vmem>> -> memref<1x128xi32, #tpu.memory_space<vmem>>
        %dma_start3A_170 = tpu.memref_squeeze %dma_start3A_169 : memref<1x128xi32, #tpu.memory_space<vmem>> -> memref<128xi32, #tpu.memory_space<vmem>>
        %dma_start3A_171 = arith.constant 0 : i32
        %dma_start3A_172 = arith.constant 0 : i32
        %dma_start3A_173 = tpu.memref_slice %arg12[%dma_start3A_171, %dma_start3A_172] : memref<10240x128xf32, #tpu.memory_space<vmem_shared>> -> memref<10240x128xf32, #tpu.memory_space<vmem_shared>>
        tpu.enqueue_indirect_dma source(%arg10 : memref<128x128xf32, #tpu.memory_space<vmem>>) target(%dma_start3A_173 : memref<10240x128xf32, #tpu.memory_space<vmem_shared>>) offsets(%dma_start3A_170 : memref<128xi32, #tpu.memory_space<vmem>>) semaphore(%run_scoped3A_167 : memref<!tpu.dma_semaphore, #tpu.memory_space<semaphore_mem>>) {add = true}
        %dma_wait3A_174 = arith.constant 0 : i32
        %dma_wait3A_175 = tpu.memref_slice %arg9[%mul3A_145, %dma_wait3A_174] : memref<40x128xi32, #tpu.memory_space<vmem>> -> memref<1x128xi32, #tpu.memory_space<vmem>>
        %dma_wait3A_176 = tpu.memref_squeeze %dma_wait3A_175 : memref<1x128xi32, #tpu.memory_space<vmem>> -> memref<128xi32, #tpu.memory_space<vmem>>
        %dma_wait3A_177 = arith.constant 0 : i32
        %dma_wait3A_178 = arith.constant 0 : i32
        %dma_wait3A_179 = tpu.memref_slice %arg12[%dma_wait3A_177, %dma_wait3A_178] : memref<10240x128xf32, #tpu.memory_space<vmem_shared>> -> memref<10240x128xf32, #tpu.memory_space<vmem_shared>>
        tpu.wait_indirect_dma semaphore(%run_scoped3A_167 : memref<!tpu.dma_semaphore, #tpu.memory_space<semaphore_mem>>) src(%arg10 : memref<128x128xf32, #tpu.memory_space<vmem>>) dst(%dma_wait3A_179 : memref<10240x128xf32, #tpu.memory_space<vmem_shared>>)
        tpu.yield
      }) : () -> ()
      %sub3A_158 = arith.constant 1 : i32
      %sub3A_159 = arith.subi %select_n3A, %sub3A_158 : i32
      %lt3A = arith.cmpi slt, %add3A_143, %sub3A_159 : i32
      %convert_element_type3A = arith.extui %lt3A : i1 to i32
      %cond3A = arith.constant 0 : i32
      %cond3A_160 = arith.cmpi ne, %convert_element_type3A, %cond3A : i32
      scf.if %cond3A_160 {
        %add3A_167 = arith.constant 2 : i32
        %add3A_168 = arith.addi %mul3A_145, %add3A_167 : i32
        %mul3A_169 = arith.constant 128 : i32
        %mul3A_170 = arith.muli %add3A_168, %mul3A_169 : i32
        %add3A_171 = arith.addi %mul3A_4, %mul3A_170 : i32
        %dma_start3A_172 = arith.constant 0 : i32
        %dma_start3A_173 = tpu.memref_slice %arg5[%add3A_171, %dma_start3A_172] : memref<160000x128xf32, #tpu.memory_space<hbm>> -> memref<128x128xf32, #tpu.memory_space<hbm>>
        %dma_start3A_174 = arith.constant 0 : i32
        %dma_start3A_175 = tpu.memref_slice %arg5[%add3A_171, %dma_start3A_174] : memref<160000x128xf32, #tpu.memory_space<hbm>> -> memref<128x128xf32, #tpu.memory_space<hbm>>
        tpu.enqueue_dma source(%dma_start3A_175 : memref<128x128xf32, #tpu.memory_space<hbm>>) target(%arg10 : memref<128x128xf32, #tpu.memory_space<vmem>>) target_semaphore(%arg13 : memref<!tpu.dma_semaphore, #tpu.memory_space<semaphore_mem>>)
      } else {
      }
      %dma_wait3A_161 = arith.constant 0 : i32
      %dma_wait3A_162 = tpu.memref_slice %arg5[%mul3A_4, %dma_wait3A_161] : memref<160000x128xf32, #tpu.memory_space<hbm>> -> memref<128x128xf32, #tpu.memory_space<hbm>>
      %dma_wait3A_163 = arith.constant 0 : i32
      %dma_wait3A_164 = tpu.memref_slice %arg5[%mul3A_4, %dma_wait3A_163] : memref<160000x128xf32, #tpu.memory_space<hbm>> -> memref<128x128xf32, #tpu.memory_space<hbm>>
      tpu.wait_dma2 semaphore(%arg14 : memref<!tpu.dma_semaphore, #tpu.memory_space<semaphore_mem>>) src(%dma_wait3A_164 : memref<128x128xf32, #tpu.memory_space<hbm>>) dst(%arg11 : memref<128x128xf32, #tpu.memory_space<vmem>>)
      %add3A_165 = arith.constant 1 : i32
      %add3A_166 = arith.addi %mul3A_145, %add3A_165 : i32
      "tpu.region"() ({
        %run_scoped3A_167 = tpu.sem_alloc : memref<!tpu.dma_semaphore, #tpu.memory_space<semaphore_mem>>
        %dma_start3A_168 = arith.constant 0 : i32
        %dma_start3A_169 = tpu.memref_slice %arg9[%add3A_166, %dma_start3A_168] : memref<40x128xi32, #tpu.memory_space<vmem>> -> memref<1x128xi32, #tpu.memory_space<vmem>>
        %dma_start3A_170 = tpu.memref_squeeze %dma_start3A_169 : memref<1x128xi32, #tpu.memory_space<vmem>> -> memref<128xi32, #tpu.memory_space<vmem>>
        %dma_start3A_171 = arith.constant 0 : i32
        %dma_start3A_172 = arith.constant 0 : i32
        %dma_start3A_173 = tpu.memref_slice %arg12[%dma_start3A_171, %dma_start3A_172] : memref<10240x128xf32, #tpu.memory_space<vmem_shared>> -> memref<10240x128xf32, #tpu.memory_space<vmem_shared>>
        tpu.enqueue_indirect_dma source(%arg11 : memref<128x128xf32, #tpu.memory_space<vmem>>) target(%dma_start3A_173 : memref<10240x128xf32, #tpu.memory_space<vmem_shared>>) offsets(%dma_start3A_170 : memref<128xi32, #tpu.memory_space<vmem>>) semaphore(%run_scoped3A_167 : memref<!tpu.dma_semaphore, #tpu.memory_space<semaphore_mem>>) {add = true}
        %dma_wait3A_174 = arith.constant 0 : i32
        %dma_wait3A_175 = tpu.memref_slice %arg9[%add3A_166, %dma_wait3A_174] : memref<40x128xi32, #tpu.memory_space<vmem>> -> memref<1x128xi32, #tpu.memory_space<vmem>>
        %dma_wait3A_176 = tpu.memref_squeeze %dma_wait3A_175 : memref<1x128xi32, #tpu.memory_space<vmem>> -> memref<128xi32, #tpu.memory_space<vmem>>
        %dma_wait3A_177 = arith.constant 0 : i32
        %dma_wait3A_178 = arith.constant 0 : i32
        %dma_wait3A_179 = tpu.memref_slice %arg12[%dma_wait3A_177, %dma_wait3A_178] : memref<10240x128xf32, #tpu.memory_space<vmem_shared>> -> memref<10240x128xf32, #tpu.memory_space<vmem_shared>>
        tpu.wait_indirect_dma semaphore(%run_scoped3A_167 : memref<!tpu.dma_semaphore, #tpu.memory_space<semaphore_mem>>) src(%arg11 : memref<128x128xf32, #tpu.memory_space<vmem>>) dst(%dma_wait3A_179 : memref<10240x128xf32, #tpu.memory_space<vmem_shared>>)
        tpu.yield
      }) : () -> ()
    }
    %barrier3A_134 = arith.constant 0 : index
    tpu.barrier barrier_id(%barrier3A_134)
    %mul3A_135 = arith.constant 640 : i32
    %mul3A_136 = arith.muli %arg1, %mul3A_135 : i32
    %mul3A_137 = arith.constant 640 : i32
    %mul3A_138 = arith.muli %arg1, %mul3A_137 : i32
    %run_scoped3A_139 = arith.constant 3 : i32
    "tpu.region"() ({
      %run_scoped3A_141 = tpu.sem_alloc : memref<!tpu.dma_semaphore, #tpu.memory_space<semaphore_mem>>
      %dma_start3A_142 = arith.constant 0 : i32
      %dma_start3A_143 = tpu.memref_slice %arg8[%run_scoped3A_139, %arg0, %mul3A_138, %dma_start3A_142] : memref<4x2x10240x128xf32, #tpu.memory_space<hbm>> -> memref<1x1x640x128xf32, #tpu.memory_space<hbm>>
      %dma_start3A_144 = tpu.memref_squeeze %dma_start3A_143 : memref<1x1x640x128xf32, #tpu.memory_space<hbm>> -> memref<640x128xf32, #tpu.memory_space<hbm>>
      %dma_start3A_145 = arith.constant 0 : i32
      %dma_start3A_146 = tpu.memref_slice %arg12[%mul3A_136, %dma_start3A_145] : memref<10240x128xf32, #tpu.memory_space<vmem_shared>> -> memref<640x128xf32, #tpu.memory_space<vmem_shared>>
      tpu.enqueue_dma source(%dma_start3A_146 : memref<640x128xf32, #tpu.memory_space<vmem_shared>>) target(%dma_start3A_144 : memref<640x128xf32, #tpu.memory_space<hbm>>) target_semaphore(%run_scoped3A_141 : memref<!tpu.dma_semaphore, #tpu.memory_space<semaphore_mem>>)
      %dma_wait3A = arith.constant 0 : i32
      %dma_wait3A_147 = tpu.memref_slice %arg8[%run_scoped3A_139, %arg0, %mul3A_138, %dma_wait3A] : memref<4x2x10240x128xf32, #tpu.memory_space<hbm>> -> memref<1x1x640x128xf32, #tpu.memory_space<hbm>>
      %dma_wait3A_148 = tpu.memref_squeeze %dma_wait3A_147 : memref<1x1x640x128xf32, #tpu.memory_space<hbm>> -> memref<640x128xf32, #tpu.memory_space<hbm>>
      %dma_wait3A_149 = arith.constant 0 : i32
      %dma_wait3A_150 = tpu.memref_slice %arg12[%mul3A_136, %dma_wait3A_149] : memref<10240x128xf32, #tpu.memory_space<vmem_shared>> -> memref<640x128xf32, #tpu.memory_space<vmem_shared>>
      tpu.wait_dma2 semaphore(%run_scoped3A_141 : memref<!tpu.dma_semaphore, #tpu.memory_space<semaphore_mem>>) src(%dma_wait3A_150 : memref<640x128xf32, #tpu.memory_space<vmem_shared>>) dst(%dma_wait3A_148 : memref<640x128xf32, #tpu.memory_space<hbm>>)
      tpu.yield
    }) : () -> ()
    %barrier3A_140 = arith.constant 0 : index
    tpu.barrier barrier_id(%barrier3A_140)
    return
  }
}

#map = affine_map<(d0, d1) -> (0, 0)>
#map1 = affine_map<(d0, d1) -> (0, 0, 0, 0)>
module attributes {stable_mosaic.version = 14 : i64} {
  func.func @_scatter_body(%arg0: i32, %arg1: i32, %arg2: memref<160000x128xf32, #tpu.memory_space<hbm>>, %arg3: memref<160000x128xf32, #tpu.memory_space<hbm>>, %arg4: memref<160000x128xf32, #tpu.memory_space<hbm>>, %arg5: memref<160000x128xf32, #tpu.memory_space<hbm>>, %arg6: memref<1280x128xi32, #tpu.memory_space<hbm>>, %arg7: memref<10240x128xf32, #tpu.memory_space<hbm>>, %arg8: memref<4x2x10240x128xf32, #tpu.memory_space<hbm>>, %arg9: memref<40x128xi32, #tpu.memory_space<vmem>>, %arg10: memref<128x128xf32, #tpu.memory_space<vmem>>, %arg11: memref<128x128xf32, #tpu.memory_space<vmem>>, %arg12: memref<10240x128xf32, #tpu.memory_space<vmem_shared>>, %arg13: memref<!tpu.dma_semaphore, #tpu.memory_space<semaphore_mem>>, %arg14: memref<!tpu.dma_semaphore, #tpu.memory_space<semaphore_mem>>) attributes {dimension_semantics = [#tpu.dimension_semantics<core_parallel>, #tpu.dimension_semantics<subcore_parallel>], iteration_bounds = array<i64: 2, 16>, scalar_prefetch = 0 : i64, scratch_operands = 6 : i64, tpu.core_type = #tpu.core_type<sc_vector_subcore>, window_params = [{transform_indices = #map}, {transform_indices = #map}, {transform_indices = #map}, {transform_indices = #map}, {transform_indices = #map}, {transform_indices = #map}, {transform_indices = #map1}]} {
    %mul3A = arith.constant 16 : i32
    %mul3A_0 = arith.muli %arg0, %mul3A : i32
    %add3A = arith.addi %mul3A_0, %arg1 : i32
    %mul3A_1 = arith.constant 40 : i32
    %mul3A_2 = arith.muli %add3A, %mul3A_1 : i32
    %mul3A_3 = arith.constant 5120 : i32
    %mul3A_4 = arith.muli %add3A, %mul3A_3 : i32
    %eq3A = arith.constant 31 : i32
    %eq3A_5 = arith.cmpi eq, %add3A, %eq3A : i32
    %jit3A = arith.constant 5 : i32
    %jit3A_6 = arith.constant 20 : i32
    %select_n3A = arith.select %eq3A_5, %jit3A, %jit3A_6 : i32
    "tpu.region"() ({
      %run_scoped3A_141 = tpu.sem_alloc : memref<!tpu.dma_semaphore, #tpu.memory_space<semaphore_mem>>
      %dma_start3A_142 = arith.constant 0 : i32
      %dma_start3A_143 = tpu.memref_slice %arg6[%mul3A_2, %dma_start3A_142] : memref<1280x128xi32, #tpu.memory_space<hbm>> -> memref<40x128xi32, #tpu.memory_space<hbm>>
      %dma_start3A_144 = arith.constant 0 : i32
      %dma_start3A_145 = tpu.memref_slice %arg6[%mul3A_2, %dma_start3A_144] : memref<1280x128xi32, #tpu.memory_space<hbm>> -> memref<40x128xi32, #tpu.memory_space<hbm>>
      tpu.enqueue_dma source(%dma_start3A_145 : memref<40x128xi32, #tpu.memory_space<hbm>>) target(%arg9 : memref<40x128xi32, #tpu.memory_space<vmem>>) target_semaphore(%run_scoped3A_141 : memref<!tpu.dma_semaphore, #tpu.memory_space<semaphore_mem>>)
      %dma_wait3A = arith.constant 0 : i32
      %dma_wait3A_146 = tpu.memref_slice %arg6[%mul3A_2, %dma_wait3A] : memref<1280x128xi32, #tpu.memory_space<hbm>> -> memref<40x128xi32, #tpu.memory_space<hbm>>
      %dma_wait3A_147 = arith.constant 0 : i32
      %dma_wait3A_148 = tpu.memref_slice %arg6[%mul3A_2, %dma_wait3A_147] : memref<1280x128xi32, #tpu.memory_space<hbm>> -> memref<40x128xi32, #tpu.memory_space<hbm>>
      tpu.wait_dma2 semaphore(%run_scoped3A_141 : memref<!tpu.dma_semaphore, #tpu.memory_space<semaphore_mem>>) src(%dma_wait3A_148 : memref<40x128xi32, #tpu.memory_space<hbm>>) dst(%arg9 : memref<40x128xi32, #tpu.memory_space<vmem>>)
      tpu.yield
    }) : () -> ()
    %mul3A_7 = arith.constant 640 : i32
    %mul3A_8 = arith.muli %arg1, %mul3A_7 : i32
    %mul3A_9 = arith.constant 640 : i32
    %mul3A_10 = arith.muli %arg1, %mul3A_9 : i32
    "tpu.region"() ({
      %run_scoped3A_141 = tpu.sem_alloc : memref<!tpu.dma_semaphore, #tpu.memory_space<semaphore_mem>>
      %dma_start3A_142 = arith.constant 0 : i32
      %dma_start3A_143 = tpu.memref_slice %arg12[%mul3A_10, %dma_start3A_142] : memref<10240x128xf32, #tpu.memory_space<vmem_shared>> -> memref<640x128xf32, #tpu.memory_space<vmem_shared>>
      %dma_start3A_144 = arith.constant 0 : i32
      %dma_start3A_145 = tpu.memref_slice %arg7[%mul3A_8, %dma_start3A_144] : memref<10240x128xf32, #tpu.memory_space<hbm>> -> memref<640x128xf32, #tpu.memory_space<hbm>>
      tpu.enqueue_dma source(%dma_start3A_145 : memref<640x128xf32, #tpu.memory_space<hbm>>) target(%dma_start3A_143 : memref<640x128xf32, #tpu.memory_space<vmem_shared>>) target_semaphore(%run_scoped3A_141 : memref<!tpu.dma_semaphore, #tpu.memory_space<semaphore_mem>>)
      %dma_wait3A = arith.constant 0 : i32
      %dma_wait3A_146 = tpu.memref_slice %arg12[%mul3A_10, %dma_wait3A] : memref<10240x128xf32, #tpu.memory_space<vmem_shared>> -> memref<640x128xf32, #tpu.memory_space<vmem_shared>>
      %dma_wait3A_147 = arith.constant 0 : i32
      %dma_wait3A_148 = tpu.memref_slice %arg7[%mul3A_8, %dma_wait3A_147] : memref<10240x128xf32, #tpu.memory_space<hbm>> -> memref<640x128xf32, #tpu.memory_space<hbm>>
      tpu.wait_dma2 semaphore(%run_scoped3A_141 : memref<!tpu.dma_semaphore, #tpu.memory_space<semaphore_mem>>) src(%dma_wait3A_148 : memref<640x128xf32, #tpu.memory_space<hbm>>) dst(%dma_wait3A_146 : memref<640x128xf32, #tpu.memory_space<vmem_shared>>)
      tpu.yield
    }) : () -> ()
    %barrier3A = arith.constant 0 : index
    tpu.barrier barrier_id(%barrier3A)
    %dma_start3A = arith.constant 0 : i32
    %dma_start3A_11 = tpu.memref_slice %arg2[%mul3A_4, %dma_start3A] : memref<160000x128xf32, #tpu.memory_space<hbm>> -> memref<128x128xf32, #tpu.memory_space<hbm>>
    %dma_start3A_12 = arith.constant 0 : i32
    %dma_start3A_13 = tpu.memref_slice %arg2[%mul3A_4, %dma_start3A_12] : memref<160000x128xf32, #tpu.memory_space<hbm>> -> memref<128x128xf32, #tpu.memory_space<hbm>>
    tpu.enqueue_dma source(%dma_start3A_13 : memref<128x128xf32, #tpu.memory_space<hbm>>) target(%arg10 : memref<128x128xf32, #tpu.memory_space<vmem>>) target_semaphore(%arg13 : memref<!tpu.dma_semaphore, #tpu.memory_space<semaphore_mem>>)
    %sub3A = arith.constant 0 : i32
    %sub3A_14 = arith.subi %select_n3A, %sub3A : i32
    %sub3A_15 = arith.constant 1 : i32
    %sub3A_16 = arith.constant 1 : i32
    %sub3A_17 = arith.subi %sub3A_15, %sub3A_16 : i32
    %add3A_18 = arith.addi %sub3A_14, %sub3A_17 : i32
    %div3A = arith.constant 1 : i32
    %div3A_19 = arith.divsi %add3A_18, %div3A : i32
    %while3A = arith.constant 1 : i32
    %while3A_20 = arith.constant 0 : i32
    %while3A_21 = arith.constant 0 : i32
    %while3A_22 = arith.subi %div3A_19, %while3A_21 : i32
    %while3A_23 = arith.addi %while3A_21, %while3A_22 : i32
    %while3A_24 = arith.constant 1 : i32
    %while3A_25 = arith.divsi %while3A_22, %while3A_24 : i32
    %while3A_26 = arith.muli %while3A_25, %while3A_24 : i32
    %while3A_27 = arith.addi %while3A_21, %while3A_26 : i32
    %while3A_28 = arith.constant 1 : i32
    scf.for %while3A_141 = %while3A_21 to %while3A_27 step %while3A_28  : i32 {
      %mul3A_142 = arith.muli %while3A_141, %while3A : i32
      %add3A_143 = arith.addi %while3A_20, %mul3A_142 : i32
      %mul3A_144 = arith.constant 2 : i32
      %mul3A_145 = arith.muli %mul3A_144, %add3A_143 : i32
      %add3A_146 = arith.constant 1 : i32
      %add3A_147 = arith.addi %mul3A_145, %add3A_146 : i32
      %mul3A_148 = arith.constant 128 : i32
      %mul3A_149 = arith.muli %add3A_147, %mul3A_148 : i32
      %add3A_150 = arith.addi %mul3A_4, %mul3A_149 : i32
      %dma_start3A_151 = arith.constant 0 : i32
      %dma_start3A_152 = tpu.memref_slice %arg2[%add3A_150, %dma_start3A_151] : memref<160000x128xf32, #tpu.memory_space<hbm>> -> memref<128x128xf32, #tpu.memory_space<hbm>>
      %dma_start3A_153 = arith.constant 0 : i32
      %dma_start3A_154 = tpu.memref_slice %arg2[%add3A_150, %dma_start3A_153] : memref<160000x128xf32, #tpu.memory_space<hbm>> -> memref<128x128xf32, #tpu.memory_space<hbm>>
      tpu.enqueue_dma source(%dma_start3A_154 : memref<128x128xf32, #tpu.memory_space<hbm>>) target(%arg11 : memref<128x128xf32, #tpu.memory_space<vmem>>) target_semaphore(%arg14 : memref<!tpu.dma_semaphore, #tpu.memory_space<semaphore_mem>>)
      %dma_wait3A = arith.constant 0 : i32
      %dma_wait3A_155 = tpu.memref_slice %arg2[%mul3A_4, %dma_wait3A] : memref<160000x128xf32, #tpu.memory_space<hbm>> -> memref<128x128xf32, #tpu.memory_space<hbm>>
      %dma_wait3A_156 = arith.constant 0 : i32
      %dma_wait3A_157 = tpu.memref_slice %arg2[%mul3A_4, %dma_wait3A_156] : memref<160000x128xf32, #tpu.memory_space<hbm>> -> memref<128x128xf32, #tpu.memory_space<hbm>>
      tpu.wait_dma2 semaphore(%arg13 : memref<!tpu.dma_semaphore, #tpu.memory_space<semaphore_mem>>) src(%dma_wait3A_157 : memref<128x128xf32, #tpu.memory_space<hbm>>) dst(%arg10 : memref<128x128xf32, #tpu.memory_space<vmem>>)
      "tpu.region"() ({
        %run_scoped3A_167 = tpu.sem_alloc : memref<!tpu.dma_semaphore, #tpu.memory_space<semaphore_mem>>
        %dma_start3A_168 = arith.constant 0 : i32
        %dma_start3A_169 = tpu.memref_slice %arg9[%mul3A_145, %dma_start3A_168] : memref<40x128xi32, #tpu.memory_space<vmem>> -> memref<1x128xi32, #tpu.memory_space<vmem>>
        %dma_start3A_170 = tpu.memref_squeeze %dma_start3A_169 : memref<1x128xi32, #tpu.memory_space<vmem>> -> memref<128xi32, #tpu.memory_space<vmem>>
        %dma_start3A_171 = arith.constant 0 : i32
        %dma_start3A_172 = arith.constant 0 : i32
        %dma_start3A_173 = tpu.memref_slice %arg12[%dma_start3A_171, %dma_start3A_172] : memref<10240x128xf32, #tpu.memory_space<vmem_shared>> -> memref<10240x128xf32, #tpu.memory_space<vmem_shared>>
        tpu.enqueue_indirect_dma source(%arg10 : memref<128x128xf32, #tpu.memory_space<vmem>>) target(%dma_start3A_173 : memref<10240x128xf32, #tpu.memory_space<vmem_shared>>) offsets(%dma_start3A_170 : memref<128xi32, #tpu.memory_space<vmem>>) semaphore(%run_scoped3A_167 : memref<!tpu.dma_semaphore, #tpu.memory_space<semaphore_mem>>) {add = true}
        %dma_wait3A_174 = arith.constant 0 : i32
        %dma_wait3A_175 = tpu.memref_slice %arg9[%mul3A_145, %dma_wait3A_174] : memref<40x128xi32, #tpu.memory_space<vmem>> -> memref<1x128xi32, #tpu.memory_space<vmem>>
        %dma_wait3A_176 = tpu.memref_squeeze %dma_wait3A_175 : memref<1x128xi32, #tpu.memory_space<vmem>> -> memref<128xi32, #tpu.memory_space<vmem>>
        %dma_wait3A_177 = arith.constant 0 : i32
        %dma_wait3A_178 = arith.constant 0 : i32
        %dma_wait3A_179 = tpu.memref_slice %arg12[%dma_wait3A_177, %dma_wait3A_178] : memref<10240x128xf32, #tpu.memory_space<vmem_shared>> -> memref<10240x128xf32, #tpu.memory_space<vmem_shared>>
        tpu.wait_indirect_dma semaphore(%run_scoped3A_167 : memref<!tpu.dma_semaphore, #tpu.memory_space<semaphore_mem>>) src(%arg10 : memref<128x128xf32, #tpu.memory_space<vmem>>) dst(%dma_wait3A_179 : memref<10240x128xf32, #tpu.memory_space<vmem_shared>>)
        tpu.yield
      }) : () -> ()
      %sub3A_158 = arith.constant 1 : i32
      %sub3A_159 = arith.subi %select_n3A, %sub3A_158 : i32
      %lt3A = arith.cmpi slt, %add3A_143, %sub3A_159 : i32
      %convert_element_type3A = arith.extui %lt3A : i1 to i32
      %cond3A = arith.constant 0 : i32
      %cond3A_160 = arith.cmpi ne, %convert_element_type3A, %cond3A : i32
      scf.if %cond3A_160 {
        %add3A_167 = arith.constant 2 : i32
        %add3A_168 = arith.addi %mul3A_145, %add3A_167 : i32
        %mul3A_169 = arith.constant 128 : i32
        %mul3A_170 = arith.muli %add3A_168, %mul3A_169 : i32
        %add3A_171 = arith.addi %mul3A_4, %mul3A_170 : i32
        %dma_start3A_172 = arith.constant 0 : i32
        %dma_start3A_173 = tpu.memref_slice %arg2[%add3A_171, %dma_start3A_172] : memref<160000x128xf32, #tpu.memory_space<hbm>> -> memref<128x128xf32, #tpu.memory_space<hbm>>
        %dma_start3A_174 = arith.constant 0 : i32
        %dma_start3A_175 = tpu.memref_slice %arg2[%add3A_171, %dma_start3A_174] : memref<160000x128xf32, #tpu.memory_space<hbm>> -> memref<128x128xf32, #tpu.memory_space<hbm>>
        tpu.enqueue_dma source(%dma_start3A_175 : memref<128x128xf32, #tpu.memory_space<hbm>>) target(%arg10 : memref<128x128xf32, #tpu.memory_space<vmem>>) target_semaphore(%arg13 : memref<!tpu.dma_semaphore, #tpu.memory_space<semaphore_mem>>)
      } else {
      }
      %dma_wait3A_161 = arith.constant 0 : i32
      %dma_wait3A_162 = tpu.memref_slice %arg2[%mul3A_4, %dma_wait3A_161] : memref<160000x128xf32, #tpu.memory_space<hbm>> -> memref<128x128xf32, #tpu.memory_space<hbm>>
      %dma_wait3A_163 = arith.constant 0 : i32
      %dma_wait3A_164 = tpu.memref_slice %arg2[%mul3A_4, %dma_wait3A_163] : memref<160000x128xf32, #tpu.memory_space<hbm>> -> memref<128x128xf32, #tpu.memory_space<hbm>>
      tpu.wait_dma2 semaphore(%arg14 : memref<!tpu.dma_semaphore, #tpu.memory_space<semaphore_mem>>) src(%dma_wait3A_164 : memref<128x128xf32, #tpu.memory_space<hbm>>) dst(%arg11 : memref<128x128xf32, #tpu.memory_space<vmem>>)
      %add3A_165 = arith.constant 1 : i32
      %add3A_166 = arith.addi %mul3A_145, %add3A_165 : i32
      "tpu.region"() ({
        %run_scoped3A_167 = tpu.sem_alloc : memref<!tpu.dma_semaphore, #tpu.memory_space<semaphore_mem>>
        %dma_start3A_168 = arith.constant 0 : i32
        %dma_start3A_169 = tpu.memref_slice %arg9[%add3A_166, %dma_start3A_168] : memref<40x128xi32, #tpu.memory_space<vmem>> -> memref<1x128xi32, #tpu.memory_space<vmem>>
        %dma_start3A_170 = tpu.memref_squeeze %dma_start3A_169 : memref<1x128xi32, #tpu.memory_space<vmem>> -> memref<128xi32, #tpu.memory_space<vmem>>
        %dma_start3A_171 = arith.constant 0 : i32
        %dma_start3A_172 = arith.constant 0 : i32
        %dma_start3A_173 = tpu.memref_slice %arg12[%dma_start3A_171, %dma_start3A_172] : memref<10240x128xf32, #tpu.memory_space<vmem_shared>> -> memref<10240x128xf32, #tpu.memory_space<vmem_shared>>
        tpu.enqueue_indirect_dma source(%arg11 : memref<128x128xf32, #tpu.memory_space<vmem>>) target(%dma_start3A_173 : memref<10240x128xf32, #tpu.memory_space<vmem_shared>>) offsets(%dma_start3A_170 : memref<128xi32, #tpu.memory_space<vmem>>) semaphore(%run_scoped3A_167 : memref<!tpu.dma_semaphore, #tpu.memory_space<semaphore_mem>>) {add = true}
        %dma_wait3A_174 = arith.constant 0 : i32
        %dma_wait3A_175 = tpu.memref_slice %arg9[%add3A_166, %dma_wait3A_174] : memref<40x128xi32, #tpu.memory_space<vmem>> -> memref<1x128xi32, #tpu.memory_space<vmem>>
        %dma_wait3A_176 = tpu.memref_squeeze %dma_wait3A_175 : memref<1x128xi32, #tpu.memory_space<vmem>> -> memref<128xi32, #tpu.memory_space<vmem>>
        %dma_wait3A_177 = arith.constant 0 : i32
        %dma_wait3A_178 = arith.constant 0 : i32
        %dma_wait3A_179 = tpu.memref_slice %arg12[%dma_wait3A_177, %dma_wait3A_178] : memref<10240x128xf32, #tpu.memory_space<vmem_shared>> -> memref<10240x128xf32, #tpu.memory_space<vmem_shared>>
        tpu.wait_indirect_dma semaphore(%run_scoped3A_167 : memref<!tpu.dma_semaphore, #tpu.memory_space<semaphore_mem>>) src(%arg11 : memref<128x128xf32, #tpu.memory_space<vmem>>) dst(%dma_wait3A_179 : memref<10240x128xf32, #tpu.memory_space<vmem_shared>>)
        tpu.yield
      }) : () -> ()
    }
    %while3A_29 = arith.constant 1 : i32
    scf.for %while3A_141 = %while3A_27 to %while3A_23 step %while3A_29  : i32 {
      %mul3A_142 = arith.muli %while3A_141, %while3A : i32
      %add3A_143 = arith.addi %while3A_20, %mul3A_142 : i32
      %mul3A_144 = arith.constant 2 : i32
      %mul3A_145 = arith.muli %mul3A_144, %add3A_143 : i32
      %add3A_146 = arith.constant 1 : i32
      %add3A_147 = arith.addi %mul3A_145, %add3A_146 : i32
      %mul3A_148 = arith.constant 128 : i32
      %mul3A_149 = arith.muli %add3A_147, %mul3A_148 : i32
      %add3A_150 = arith.addi %mul3A_4, %mul3A_149 : i32
      %dma_start3A_151 = arith.constant 0 : i32
      %dma_start3A_152 = tpu.memref_slice %arg2[%add3A_150, %dma_start3A_151] : memref<160000x128xf32, #tpu.memory_space<hbm>> -> memref<128x128xf32, #tpu.memory_space<hbm>>
      %dma_start3A_153 = arith.constant 0 : i32
      %dma_start3A_154 = tpu.memref_slice %arg2[%add3A_150, %dma_start3A_153] : memref<160000x128xf32, #tpu.memory_space<hbm>> -> memref<128x128xf32, #tpu.memory_space<hbm>>
      tpu.enqueue_dma source(%dma_start3A_154 : memref<128x128xf32, #tpu.memory_space<hbm>>) target(%arg11 : memref<128x128xf32, #tpu.memory_space<vmem>>) target_semaphore(%arg14 : memref<!tpu.dma_semaphore, #tpu.memory_space<semaphore_mem>>)
      %dma_wait3A = arith.constant 0 : i32
      %dma_wait3A_155 = tpu.memref_slice %arg2[%mul3A_4, %dma_wait3A] : memref<160000x128xf32, #tpu.memory_space<hbm>> -> memref<128x128xf32, #tpu.memory_space<hbm>>
      %dma_wait3A_156 = arith.constant 0 : i32
      %dma_wait3A_157 = tpu.memref_slice %arg2[%mul3A_4, %dma_wait3A_156] : memref<160000x128xf32, #tpu.memory_space<hbm>> -> memref<128x128xf32, #tpu.memory_space<hbm>>
      tpu.wait_dma2 semaphore(%arg13 : memref<!tpu.dma_semaphore, #tpu.memory_space<semaphore_mem>>) src(%dma_wait3A_157 : memref<128x128xf32, #tpu.memory_space<hbm>>) dst(%arg10 : memref<128x128xf32, #tpu.memory_space<vmem>>)
      "tpu.region"() ({
        %run_scoped3A_167 = tpu.sem_alloc : memref<!tpu.dma_semaphore, #tpu.memory_space<semaphore_mem>>
        %dma_start3A_168 = arith.constant 0 : i32
        %dma_start3A_169 = tpu.memref_slice %arg9[%mul3A_145, %dma_start3A_168] : memref<40x128xi32, #tpu.memory_space<vmem>> -> memref<1x128xi32, #tpu.memory_space<vmem>>
        %dma_start3A_170 = tpu.memref_squeeze %dma_start3A_169 : memref<1x128xi32, #tpu.memory_space<vmem>> -> memref<128xi32, #tpu.memory_space<vmem>>
        %dma_start3A_171 = arith.constant 0 : i32
        %dma_start3A_172 = arith.constant 0 : i32
        %dma_start3A_173 = tpu.memref_slice %arg12[%dma_start3A_171, %dma_start3A_172] : memref<10240x128xf32, #tpu.memory_space<vmem_shared>> -> memref<10240x128xf32, #tpu.memory_space<vmem_shared>>
        tpu.enqueue_indirect_dma source(%arg10 : memref<128x128xf32, #tpu.memory_space<vmem>>) target(%dma_start3A_173 : memref<10240x128xf32, #tpu.memory_space<vmem_shared>>) offsets(%dma_start3A_170 : memref<128xi32, #tpu.memory_space<vmem>>) semaphore(%run_scoped3A_167 : memref<!tpu.dma_semaphore, #tpu.memory_space<semaphore_mem>>) {add = true}
        %dma_wait3A_174 = arith.constant 0 : i32
        %dma_wait3A_175 = tpu.memref_slice %arg9[%mul3A_145, %dma_wait3A_174] : memref<40x128xi32, #tpu.memory_space<vmem>> -> memref<1x128xi32, #tpu.memory_space<vmem>>
        %dma_wait3A_176 = tpu.memref_squeeze %dma_wait3A_175 : memref<1x128xi32, #tpu.memory_space<vmem>> -> memref<128xi32, #tpu.memory_space<vmem>>
        %dma_wait3A_177 = arith.constant 0 : i32
        %dma_wait3A_178 = arith.constant 0 : i32
        %dma_wait3A_179 = tpu.memref_slice %arg12[%dma_wait3A_177, %dma_wait3A_178] : memref<10240x128xf32, #tpu.memory_space<vmem_shared>> -> memref<10240x128xf32, #tpu.memory_space<vmem_shared>>
        tpu.wait_indirect_dma semaphore(%run_scoped3A_167 : memref<!tpu.dma_semaphore, #tpu.memory_space<semaphore_mem>>) src(%arg10 : memref<128x128xf32, #tpu.memory_space<vmem>>) dst(%dma_wait3A_179 : memref<10240x128xf32, #tpu.memory_space<vmem_shared>>)
        tpu.yield
      }) : () -> ()
      %sub3A_158 = arith.constant 1 : i32
      %sub3A_159 = arith.subi %select_n3A, %sub3A_158 : i32
      %lt3A = arith.cmpi slt, %add3A_143, %sub3A_159 : i32
      %convert_element_type3A = arith.extui %lt3A : i1 to i32
      %cond3A = arith.constant 0 : i32
      %cond3A_160 = arith.cmpi ne, %convert_element_type3A, %cond3A : i32
      scf.if %cond3A_160 {
        %add3A_167 = arith.constant 2 : i32
        %add3A_168 = arith.addi %mul3A_145, %add3A_167 : i32
        %mul3A_169 = arith.constant 128 : i32
        %mul3A_170 = arith.muli %add3A_168, %mul3A_169 : i32
        %add3A_171 = arith.addi %mul3A_4, %mul3A_170 : i32
        %dma_start3A_172 = arith.constant 0 : i32
        %dma_start3A_173 = tpu.memref_slice %arg2[%add3A_171, %dma_start3A_172] : memref<160000x128xf32, #tpu.memory_space<hbm>> -> memref<128x128xf32, #tpu.memory_space<hbm>>
        %dma_start3A_174 = arith.constant 0 : i32
        %dma_start3A_175 = tpu.memref_slice %arg2[%add3A_171, %dma_start3A_174] : memref<160000x128xf32, #tpu.memory_space<hbm>> -> memref<128x128xf32, #tpu.memory_space<hbm>>
        tpu.enqueue_dma source(%dma_start3A_175 : memref<128x128xf32, #tpu.memory_space<hbm>>) target(%arg10 : memref<128x128xf32, #tpu.memory_space<vmem>>) target_semaphore(%arg13 : memref<!tpu.dma_semaphore, #tpu.memory_space<semaphore_mem>>)
      } else {
      }
      %dma_wait3A_161 = arith.constant 0 : i32
      %dma_wait3A_162 = tpu.memref_slice %arg2[%mul3A_4, %dma_wait3A_161] : memref<160000x128xf32, #tpu.memory_space<hbm>> -> memref<128x128xf32, #tpu.memory_space<hbm>>
      %dma_wait3A_163 = arith.constant 0 : i32
      %dma_wait3A_164 = tpu.memref_slice %arg2[%mul3A_4, %dma_wait3A_163] : memref<160000x128xf32, #tpu.memory_space<hbm>> -> memref<128x128xf32, #tpu.memory_space<hbm>>
      tpu.wait_dma2 semaphore(%arg14 : memref<!tpu.dma_semaphore, #tpu.memory_space<semaphore_mem>>) src(%dma_wait3A_164 : memref<128x128xf32, #tpu.memory_space<hbm>>) dst(%arg11 : memref<128x128xf32, #tpu.memory_space<vmem>>)
      %add3A_165 = arith.constant 1 : i32
      %add3A_166 = arith.addi %mul3A_145, %add3A_165 : i32
      "tpu.region"() ({
        %run_scoped3A_167 = tpu.sem_alloc : memref<!tpu.dma_semaphore, #tpu.memory_space<semaphore_mem>>
        %dma_start3A_168 = arith.constant 0 : i32
        %dma_start3A_169 = tpu.memref_slice %arg9[%add3A_166, %dma_start3A_168] : memref<40x128xi32, #tpu.memory_space<vmem>> -> memref<1x128xi32, #tpu.memory_space<vmem>>
        %dma_start3A_170 = tpu.memref_squeeze %dma_start3A_169 : memref<1x128xi32, #tpu.memory_space<vmem>> -> memref<128xi32, #tpu.memory_space<vmem>>
        %dma_start3A_171 = arith.constant 0 : i32
        %dma_start3A_172 = arith.constant 0 : i32
        %dma_start3A_173 = tpu.memref_slice %arg12[%dma_start3A_171, %dma_start3A_172] : memref<10240x128xf32, #tpu.memory_space<vmem_shared>> -> memref<10240x128xf32, #tpu.memory_space<vmem_shared>>
        tpu.enqueue_indirect_dma source(%arg11 : memref<128x128xf32, #tpu.memory_space<vmem>>) target(%dma_start3A_173 : memref<10240x128xf32, #tpu.memory_space<vmem_shared>>) offsets(%dma_start3A_170 : memref<128xi32, #tpu.memory_space<vmem>>) semaphore(%run_scoped3A_167 : memref<!tpu.dma_semaphore, #tpu.memory_space<semaphore_mem>>) {add = true}
        %dma_wait3A_174 = arith.constant 0 : i32
        %dma_wait3A_175 = tpu.memref_slice %arg9[%add3A_166, %dma_wait3A_174] : memref<40x128xi32, #tpu.memory_space<vmem>> -> memref<1x128xi32, #tpu.memory_space<vmem>>
        %dma_wait3A_176 = tpu.memref_squeeze %dma_wait3A_175 : memref<1x128xi32, #tpu.memory_space<vmem>> -> memref<128xi32, #tpu.memory_space<vmem>>
        %dma_wait3A_177 = arith.constant 0 : i32
        %dma_wait3A_178 = arith.constant 0 : i32
        %dma_wait3A_179 = tpu.memref_slice %arg12[%dma_wait3A_177, %dma_wait3A_178] : memref<10240x128xf32, #tpu.memory_space<vmem_shared>> -> memref<10240x128xf32, #tpu.memory_space<vmem_shared>>
        tpu.wait_indirect_dma semaphore(%run_scoped3A_167 : memref<!tpu.dma_semaphore, #tpu.memory_space<semaphore_mem>>) src(%arg11 : memref<128x128xf32, #tpu.memory_space<vmem>>) dst(%dma_wait3A_179 : memref<10240x128xf32, #tpu.memory_space<vmem_shared>>)
        tpu.yield
      }) : () -> ()
    }
    %barrier3A_30 = arith.constant 0 : index
    tpu.barrier barrier_id(%barrier3A_30)
    %mul3A_31 = arith.constant 640 : i32
    %mul3A_32 = arith.muli %arg1, %mul3A_31 : i32
    %mul3A_33 = arith.constant 640 : i32
    %mul3A_34 = arith.muli %arg1, %mul3A_33 : i32
    %run_scoped3A = arith.constant 0 : i32
    "tpu.region"() ({
      %run_scoped3A_141 = tpu.sem_alloc : memref<!tpu.dma_semaphore, #tpu.memory_space<semaphore_mem>>
      %dma_start3A_142 = arith.constant 0 : i32
      %dma_start3A_143 = tpu.memref_slice %arg8[%run_scoped3A, %arg0, %mul3A_34, %dma_start3A_142] : memref<4x2x10240x128xf32, #tpu.memory_space<hbm>> -> memref<1x1x640x128xf32, #tpu.memory_space<hbm>>
      %dma_start3A_144 = tpu.memref_squeeze %dma_start3A_143 : memref<1x1x640x128xf32, #tpu.memory_space<hbm>> -> memref<640x128xf32, #tpu.memory_space<hbm>>
      %dma_start3A_145 = arith.constant 0 : i32
      %dma_start3A_146 = tpu.memref_slice %arg12[%mul3A_32, %dma_start3A_145] : memref<10240x128xf32, #tpu.memory_space<vmem_shared>> -> memref<640x128xf32, #tpu.memory_space<vmem_shared>>
      tpu.enqueue_dma source(%dma_start3A_146 : memref<640x128xf32, #tpu.memory_space<vmem_shared>>) target(%dma_start3A_144 : memref<640x128xf32, #tpu.memory_space<hbm>>) target_semaphore(%run_scoped3A_141 : memref<!tpu.dma_semaphore, #tpu.memory_space<semaphore_mem>>)
      %dma_wait3A = arith.constant 0 : i32
      %dma_wait3A_147 = tpu.memref_slice %arg8[%run_scoped3A, %arg0, %mul3A_34, %dma_wait3A] : memref<4x2x10240x128xf32, #tpu.memory_space<hbm>> -> memref<1x1x640x128xf32, #tpu.memory_space<hbm>>
      %dma_wait3A_148 = tpu.memref_squeeze %dma_wait3A_147 : memref<1x1x640x128xf32, #tpu.memory_space<hbm>> -> memref<640x128xf32, #tpu.memory_space<hbm>>
      %dma_wait3A_149 = arith.constant 0 : i32
      %dma_wait3A_150 = tpu.memref_slice %arg12[%mul3A_32, %dma_wait3A_149] : memref<10240x128xf32, #tpu.memory_space<vmem_shared>> -> memref<640x128xf32, #tpu.memory_space<vmem_shared>>
      tpu.wait_dma2 semaphore(%run_scoped3A_141 : memref<!tpu.dma_semaphore, #tpu.memory_space<semaphore_mem>>) src(%dma_wait3A_150 : memref<640x128xf32, #tpu.memory_space<vmem_shared>>) dst(%dma_wait3A_148 : memref<640x128xf32, #tpu.memory_space<hbm>>)
      tpu.yield
    }) : () -> ()
    %barrier3A_35 = arith.constant 0 : index
    tpu.barrier barrier_id(%barrier3A_35)
    %mul3A_36 = arith.constant 640 : i32
    %mul3A_37 = arith.muli %arg1, %mul3A_36 : i32
    %mul3A_38 = arith.constant 640 : i32
    %mul3A_39 = arith.muli %arg1, %mul3A_38 : i32
    "tpu.region"() ({
      %run_scoped3A_141 = tpu.sem_alloc : memref<!tpu.dma_semaphore, #tpu.memory_space<semaphore_mem>>
      %dma_start3A_142 = arith.constant 0 : i32
      %dma_start3A_143 = tpu.memref_slice %arg12[%mul3A_39, %dma_start3A_142] : memref<10240x128xf32, #tpu.memory_space<vmem_shared>> -> memref<640x128xf32, #tpu.memory_space<vmem_shared>>
      %dma_start3A_144 = arith.constant 0 : i32
      %dma_start3A_145 = tpu.memref_slice %arg7[%mul3A_37, %dma_start3A_144] : memref<10240x128xf32, #tpu.memory_space<hbm>> -> memref<640x128xf32, #tpu.memory_space<hbm>>
      tpu.enqueue_dma source(%dma_start3A_145 : memref<640x128xf32, #tpu.memory_space<hbm>>) target(%dma_start3A_143 : memref<640x128xf32, #tpu.memory_space<vmem_shared>>) target_semaphore(%run_scoped3A_141 : memref<!tpu.dma_semaphore, #tpu.memory_space<semaphore_mem>>)
      %dma_wait3A = arith.constant 0 : i32
      %dma_wait3A_146 = tpu.memref_slice %arg12[%mul3A_39, %dma_wait3A] : memref<10240x128xf32, #tpu.memory_space<vmem_shared>> -> memref<640x128xf32, #tpu.memory_space<vmem_shared>>
      %dma_wait3A_147 = arith.constant 0 : i32
      %dma_wait3A_148 = tpu.memref_slice %arg7[%mul3A_37, %dma_wait3A_147] : memref<10240x128xf32, #tpu.memory_space<hbm>> -> memref<640x128xf32, #tpu.memory_space<hbm>>
      tpu.wait_dma2 semaphore(%run_scoped3A_141 : memref<!tpu.dma_semaphore, #tpu.memory_space<semaphore_mem>>) src(%dma_wait3A_148 : memref<640x128xf32, #tpu.memory_space<hbm>>) dst(%dma_wait3A_146 : memref<640x128xf32, #tpu.memory_space<vmem_shared>>)
      tpu.yield
    }) : () -> ()
    %barrier3A_40 = arith.constant 0 : index
    tpu.barrier barrier_id(%barrier3A_40)
    %dma_start3A_41 = arith.constant 0 : i32
    %dma_start3A_42 = tpu.memref_slice %arg3[%mul3A_4, %dma_start3A_41] : memref<160000x128xf32, #tpu.memory_space<hbm>> -> memref<128x128xf32, #tpu.memory_space<hbm>>
    %dma_start3A_43 = arith.constant 0 : i32
    %dma_start3A_44 = tpu.memref_slice %arg3[%mul3A_4, %dma_start3A_43] : memref<160000x128xf32, #tpu.memory_space<hbm>> -> memref<128x128xf32, #tpu.memory_space<hbm>>
    tpu.enqueue_dma source(%dma_start3A_44 : memref<128x128xf32, #tpu.memory_space<hbm>>) target(%arg10 : memref<128x128xf32, #tpu.memory_space<vmem>>) target_semaphore(%arg13 : memref<!tpu.dma_semaphore, #tpu.memory_space<semaphore_mem>>)
    %sub3A_45 = arith.constant 0 : i32
    %sub3A_46 = arith.subi %select_n3A, %sub3A_45 : i32
    %sub3A_47 = arith.constant 1 : i32
    %sub3A_48 = arith.constant 1 : i32
    %sub3A_49 = arith.subi %sub3A_47, %sub3A_48 : i32
    %add3A_50 = arith.addi %sub3A_46, %sub3A_49 : i32
    %div3A_51 = arith.constant 1 : i32
    %div3A_52 = arith.divsi %add3A_50, %div3A_51 : i32
    %while3A_53 = arith.constant 1 : i32
    %while3A_54 = arith.constant 0 : i32
    %while3A_55 = arith.constant 0 : i32
    %while3A_56 = arith.subi %div3A_52, %while3A_55 : i32
    %while3A_57 = arith.addi %while3A_55, %while3A_56 : i32
    %while3A_58 = arith.constant 1 : i32
    %while3A_59 = arith.divsi %while3A_56, %while3A_58 : i32
    %while3A_60 = arith.muli %while3A_59, %while3A_58 : i32
    %while3A_61 = arith.addi %while3A_55, %while3A_60 : i32
    %while3A_62 = arith.constant 1 : i32
    scf.for %while3A_141 = %while3A_55 to %while3A_61 step %while3A_62  : i32 {
      %mul3A_142 = arith.muli %while3A_141, %while3A_53 : i32
      %add3A_143 = arith.addi %while3A_54, %mul3A_142 : i32
      %mul3A_144 = arith.constant 2 : i32
      %mul3A_145 = arith.muli %mul3A_144, %add3A_143 : i32
      %add3A_146 = arith.constant 1 : i32
      %add3A_147 = arith.addi %mul3A_145, %add3A_146 : i32
      %mul3A_148 = arith.constant 128 : i32
      %mul3A_149 = arith.muli %add3A_147, %mul3A_148 : i32
      %add3A_150 = arith.addi %mul3A_4, %mul3A_149 : i32
      %dma_start3A_151 = arith.constant 0 : i32
      %dma_start3A_152 = tpu.memref_slice %arg3[%add3A_150, %dma_start3A_151] : memref<160000x128xf32, #tpu.memory_space<hbm>> -> memref<128x128xf32, #tpu.memory_space<hbm>>
      %dma_start3A_153 = arith.constant 0 : i32
      %dma_start3A_154 = tpu.memref_slice %arg3[%add3A_150, %dma_start3A_153] : memref<160000x128xf32, #tpu.memory_space<hbm>> -> memref<128x128xf32, #tpu.memory_space<hbm>>
      tpu.enqueue_dma source(%dma_start3A_154 : memref<128x128xf32, #tpu.memory_space<hbm>>) target(%arg11 : memref<128x128xf32, #tpu.memory_space<vmem>>) target_semaphore(%arg14 : memref<!tpu.dma_semaphore, #tpu.memory_space<semaphore_mem>>)
      %dma_wait3A = arith.constant 0 : i32
      %dma_wait3A_155 = tpu.memref_slice %arg3[%mul3A_4, %dma_wait3A] : memref<160000x128xf32, #tpu.memory_space<hbm>> -> memref<128x128xf32, #tpu.memory_space<hbm>>
      %dma_wait3A_156 = arith.constant 0 : i32
      %dma_wait3A_157 = tpu.memref_slice %arg3[%mul3A_4, %dma_wait3A_156] : memref<160000x128xf32, #tpu.memory_space<hbm>> -> memref<128x128xf32, #tpu.memory_space<hbm>>
      tpu.wait_dma2 semaphore(%arg13 : memref<!tpu.dma_semaphore, #tpu.memory_space<semaphore_mem>>) src(%dma_wait3A_157 : memref<128x128xf32, #tpu.memory_space<hbm>>) dst(%arg10 : memref<128x128xf32, #tpu.memory_space<vmem>>)
      "tpu.region"() ({
        %run_scoped3A_167 = tpu.sem_alloc : memref<!tpu.dma_semaphore, #tpu.memory_space<semaphore_mem>>
        %dma_start3A_168 = arith.constant 0 : i32
        %dma_start3A_169 = tpu.memref_slice %arg9[%mul3A_145, %dma_start3A_168] : memref<40x128xi32, #tpu.memory_space<vmem>> -> memref<1x128xi32, #tpu.memory_space<vmem>>
        %dma_start3A_170 = tpu.memref_squeeze %dma_start3A_169 : memref<1x128xi32, #tpu.memory_space<vmem>> -> memref<128xi32, #tpu.memory_space<vmem>>
        %dma_start3A_171 = arith.constant 0 : i32
        %dma_start3A_172 = arith.constant 0 : i32
        %dma_start3A_173 = tpu.memref_slice %arg12[%dma_start3A_171, %dma_start3A_172] : memref<10240x128xf32, #tpu.memory_space<vmem_shared>> -> memref<10240x128xf32, #tpu.memory_space<vmem_shared>>
        tpu.enqueue_indirect_dma source(%arg10 : memref<128x128xf32, #tpu.memory_space<vmem>>) target(%dma_start3A_173 : memref<10240x128xf32, #tpu.memory_space<vmem_shared>>) offsets(%dma_start3A_170 : memref<128xi32, #tpu.memory_space<vmem>>) semaphore(%run_scoped3A_167 : memref<!tpu.dma_semaphore, #tpu.memory_space<semaphore_mem>>) {add = true}
        %dma_wait3A_174 = arith.constant 0 : i32
        %dma_wait3A_175 = tpu.memref_slice %arg9[%mul3A_145, %dma_wait3A_174] : memref<40x128xi32, #tpu.memory_space<vmem>> -> memref<1x128xi32, #tpu.memory_space<vmem>>
        %dma_wait3A_176 = tpu.memref_squeeze %dma_wait3A_175 : memref<1x128xi32, #tpu.memory_space<vmem>> -> memref<128xi32, #tpu.memory_space<vmem>>
        %dma_wait3A_177 = arith.constant 0 : i32
        %dma_wait3A_178 = arith.constant 0 : i32
        %dma_wait3A_179 = tpu.memref_slice %arg12[%dma_wait3A_177, %dma_wait3A_178] : memref<10240x128xf32, #tpu.memory_space<vmem_shared>> -> memref<10240x128xf32, #tpu.memory_space<vmem_shared>>
        tpu.wait_indirect_dma semaphore(%run_scoped3A_167 : memref<!tpu.dma_semaphore, #tpu.memory_space<semaphore_mem>>) src(%arg10 : memref<128x128xf32, #tpu.memory_space<vmem>>) dst(%dma_wait3A_179 : memref<10240x128xf32, #tpu.memory_space<vmem_shared>>)
        tpu.yield
      }) : () -> ()
      %sub3A_158 = arith.constant 1 : i32
      %sub3A_159 = arith.subi %select_n3A, %sub3A_158 : i32
      %lt3A = arith.cmpi slt, %add3A_143, %sub3A_159 : i32
      %convert_element_type3A = arith.extui %lt3A : i1 to i32
      %cond3A = arith.constant 0 : i32
      %cond3A_160 = arith.cmpi ne, %convert_element_type3A, %cond3A : i32
      scf.if %cond3A_160 {
        %add3A_167 = arith.constant 2 : i32
        %add3A_168 = arith.addi %mul3A_145, %add3A_167 : i32
        %mul3A_169 = arith.constant 128 : i32
        %mul3A_170 = arith.muli %add3A_168, %mul3A_169 : i32
        %add3A_171 = arith.addi %mul3A_4, %mul3A_170 : i32
        %dma_start3A_172 = arith.constant 0 : i32
        %dma_start3A_173 = tpu.memref_slice %arg3[%add3A_171, %dma_start3A_172] : memref<160000x128xf32, #tpu.memory_space<hbm>> -> memref<128x128xf32, #tpu.memory_space<hbm>>
        %dma_start3A_174 = arith.constant 0 : i32
        %dma_start3A_175 = tpu.memref_slice %arg3[%add3A_171, %dma_start3A_174] : memref<160000x128xf32, #tpu.memory_space<hbm>> -> memref<128x128xf32, #tpu.memory_space<hbm>>
        tpu.enqueue_dma source(%dma_start3A_175 : memref<128x128xf32, #tpu.memory_space<hbm>>) target(%arg10 : memref<128x128xf32, #tpu.memory_space<vmem>>) target_semaphore(%arg13 : memref<!tpu.dma_semaphore, #tpu.memory_space<semaphore_mem>>)
      } else {
      }
      %dma_wait3A_161 = arith.constant 0 : i32
      %dma_wait3A_162 = tpu.memref_slice %arg3[%mul3A_4, %dma_wait3A_161] : memref<160000x128xf32, #tpu.memory_space<hbm>> -> memref<128x128xf32, #tpu.memory_space<hbm>>
      %dma_wait3A_163 = arith.constant 0 : i32
      %dma_wait3A_164 = tpu.memref_slice %arg3[%mul3A_4, %dma_wait3A_163] : memref<160000x128xf32, #tpu.memory_space<hbm>> -> memref<128x128xf32, #tpu.memory_space<hbm>>
      tpu.wait_dma2 semaphore(%arg14 : memref<!tpu.dma_semaphore, #tpu.memory_space<semaphore_mem>>) src(%dma_wait3A_164 : memref<128x128xf32, #tpu.memory_space<hbm>>) dst(%arg11 : memref<128x128xf32, #tpu.memory_space<vmem>>)
      %add3A_165 = arith.constant 1 : i32
      %add3A_166 = arith.addi %mul3A_145, %add3A_165 : i32
      "tpu.region"() ({
        %run_scoped3A_167 = tpu.sem_alloc : memref<!tpu.dma_semaphore, #tpu.memory_space<semaphore_mem>>
        %dma_start3A_168 = arith.constant 0 : i32
        %dma_start3A_169 = tpu.memref_slice %arg9[%add3A_166, %dma_start3A_168] : memref<40x128xi32, #tpu.memory_space<vmem>> -> memref<1x128xi32, #tpu.memory_space<vmem>>
        %dma_start3A_170 = tpu.memref_squeeze %dma_start3A_169 : memref<1x128xi32, #tpu.memory_space<vmem>> -> memref<128xi32, #tpu.memory_space<vmem>>
        %dma_start3A_171 = arith.constant 0 : i32
        %dma_start3A_172 = arith.constant 0 : i32
        %dma_start3A_173 = tpu.memref_slice %arg12[%dma_start3A_171, %dma_start3A_172] : memref<10240x128xf32, #tpu.memory_space<vmem_shared>> -> memref<10240x128xf32, #tpu.memory_space<vmem_shared>>
        tpu.enqueue_indirect_dma source(%arg11 : memref<128x128xf32, #tpu.memory_space<vmem>>) target(%dma_start3A_173 : memref<10240x128xf32, #tpu.memory_space<vmem_shared>>) offsets(%dma_start3A_170 : memref<128xi32, #tpu.memory_space<vmem>>) semaphore(%run_scoped3A_167 : memref<!tpu.dma_semaphore, #tpu.memory_space<semaphore_mem>>) {add = true}
        %dma_wait3A_174 = arith.constant 0 : i32
        %dma_wait3A_175 = tpu.memref_slice %arg9[%add3A_166, %dma_wait3A_174] : memref<40x128xi32, #tpu.memory_space<vmem>> -> memref<1x128xi32, #tpu.memory_space<vmem>>
        %dma_wait3A_176 = tpu.memref_squeeze %dma_wait3A_175 : memref<1x128xi32, #tpu.memory_space<vmem>> -> memref<128xi32, #tpu.memory_space<vmem>>
        %dma_wait3A_177 = arith.constant 0 : i32
        %dma_wait3A_178 = arith.constant 0 : i32
        %dma_wait3A_179 = tpu.memref_slice %arg12[%dma_wait3A_177, %dma_wait3A_178] : memref<10240x128xf32, #tpu.memory_space<vmem_shared>> -> memref<10240x128xf32, #tpu.memory_space<vmem_shared>>
        tpu.wait_indirect_dma semaphore(%run_scoped3A_167 : memref<!tpu.dma_semaphore, #tpu.memory_space<semaphore_mem>>) src(%arg11 : memref<128x128xf32, #tpu.memory_space<vmem>>) dst(%dma_wait3A_179 : memref<10240x128xf32, #tpu.memory_space<vmem_shared>>)
        tpu.yield
      }) : () -> ()
    }
    %while3A_63 = arith.constant 1 : i32
    scf.for %while3A_141 = %while3A_61 to %while3A_57 step %while3A_63  : i32 {
      %mul3A_142 = arith.muli %while3A_141, %while3A_53 : i32
      %add3A_143 = arith.addi %while3A_54, %mul3A_142 : i32
      %mul3A_144 = arith.constant 2 : i32
      %mul3A_145 = arith.muli %mul3A_144, %add3A_143 : i32
      %add3A_146 = arith.constant 1 : i32
      %add3A_147 = arith.addi %mul3A_145, %add3A_146 : i32
      %mul3A_148 = arith.constant 128 : i32
      %mul3A_149 = arith.muli %add3A_147, %mul3A_148 : i32
      %add3A_150 = arith.addi %mul3A_4, %mul3A_149 : i32
      %dma_start3A_151 = arith.constant 0 : i32
      %dma_start3A_152 = tpu.memref_slice %arg3[%add3A_150, %dma_start3A_151] : memref<160000x128xf32, #tpu.memory_space<hbm>> -> memref<128x128xf32, #tpu.memory_space<hbm>>
      %dma_start3A_153 = arith.constant 0 : i32
      %dma_start3A_154 = tpu.memref_slice %arg3[%add3A_150, %dma_start3A_153] : memref<160000x128xf32, #tpu.memory_space<hbm>> -> memref<128x128xf32, #tpu.memory_space<hbm>>
      tpu.enqueue_dma source(%dma_start3A_154 : memref<128x128xf32, #tpu.memory_space<hbm>>) target(%arg11 : memref<128x128xf32, #tpu.memory_space<vmem>>) target_semaphore(%arg14 : memref<!tpu.dma_semaphore, #tpu.memory_space<semaphore_mem>>)
      %dma_wait3A = arith.constant 0 : i32
      %dma_wait3A_155 = tpu.memref_slice %arg3[%mul3A_4, %dma_wait3A] : memref<160000x128xf32, #tpu.memory_space<hbm>> -> memref<128x128xf32, #tpu.memory_space<hbm>>
      %dma_wait3A_156 = arith.constant 0 : i32
      %dma_wait3A_157 = tpu.memref_slice %arg3[%mul3A_4, %dma_wait3A_156] : memref<160000x128xf32, #tpu.memory_space<hbm>> -> memref<128x128xf32, #tpu.memory_space<hbm>>
      tpu.wait_dma2 semaphore(%arg13 : memref<!tpu.dma_semaphore, #tpu.memory_space<semaphore_mem>>) src(%dma_wait3A_157 : memref<128x128xf32, #tpu.memory_space<hbm>>) dst(%arg10 : memref<128x128xf32, #tpu.memory_space<vmem>>)
      "tpu.region"() ({
        %run_scoped3A_167 = tpu.sem_alloc : memref<!tpu.dma_semaphore, #tpu.memory_space<semaphore_mem>>
        %dma_start3A_168 = arith.constant 0 : i32
        %dma_start3A_169 = tpu.memref_slice %arg9[%mul3A_145, %dma_start3A_168] : memref<40x128xi32, #tpu.memory_space<vmem>> -> memref<1x128xi32, #tpu.memory_space<vmem>>
        %dma_start3A_170 = tpu.memref_squeeze %dma_start3A_169 : memref<1x128xi32, #tpu.memory_space<vmem>> -> memref<128xi32, #tpu.memory_space<vmem>>
        %dma_start3A_171 = arith.constant 0 : i32
        %dma_start3A_172 = arith.constant 0 : i32
        %dma_start3A_173 = tpu.memref_slice %arg12[%dma_start3A_171, %dma_start3A_172] : memref<10240x128xf32, #tpu.memory_space<vmem_shared>> -> memref<10240x128xf32, #tpu.memory_space<vmem_shared>>
        tpu.enqueue_indirect_dma source(%arg10 : memref<128x128xf32, #tpu.memory_space<vmem>>) target(%dma_start3A_173 : memref<10240x128xf32, #tpu.memory_space<vmem_shared>>) offsets(%dma_start3A_170 : memref<128xi32, #tpu.memory_space<vmem>>) semaphore(%run_scoped3A_167 : memref<!tpu.dma_semaphore, #tpu.memory_space<semaphore_mem>>) {add = true}
        %dma_wait3A_174 = arith.constant 0 : i32
        %dma_wait3A_175 = tpu.memref_slice %arg9[%mul3A_145, %dma_wait3A_174] : memref<40x128xi32, #tpu.memory_space<vmem>> -> memref<1x128xi32, #tpu.memory_space<vmem>>
        %dma_wait3A_176 = tpu.memref_squeeze %dma_wait3A_175 : memref<1x128xi32, #tpu.memory_space<vmem>> -> memref<128xi32, #tpu.memory_space<vmem>>
        %dma_wait3A_177 = arith.constant 0 : i32
        %dma_wait3A_178 = arith.constant 0 : i32
        %dma_wait3A_179 = tpu.memref_slice %arg12[%dma_wait3A_177, %dma_wait3A_178] : memref<10240x128xf32, #tpu.memory_space<vmem_shared>> -> memref<10240x128xf32, #tpu.memory_space<vmem_shared>>
        tpu.wait_indirect_dma semaphore(%run_scoped3A_167 : memref<!tpu.dma_semaphore, #tpu.memory_space<semaphore_mem>>) src(%arg10 : memref<128x128xf32, #tpu.memory_space<vmem>>) dst(%dma_wait3A_179 : memref<10240x128xf32, #tpu.memory_space<vmem_shared>>)
        tpu.yield
      }) : () -> ()
      %sub3A_158 = arith.constant 1 : i32
      %sub3A_159 = arith.subi %select_n3A, %sub3A_158 : i32
      %lt3A = arith.cmpi slt, %add3A_143, %sub3A_159 : i32
      %convert_element_type3A = arith.extui %lt3A : i1 to i32
      %cond3A = arith.constant 0 : i32
      %cond3A_160 = arith.cmpi ne, %convert_element_type3A, %cond3A : i32
      scf.if %cond3A_160 {
        %add3A_167 = arith.constant 2 : i32
        %add3A_168 = arith.addi %mul3A_145, %add3A_167 : i32
        %mul3A_169 = arith.constant 128 : i32
        %mul3A_170 = arith.muli %add3A_168, %mul3A_169 : i32
        %add3A_171 = arith.addi %mul3A_4, %mul3A_170 : i32
        %dma_start3A_172 = arith.constant 0 : i32
        %dma_start3A_173 = tpu.memref_slice %arg3[%add3A_171, %dma_start3A_172] : memref<160000x128xf32, #tpu.memory_space<hbm>> -> memref<128x128xf32, #tpu.memory_space<hbm>>
        %dma_start3A_174 = arith.constant 0 : i32
        %dma_start3A_175 = tpu.memref_slice %arg3[%add3A_171, %dma_start3A_174] : memref<160000x128xf32, #tpu.memory_space<hbm>> -> memref<128x128xf32, #tpu.memory_space<hbm>>
        tpu.enqueue_dma source(%dma_start3A_175 : memref<128x128xf32, #tpu.memory_space<hbm>>) target(%arg10 : memref<128x128xf32, #tpu.memory_space<vmem>>) target_semaphore(%arg13 : memref<!tpu.dma_semaphore, #tpu.memory_space<semaphore_mem>>)
      } else {
      }
      %dma_wait3A_161 = arith.constant 0 : i32
      %dma_wait3A_162 = tpu.memref_slice %arg3[%mul3A_4, %dma_wait3A_161] : memref<160000x128xf32, #tpu.memory_space<hbm>> -> memref<128x128xf32, #tpu.memory_space<hbm>>
      %dma_wait3A_163 = arith.constant 0 : i32
      %dma_wait3A_164 = tpu.memref_slice %arg3[%mul3A_4, %dma_wait3A_163] : memref<160000x128xf32, #tpu.memory_space<hbm>> -> memref<128x128xf32, #tpu.memory_space<hbm>>
      tpu.wait_dma2 semaphore(%arg14 : memref<!tpu.dma_semaphore, #tpu.memory_space<semaphore_mem>>) src(%dma_wait3A_164 : memref<128x128xf32, #tpu.memory_space<hbm>>) dst(%arg11 : memref<128x128xf32, #tpu.memory_space<vmem>>)
      %add3A_165 = arith.constant 1 : i32
      %add3A_166 = arith.addi %mul3A_145, %add3A_165 : i32
      "tpu.region"() ({
        %run_scoped3A_167 = tpu.sem_alloc : memref<!tpu.dma_semaphore, #tpu.memory_space<semaphore_mem>>
        %dma_start3A_168 = arith.constant 0 : i32
        %dma_start3A_169 = tpu.memref_slice %arg9[%add3A_166, %dma_start3A_168] : memref<40x128xi32, #tpu.memory_space<vmem>> -> memref<1x128xi32, #tpu.memory_space<vmem>>
        %dma_start3A_170 = tpu.memref_squeeze %dma_start3A_169 : memref<1x128xi32, #tpu.memory_space<vmem>> -> memref<128xi32, #tpu.memory_space<vmem>>
        %dma_start3A_171 = arith.constant 0 : i32
        %dma_start3A_172 = arith.constant 0 : i32
        %dma_start3A_173 = tpu.memref_slice %arg12[%dma_start3A_171, %dma_start3A_172] : memref<10240x128xf32, #tpu.memory_space<vmem_shared>> -> memref<10240x128xf32, #tpu.memory_space<vmem_shared>>
        tpu.enqueue_indirect_dma source(%arg11 : memref<128x128xf32, #tpu.memory_space<vmem>>) target(%dma_start3A_173 : memref<10240x128xf32, #tpu.memory_space<vmem_shared>>) offsets(%dma_start3A_170 : memref<128xi32, #tpu.memory_space<vmem>>) semaphore(%run_scoped3A_167 : memref<!tpu.dma_semaphore, #tpu.memory_space<semaphore_mem>>) {add = true}
        %dma_wait3A_174 = arith.constant 0 : i32
        %dma_wait3A_175 = tpu.memref_slice %arg9[%add3A_166, %dma_wait3A_174] : memref<40x128xi32, #tpu.memory_space<vmem>> -> memref<1x128xi32, #tpu.memory_space<vmem>>
        %dma_wait3A_176 = tpu.memref_squeeze %dma_wait3A_175 : memref<1x128xi32, #tpu.memory_space<vmem>> -> memref<128xi32, #tpu.memory_space<vmem>>
        %dma_wait3A_177 = arith.constant 0 : i32
        %dma_wait3A_178 = arith.constant 0 : i32
        %dma_wait3A_179 = tpu.memref_slice %arg12[%dma_wait3A_177, %dma_wait3A_178] : memref<10240x128xf32, #tpu.memory_space<vmem_shared>> -> memref<10240x128xf32, #tpu.memory_space<vmem_shared>>
        tpu.wait_indirect_dma semaphore(%run_scoped3A_167 : memref<!tpu.dma_semaphore, #tpu.memory_space<semaphore_mem>>) src(%arg11 : memref<128x128xf32, #tpu.memory_space<vmem>>) dst(%dma_wait3A_179 : memref<10240x128xf32, #tpu.memory_space<vmem_shared>>)
        tpu.yield
      }) : () -> ()
    }
    %barrier3A_64 = arith.constant 0 : index
    tpu.barrier barrier_id(%barrier3A_64)
    %mul3A_65 = arith.constant 640 : i32
    %mul3A_66 = arith.muli %arg1, %mul3A_65 : i32
    %mul3A_67 = arith.constant 640 : i32
    %mul3A_68 = arith.muli %arg1, %mul3A_67 : i32
    %run_scoped3A_69 = arith.constant 1 : i32
    "tpu.region"() ({
      %run_scoped3A_141 = tpu.sem_alloc : memref<!tpu.dma_semaphore, #tpu.memory_space<semaphore_mem>>
      %dma_start3A_142 = arith.constant 0 : i32
      %dma_start3A_143 = tpu.memref_slice %arg8[%run_scoped3A_69, %arg0, %mul3A_68, %dma_start3A_142] : memref<4x2x10240x128xf32, #tpu.memory_space<hbm>> -> memref<1x1x640x128xf32, #tpu.memory_space<hbm>>
      %dma_start3A_144 = tpu.memref_squeeze %dma_start3A_143 : memref<1x1x640x128xf32, #tpu.memory_space<hbm>> -> memref<640x128xf32, #tpu.memory_space<hbm>>
      %dma_start3A_145 = arith.constant 0 : i32
      %dma_start3A_146 = tpu.memref_slice %arg12[%mul3A_66, %dma_start3A_145] : memref<10240x128xf32, #tpu.memory_space<vmem_shared>> -> memref<640x128xf32, #tpu.memory_space<vmem_shared>>
      tpu.enqueue_dma source(%dma_start3A_146 : memref<640x128xf32, #tpu.memory_space<vmem_shared>>) target(%dma_start3A_144 : memref<640x128xf32, #tpu.memory_space<hbm>>) target_semaphore(%run_scoped3A_141 : memref<!tpu.dma_semaphore, #tpu.memory_space<semaphore_mem>>)
      %dma_wait3A = arith.constant 0 : i32
      %dma_wait3A_147 = tpu.memref_slice %arg8[%run_scoped3A_69, %arg0, %mul3A_68, %dma_wait3A] : memref<4x2x10240x128xf32, #tpu.memory_space<hbm>> -> memref<1x1x640x128xf32, #tpu.memory_space<hbm>>
      %dma_wait3A_148 = tpu.memref_squeeze %dma_wait3A_147 : memref<1x1x640x128xf32, #tpu.memory_space<hbm>> -> memref<640x128xf32, #tpu.memory_space<hbm>>
      %dma_wait3A_149 = arith.constant 0 : i32
      %dma_wait3A_150 = tpu.memref_slice %arg12[%mul3A_66, %dma_wait3A_149] : memref<10240x128xf32, #tpu.memory_space<vmem_shared>> -> memref<640x128xf32, #tpu.memory_space<vmem_shared>>
      tpu.wait_dma2 semaphore(%run_scoped3A_141 : memref<!tpu.dma_semaphore, #tpu.memory_space<semaphore_mem>>) src(%dma_wait3A_150 : memref<640x128xf32, #tpu.memory_space<vmem_shared>>) dst(%dma_wait3A_148 : memref<640x128xf32, #tpu.memory_space<hbm>>)
      tpu.yield
    }) : () -> ()
    %barrier3A_70 = arith.constant 0 : index
    tpu.barrier barrier_id(%barrier3A_70)
    %mul3A_71 = arith.constant 640 : i32
    %mul3A_72 = arith.muli %arg1, %mul3A_71 : i32
    %mul3A_73 = arith.constant 640 : i32
    %mul3A_74 = arith.muli %arg1, %mul3A_73 : i32
    "tpu.region"() ({
      %run_scoped3A_141 = tpu.sem_alloc : memref<!tpu.dma_semaphore, #tpu.memory_space<semaphore_mem>>
      %dma_start3A_142 = arith.constant 0 : i32
      %dma_start3A_143 = tpu.memref_slice %arg12[%mul3A_74, %dma_start3A_142] : memref<10240x128xf32, #tpu.memory_space<vmem_shared>> -> memref<640x128xf32, #tpu.memory_space<vmem_shared>>
      %dma_start3A_144 = arith.constant 0 : i32
      %dma_start3A_145 = tpu.memref_slice %arg7[%mul3A_72, %dma_start3A_144] : memref<10240x128xf32, #tpu.memory_space<hbm>> -> memref<640x128xf32, #tpu.memory_space<hbm>>
      tpu.enqueue_dma source(%dma_start3A_145 : memref<640x128xf32, #tpu.memory_space<hbm>>) target(%dma_start3A_143 : memref<640x128xf32, #tpu.memory_space<vmem_shared>>) target_semaphore(%run_scoped3A_141 : memref<!tpu.dma_semaphore, #tpu.memory_space<semaphore_mem>>)
      %dma_wait3A = arith.constant 0 : i32
      %dma_wait3A_146 = tpu.memref_slice %arg12[%mul3A_74, %dma_wait3A] : memref<10240x128xf32, #tpu.memory_space<vmem_shared>> -> memref<640x128xf32, #tpu.memory_space<vmem_shared>>
      %dma_wait3A_147 = arith.constant 0 : i32
      %dma_wait3A_148 = tpu.memref_slice %arg7[%mul3A_72, %dma_wait3A_147] : memref<10240x128xf32, #tpu.memory_space<hbm>> -> memref<640x128xf32, #tpu.memory_space<hbm>>
      tpu.wait_dma2 semaphore(%run_scoped3A_141 : memref<!tpu.dma_semaphore, #tpu.memory_space<semaphore_mem>>) src(%dma_wait3A_148 : memref<640x128xf32, #tpu.memory_space<hbm>>) dst(%dma_wait3A_146 : memref<640x128xf32, #tpu.memory_space<vmem_shared>>)
      tpu.yield
    }) : () -> ()
    %barrier3A_75 = arith.constant 0 : index
    tpu.barrier barrier_id(%barrier3A_75)
    %dma_start3A_76 = arith.constant 0 : i32
    %dma_start3A_77 = tpu.memref_slice %arg4[%mul3A_4, %dma_start3A_76] : memref<160000x128xf32, #tpu.memory_space<hbm>> -> memref<128x128xf32, #tpu.memory_space<hbm>>
    %dma_start3A_78 = arith.constant 0 : i32
    %dma_start3A_79 = tpu.memref_slice %arg4[%mul3A_4, %dma_start3A_78] : memref<160000x128xf32, #tpu.memory_space<hbm>> -> memref<128x128xf32, #tpu.memory_space<hbm>>
    tpu.enqueue_dma source(%dma_start3A_79 : memref<128x128xf32, #tpu.memory_space<hbm>>) target(%arg10 : memref<128x128xf32, #tpu.memory_space<vmem>>) target_semaphore(%arg13 : memref<!tpu.dma_semaphore, #tpu.memory_space<semaphore_mem>>)
    %sub3A_80 = arith.constant 0 : i32
    %sub3A_81 = arith.subi %select_n3A, %sub3A_80 : i32
    %sub3A_82 = arith.constant 1 : i32
    %sub3A_83 = arith.constant 1 : i32
    %sub3A_84 = arith.subi %sub3A_82, %sub3A_83 : i32
    %add3A_85 = arith.addi %sub3A_81, %sub3A_84 : i32
    %div3A_86 = arith.constant 1 : i32
    %div3A_87 = arith.divsi %add3A_85, %div3A_86 : i32
    %while3A_88 = arith.constant 1 : i32
    %while3A_89 = arith.constant 0 : i32
    %while3A_90 = arith.constant 0 : i32
    %while3A_91 = arith.subi %div3A_87, %while3A_90 : i32
    %while3A_92 = arith.addi %while3A_90, %while3A_91 : i32
    %while3A_93 = arith.constant 1 : i32
    %while3A_94 = arith.divsi %while3A_91, %while3A_93 : i32
    %while3A_95 = arith.muli %while3A_94, %while3A_93 : i32
    %while3A_96 = arith.addi %while3A_90, %while3A_95 : i32
    %while3A_97 = arith.constant 1 : i32
    scf.for %while3A_141 = %while3A_90 to %while3A_96 step %while3A_97  : i32 {
      %mul3A_142 = arith.muli %while3A_141, %while3A_88 : i32
      %add3A_143 = arith.addi %while3A_89, %mul3A_142 : i32
      %mul3A_144 = arith.constant 2 : i32
      %mul3A_145 = arith.muli %mul3A_144, %add3A_143 : i32
      %add3A_146 = arith.constant 1 : i32
      %add3A_147 = arith.addi %mul3A_145, %add3A_146 : i32
      %mul3A_148 = arith.constant 128 : i32
      %mul3A_149 = arith.muli %add3A_147, %mul3A_148 : i32
      %add3A_150 = arith.addi %mul3A_4, %mul3A_149 : i32
      %dma_start3A_151 = arith.constant 0 : i32
      %dma_start3A_152 = tpu.memref_slice %arg4[%add3A_150, %dma_start3A_151] : memref<160000x128xf32, #tpu.memory_space<hbm>> -> memref<128x128xf32, #tpu.memory_space<hbm>>
      %dma_start3A_153 = arith.constant 0 : i32
      %dma_start3A_154 = tpu.memref_slice %arg4[%add3A_150, %dma_start3A_153] : memref<160000x128xf32, #tpu.memory_space<hbm>> -> memref<128x128xf32, #tpu.memory_space<hbm>>
      tpu.enqueue_dma source(%dma_start3A_154 : memref<128x128xf32, #tpu.memory_space<hbm>>) target(%arg11 : memref<128x128xf32, #tpu.memory_space<vmem>>) target_semaphore(%arg14 : memref<!tpu.dma_semaphore, #tpu.memory_space<semaphore_mem>>)
      %dma_wait3A = arith.constant 0 : i32
      %dma_wait3A_155 = tpu.memref_slice %arg4[%mul3A_4, %dma_wait3A] : memref<160000x128xf32, #tpu.memory_space<hbm>> -> memref<128x128xf32, #tpu.memory_space<hbm>>
      %dma_wait3A_156 = arith.constant 0 : i32
      %dma_wait3A_157 = tpu.memref_slice %arg4[%mul3A_4, %dma_wait3A_156] : memref<160000x128xf32, #tpu.memory_space<hbm>> -> memref<128x128xf32, #tpu.memory_space<hbm>>
      tpu.wait_dma2 semaphore(%arg13 : memref<!tpu.dma_semaphore, #tpu.memory_space<semaphore_mem>>) src(%dma_wait3A_157 : memref<128x128xf32, #tpu.memory_space<hbm>>) dst(%arg10 : memref<128x128xf32, #tpu.memory_space<vmem>>)
      "tpu.region"() ({
        %run_scoped3A_167 = tpu.sem_alloc : memref<!tpu.dma_semaphore, #tpu.memory_space<semaphore_mem>>
        %dma_start3A_168 = arith.constant 0 : i32
        %dma_start3A_169 = tpu.memref_slice %arg9[%mul3A_145, %dma_start3A_168] : memref<40x128xi32, #tpu.memory_space<vmem>> -> memref<1x128xi32, #tpu.memory_space<vmem>>
        %dma_start3A_170 = tpu.memref_squeeze %dma_start3A_169 : memref<1x128xi32, #tpu.memory_space<vmem>> -> memref<128xi32, #tpu.memory_space<vmem>>
        %dma_start3A_171 = arith.constant 0 : i32
        %dma_start3A_172 = arith.constant 0 : i32
        %dma_start3A_173 = tpu.memref_slice %arg12[%dma_start3A_171, %dma_start3A_172] : memref<10240x128xf32, #tpu.memory_space<vmem_shared>> -> memref<10240x128xf32, #tpu.memory_space<vmem_shared>>
        tpu.enqueue_indirect_dma source(%arg10 : memref<128x128xf32, #tpu.memory_space<vmem>>) target(%dma_start3A_173 : memref<10240x128xf32, #tpu.memory_space<vmem_shared>>) offsets(%dma_start3A_170 : memref<128xi32, #tpu.memory_space<vmem>>) semaphore(%run_scoped3A_167 : memref<!tpu.dma_semaphore, #tpu.memory_space<semaphore_mem>>) {add = true}
        %dma_wait3A_174 = arith.constant 0 : i32
        %dma_wait3A_175 = tpu.memref_slice %arg9[%mul3A_145, %dma_wait3A_174] : memref<40x128xi32, #tpu.memory_space<vmem>> -> memref<1x128xi32, #tpu.memory_space<vmem>>
        %dma_wait3A_176 = tpu.memref_squeeze %dma_wait3A_175 : memref<1x128xi32, #tpu.memory_space<vmem>> -> memref<128xi32, #tpu.memory_space<vmem>>
        %dma_wait3A_177 = arith.constant 0 : i32
        %dma_wait3A_178 = arith.constant 0 : i32
        %dma_wait3A_179 = tpu.memref_slice %arg12[%dma_wait3A_177, %dma_wait3A_178] : memref<10240x128xf32, #tpu.memory_space<vmem_shared>> -> memref<10240x128xf32, #tpu.memory_space<vmem_shared>>
        tpu.wait_indirect_dma semaphore(%run_scoped3A_167 : memref<!tpu.dma_semaphore, #tpu.memory_space<semaphore_mem>>) src(%arg10 : memref<128x128xf32, #tpu.memory_space<vmem>>) dst(%dma_wait3A_179 : memref<10240x128xf32, #tpu.memory_space<vmem_shared>>)
        tpu.yield
      }) : () -> ()
      %sub3A_158 = arith.constant 1 : i32
      %sub3A_159 = arith.subi %select_n3A, %sub3A_158 : i32
      %lt3A = arith.cmpi slt, %add3A_143, %sub3A_159 : i32
      %convert_element_type3A = arith.extui %lt3A : i1 to i32
      %cond3A = arith.constant 0 : i32
      %cond3A_160 = arith.cmpi ne, %convert_element_type3A, %cond3A : i32
      scf.if %cond3A_160 {
        %add3A_167 = arith.constant 2 : i32
        %add3A_168 = arith.addi %mul3A_145, %add3A_167 : i32
        %mul3A_169 = arith.constant 128 : i32
        %mul3A_170 = arith.muli %add3A_168, %mul3A_169 : i32
        %add3A_171 = arith.addi %mul3A_4, %mul3A_170 : i32
        %dma_start3A_172 = arith.constant 0 : i32
        %dma_start3A_173 = tpu.memref_slice %arg4[%add3A_171, %dma_start3A_172] : memref<160000x128xf32, #tpu.memory_space<hbm>> -> memref<128x128xf32, #tpu.memory_space<hbm>>
        %dma_start3A_174 = arith.constant 0 : i32
        %dma_start3A_175 = tpu.memref_slice %arg4[%add3A_171, %dma_start3A_174] : memref<160000x128xf32, #tpu.memory_space<hbm>> -> memref<128x128xf32, #tpu.memory_space<hbm>>
        tpu.enqueue_dma source(%dma_start3A_175 : memref<128x128xf32, #tpu.memory_space<hbm>>) target(%arg10 : memref<128x128xf32, #tpu.memory_space<vmem>>) target_semaphore(%arg13 : memref<!tpu.dma_semaphore, #tpu.memory_space<semaphore_mem>>)
      } else {
      }
      %dma_wait3A_161 = arith.constant 0 : i32
      %dma_wait3A_162 = tpu.memref_slice %arg4[%mul3A_4, %dma_wait3A_161] : memref<160000x128xf32, #tpu.memory_space<hbm>> -> memref<128x128xf32, #tpu.memory_space<hbm>>
      %dma_wait3A_163 = arith.constant 0 : i32
      %dma_wait3A_164 = tpu.memref_slice %arg4[%mul3A_4, %dma_wait3A_163] : memref<160000x128xf32, #tpu.memory_space<hbm>> -> memref<128x128xf32, #tpu.memory_space<hbm>>
      tpu.wait_dma2 semaphore(%arg14 : memref<!tpu.dma_semaphore, #tpu.memory_space<semaphore_mem>>) src(%dma_wait3A_164 : memref<128x128xf32, #tpu.memory_space<hbm>>) dst(%arg11 : memref<128x128xf32, #tpu.memory_space<vmem>>)
      %add3A_165 = arith.constant 1 : i32
      %add3A_166 = arith.addi %mul3A_145, %add3A_165 : i32
      "tpu.region"() ({
        %run_scoped3A_167 = tpu.sem_alloc : memref<!tpu.dma_semaphore, #tpu.memory_space<semaphore_mem>>
        %dma_start3A_168 = arith.constant 0 : i32
        %dma_start3A_169 = tpu.memref_slice %arg9[%add3A_166, %dma_start3A_168] : memref<40x128xi32, #tpu.memory_space<vmem>> -> memref<1x128xi32, #tpu.memory_space<vmem>>
        %dma_start3A_170 = tpu.memref_squeeze %dma_start3A_169 : memref<1x128xi32, #tpu.memory_space<vmem>> -> memref<128xi32, #tpu.memory_space<vmem>>
        %dma_start3A_171 = arith.constant 0 : i32
        %dma_start3A_172 = arith.constant 0 : i32
        %dma_start3A_173 = tpu.memref_slice %arg12[%dma_start3A_171, %dma_start3A_172] : memref<10240x128xf32, #tpu.memory_space<vmem_shared>> -> memref<10240x128xf32, #tpu.memory_space<vmem_shared>>
        tpu.enqueue_indirect_dma source(%arg11 : memref<128x128xf32, #tpu.memory_space<vmem>>) target(%dma_start3A_173 : memref<10240x128xf32, #tpu.memory_space<vmem_shared>>) offsets(%dma_start3A_170 : memref<128xi32, #tpu.memory_space<vmem>>) semaphore(%run_scoped3A_167 : memref<!tpu.dma_semaphore, #tpu.memory_space<semaphore_mem>>) {add = true}
        %dma_wait3A_174 = arith.constant 0 : i32
        %dma_wait3A_175 = tpu.memref_slice %arg9[%add3A_166, %dma_wait3A_174] : memref<40x128xi32, #tpu.memory_space<vmem>> -> memref<1x128xi32, #tpu.memory_space<vmem>>
        %dma_wait3A_176 = tpu.memref_squeeze %dma_wait3A_175 : memref<1x128xi32, #tpu.memory_space<vmem>> -> memref<128xi32, #tpu.memory_space<vmem>>
        %dma_wait3A_177 = arith.constant 0 : i32
        %dma_wait3A_178 = arith.constant 0 : i32
        %dma_wait3A_179 = tpu.memref_slice %arg12[%dma_wait3A_177, %dma_wait3A_178] : memref<10240x128xf32, #tpu.memory_space<vmem_shared>> -> memref<10240x128xf32, #tpu.memory_space<vmem_shared>>
        tpu.wait_indirect_dma semaphore(%run_scoped3A_167 : memref<!tpu.dma_semaphore, #tpu.memory_space<semaphore_mem>>) src(%arg11 : memref<128x128xf32, #tpu.memory_space<vmem>>) dst(%dma_wait3A_179 : memref<10240x128xf32, #tpu.memory_space<vmem_shared>>)
        tpu.yield
      }) : () -> ()
    }
    %while3A_98 = arith.constant 1 : i32
    scf.for %while3A_141 = %while3A_96 to %while3A_92 step %while3A_98  : i32 {
      %mul3A_142 = arith.muli %while3A_141, %while3A_88 : i32
      %add3A_143 = arith.addi %while3A_89, %mul3A_142 : i32
      %mul3A_144 = arith.constant 2 : i32
      %mul3A_145 = arith.muli %mul3A_144, %add3A_143 : i32
      %add3A_146 = arith.constant 1 : i32
      %add3A_147 = arith.addi %mul3A_145, %add3A_146 : i32
      %mul3A_148 = arith.constant 128 : i32
      %mul3A_149 = arith.muli %add3A_147, %mul3A_148 : i32
      %add3A_150 = arith.addi %mul3A_4, %mul3A_149 : i32
      %dma_start3A_151 = arith.constant 0 : i32
      %dma_start3A_152 = tpu.memref_slice %arg4[%add3A_150, %dma_start3A_151] : memref<160000x128xf32, #tpu.memory_space<hbm>> -> memref<128x128xf32, #tpu.memory_space<hbm>>
      %dma_start3A_153 = arith.constant 0 : i32
      %dma_start3A_154 = tpu.memref_slice %arg4[%add3A_150, %dma_start3A_153] : memref<160000x128xf32, #tpu.memory_space<hbm>> -> memref<128x128xf32, #tpu.memory_space<hbm>>
      tpu.enqueue_dma source(%dma_start3A_154 : memref<128x128xf32, #tpu.memory_space<hbm>>) target(%arg11 : memref<128x128xf32, #tpu.memory_space<vmem>>) target_semaphore(%arg14 : memref<!tpu.dma_semaphore, #tpu.memory_space<semaphore_mem>>)
      %dma_wait3A = arith.constant 0 : i32
      %dma_wait3A_155 = tpu.memref_slice %arg4[%mul3A_4, %dma_wait3A] : memref<160000x128xf32, #tpu.memory_space<hbm>> -> memref<128x128xf32, #tpu.memory_space<hbm>>
      %dma_wait3A_156 = arith.constant 0 : i32
      %dma_wait3A_157 = tpu.memref_slice %arg4[%mul3A_4, %dma_wait3A_156] : memref<160000x128xf32, #tpu.memory_space<hbm>> -> memref<128x128xf32, #tpu.memory_space<hbm>>
      tpu.wait_dma2 semaphore(%arg13 : memref<!tpu.dma_semaphore, #tpu.memory_space<semaphore_mem>>) src(%dma_wait3A_157 : memref<128x128xf32, #tpu.memory_space<hbm>>) dst(%arg10 : memref<128x128xf32, #tpu.memory_space<vmem>>)
      "tpu.region"() ({
        %run_scoped3A_167 = tpu.sem_alloc : memref<!tpu.dma_semaphore, #tpu.memory_space<semaphore_mem>>
        %dma_start3A_168 = arith.constant 0 : i32
        %dma_start3A_169 = tpu.memref_slice %arg9[%mul3A_145, %dma_start3A_168] : memref<40x128xi32, #tpu.memory_space<vmem>> -> memref<1x128xi32, #tpu.memory_space<vmem>>
        %dma_start3A_170 = tpu.memref_squeeze %dma_start3A_169 : memref<1x128xi32, #tpu.memory_space<vmem>> -> memref<128xi32, #tpu.memory_space<vmem>>
        %dma_start3A_171 = arith.constant 0 : i32
        %dma_start3A_172 = arith.constant 0 : i32
        %dma_start3A_173 = tpu.memref_slice %arg12[%dma_start3A_171, %dma_start3A_172] : memref<10240x128xf32, #tpu.memory_space<vmem_shared>> -> memref<10240x128xf32, #tpu.memory_space<vmem_shared>>
        tpu.enqueue_indirect_dma source(%arg10 : memref<128x128xf32, #tpu.memory_space<vmem>>) target(%dma_start3A_173 : memref<10240x128xf32, #tpu.memory_space<vmem_shared>>) offsets(%dma_start3A_170 : memref<128xi32, #tpu.memory_space<vmem>>) semaphore(%run_scoped3A_167 : memref<!tpu.dma_semaphore, #tpu.memory_space<semaphore_mem>>) {add = true}
        %dma_wait3A_174 = arith.constant 0 : i32
        %dma_wait3A_175 = tpu.memref_slice %arg9[%mul3A_145, %dma_wait3A_174] : memref<40x128xi32, #tpu.memory_space<vmem>> -> memref<1x128xi32, #tpu.memory_space<vmem>>
        %dma_wait3A_176 = tpu.memref_squeeze %dma_wait3A_175 : memref<1x128xi32, #tpu.memory_space<vmem>> -> memref<128xi32, #tpu.memory_space<vmem>>
        %dma_wait3A_177 = arith.constant 0 : i32
        %dma_wait3A_178 = arith.constant 0 : i32
        %dma_wait3A_179 = tpu.memref_slice %arg12[%dma_wait3A_177, %dma_wait3A_178] : memref<10240x128xf32, #tpu.memory_space<vmem_shared>> -> memref<10240x128xf32, #tpu.memory_space<vmem_shared>>
        tpu.wait_indirect_dma semaphore(%run_scoped3A_167 : memref<!tpu.dma_semaphore, #tpu.memory_space<semaphore_mem>>) src(%arg10 : memref<128x128xf32, #tpu.memory_space<vmem>>) dst(%dma_wait3A_179 : memref<10240x128xf32, #tpu.memory_space<vmem_shared>>)
        tpu.yield
      }) : () -> ()
      %sub3A_158 = arith.constant 1 : i32
      %sub3A_159 = arith.subi %select_n3A, %sub3A_158 : i32
      %lt3A = arith.cmpi slt, %add3A_143, %sub3A_159 : i32
      %convert_element_type3A = arith.extui %lt3A : i1 to i32
      %cond3A = arith.constant 0 : i32
      %cond3A_160 = arith.cmpi ne, %convert_element_type3A, %cond3A : i32
      scf.if %cond3A_160 {
        %add3A_167 = arith.constant 2 : i32
        %add3A_168 = arith.addi %mul3A_145, %add3A_167 : i32
        %mul3A_169 = arith.constant 128 : i32
        %mul3A_170 = arith.muli %add3A_168, %mul3A_169 : i32
        %add3A_171 = arith.addi %mul3A_4, %mul3A_170 : i32
        %dma_start3A_172 = arith.constant 0 : i32
        %dma_start3A_173 = tpu.memref_slice %arg4[%add3A_171, %dma_start3A_172] : memref<160000x128xf32, #tpu.memory_space<hbm>> -> memref<128x128xf32, #tpu.memory_space<hbm>>
        %dma_start3A_174 = arith.constant 0 : i32
        %dma_start3A_175 = tpu.memref_slice %arg4[%add3A_171, %dma_start3A_174] : memref<160000x128xf32, #tpu.memory_space<hbm>> -> memref<128x128xf32, #tpu.memory_space<hbm>>
        tpu.enqueue_dma source(%dma_start3A_175 : memref<128x128xf32, #tpu.memory_space<hbm>>) target(%arg10 : memref<128x128xf32, #tpu.memory_space<vmem>>) target_semaphore(%arg13 : memref<!tpu.dma_semaphore, #tpu.memory_space<semaphore_mem>>)
      } else {
      }
      %dma_wait3A_161 = arith.constant 0 : i32
      %dma_wait3A_162 = tpu.memref_slice %arg4[%mul3A_4, %dma_wait3A_161] : memref<160000x128xf32, #tpu.memory_space<hbm>> -> memref<128x128xf32, #tpu.memory_space<hbm>>
      %dma_wait3A_163 = arith.constant 0 : i32
      %dma_wait3A_164 = tpu.memref_slice %arg4[%mul3A_4, %dma_wait3A_163] : memref<160000x128xf32, #tpu.memory_space<hbm>> -> memref<128x128xf32, #tpu.memory_space<hbm>>
      tpu.wait_dma2 semaphore(%arg14 : memref<!tpu.dma_semaphore, #tpu.memory_space<semaphore_mem>>) src(%dma_wait3A_164 : memref<128x128xf32, #tpu.memory_space<hbm>>) dst(%arg11 : memref<128x128xf32, #tpu.memory_space<vmem>>)
      %add3A_165 = arith.constant 1 : i32
      %add3A_166 = arith.addi %mul3A_145, %add3A_165 : i32
      "tpu.region"() ({
        %run_scoped3A_167 = tpu.sem_alloc : memref<!tpu.dma_semaphore, #tpu.memory_space<semaphore_mem>>
        %dma_start3A_168 = arith.constant 0 : i32
        %dma_start3A_169 = tpu.memref_slice %arg9[%add3A_166, %dma_start3A_168] : memref<40x128xi32, #tpu.memory_space<vmem>> -> memref<1x128xi32, #tpu.memory_space<vmem>>
        %dma_start3A_170 = tpu.memref_squeeze %dma_start3A_169 : memref<1x128xi32, #tpu.memory_space<vmem>> -> memref<128xi32, #tpu.memory_space<vmem>>
        %dma_start3A_171 = arith.constant 0 : i32
        %dma_start3A_172 = arith.constant 0 : i32
        %dma_start3A_173 = tpu.memref_slice %arg12[%dma_start3A_171, %dma_start3A_172] : memref<10240x128xf32, #tpu.memory_space<vmem_shared>> -> memref<10240x128xf32, #tpu.memory_space<vmem_shared>>
        tpu.enqueue_indirect_dma source(%arg11 : memref<128x128xf32, #tpu.memory_space<vmem>>) target(%dma_start3A_173 : memref<10240x128xf32, #tpu.memory_space<vmem_shared>>) offsets(%dma_start3A_170 : memref<128xi32, #tpu.memory_space<vmem>>) semaphore(%run_scoped3A_167 : memref<!tpu.dma_semaphore, #tpu.memory_space<semaphore_mem>>) {add = true}
        %dma_wait3A_174 = arith.constant 0 : i32
        %dma_wait3A_175 = tpu.memref_slice %arg9[%add3A_166, %dma_wait3A_174] : memref<40x128xi32, #tpu.memory_space<vmem>> -> memref<1x128xi32, #tpu.memory_space<vmem>>
        %dma_wait3A_176 = tpu.memref_squeeze %dma_wait3A_175 : memref<1x128xi32, #tpu.memory_space<vmem>> -> memref<128xi32, #tpu.memory_space<vmem>>
        %dma_wait3A_177 = arith.constant 0 : i32
        %dma_wait3A_178 = arith.constant 0 : i32
        %dma_wait3A_179 = tpu.memref_slice %arg12[%dma_wait3A_177, %dma_wait3A_178] : memref<10240x128xf32, #tpu.memory_space<vmem_shared>> -> memref<10240x128xf32, #tpu.memory_space<vmem_shared>>
        tpu.wait_indirect_dma semaphore(%run_scoped3A_167 : memref<!tpu.dma_semaphore, #tpu.memory_space<semaphore_mem>>) src(%arg11 : memref<128x128xf32, #tpu.memory_space<vmem>>) dst(%dma_wait3A_179 : memref<10240x128xf32, #tpu.memory_space<vmem_shared>>)
        tpu.yield
      }) : () -> ()
    }
    %barrier3A_99 = arith.constant 0 : index
    tpu.barrier barrier_id(%barrier3A_99)
    %mul3A_100 = arith.constant 640 : i32
    %mul3A_101 = arith.muli %arg1, %mul3A_100 : i32
    %mul3A_102 = arith.constant 640 : i32
    %mul3A_103 = arith.muli %arg1, %mul3A_102 : i32
    %run_scoped3A_104 = arith.constant 2 : i32
    "tpu.region"() ({
      %run_scoped3A_141 = tpu.sem_alloc : memref<!tpu.dma_semaphore, #tpu.memory_space<semaphore_mem>>
      %dma_start3A_142 = arith.constant 0 : i32
      %dma_start3A_143 = tpu.memref_slice %arg8[%run_scoped3A_104, %arg0, %mul3A_103, %dma_start3A_142] : memref<4x2x10240x128xf32, #tpu.memory_space<hbm>> -> memref<1x1x640x128xf32, #tpu.memory_space<hbm>>
      %dma_start3A_144 = tpu.memref_squeeze %dma_start3A_143 : memref<1x1x640x128xf32, #tpu.memory_space<hbm>> -> memref<640x128xf32, #tpu.memory_space<hbm>>
      %dma_start3A_145 = arith.constant 0 : i32
      %dma_start3A_146 = tpu.memref_slice %arg12[%mul3A_101, %dma_start3A_145] : memref<10240x128xf32, #tpu.memory_space<vmem_shared>> -> memref<640x128xf32, #tpu.memory_space<vmem_shared>>
      tpu.enqueue_dma source(%dma_start3A_146 : memref<640x128xf32, #tpu.memory_space<vmem_shared>>) target(%dma_start3A_144 : memref<640x128xf32, #tpu.memory_space<hbm>>) target_semaphore(%run_scoped3A_141 : memref<!tpu.dma_semaphore, #tpu.memory_space<semaphore_mem>>)
      %dma_wait3A = arith.constant 0 : i32
      %dma_wait3A_147 = tpu.memref_slice %arg8[%run_scoped3A_104, %arg0, %mul3A_103, %dma_wait3A] : memref<4x2x10240x128xf32, #tpu.memory_space<hbm>> -> memref<1x1x640x128xf32, #tpu.memory_space<hbm>>
      %dma_wait3A_148 = tpu.memref_squeeze %dma_wait3A_147 : memref<1x1x640x128xf32, #tpu.memory_space<hbm>> -> memref<640x128xf32, #tpu.memory_space<hbm>>
      %dma_wait3A_149 = arith.constant 0 : i32
      %dma_wait3A_150 = tpu.memref_slice %arg12[%mul3A_101, %dma_wait3A_149] : memref<10240x128xf32, #tpu.memory_space<vmem_shared>> -> memref<640x128xf32, #tpu.memory_space<vmem_shared>>
      tpu.wait_dma2 semaphore(%run_scoped3A_141 : memref<!tpu.dma_semaphore, #tpu.memory_space<semaphore_mem>>) src(%dma_wait3A_150 : memref<640x128xf32, #tpu.memory_space<vmem_shared>>) dst(%dma_wait3A_148 : memref<640x128xf32, #tpu.memory_space<hbm>>)
      tpu.yield
    }) : () -> ()
    %barrier3A_105 = arith.constant 0 : index
    tpu.barrier barrier_id(%barrier3A_105)
    %mul3A_106 = arith.constant 640 : i32
    %mul3A_107 = arith.muli %arg1, %mul3A_106 : i32
    %mul3A_108 = arith.constant 640 : i32
    %mul3A_109 = arith.muli %arg1, %mul3A_108 : i32
    "tpu.region"() ({
      %run_scoped3A_141 = tpu.sem_alloc : memref<!tpu.dma_semaphore, #tpu.memory_space<semaphore_mem>>
      %dma_start3A_142 = arith.constant 0 : i32
      %dma_start3A_143 = tpu.memref_slice %arg12[%mul3A_109, %dma_start3A_142] : memref<10240x128xf32, #tpu.memory_space<vmem_shared>> -> memref<640x128xf32, #tpu.memory_space<vmem_shared>>
      %dma_start3A_144 = arith.constant 0 : i32
      %dma_start3A_145 = tpu.memref_slice %arg7[%mul3A_107, %dma_start3A_144] : memref<10240x128xf32, #tpu.memory_space<hbm>> -> memref<640x128xf32, #tpu.memory_space<hbm>>
      tpu.enqueue_dma source(%dma_start3A_145 : memref<640x128xf32, #tpu.memory_space<hbm>>) target(%dma_start3A_143 : memref<640x128xf32, #tpu.memory_space<vmem_shared>>) target_semaphore(%run_scoped3A_141 : memref<!tpu.dma_semaphore, #tpu.memory_space<semaphore_mem>>)
      %dma_wait3A = arith.constant 0 : i32
      %dma_wait3A_146 = tpu.memref_slice %arg12[%mul3A_109, %dma_wait3A] : memref<10240x128xf32, #tpu.memory_space<vmem_shared>> -> memref<640x128xf32, #tpu.memory_space<vmem_shared>>
      %dma_wait3A_147 = arith.constant 0 : i32
      %dma_wait3A_148 = tpu.memref_slice %arg7[%mul3A_107, %dma_wait3A_147] : memref<10240x128xf32, #tpu.memory_space<hbm>> -> memref<640x128xf32, #tpu.memory_space<hbm>>
      tpu.wait_dma2 semaphore(%run_scoped3A_141 : memref<!tpu.dma_semaphore, #tpu.memory_space<semaphore_mem>>) src(%dma_wait3A_148 : memref<640x128xf32, #tpu.memory_space<hbm>>) dst(%dma_wait3A_146 : memref<640x128xf32, #tpu.memory_space<vmem_shared>>)
      tpu.yield
    }) : () -> ()
    %barrier3A_110 = arith.constant 0 : index
    tpu.barrier barrier_id(%barrier3A_110)
    %dma_start3A_111 = arith.constant 0 : i32
    %dma_start3A_112 = tpu.memref_slice %arg5[%mul3A_4, %dma_start3A_111] : memref<160000x128xf32, #tpu.memory_space<hbm>> -> memref<128x128xf32, #tpu.memory_space<hbm>>
    %dma_start3A_113 = arith.constant 0 : i32
    %dma_start3A_114 = tpu.memref_slice %arg5[%mul3A_4, %dma_start3A_113] : memref<160000x128xf32, #tpu.memory_space<hbm>> -> memref<128x128xf32, #tpu.memory_space<hbm>>
    tpu.enqueue_dma source(%dma_start3A_114 : memref<128x128xf32, #tpu.memory_space<hbm>>) target(%arg10 : memref<128x128xf32, #tpu.memory_space<vmem>>) target_semaphore(%arg13 : memref<!tpu.dma_semaphore, #tpu.memory_space<semaphore_mem>>)
    %sub3A_115 = arith.constant 0 : i32
    %sub3A_116 = arith.subi %select_n3A, %sub3A_115 : i32
    %sub3A_117 = arith.constant 1 : i32
    %sub3A_118 = arith.constant 1 : i32
    %sub3A_119 = arith.subi %sub3A_117, %sub3A_118 : i32
    %add3A_120 = arith.addi %sub3A_116, %sub3A_119 : i32
    %div3A_121 = arith.constant 1 : i32
    %div3A_122 = arith.divsi %add3A_120, %div3A_121 : i32
    %while3A_123 = arith.constant 1 : i32
    %while3A_124 = arith.constant 0 : i32
    %while3A_125 = arith.constant 0 : i32
    %while3A_126 = arith.subi %div3A_122, %while3A_125 : i32
    %while3A_127 = arith.addi %while3A_125, %while3A_126 : i32
    %while3A_128 = arith.constant 1 : i32
    %while3A_129 = arith.divsi %while3A_126, %while3A_128 : i32
    %while3A_130 = arith.muli %while3A_129, %while3A_128 : i32
    %while3A_131 = arith.addi %while3A_125, %while3A_130 : i32
    %while3A_132 = arith.constant 1 : i32
    scf.for %while3A_141 = %while3A_125 to %while3A_131 step %while3A_132  : i32 {
      %mul3A_142 = arith.muli %while3A_141, %while3A_123 : i32
      %add3A_143 = arith.addi %while3A_124, %mul3A_142 : i32
      %mul3A_144 = arith.constant 2 : i32
      %mul3A_145 = arith.muli %mul3A_144, %add3A_143 : i32
      %add3A_146 = arith.constant 1 : i32
      %add3A_147 = arith.addi %mul3A_145, %add3A_146 : i32
      %mul3A_148 = arith.constant 128 : i32
      %mul3A_149 = arith.muli %add3A_147, %mul3A_148 : i32
      %add3A_150 = arith.addi %mul3A_4, %mul3A_149 : i32
      %dma_start3A_151 = arith.constant 0 : i32
      %dma_start3A_152 = tpu.memref_slice %arg5[%add3A_150, %dma_start3A_151] : memref<160000x128xf32, #tpu.memory_space<hbm>> -> memref<128x128xf32, #tpu.memory_space<hbm>>
      %dma_start3A_153 = arith.constant 0 : i32
      %dma_start3A_154 = tpu.memref_slice %arg5[%add3A_150, %dma_start3A_153] : memref<160000x128xf32, #tpu.memory_space<hbm>> -> memref<128x128xf32, #tpu.memory_space<hbm>>
      tpu.enqueue_dma source(%dma_start3A_154 : memref<128x128xf32, #tpu.memory_space<hbm>>) target(%arg11 : memref<128x128xf32, #tpu.memory_space<vmem>>) target_semaphore(%arg14 : memref<!tpu.dma_semaphore, #tpu.memory_space<semaphore_mem>>)
      %dma_wait3A = arith.constant 0 : i32
      %dma_wait3A_155 = tpu.memref_slice %arg5[%mul3A_4, %dma_wait3A] : memref<160000x128xf32, #tpu.memory_space<hbm>> -> memref<128x128xf32, #tpu.memory_space<hbm>>
      %dma_wait3A_156 = arith.constant 0 : i32
      %dma_wait3A_157 = tpu.memref_slice %arg5[%mul3A_4, %dma_wait3A_156] : memref<160000x128xf32, #tpu.memory_space<hbm>> -> memref<128x128xf32, #tpu.memory_space<hbm>>
      tpu.wait_dma2 semaphore(%arg13 : memref<!tpu.dma_semaphore, #tpu.memory_space<semaphore_mem>>) src(%dma_wait3A_157 : memref<128x128xf32, #tpu.memory_space<hbm>>) dst(%arg10 : memref<128x128xf32, #tpu.memory_space<vmem>>)
      "tpu.region"() ({
        %run_scoped3A_167 = tpu.sem_alloc : memref<!tpu.dma_semaphore, #tpu.memory_space<semaphore_mem>>
        %dma_start3A_168 = arith.constant 0 : i32
        %dma_start3A_169 = tpu.memref_slice %arg9[%mul3A_145, %dma_start3A_168] : memref<40x128xi32, #tpu.memory_space<vmem>> -> memref<1x128xi32, #tpu.memory_space<vmem>>
        %dma_start3A_170 = tpu.memref_squeeze %dma_start3A_169 : memref<1x128xi32, #tpu.memory_space<vmem>> -> memref<128xi32, #tpu.memory_space<vmem>>
        %dma_start3A_171 = arith.constant 0 : i32
        %dma_start3A_172 = arith.constant 0 : i32
        %dma_start3A_173 = tpu.memref_slice %arg12[%dma_start3A_171, %dma_start3A_172] : memref<10240x128xf32, #tpu.memory_space<vmem_shared>> -> memref<10240x128xf32, #tpu.memory_space<vmem_shared>>
        tpu.enqueue_indirect_dma source(%arg10 : memref<128x128xf32, #tpu.memory_space<vmem>>) target(%dma_start3A_173 : memref<10240x128xf32, #tpu.memory_space<vmem_shared>>) offsets(%dma_start3A_170 : memref<128xi32, #tpu.memory_space<vmem>>) semaphore(%run_scoped3A_167 : memref<!tpu.dma_semaphore, #tpu.memory_space<semaphore_mem>>) {add = true}
        %dma_wait3A_174 = arith.constant 0 : i32
        %dma_wait3A_175 = tpu.memref_slice %arg9[%mul3A_145, %dma_wait3A_174] : memref<40x128xi32, #tpu.memory_space<vmem>> -> memref<1x128xi32, #tpu.memory_space<vmem>>
        %dma_wait3A_176 = tpu.memref_squeeze %dma_wait3A_175 : memref<1x128xi32, #tpu.memory_space<vmem>> -> memref<128xi32, #tpu.memory_space<vmem>>
        %dma_wait3A_177 = arith.constant 0 : i32
        %dma_wait3A_178 = arith.constant 0 : i32
        %dma_wait3A_179 = tpu.memref_slice %arg12[%dma_wait3A_177, %dma_wait3A_178] : memref<10240x128xf32, #tpu.memory_space<vmem_shared>> -> memref<10240x128xf32, #tpu.memory_space<vmem_shared>>
        tpu.wait_indirect_dma semaphore(%run_scoped3A_167 : memref<!tpu.dma_semaphore, #tpu.memory_space<semaphore_mem>>) src(%arg10 : memref<128x128xf32, #tpu.memory_space<vmem>>) dst(%dma_wait3A_179 : memref<10240x128xf32, #tpu.memory_space<vmem_shared>>)
        tpu.yield
      }) : () -> ()
      %sub3A_158 = arith.constant 1 : i32
      %sub3A_159 = arith.subi %select_n3A, %sub3A_158 : i32
      %lt3A = arith.cmpi slt, %add3A_143, %sub3A_159 : i32
      %convert_element_type3A = arith.extui %lt3A : i1 to i32
      %cond3A = arith.constant 0 : i32
      %cond3A_160 = arith.cmpi ne, %convert_element_type3A, %cond3A : i32
      scf.if %cond3A_160 {
        %add3A_167 = arith.constant 2 : i32
        %add3A_168 = arith.addi %mul3A_145, %add3A_167 : i32
        %mul3A_169 = arith.constant 128 : i32
        %mul3A_170 = arith.muli %add3A_168, %mul3A_169 : i32
        %add3A_171 = arith.addi %mul3A_4, %mul3A_170 : i32
        %dma_start3A_172 = arith.constant 0 : i32
        %dma_start3A_173 = tpu.memref_slice %arg5[%add3A_171, %dma_start3A_172] : memref<160000x128xf32, #tpu.memory_space<hbm>> -> memref<128x128xf32, #tpu.memory_space<hbm>>
        %dma_start3A_174 = arith.constant 0 : i32
        %dma_start3A_175 = tpu.memref_slice %arg5[%add3A_171, %dma_start3A_174] : memref<160000x128xf32, #tpu.memory_space<hbm>> -> memref<128x128xf32, #tpu.memory_space<hbm>>
        tpu.enqueue_dma source(%dma_start3A_175 : memref<128x128xf32, #tpu.memory_space<hbm>>) target(%arg10 : memref<128x128xf32, #tpu.memory_space<vmem>>) target_semaphore(%arg13 : memref<!tpu.dma_semaphore, #tpu.memory_space<semaphore_mem>>)
      } else {
      }
      %dma_wait3A_161 = arith.constant 0 : i32
      %dma_wait3A_162 = tpu.memref_slice %arg5[%mul3A_4, %dma_wait3A_161] : memref<160000x128xf32, #tpu.memory_space<hbm>> -> memref<128x128xf32, #tpu.memory_space<hbm>>
      %dma_wait3A_163 = arith.constant 0 : i32
      %dma_wait3A_164 = tpu.memref_slice %arg5[%mul3A_4, %dma_wait3A_163] : memref<160000x128xf32, #tpu.memory_space<hbm>> -> memref<128x128xf32, #tpu.memory_space<hbm>>
      tpu.wait_dma2 semaphore(%arg14 : memref<!tpu.dma_semaphore, #tpu.memory_space<semaphore_mem>>) src(%dma_wait3A_164 : memref<128x128xf32, #tpu.memory_space<hbm>>) dst(%arg11 : memref<128x128xf32, #tpu.memory_space<vmem>>)
      %add3A_165 = arith.constant 1 : i32
      %add3A_166 = arith.addi %mul3A_145, %add3A_165 : i32
      "tpu.region"() ({
        %run_scoped3A_167 = tpu.sem_alloc : memref<!tpu.dma_semaphore, #tpu.memory_space<semaphore_mem>>
        %dma_start3A_168 = arith.constant 0 : i32
        %dma_start3A_169 = tpu.memref_slice %arg9[%add3A_166, %dma_start3A_168] : memref<40x128xi32, #tpu.memory_space<vmem>> -> memref<1x128xi32, #tpu.memory_space<vmem>>
        %dma_start3A_170 = tpu.memref_squeeze %dma_start3A_169 : memref<1x128xi32, #tpu.memory_space<vmem>> -> memref<128xi32, #tpu.memory_space<vmem>>
        %dma_start3A_171 = arith.constant 0 : i32
        %dma_start3A_172 = arith.constant 0 : i32
        %dma_start3A_173 = tpu.memref_slice %arg12[%dma_start3A_171, %dma_start3A_172] : memref<10240x128xf32, #tpu.memory_space<vmem_shared>> -> memref<10240x128xf32, #tpu.memory_space<vmem_shared>>
        tpu.enqueue_indirect_dma source(%arg11 : memref<128x128xf32, #tpu.memory_space<vmem>>) target(%dma_start3A_173 : memref<10240x128xf32, #tpu.memory_space<vmem_shared>>) offsets(%dma_start3A_170 : memref<128xi32, #tpu.memory_space<vmem>>) semaphore(%run_scoped3A_167 : memref<!tpu.dma_semaphore, #tpu.memory_space<semaphore_mem>>) {add = true}
        %dma_wait3A_174 = arith.constant 0 : i32
        %dma_wait3A_175 = tpu.memref_slice %arg9[%add3A_166, %dma_wait3A_174] : memref<40x128xi32, #tpu.memory_space<vmem>> -> memref<1x128xi32, #tpu.memory_space<vmem>>
        %dma_wait3A_176 = tpu.memref_squeeze %dma_wait3A_175 : memref<1x128xi32, #tpu.memory_space<vmem>> -> memref<128xi32, #tpu.memory_space<vmem>>
        %dma_wait3A_177 = arith.constant 0 : i32
        %dma_wait3A_178 = arith.constant 0 : i32
        %dma_wait3A_179 = tpu.memref_slice %arg12[%dma_wait3A_177, %dma_wait3A_178] : memref<10240x128xf32, #tpu.memory_space<vmem_shared>> -> memref<10240x128xf32, #tpu.memory_space<vmem_shared>>
        tpu.wait_indirect_dma semaphore(%run_scoped3A_167 : memref<!tpu.dma_semaphore, #tpu.memory_space<semaphore_mem>>) src(%arg11 : memref<128x128xf32, #tpu.memory_space<vmem>>) dst(%dma_wait3A_179 : memref<10240x128xf32, #tpu.memory_space<vmem_shared>>)
        tpu.yield
      }) : () -> ()
    }
    %while3A_133 = arith.constant 1 : i32
    scf.for %while3A_141 = %while3A_131 to %while3A_127 step %while3A_133  : i32 {
      %mul3A_142 = arith.muli %while3A_141, %while3A_123 : i32
      %add3A_143 = arith.addi %while3A_124, %mul3A_142 : i32
      %mul3A_144 = arith.constant 2 : i32
      %mul3A_145 = arith.muli %mul3A_144, %add3A_143 : i32
      %add3A_146 = arith.constant 1 : i32
      %add3A_147 = arith.addi %mul3A_145, %add3A_146 : i32
      %mul3A_148 = arith.constant 128 : i32
      %mul3A_149 = arith.muli %add3A_147, %mul3A_148 : i32
      %add3A_150 = arith.addi %mul3A_4, %mul3A_149 : i32
      %dma_start3A_151 = arith.constant 0 : i32
      %dma_start3A_152 = tpu.memref_slice %arg5[%add3A_150, %dma_start3A_151] : memref<160000x128xf32, #tpu.memory_space<hbm>> -> memref<128x128xf32, #tpu.memory_space<hbm>>
      %dma_start3A_153 = arith.constant 0 : i32
      %dma_start3A_154 = tpu.memref_slice %arg5[%add3A_150, %dma_start3A_153] : memref<160000x128xf32, #tpu.memory_space<hbm>> -> memref<128x128xf32, #tpu.memory_space<hbm>>
      tpu.enqueue_dma source(%dma_start3A_154 : memref<128x128xf32, #tpu.memory_space<hbm>>) target(%arg11 : memref<128x128xf32, #tpu.memory_space<vmem>>) target_semaphore(%arg14 : memref<!tpu.dma_semaphore, #tpu.memory_space<semaphore_mem>>)
      %dma_wait3A = arith.constant 0 : i32
      %dma_wait3A_155 = tpu.memref_slice %arg5[%mul3A_4, %dma_wait3A] : memref<160000x128xf32, #tpu.memory_space<hbm>> -> memref<128x128xf32, #tpu.memory_space<hbm>>
      %dma_wait3A_156 = arith.constant 0 : i32
      %dma_wait3A_157 = tpu.memref_slice %arg5[%mul3A_4, %dma_wait3A_156] : memref<160000x128xf32, #tpu.memory_space<hbm>> -> memref<128x128xf32, #tpu.memory_space<hbm>>
      tpu.wait_dma2 semaphore(%arg13 : memref<!tpu.dma_semaphore, #tpu.memory_space<semaphore_mem>>) src(%dma_wait3A_157 : memref<128x128xf32, #tpu.memory_space<hbm>>) dst(%arg10 : memref<128x128xf32, #tpu.memory_space<vmem>>)
      "tpu.region"() ({
        %run_scoped3A_167 = tpu.sem_alloc : memref<!tpu.dma_semaphore, #tpu.memory_space<semaphore_mem>>
        %dma_start3A_168 = arith.constant 0 : i32
        %dma_start3A_169 = tpu.memref_slice %arg9[%mul3A_145, %dma_start3A_168] : memref<40x128xi32, #tpu.memory_space<vmem>> -> memref<1x128xi32, #tpu.memory_space<vmem>>
        %dma_start3A_170 = tpu.memref_squeeze %dma_start3A_169 : memref<1x128xi32, #tpu.memory_space<vmem>> -> memref<128xi32, #tpu.memory_space<vmem>>
        %dma_start3A_171 = arith.constant 0 : i32
        %dma_start3A_172 = arith.constant 0 : i32
        %dma_start3A_173 = tpu.memref_slice %arg12[%dma_start3A_171, %dma_start3A_172] : memref<10240x128xf32, #tpu.memory_space<vmem_shared>> -> memref<10240x128xf32, #tpu.memory_space<vmem_shared>>
        tpu.enqueue_indirect_dma source(%arg10 : memref<128x128xf32, #tpu.memory_space<vmem>>) target(%dma_start3A_173 : memref<10240x128xf32, #tpu.memory_space<vmem_shared>>) offsets(%dma_start3A_170 : memref<128xi32, #tpu.memory_space<vmem>>) semaphore(%run_scoped3A_167 : memref<!tpu.dma_semaphore, #tpu.memory_space<semaphore_mem>>) {add = true}
        %dma_wait3A_174 = arith.constant 0 : i32
        %dma_wait3A_175 = tpu.memref_slice %arg9[%mul3A_145, %dma_wait3A_174] : memref<40x128xi32, #tpu.memory_space<vmem>> -> memref<1x128xi32, #tpu.memory_space<vmem>>
        %dma_wait3A_176 = tpu.memref_squeeze %dma_wait3A_175 : memref<1x128xi32, #tpu.memory_space<vmem>> -> memref<128xi32, #tpu.memory_space<vmem>>
        %dma_wait3A_177 = arith.constant 0 : i32
        %dma_wait3A_178 = arith.constant 0 : i32
        %dma_wait3A_179 = tpu.memref_slice %arg12[%dma_wait3A_177, %dma_wait3A_178] : memref<10240x128xf32, #tpu.memory_space<vmem_shared>> -> memref<10240x128xf32, #tpu.memory_space<vmem_shared>>
        tpu.wait_indirect_dma semaphore(%run_scoped3A_167 : memref<!tpu.dma_semaphore, #tpu.memory_space<semaphore_mem>>) src(%arg10 : memref<128x128xf32, #tpu.memory_space<vmem>>) dst(%dma_wait3A_179 : memref<10240x128xf32, #tpu.memory_space<vmem_shared>>)
        tpu.yield
      }) : () -> ()
      %sub3A_158 = arith.constant 1 : i32
      %sub3A_159 = arith.subi %select_n3A, %sub3A_158 : i32
      %lt3A = arith.cmpi slt, %add3A_143, %sub3A_159 : i32
      %convert_element_type3A = arith.extui %lt3A : i1 to i32
      %cond3A = arith.constant 0 : i32
      %cond3A_160 = arith.cmpi ne, %convert_element_type3A, %cond3A : i32
      scf.if %cond3A_160 {
        %add3A_167 = arith.constant 2 : i32
        %add3A_168 = arith.addi %mul3A_145, %add3A_167 : i32
        %mul3A_169 = arith.constant 128 : i32
        %mul3A_170 = arith.muli %add3A_168, %mul3A_169 : i32
        %add3A_171 = arith.addi %mul3A_4, %mul3A_170 : i32
        %dma_start3A_172 = arith.constant 0 : i32
        %dma_start3A_173 = tpu.memref_slice %arg5[%add3A_171, %dma_start3A_172] : memref<160000x128xf32, #tpu.memory_space<hbm>> -> memref<128x128xf32, #tpu.memory_space<hbm>>
        %dma_start3A_174 = arith.constant 0 : i32
        %dma_start3A_175 = tpu.memref_slice %arg5[%add3A_171, %dma_start3A_174] : memref<160000x128xf32, #tpu.memory_space<hbm>> -> memref<128x128xf32, #tpu.memory_space<hbm>>
        tpu.enqueue_dma source(%dma_start3A_175 : memref<128x128xf32, #tpu.memory_space<hbm>>) target(%arg10 : memref<128x128xf32, #tpu.memory_space<vmem>>) target_semaphore(%arg13 : memref<!tpu.dma_semaphore, #tpu.memory_space<semaphore_mem>>)
      } else {
      }
      %dma_wait3A_161 = arith.constant 0 : i32
      %dma_wait3A_162 = tpu.memref_slice %arg5[%mul3A_4, %dma_wait3A_161] : memref<160000x128xf32, #tpu.memory_space<hbm>> -> memref<128x128xf32, #tpu.memory_space<hbm>>
      %dma_wait3A_163 = arith.constant 0 : i32
      %dma_wait3A_164 = tpu.memref_slice %arg5[%mul3A_4, %dma_wait3A_163] : memref<160000x128xf32, #tpu.memory_space<hbm>> -> memref<128x128xf32, #tpu.memory_space<hbm>>
      tpu.wait_dma2 semaphore(%arg14 : memref<!tpu.dma_semaphore, #tpu.memory_space<semaphore_mem>>) src(%dma_wait3A_164 : memref<128x128xf32, #tpu.memory_space<hbm>>) dst(%arg11 : memref<128x128xf32, #tpu.memory_space<vmem>>)
      %add3A_165 = arith.constant 1 : i32
      %add3A_166 = arith.addi %mul3A_145, %add3A_165 : i32
      "tpu.region"() ({
        %run_scoped3A_167 = tpu.sem_alloc : memref<!tpu.dma_semaphore, #tpu.memory_space<semaphore_mem>>
        %dma_start3A_168 = arith.constant 0 : i32
        %dma_start3A_169 = tpu.memref_slice %arg9[%add3A_166, %dma_start3A_168] : memref<40x128xi32, #tpu.memory_space<vmem>> -> memref<1x128xi32, #tpu.memory_space<vmem>>
        %dma_start3A_170 = tpu.memref_squeeze %dma_start3A_169 : memref<1x128xi32, #tpu.memory_space<vmem>> -> memref<128xi32, #tpu.memory_space<vmem>>
        %dma_start3A_171 = arith.constant 0 : i32
        %dma_start3A_172 = arith.constant 0 : i32
        %dma_start3A_173 = tpu.memref_slice %arg12[%dma_start3A_171, %dma_start3A_172] : memref<10240x128xf32, #tpu.memory_space<vmem_shared>> -> memref<10240x128xf32, #tpu.memory_space<vmem_shared>>
        tpu.enqueue_indirect_dma source(%arg11 : memref<128x128xf32, #tpu.memory_space<vmem>>) target(%dma_start3A_173 : memref<10240x128xf32, #tpu.memory_space<vmem_shared>>) offsets(%dma_start3A_170 : memref<128xi32, #tpu.memory_space<vmem>>) semaphore(%run_scoped3A_167 : memref<!tpu.dma_semaphore, #tpu.memory_space<semaphore_mem>>) {add = true}
        %dma_wait3A_174 = arith.constant 0 : i32
        %dma_wait3A_175 = tpu.memref_slice %arg9[%add3A_166, %dma_wait3A_174] : memref<40x128xi32, #tpu.memory_space<vmem>> -> memref<1x128xi32, #tpu.memory_space<vmem>>
        %dma_wait3A_176 = tpu.memref_squeeze %dma_wait3A_175 : memref<1x128xi32, #tpu.memory_space<vmem>> -> memref<128xi32, #tpu.memory_space<vmem>>
        %dma_wait3A_177 = arith.constant 0 : i32
        %dma_wait3A_178 = arith.constant 0 : i32
        %dma_wait3A_179 = tpu.memref_slice %arg12[%dma_wait3A_177, %dma_wait3A_178] : memref<10240x128xf32, #tpu.memory_space<vmem_shared>> -> memref<10240x128xf32, #tpu.memory_space<vmem_shared>>
        tpu.wait_indirect_dma semaphore(%run_scoped3A_167 : memref<!tpu.dma_semaphore, #tpu.memory_space<semaphore_mem>>) src(%arg11 : memref<128x128xf32, #tpu.memory_space<vmem>>) dst(%dma_wait3A_179 : memref<10240x128xf32, #tpu.memory_space<vmem_shared>>)
        tpu.yield
      }) : () -> ()
    }
    %barrier3A_134 = arith.constant 0 : index
    tpu.barrier barrier_id(%barrier3A_134)
    %mul3A_135 = arith.constant 640 : i32
    %mul3A_136 = arith.muli %arg1, %mul3A_135 : i32
    %mul3A_137 = arith.constant 640 : i32
    %mul3A_138 = arith.muli %arg1, %mul3A_137 : i32
    %run_scoped3A_139 = arith.constant 3 : i32
    "tpu.region"() ({
      %run_scoped3A_141 = tpu.sem_alloc : memref<!tpu.dma_semaphore, #tpu.memory_space<semaphore_mem>>
      %dma_start3A_142 = arith.constant 0 : i32
      %dma_start3A_143 = tpu.memref_slice %arg8[%run_scoped3A_139, %arg0, %mul3A_138, %dma_start3A_142] : memref<4x2x10240x128xf32, #tpu.memory_space<hbm>> -> memref<1x1x640x128xf32, #tpu.memory_space<hbm>>
      %dma_start3A_144 = tpu.memref_squeeze %dma_start3A_143 : memref<1x1x640x128xf32, #tpu.memory_space<hbm>> -> memref<640x128xf32, #tpu.memory_space<hbm>>
      %dma_start3A_145 = arith.constant 0 : i32
      %dma_start3A_146 = tpu.memref_slice %arg12[%mul3A_136, %dma_start3A_145] : memref<10240x128xf32, #tpu.memory_space<vmem_shared>> -> memref<640x128xf32, #tpu.memory_space<vmem_shared>>
      tpu.enqueue_dma source(%dma_start3A_146 : memref<640x128xf32, #tpu.memory_space<vmem_shared>>) target(%dma_start3A_144 : memref<640x128xf32, #tpu.memory_space<hbm>>) target_semaphore(%run_scoped3A_141 : memref<!tpu.dma_semaphore, #tpu.memory_space<semaphore_mem>>)
      %dma_wait3A = arith.constant 0 : i32
      %dma_wait3A_147 = tpu.memref_slice %arg8[%run_scoped3A_139, %arg0, %mul3A_138, %dma_wait3A] : memref<4x2x10240x128xf32, #tpu.memory_space<hbm>> -> memref<1x1x640x128xf32, #tpu.memory_space<hbm>>
      %dma_wait3A_148 = tpu.memref_squeeze %dma_wait3A_147 : memref<1x1x640x128xf32, #tpu.memory_space<hbm>> -> memref<640x128xf32, #tpu.memory_space<hbm>>
      %dma_wait3A_149 = arith.constant 0 : i32
      %dma_wait3A_150 = tpu.memref_slice %arg12[%mul3A_136, %dma_wait3A_149] : memref<10240x128xf32, #tpu.memory_space<vmem_shared>> -> memref<640x128xf32, #tpu.memory_space<vmem_shared>>
      tpu.wait_dma2 semaphore(%run_scoped3A_141 : memref<!tpu.dma_semaphore, #tpu.memory_space<semaphore_mem>>) src(%dma_wait3A_150 : memref<640x128xf32, #tpu.memory_space<vmem_shared>>) dst(%dma_wait3A_148 : memref<640x128xf32, #tpu.memory_space<hbm>>)
      tpu.yield
    }) : () -> ()
    %barrier3A_140 = arith.constant 0 : index
    tpu.barrier barrier_id(%barrier3A_140)
    return
  }
}

#map = affine_map<(d0, d1) -> (0, 0)>
#map1 = affine_map<(d0, d1) -> (0)>
module attributes {stable_mosaic.version = 14 : i64} {
  func.func @_gather_body(%arg0: i32, %arg1: i32, %arg2: memref<10000x128xf32, #tpu.memory_space<hbm>>, %arg3: memref<160000xi32, #tpu.memory_space<hbm>>, %arg4: memref<160000xi32, #tpu.memory_space<hbm>>, %arg5: memref<160000x128xf32, #tpu.memory_space<hbm>>, %arg6: memref<160000x128xf32, #tpu.memory_space<hbm>>, %arg7: memref<320xi32, #tpu.memory_space<vmem>>, %arg8: memref<320xi32, #tpu.memory_space<vmem>>, %arg9: memref<320x128xf32, #tpu.memory_space<vmem>>, %arg10: memref<320x128xf32, #tpu.memory_space<vmem>>, %arg11: memref<!tpu.dma_semaphore, #tpu.memory_space<semaphore_mem>>, %arg12: memref<!tpu.dma_semaphore, #tpu.memory_space<semaphore_mem>>, %arg13: memref<!tpu.dma_semaphore, #tpu.memory_space<semaphore_mem>>) attributes {dimension_semantics = [#tpu.dimension_semantics<core_parallel>, #tpu.dimension_semantics<subcore_parallel>], iteration_bounds = array<i64: 2, 16>, scalar_prefetch = 0 : i64, scratch_operands = 7 : i64, tpu.core_type = #tpu.core_type<sc_vector_subcore>, window_params = [{transform_indices = #map}, {transform_indices = #map1}, {transform_indices = #map1}, {transform_indices = #map}, {transform_indices = #map}]} {
    %mul3A = arith.constant 16 : i32
    %mul3A_0 = arith.muli %arg0, %mul3A : i32
    %add3A = arith.addi %mul3A_0, %arg1 : i32
    %mul3A_1 = arith.constant 5120 : i32
    %mul3A_2 = arith.muli %add3A, %mul3A_1 : i32
    %eq3A = arith.constant 31 : i32
    %eq3A_3 = arith.cmpi eq, %add3A, %eq3A : i32
    %jit3A = arith.constant 4 : i32
    %jit3A_4 = arith.constant 16 : i32
    %select_n3A = arith.select %eq3A_3, %jit3A, %jit3A_4 : i32
    %sub3A = arith.constant 0 : i32
    %sub3A_5 = arith.subi %select_n3A, %sub3A : i32
    %sub3A_6 = arith.constant 1 : i32
    %sub3A_7 = arith.constant 1 : i32
    %sub3A_8 = arith.subi %sub3A_6, %sub3A_7 : i32
    %add3A_9 = arith.addi %sub3A_5, %sub3A_8 : i32
    %div3A = arith.constant 1 : i32
    %div3A_10 = arith.divsi %add3A_9, %div3A : i32
    %while3A = arith.constant 1 : i32
    %while3A_11 = arith.constant 0 : i32
    %while3A_12 = arith.constant 0 : i32
    %while3A_13 = arith.subi %div3A_10, %while3A_12 : i32
    %while3A_14 = arith.addi %while3A_12, %while3A_13 : i32
    %while3A_15 = arith.constant 1 : i32
    %while3A_16 = arith.divsi %while3A_13, %while3A_15 : i32
    %while3A_17 = arith.muli %while3A_16, %while3A_15 : i32
    %while3A_18 = arith.addi %while3A_12, %while3A_17 : i32
    %while3A_19 = arith.constant 1 : i32
    scf.for %while3A_28 = %while3A_12 to %while3A_18 step %while3A_19  : i32 {
      %mul3A_29 = arith.muli %while3A_28, %while3A : i32
      %add3A_30 = arith.addi %while3A_11, %mul3A_29 : i32
      %mul3A_31 = arith.constant 320 : i32
      %mul3A_32 = arith.muli %add3A_30, %mul3A_31 : i32
      %add3A_33 = arith.addi %mul3A_2, %mul3A_32 : i32
      "tpu.region"() ({
        %run_scoped3A = tpu.sem_alloc : memref<!tpu.dma_semaphore, #tpu.memory_space<semaphore_mem>>
        %dma_start3A_60 = tpu.memref_slice %arg3[%add3A_33] : memref<160000xi32, #tpu.memory_space<hbm>> -> memref<320xi32, #tpu.memory_space<hbm>>
        %dma_start3A_61 = tpu.memref_slice %arg3[%add3A_33] : memref<160000xi32, #tpu.memory_space<hbm>> -> memref<320xi32, #tpu.memory_space<hbm>>
        tpu.enqueue_dma source(%dma_start3A_61 : memref<320xi32, #tpu.memory_space<hbm>>) target(%arg7 : memref<320xi32, #tpu.memory_space<vmem>>) target_semaphore(%run_scoped3A : memref<!tpu.dma_semaphore, #tpu.memory_space<semaphore_mem>>)
        %dma_wait3A_62 = tpu.memref_slice %arg3[%add3A_33] : memref<160000xi32, #tpu.memory_space<hbm>> -> memref<320xi32, #tpu.memory_space<hbm>>
        %dma_wait3A_63 = tpu.memref_slice %arg3[%add3A_33] : memref<160000xi32, #tpu.memory_space<hbm>> -> memref<320xi32, #tpu.memory_space<hbm>>
        tpu.wait_dma2 semaphore(%run_scoped3A : memref<!tpu.dma_semaphore, #tpu.memory_space<semaphore_mem>>) src(%dma_wait3A_63 : memref<320xi32, #tpu.memory_space<hbm>>) dst(%arg7 : memref<320xi32, #tpu.memory_space<vmem>>)
        tpu.yield
      }) : () -> ()
      "tpu.region"() ({
        %run_scoped3A = tpu.sem_alloc : memref<!tpu.dma_semaphore, #tpu.memory_space<semaphore_mem>>
        %dma_start3A_60 = tpu.memref_slice %arg4[%add3A_33] : memref<160000xi32, #tpu.memory_space<hbm>> -> memref<320xi32, #tpu.memory_space<hbm>>
        %dma_start3A_61 = tpu.memref_slice %arg4[%add3A_33] : memref<160000xi32, #tpu.memory_space<hbm>> -> memref<320xi32, #tpu.memory_space<hbm>>
        tpu.enqueue_dma source(%dma_start3A_61 : memref<320xi32, #tpu.memory_space<hbm>>) target(%arg8 : memref<320xi32, #tpu.memory_space<vmem>>) target_semaphore(%run_scoped3A : memref<!tpu.dma_semaphore, #tpu.memory_space<semaphore_mem>>)
        %dma_wait3A_62 = tpu.memref_slice %arg4[%add3A_33] : memref<160000xi32, #tpu.memory_space<hbm>> -> memref<320xi32, #tpu.memory_space<hbm>>
        %dma_wait3A_63 = tpu.memref_slice %arg4[%add3A_33] : memref<160000xi32, #tpu.memory_space<hbm>> -> memref<320xi32, #tpu.memory_space<hbm>>
        tpu.wait_dma2 semaphore(%run_scoped3A : memref<!tpu.dma_semaphore, #tpu.memory_space<semaphore_mem>>) src(%dma_wait3A_63 : memref<320xi32, #tpu.memory_space<hbm>>) dst(%arg8 : memref<320xi32, #tpu.memory_space<vmem>>)
        tpu.yield
      }) : () -> ()
      %gt3A = arith.constant 0 : i32
      %gt3A_34 = arith.cmpi sgt, %add3A_30, %gt3A : i32
      %convert_element_type3A = arith.extui %gt3A_34 : i1 to i32
      %cond3A = arith.constant 0 : i32
      %cond3A_35 = arith.cmpi ne, %convert_element_type3A, %cond3A : i32
      scf.if %cond3A_35 {
        %dma_wait3A_60 = arith.constant 0 : i32
        %dma_wait3A_61 = tpu.memref_slice %arg5[%add3A_33, %dma_wait3A_60] : memref<160000x128xf32, #tpu.memory_space<hbm>> -> memref<320x128xf32, #tpu.memory_space<hbm>>
        %dma_wait3A_62 = arith.constant 0 : i32
        %dma_wait3A_63 = tpu.memref_slice %arg5[%add3A_33, %dma_wait3A_62] : memref<160000x128xf32, #tpu.memory_space<hbm>> -> memref<320x128xf32, #tpu.memory_space<hbm>>
        tpu.wait_dma2 semaphore(%arg12 : memref<!tpu.dma_semaphore, #tpu.memory_space<semaphore_mem>>) src(%arg9 : memref<320x128xf32, #tpu.memory_space<vmem>>) dst(%dma_wait3A_63 : memref<320x128xf32, #tpu.memory_space<hbm>>)
      } else {
      }
      %dma_start3A = arith.constant 0 : i32
      %dma_start3A_36 = arith.constant 0 : i32
      %dma_start3A_37 = tpu.memref_slice %arg2[%dma_start3A, %dma_start3A_36] : memref<10000x128xf32, #tpu.memory_space<hbm>> -> memref<10000x128xf32, #tpu.memory_space<hbm>>
      tpu.enqueue_indirect_dma source(%dma_start3A_37 : memref<10000x128xf32, #tpu.memory_space<hbm>>) target(%arg9 : memref<320x128xf32, #tpu.memory_space<vmem>>) offsets(%arg7 : memref<320xi32, #tpu.memory_space<vmem>>) semaphore(%arg11 : memref<!tpu.dma_semaphore, #tpu.memory_space<semaphore_mem>>)
      %dma_wait3A_38 = arith.constant 0 : i32
      %dma_wait3A_39 = arith.constant 0 : i32
      %dma_wait3A_40 = tpu.memref_slice %arg2[%dma_wait3A_38, %dma_wait3A_39] : memref<10000x128xf32, #tpu.memory_space<hbm>> -> memref<10000x128xf32, #tpu.memory_space<hbm>>
      tpu.wait_indirect_dma semaphore(%arg11 : memref<!tpu.dma_semaphore, #tpu.memory_space<semaphore_mem>>) src(%dma_wait3A_40 : memref<10000x128xf32, #tpu.memory_space<hbm>>) dst(%arg9 : memref<320x128xf32, #tpu.memory_space<vmem>>)
      %dma_start3A_41 = arith.constant 0 : i32
      %dma_start3A_42 = tpu.memref_slice %arg5[%add3A_33, %dma_start3A_41] : memref<160000x128xf32, #tpu.memory_space<hbm>> -> memref<320x128xf32, #tpu.memory_space<hbm>>
      %dma_start3A_43 = arith.constant 0 : i32
      %dma_start3A_44 = tpu.memref_slice %arg5[%add3A_33, %dma_start3A_43] : memref<160000x128xf32, #tpu.memory_space<hbm>> -> memref<320x128xf32, #tpu.memory_space<hbm>>
      tpu.enqueue_dma source(%arg9 : memref<320x128xf32, #tpu.memory_space<vmem>>) target(%dma_start3A_44 : memref<320x128xf32, #tpu.memory_space<hbm>>) target_semaphore(%arg12 : memref<!tpu.dma_semaphore, #tpu.memory_space<semaphore_mem>>)
      %gt3A_45 = arith.constant 0 : i32
      %gt3A_46 = arith.cmpi sgt, %add3A_30, %gt3A_45 : i32
      %convert_element_type3A_47 = arith.extui %gt3A_46 : i1 to i32
      %cond3A_48 = arith.constant 0 : i32
      %cond3A_49 = arith.cmpi ne, %convert_element_type3A_47, %cond3A_48 : i32
      scf.if %cond3A_49 {
        %dma_wait3A_60 = arith.constant 0 : i32
        %dma_wait3A_61 = tpu.memref_slice %arg6[%add3A_33, %dma_wait3A_60] : memref<160000x128xf32, #tpu.memory_space<hbm>> -> memref<320x128xf32, #tpu.memory_space<hbm>>
        %dma_wait3A_62 = arith.constant 0 : i32
        %dma_wait3A_63 = tpu.memref_slice %arg6[%add3A_33, %dma_wait3A_62] : memref<160000x128xf32, #tpu.memory_space<hbm>> -> memref<320x128xf32, #tpu.memory_space<hbm>>
        tpu.wait_dma2 semaphore(%arg13 : memref<!tpu.dma_semaphore, #tpu.memory_space<semaphore_mem>>) src(%arg10 : memref<320x128xf32, #tpu.memory_space<vmem>>) dst(%dma_wait3A_63 : memref<320x128xf32, #tpu.memory_space<hbm>>)
      } else {
      }
      %dma_start3A_50 = arith.constant 0 : i32
      %dma_start3A_51 = arith.constant 0 : i32
      %dma_start3A_52 = tpu.memref_slice %arg2[%dma_start3A_50, %dma_start3A_51] : memref<10000x128xf32, #tpu.memory_space<hbm>> -> memref<10000x128xf32, #tpu.memory_space<hbm>>
      tpu.enqueue_indirect_dma source(%dma_start3A_52 : memref<10000x128xf32, #tpu.memory_space<hbm>>) target(%arg10 : memref<320x128xf32, #tpu.memory_space<vmem>>) offsets(%arg8 : memref<320xi32, #tpu.memory_space<vmem>>) semaphore(%arg11 : memref<!tpu.dma_semaphore, #tpu.memory_space<semaphore_mem>>)
      %dma_wait3A_53 = arith.constant 0 : i32
      %dma_wait3A_54 = arith.constant 0 : i32
      %dma_wait3A_55 = tpu.memref_slice %arg2[%dma_wait3A_53, %dma_wait3A_54] : memref<10000x128xf32, #tpu.memory_space<hbm>> -> memref<10000x128xf32, #tpu.memory_space<hbm>>
      tpu.wait_indirect_dma semaphore(%arg11 : memref<!tpu.dma_semaphore, #tpu.memory_space<semaphore_mem>>) src(%dma_wait3A_55 : memref<10000x128xf32, #tpu.memory_space<hbm>>) dst(%arg10 : memref<320x128xf32, #tpu.memory_space<vmem>>)
      %dma_start3A_56 = arith.constant 0 : i32
      %dma_start3A_57 = tpu.memref_slice %arg6[%add3A_33, %dma_start3A_56] : memref<160000x128xf32, #tpu.memory_space<hbm>> -> memref<320x128xf32, #tpu.memory_space<hbm>>
      %dma_start3A_58 = arith.constant 0 : i32
      %dma_start3A_59 = tpu.memref_slice %arg6[%add3A_33, %dma_start3A_58] : memref<160000x128xf32, #tpu.memory_space<hbm>> -> memref<320x128xf32, #tpu.memory_space<hbm>>
      tpu.enqueue_dma source(%arg10 : memref<320x128xf32, #tpu.memory_space<vmem>>) target(%dma_start3A_59 : memref<320x128xf32, #tpu.memory_space<hbm>>) target_semaphore(%arg13 : memref<!tpu.dma_semaphore, #tpu.memory_space<semaphore_mem>>)
    }
    %while3A_20 = arith.constant 1 : i32
    scf.for %while3A_28 = %while3A_18 to %while3A_14 step %while3A_20  : i32 {
      %mul3A_29 = arith.muli %while3A_28, %while3A : i32
      %add3A_30 = arith.addi %while3A_11, %mul3A_29 : i32
      %mul3A_31 = arith.constant 320 : i32
      %mul3A_32 = arith.muli %add3A_30, %mul3A_31 : i32
      %add3A_33 = arith.addi %mul3A_2, %mul3A_32 : i32
      "tpu.region"() ({
        %run_scoped3A = tpu.sem_alloc : memref<!tpu.dma_semaphore, #tpu.memory_space<semaphore_mem>>
        %dma_start3A_60 = tpu.memref_slice %arg3[%add3A_33] : memref<160000xi32, #tpu.memory_space<hbm>> -> memref<320xi32, #tpu.memory_space<hbm>>
        %dma_start3A_61 = tpu.memref_slice %arg3[%add3A_33] : memref<160000xi32, #tpu.memory_space<hbm>> -> memref<320xi32, #tpu.memory_space<hbm>>
        tpu.enqueue_dma source(%dma_start3A_61 : memref<320xi32, #tpu.memory_space<hbm>>) target(%arg7 : memref<320xi32, #tpu.memory_space<vmem>>) target_semaphore(%run_scoped3A : memref<!tpu.dma_semaphore, #tpu.memory_space<semaphore_mem>>)
        %dma_wait3A_62 = tpu.memref_slice %arg3[%add3A_33] : memref<160000xi32, #tpu.memory_space<hbm>> -> memref<320xi32, #tpu.memory_space<hbm>>
        %dma_wait3A_63 = tpu.memref_slice %arg3[%add3A_33] : memref<160000xi32, #tpu.memory_space<hbm>> -> memref<320xi32, #tpu.memory_space<hbm>>
        tpu.wait_dma2 semaphore(%run_scoped3A : memref<!tpu.dma_semaphore, #tpu.memory_space<semaphore_mem>>) src(%dma_wait3A_63 : memref<320xi32, #tpu.memory_space<hbm>>) dst(%arg7 : memref<320xi32, #tpu.memory_space<vmem>>)
        tpu.yield
      }) : () -> ()
      "tpu.region"() ({
        %run_scoped3A = tpu.sem_alloc : memref<!tpu.dma_semaphore, #tpu.memory_space<semaphore_mem>>
        %dma_start3A_60 = tpu.memref_slice %arg4[%add3A_33] : memref<160000xi32, #tpu.memory_space<hbm>> -> memref<320xi32, #tpu.memory_space<hbm>>
        %dma_start3A_61 = tpu.memref_slice %arg4[%add3A_33] : memref<160000xi32, #tpu.memory_space<hbm>> -> memref<320xi32, #tpu.memory_space<hbm>>
        tpu.enqueue_dma source(%dma_start3A_61 : memref<320xi32, #tpu.memory_space<hbm>>) target(%arg8 : memref<320xi32, #tpu.memory_space<vmem>>) target_semaphore(%run_scoped3A : memref<!tpu.dma_semaphore, #tpu.memory_space<semaphore_mem>>)
        %dma_wait3A_62 = tpu.memref_slice %arg4[%add3A_33] : memref<160000xi32, #tpu.memory_space<hbm>> -> memref<320xi32, #tpu.memory_space<hbm>>
        %dma_wait3A_63 = tpu.memref_slice %arg4[%add3A_33] : memref<160000xi32, #tpu.memory_space<hbm>> -> memref<320xi32, #tpu.memory_space<hbm>>
        tpu.wait_dma2 semaphore(%run_scoped3A : memref<!tpu.dma_semaphore, #tpu.memory_space<semaphore_mem>>) src(%dma_wait3A_63 : memref<320xi32, #tpu.memory_space<hbm>>) dst(%arg8 : memref<320xi32, #tpu.memory_space<vmem>>)
        tpu.yield
      }) : () -> ()
      %gt3A = arith.constant 0 : i32
      %gt3A_34 = arith.cmpi sgt, %add3A_30, %gt3A : i32
      %convert_element_type3A = arith.extui %gt3A_34 : i1 to i32
      %cond3A = arith.constant 0 : i32
      %cond3A_35 = arith.cmpi ne, %convert_element_type3A, %cond3A : i32
      scf.if %cond3A_35 {
        %dma_wait3A_60 = arith.constant 0 : i32
        %dma_wait3A_61 = tpu.memref_slice %arg5[%add3A_33, %dma_wait3A_60] : memref<160000x128xf32, #tpu.memory_space<hbm>> -> memref<320x128xf32, #tpu.memory_space<hbm>>
        %dma_wait3A_62 = arith.constant 0 : i32
        %dma_wait3A_63 = tpu.memref_slice %arg5[%add3A_33, %dma_wait3A_62] : memref<160000x128xf32, #tpu.memory_space<hbm>> -> memref<320x128xf32, #tpu.memory_space<hbm>>
        tpu.wait_dma2 semaphore(%arg12 : memref<!tpu.dma_semaphore, #tpu.memory_space<semaphore_mem>>) src(%arg9 : memref<320x128xf32, #tpu.memory_space<vmem>>) dst(%dma_wait3A_63 : memref<320x128xf32, #tpu.memory_space<hbm>>)
      } else {
      }
      %dma_start3A = arith.constant 0 : i32
      %dma_start3A_36 = arith.constant 0 : i32
      %dma_start3A_37 = tpu.memref_slice %arg2[%dma_start3A, %dma_start3A_36] : memref<10000x128xf32, #tpu.memory_space<hbm>> -> memref<10000x128xf32, #tpu.memory_space<hbm>>
      tpu.enqueue_indirect_dma source(%dma_start3A_37 : memref<10000x128xf32, #tpu.memory_space<hbm>>) target(%arg9 : memref<320x128xf32, #tpu.memory_space<vmem>>) offsets(%arg7 : memref<320xi32, #tpu.memory_space<vmem>>) semaphore(%arg11 : memref<!tpu.dma_semaphore, #tpu.memory_space<semaphore_mem>>)
      %dma_wait3A_38 = arith.constant 0 : i32
      %dma_wait3A_39 = arith.constant 0 : i32
      %dma_wait3A_40 = tpu.memref_slice %arg2[%dma_wait3A_38, %dma_wait3A_39] : memref<10000x128xf32, #tpu.memory_space<hbm>> -> memref<10000x128xf32, #tpu.memory_space<hbm>>
      tpu.wait_indirect_dma semaphore(%arg11 : memref<!tpu.dma_semaphore, #tpu.memory_space<semaphore_mem>>) src(%dma_wait3A_40 : memref<10000x128xf32, #tpu.memory_space<hbm>>) dst(%arg9 : memref<320x128xf32, #tpu.memory_space<vmem>>)
      %dma_start3A_41 = arith.constant 0 : i32
      %dma_start3A_42 = tpu.memref_slice %arg5[%add3A_33, %dma_start3A_41] : memref<160000x128xf32, #tpu.memory_space<hbm>> -> memref<320x128xf32, #tpu.memory_space<hbm>>
      %dma_start3A_43 = arith.constant 0 : i32
      %dma_start3A_44 = tpu.memref_slice %arg5[%add3A_33, %dma_start3A_43] : memref<160000x128xf32, #tpu.memory_space<hbm>> -> memref<320x128xf32, #tpu.memory_space<hbm>>
      tpu.enqueue_dma source(%arg9 : memref<320x128xf32, #tpu.memory_space<vmem>>) target(%dma_start3A_44 : memref<320x128xf32, #tpu.memory_space<hbm>>) target_semaphore(%arg12 : memref<!tpu.dma_semaphore, #tpu.memory_space<semaphore_mem>>)
      %gt3A_45 = arith.constant 0 : i32
      %gt3A_46 = arith.cmpi sgt, %add3A_30, %gt3A_45 : i32
      %convert_element_type3A_47 = arith.extui %gt3A_46 : i1 to i32
      %cond3A_48 = arith.constant 0 : i32
      %cond3A_49 = arith.cmpi ne, %convert_element_type3A_47, %cond3A_48 : i32
      scf.if %cond3A_49 {
        %dma_wait3A_60 = arith.constant 0 : i32
        %dma_wait3A_61 = tpu.memref_slice %arg6[%add3A_33, %dma_wait3A_60] : memref<160000x128xf32, #tpu.memory_space<hbm>> -> memref<320x128xf32, #tpu.memory_space<hbm>>
        %dma_wait3A_62 = arith.constant 0 : i32
        %dma_wait3A_63 = tpu.memref_slice %arg6[%add3A_33, %dma_wait3A_62] : memref<160000x128xf32, #tpu.memory_space<hbm>> -> memref<320x128xf32, #tpu.memory_space<hbm>>
        tpu.wait_dma2 semaphore(%arg13 : memref<!tpu.dma_semaphore, #tpu.memory_space<semaphore_mem>>) src(%arg10 : memref<320x128xf32, #tpu.memory_space<vmem>>) dst(%dma_wait3A_63 : memref<320x128xf32, #tpu.memory_space<hbm>>)
      } else {
      }
      %dma_start3A_50 = arith.constant 0 : i32
      %dma_start3A_51 = arith.constant 0 : i32
      %dma_start3A_52 = tpu.memref_slice %arg2[%dma_start3A_50, %dma_start3A_51] : memref<10000x128xf32, #tpu.memory_space<hbm>> -> memref<10000x128xf32, #tpu.memory_space<hbm>>
      tpu.enqueue_indirect_dma source(%dma_start3A_52 : memref<10000x128xf32, #tpu.memory_space<hbm>>) target(%arg10 : memref<320x128xf32, #tpu.memory_space<vmem>>) offsets(%arg8 : memref<320xi32, #tpu.memory_space<vmem>>) semaphore(%arg11 : memref<!tpu.dma_semaphore, #tpu.memory_space<semaphore_mem>>)
      %dma_wait3A_53 = arith.constant 0 : i32
      %dma_wait3A_54 = arith.constant 0 : i32
      %dma_wait3A_55 = tpu.memref_slice %arg2[%dma_wait3A_53, %dma_wait3A_54] : memref<10000x128xf32, #tpu.memory_space<hbm>> -> memref<10000x128xf32, #tpu.memory_space<hbm>>
      tpu.wait_indirect_dma semaphore(%arg11 : memref<!tpu.dma_semaphore, #tpu.memory_space<semaphore_mem>>) src(%dma_wait3A_55 : memref<10000x128xf32, #tpu.memory_space<hbm>>) dst(%arg10 : memref<320x128xf32, #tpu.memory_space<vmem>>)
      %dma_start3A_56 = arith.constant 0 : i32
      %dma_start3A_57 = tpu.memref_slice %arg6[%add3A_33, %dma_start3A_56] : memref<160000x128xf32, #tpu.memory_space<hbm>> -> memref<320x128xf32, #tpu.memory_space<hbm>>
      %dma_start3A_58 = arith.constant 0 : i32
      %dma_start3A_59 = tpu.memref_slice %arg6[%add3A_33, %dma_start3A_58] : memref<160000x128xf32, #tpu.memory_space<hbm>> -> memref<320x128xf32, #tpu.memory_space<hbm>>
      tpu.enqueue_dma source(%arg10 : memref<320x128xf32, #tpu.memory_space<vmem>>) target(%dma_start3A_59 : memref<320x128xf32, #tpu.memory_space<hbm>>) target_semaphore(%arg13 : memref<!tpu.dma_semaphore, #tpu.memory_space<semaphore_mem>>)
    }
    %dma_wait3A = arith.constant 0 : i32
    %dma_wait3A_21 = tpu.memref_slice %arg5[%mul3A_2, %dma_wait3A] : memref<160000x128xf32, #tpu.memory_space<hbm>> -> memref<320x128xf32, #tpu.memory_space<hbm>>
    %dma_wait3A_22 = arith.constant 0 : i32
    %dma_wait3A_23 = tpu.memref_slice %arg5[%mul3A_2, %dma_wait3A_22] : memref<160000x128xf32, #tpu.memory_space<hbm>> -> memref<320x128xf32, #tpu.memory_space<hbm>>
    tpu.wait_dma2 semaphore(%arg12 : memref<!tpu.dma_semaphore, #tpu.memory_space<semaphore_mem>>) src(%arg9 : memref<320x128xf32, #tpu.memory_space<vmem>>) dst(%dma_wait3A_23 : memref<320x128xf32, #tpu.memory_space<hbm>>)
    %dma_wait3A_24 = arith.constant 0 : i32
    %dma_wait3A_25 = tpu.memref_slice %arg6[%mul3A_2, %dma_wait3A_24] : memref<160000x128xf32, #tpu.memory_space<hbm>> -> memref<320x128xf32, #tpu.memory_space<hbm>>
    %dma_wait3A_26 = arith.constant 0 : i32
    %dma_wait3A_27 = tpu.memref_slice %arg6[%mul3A_2, %dma_wait3A_26] : memref<160000x128xf32, #tpu.memory_space<hbm>> -> memref<320x128xf32, #tpu.memory_space<hbm>>
    tpu.wait_dma2 semaphore(%arg13 : memref<!tpu.dma_semaphore, #tpu.memory_space<semaphore_mem>>) src(%arg10 : memref<320x128xf32, #tpu.memory_space<vmem>>) dst(%dma_wait3A_27 : memref<320x128xf32, #tpu.memory_space<hbm>>)
    return
  }
}

module attributes {stable_mosaic.version = 14 : i64} {
  func.func @_node_embed_kernel(%arg0: memref<10000x5xf32, #tpu.memory_space<vmem>>, %arg1: memref<5x128xf32, #tpu.memory_space<vmem>>, %arg2: memref<1x128xf32, #tpu.memory_space<vmem>>, %arg3: memref<10000x128xf32, #tpu.memory_space<vmem>>) attributes {dimension_semantics = [], scalar_prefetch = 0 : i64, scratch_operands = 0 : i64, tpu.core_type = #tpu.core_type<tc>} {
    %get3A = arith.constant 0 : index
    %get3A_0 = arith.constant 0 : index
    %get3A_1 = vector.load %arg0[%get3A, %get3A_0] : memref<10000x5xf32, #tpu.memory_space<vmem>>, vector<10000x5xf32>
    %get3A_2 = arith.constant 0 : index
    %get3A_3 = arith.constant 0 : index
    %get3A_4 = vector.load %arg1[%get3A_2, %get3A_3] : memref<5x128xf32, #tpu.memory_space<vmem>>, vector<5x128xf32>
    %dot_general3A = arith.constant dense<0.000000e+00> : vector<10000x128xf32>
    %dot_general3A_5 = tpu.matmul %get3A_1, %get3A_4, %dot_general3A {dimension_numbers = #tpu.dot_dimension_numbers<[1], [0], [0], [1], [0, 0, 1, 1], [], []>, transpose_lhs_hint = false} : vector<10000x5xf32>, vector<5x128xf32>, vector<10000x128xf32> -> vector<10000x128xf32>
    %get3A_6 = arith.constant 0 : index
    %get3A_7 = arith.constant 0 : index
    %get3A_8 = vector.load %arg2[%get3A_6, %get3A_7] : memref<1x128xf32, #tpu.memory_space<vmem>>, vector<1x128xf32>
    %add3A = vector.broadcast %get3A_8 : vector<1x128xf32> to vector<10000x128xf32>
    %add3A_9 = arith.addf %dot_general3A_5, %add3A : vector<10000x128xf32>
    %swap3A = arith.constant 0 : index
    %swap3A_10 = arith.constant 0 : index
    %swap3A_11 = vector.load %arg3[%swap3A, %swap3A_10] : memref<10000x128xf32, #tpu.memory_space<vmem>>, vector<10000x128xf32>
    tpu.vector_store %arg3[%swap3A, %swap3A_10], %add3A_9 {strides = array<i32>} : memref<10000x128xf32, #tpu.memory_space<vmem>>, vector<10000x128xf32>,
    return
  }
}

module attributes {stable_mosaic.version = 14 : i64} {
  func.func @_edge_ea_kernel(%arg0: i32, %arg1: memref<16x6400xf32, #tpu.memory_space<vmem>>, %arg2: memref<16x128xbf16, #tpu.memory_space<vmem>>, %arg3: memref<1x128xf32, #tpu.memory_space<vmem>>, %arg4: memref<128x128xbf16, #tpu.memory_space<vmem>>, %arg5: memref<1x128xf32, #tpu.memory_space<vmem>>, %arg6: memref<6400x128xf32, #tpu.memory_space<vmem>>) attributes {dimension_semantics = [#tpu.dimension_semantics<arbitrary>], iteration_bounds = array<i64: 50>, scalar_prefetch = 0 : i64, scratch_operands = 0 : i64, tpu.core_type = #tpu.core_type<tc>, window_params = [{transform_indices = @transform_0, window_bounds = array<i64: 16, 6400>}, {pipeline_mode = #tpu.pipeline_mode<synchronous>, transform_indices = @transform_1, window_bounds = array<i64: 16, 128>}, {pipeline_mode = #tpu.pipeline_mode<synchronous>, transform_indices = @transform_2, window_bounds = array<i64: 1, 128>}, {pipeline_mode = #tpu.pipeline_mode<synchronous>, transform_indices = @transform_3, window_bounds = array<i64: 128, 128>}, {pipeline_mode = #tpu.pipeline_mode<synchronous>, transform_indices = @transform_4, window_bounds = array<i64: 1, 128>}, {transform_indices = @transform_5, window_bounds = array<i64: 6400, 128>}]} {
    %get3A = arith.constant 0 : index
    %get3A_0 = arith.constant 0 : index
    %get3A_1 = vector.load %arg1[%get3A, %get3A_0] : memref<16x6400xf32, #tpu.memory_space<vmem>>, vector<16x6400xf32>
    %convert_element_type3A = arith.truncf %get3A_1 : vector<16x6400xf32> to vector<16x6400xbf16>
    %get3A_2 = arith.constant 0 : index
    %get3A_3 = arith.constant 0 : index
    %get3A_4 = vector.load %arg2[%get3A_2, %get3A_3] : memref<16x128xbf16, #tpu.memory_space<vmem>>, vector<16x128xbf16>
    %dot_general3A = arith.constant dense<0.000000e+00> : vector<6400x128xf32>
    %dot_general3A_5 = tpu.matmul %convert_element_type3A, %get3A_4, %dot_general3A {dimension_numbers = #tpu.dot_dimension_numbers<[0], [0], [1], [1], [0, 1, 1, 1], [], []>, transpose_lhs_hint = false} : vector<16x6400xbf16>, vector<16x128xbf16>, vector<6400x128xf32> -> vector<6400x128xf32>
    %get3A_6 = arith.constant 0 : index
    %get3A_7 = arith.constant 0 : index
    %get3A_8 = vector.load %arg3[%get3A_6, %get3A_7] : memref<1x128xf32, #tpu.memory_space<vmem>>, vector<1x128xf32>
    %add3A = vector.broadcast %get3A_8 : vector<1x128xf32> to vector<6400x128xf32>
    %add3A_9 = arith.addf %dot_general3A_5, %add3A : vector<6400x128xf32>
    %logistic3A = arith.negf %add3A_9 : vector<6400x128xf32>
    %logistic3A_10 = math.exp %logistic3A : vector<6400x128xf32>
    %logistic3A_11 = arith.constant 1.000000e+00 : f32
    %logistic3A_12 = vector.broadcast %logistic3A_11 : f32 to vector<6400x128xf32>
    %logistic3A_13 = arith.addf %logistic3A_12, %logistic3A_10 : vector<6400x128xf32>
    %logistic3A_14 = arith.divf %logistic3A_12, %logistic3A_13 : vector<6400x128xf32>
    %mul3A = arith.mulf %add3A_9, %logistic3A_14 : vector<6400x128xf32>
    %convert_element_type3A_15 = arith.truncf %mul3A : vector<6400x128xf32> to vector<6400x128xbf16>
    %get3A_16 = arith.constant 0 : index
    %get3A_17 = arith.constant 0 : index
    %get3A_18 = vector.load %arg4[%get3A_16, %get3A_17] : memref<128x128xbf16, #tpu.memory_space<vmem>>, vector<128x128xbf16>
    %dot_general3A_19 = arith.constant dense<0.000000e+00> : vector<6400x128xf32>
    %dot_general3A_20 = tpu.matmul %convert_element_type3A_15, %get3A_18, %dot_general3A_19 {dimension_numbers = #tpu.dot_dimension_numbers<[1], [0], [0], [1], [0, 0, 1, 1], [], []>, transpose_lhs_hint = false} : vector<6400x128xbf16>, vector<128x128xbf16>, vector<6400x128xf32> -> vector<6400x128xf32>
    %get3A_21 = arith.constant 0 : index
    %get3A_22 = arith.constant 0 : index
    %get3A_23 = vector.load %arg5[%get3A_21, %get3A_22] : memref<1x128xf32, #tpu.memory_space<vmem>>, vector<1x128xf32>
    %add3A_24 = vector.broadcast %get3A_23 : vector<1x128xf32> to vector<6400x128xf32>
    %add3A_25 = arith.addf %dot_general3A_20, %add3A_24 : vector<6400x128xf32>
    %swap3A = arith.constant 0 : index
    %swap3A_26 = arith.constant 0 : index
    %swap3A_27 = vector.load %arg6[%swap3A, %swap3A_26] : memref<6400x128xf32, #tpu.memory_space<vmem>>, vector<6400x128xf32>
    tpu.vector_store %arg6[%swap3A, %swap3A_26], %add3A_25 {strides = array<i32>} : memref<6400x128xf32, #tpu.memory_space<vmem>>, vector<6400x128xf32>,
    return
  }
  func.func @transform_0(%arg0: i32) -> (i32, i32) {
    %c0_i32 = arith.constant 0 : i32
    %c0_i32_0 = arith.constant 0 : i32
    return %c0_i32, %arg0 : i32, i32
  }
  func.func @transform_1(%arg0: i32) -> (i32, i32) {
    %c0_i32 = arith.constant 0 : i32
    %c0_i32_0 = arith.constant 0 : i32
    %c0_i32_1 = arith.constant 0 : i32
    return %c0_i32, %c0_i32_0 : i32, i32
  }
  func.func @transform_2(%arg0: i32) -> (i32, i32) {
    %c0_i32 = arith.constant 0 : i32
    %c0_i32_0 = arith.constant 0 : i32
    %c0_i32_1 = arith.constant 0 : i32
    return %c0_i32, %c0_i32_0 : i32, i32
  }
  func.func @transform_3(%arg0: i32) -> (i32, i32) {
    %c0_i32 = arith.constant 0 : i32
    %c0_i32_0 = arith.constant 0 : i32
    %c0_i32_1 = arith.constant 0 : i32
    return %c0_i32, %c0_i32_0 : i32, i32
  }
  func.func @transform_4(%arg0: i32) -> (i32, i32) {
    %c0_i32 = arith.constant 0 : i32
    %c0_i32_0 = arith.constant 0 : i32
    %c0_i32_1 = arith.constant 0 : i32
    return %c0_i32, %c0_i32_0 : i32, i32
  }
  func.func @transform_5(%arg0: i32) -> (i32, i32) {
    %c0_i32 = arith.constant 0 : i32
    %c0_i32_0 = arith.constant 0 : i32
    return %arg0, %c0_i32 : i32, i32
  }
}

module attributes {stable_mosaic.version = 14 : i64} {
  func.func @_edge_mlp_kernel(%arg0: i32, %arg1: memref<3200x128xf32, #tpu.memory_space<vmem>>, %arg2: memref<3200x128xf32, #tpu.memory_space<vmem>>, %arg3: memref<3200x128xf32, #tpu.memory_space<vmem>>, %arg4: memref<3x3200xf32, #tpu.memory_space<vmem>>, %arg5: memref<384x256xbf16, #tpu.memory_space<vmem>>, %arg6: memref<1x256xf32, #tpu.memory_space<vmem>>, %arg7: memref<256x256xbf16, #tpu.memory_space<vmem>>, %arg8: memref<1x256xf32, #tpu.memory_space<vmem>>, %arg9: memref<3200x128xf32, #tpu.memory_space<vmem>>, %arg10: memref<3200x128xf32, #tpu.memory_space<vmem>>, %arg11: memref<3200x128xf32, #tpu.memory_space<vmem>>, %arg12: memref<3200x128xf32, #tpu.memory_space<vmem>>) attributes {dimension_semantics = [#tpu.dimension_semantics<arbitrary>], iteration_bounds = array<i64: 50>, scalar_prefetch = 0 : i64, scratch_operands = 0 : i64, tpu.core_type = #tpu.core_type<tc>, window_params = [{transform_indices = @transform_0, window_bounds = array<i64: 3200, 128>}, {transform_indices = @transform_1, window_bounds = array<i64: 3200, 128>}, {transform_indices = @transform_2, window_bounds = array<i64: 3200, 128>}, {transform_indices = @transform_3, window_bounds = array<i64: 3, 3200>}, {pipeline_mode = #tpu.pipeline_mode<synchronous>, transform_indices = @transform_4, window_bounds = array<i64: 384, 256>}, {pipeline_mode = #tpu.pipeline_mode<synchronous>, transform_indices = @transform_5, window_bounds = array<i64: 1, 256>}, {pipeline_mode = #tpu.pipeline_mode<synchronous>, transform_indices = @transform_6, window_bounds = array<i64: 256, 256>}, {pipeline_mode = #tpu.pipeline_mode<synchronous>, transform_indices = @transform_7, window_bounds = array<i64: 1, 256>}, {transform_indices = @transform_8, window_bounds = array<i64: 3200, 128>}, {transform_indices = @transform_9, window_bounds = array<i64: 3200, 128>}, {transform_indices = @transform_10, window_bounds = array<i64: 3200, 128>}, {transform_indices = @transform_11, window_bounds = array<i64: 3200, 128>}]} {
    %get3A = arith.constant 0 : index
    %get3A_0 = arith.constant 0 : index
    %get3A_1 = vector.load %arg1[%get3A, %get3A_0] : memref<3200x128xf32, #tpu.memory_space<vmem>>, vector<3200x128xf32>
    %convert_element_type3A = arith.truncf %get3A_1 : vector<3200x128xf32> to vector<3200x128xbf16>
    %get3A_2 = arith.constant 0 : index
    %get3A_3 = arith.constant 0 : index
    %get3A_4 = vector.load %arg2[%get3A_2, %get3A_3] : memref<3200x128xf32, #tpu.memory_space<vmem>>, vector<3200x128xf32>
    %convert_element_type3A_5 = arith.truncf %get3A_4 : vector<3200x128xf32> to vector<3200x128xbf16>
    %get3A_6 = arith.constant 0 : index
    %get3A_7 = arith.constant 0 : index
    %get3A_8 = vector.load %arg5[%get3A_6, %get3A_7] : memref<384x256xbf16, #tpu.memory_space<vmem>>, vector<128x256xbf16>
    %dot_general3A = arith.constant dense<0.000000e+00> : vector<3200x256xf32>
    %dot_general3A_9 = tpu.matmul %convert_element_type3A, %get3A_8, %dot_general3A {dimension_numbers = #tpu.dot_dimension_numbers<[1], [0], [0], [1], [0, 0, 1, 1], [], []>, transpose_lhs_hint = false} : vector<3200x128xbf16>, vector<128x256xbf16>, vector<3200x256xf32> -> vector<3200x256xf32>
    %get3A_10 = arith.constant 128 : index
    %get3A_11 = arith.constant 0 : index
    %get3A_12 = vector.load %arg5[%get3A_10, %get3A_11] : memref<384x256xbf16, #tpu.memory_space<vmem>>, vector<128x256xbf16>
    %dot_general3A_13 = arith.constant dense<0.000000e+00> : vector<3200x256xf32>
    %dot_general3A_14 = tpu.matmul %convert_element_type3A_5, %get3A_12, %dot_general3A_13 {dimension_numbers = #tpu.dot_dimension_numbers<[1], [0], [0], [1], [0, 0, 1, 1], [], []>, transpose_lhs_hint = false} : vector<3200x128xbf16>, vector<128x256xbf16>, vector<3200x256xf32> -> vector<3200x256xf32>
    %add3A = arith.addf %dot_general3A_9, %dot_general3A_14 : vector<3200x256xf32>
    %get3A_15 = arith.constant 0 : index
    %get3A_16 = arith.constant 0 : index
    %get3A_17 = vector.load %arg3[%get3A_15, %get3A_16] : memref<3200x128xf32, #tpu.memory_space<vmem>>, vector<3200x128xf32>
    %convert_element_type3A_18 = arith.truncf %get3A_17 : vector<3200x128xf32> to vector<3200x128xbf16>
    %get3A_19 = arith.constant 256 : index
    %get3A_20 = arith.constant 0 : index
    %get3A_21 = vector.load %arg5[%get3A_19, %get3A_20] : memref<384x256xbf16, #tpu.memory_space<vmem>>, vector<128x256xbf16>
    %dot_general3A_22 = arith.constant dense<0.000000e+00> : vector<3200x256xf32>
    %dot_general3A_23 = tpu.matmul %convert_element_type3A_18, %get3A_21, %dot_general3A_22 {dimension_numbers = #tpu.dot_dimension_numbers<[1], [0], [0], [1], [0, 0, 1, 1], [], []>, transpose_lhs_hint = false} : vector<3200x128xbf16>, vector<128x256xbf16>, vector<3200x256xf32> -> vector<3200x256xf32>
    %add3A_24 = arith.addf %add3A, %dot_general3A_23 : vector<3200x256xf32>
    %get3A_25 = arith.constant 0 : index
    %get3A_26 = arith.constant 0 : index
    %get3A_27 = vector.load %arg6[%get3A_25, %get3A_26] : memref<1x256xf32, #tpu.memory_space<vmem>>, vector<1x256xf32>
    %add3A_28 = vector.broadcast %get3A_27 : vector<1x256xf32> to vector<3200x256xf32>
    %add3A_29 = arith.addf %add3A_24, %add3A_28 : vector<3200x256xf32>
    %logistic3A = arith.negf %add3A_29 : vector<3200x256xf32>
    %logistic3A_30 = math.exp %logistic3A : vector<3200x256xf32>
    %logistic3A_31 = arith.constant 1.000000e+00 : f32
    %logistic3A_32 = vector.broadcast %logistic3A_31 : f32 to vector<3200x256xf32>
    %logistic3A_33 = arith.addf %logistic3A_32, %logistic3A_30 : vector<3200x256xf32>
    %logistic3A_34 = arith.divf %logistic3A_32, %logistic3A_33 : vector<3200x256xf32>
    %mul3A = arith.mulf %add3A_29, %logistic3A_34 : vector<3200x256xf32>
    %convert_element_type3A_35 = arith.truncf %mul3A : vector<3200x256xf32> to vector<3200x256xbf16>
    %get3A_36 = arith.constant 0 : index
    %get3A_37 = arith.constant 0 : index
    %get3A_38 = vector.load %arg7[%get3A_36, %get3A_37] : memref<256x256xbf16, #tpu.memory_space<vmem>>, vector<256x256xbf16>
    %dot_general3A_39 = arith.constant dense<0.000000e+00> : vector<3200x256xf32>
    %dot_general3A_40 = tpu.matmul %convert_element_type3A_35, %get3A_38, %dot_general3A_39 {dimension_numbers = #tpu.dot_dimension_numbers<[1], [0], [0], [1], [0, 0, 1, 1], [], []>, transpose_lhs_hint = false} : vector<3200x256xbf16>, vector<256x256xbf16>, vector<3200x256xf32> -> vector<3200x256xf32>
    %get3A_41 = arith.constant 0 : index
    %get3A_42 = arith.constant 0 : index
    %get3A_43 = vector.load %arg8[%get3A_41, %get3A_42] : memref<1x256xf32, #tpu.memory_space<vmem>>, vector<1x256xf32>
    %add3A_44 = vector.broadcast %get3A_43 : vector<1x256xf32> to vector<3200x256xf32>
    %add3A_45 = arith.addf %dot_general3A_40, %add3A_44 : vector<3200x256xf32>
    %slice3A = vector.extract_strided_slice %add3A_45 {offsets = [0, 0], sizes = [3200, 128], strides = [1, 1]} : vector<3200x256xf32> to vector<3200x128xf32>
    %mul3A_46 = arith.mulf %slice3A, %get3A_1 : vector<3200x128xf32>
    %swap3A = arith.constant 0 : index
    %swap3A_47 = arith.constant 0 : index
    %swap3A_48 = vector.load %arg9[%swap3A, %swap3A_47] : memref<3200x128xf32, #tpu.memory_space<vmem>>, vector<3200x128xf32>
    tpu.vector_store %arg9[%swap3A, %swap3A_47], %mul3A_46 {strides = array<i32>} : memref<3200x128xf32, #tpu.memory_space<vmem>>, vector<3200x128xf32>,
    %slice3A_49 = vector.extract_strided_slice %add3A_45 {offsets = [0, 128], sizes = [3200, 128], strides = [1, 1]} : vector<3200x256xf32> to vector<3200x128xf32>
    %get3A_50 = arith.constant 0 : index
    %get3A_51 = arith.constant 0 : index
    %get3A_52 = vector.load %arg4[%get3A_50, %get3A_51] : memref<3x3200xf32, #tpu.memory_space<vmem>>, vector<3x3200xf32>
    %transpose3A = tpu.transpose %get3A_52, [1, 0] : vector<3x3200xf32> -> vector<3200x3xf32>
    %slice3A_53 = vector.extract_strided_slice %transpose3A {offsets = [0, 0], sizes = [3200, 1], strides = [1, 1]} : vector<3200x3xf32> to vector<3200x1xf32>
    %mul3A_54 = vector.broadcast %slice3A_53 : vector<3200x1xf32> to vector<3200x128xf32>
    %mul3A_55 = arith.mulf %slice3A_49, %mul3A_54 : vector<3200x128xf32>
    %swap3A_56 = arith.constant 0 : index
    %swap3A_57 = arith.constant 0 : index
    %swap3A_58 = vector.load %arg10[%swap3A_56, %swap3A_57] : memref<3200x128xf32, #tpu.memory_space<vmem>>, vector<3200x128xf32>
    tpu.vector_store %arg10[%swap3A_56, %swap3A_57], %mul3A_55 {strides = array<i32>} : memref<3200x128xf32, #tpu.memory_space<vmem>>, vector<3200x128xf32>,
    %slice3A_59 = vector.extract_strided_slice %transpose3A {offsets = [0, 1], sizes = [3200, 1], strides = [1, 1]} : vector<3200x3xf32> to vector<3200x1xf32>
    %mul3A_60 = vector.broadcast %slice3A_59 : vector<3200x1xf32> to vector<3200x128xf32>
    %mul3A_61 = arith.mulf %slice3A_49, %mul3A_60 : vector<3200x128xf32>
    %swap3A_62 = arith.constant 0 : index
    %swap3A_63 = arith.constant 0 : index
    %swap3A_64 = vector.load %arg11[%swap3A_62, %swap3A_63] : memref<3200x128xf32, #tpu.memory_space<vmem>>, vector<3200x128xf32>
    tpu.vector_store %arg11[%swap3A_62, %swap3A_63], %mul3A_61 {strides = array<i32>} : memref<3200x128xf32, #tpu.memory_space<vmem>>, vector<3200x128xf32>,
    %slice3A_65 = vector.extract_strided_slice %transpose3A {offsets = [0, 2], sizes = [3200, 1], strides = [1, 1]} : vector<3200x3xf32> to vector<3200x1xf32>
    %mul3A_66 = vector.broadcast %slice3A_65 : vector<3200x1xf32> to vector<3200x128xf32>
    %mul3A_67 = arith.mulf %slice3A_49, %mul3A_66 : vector<3200x128xf32>
    %swap3A_68 = arith.constant 0 : index
    %swap3A_69 = arith.constant 0 : index
    %swap3A_70 = vector.load %arg12[%swap3A_68, %swap3A_69] : memref<3200x128xf32, #tpu.memory_space<vmem>>, vector<3200x128xf32>
    tpu.vector_store %arg12[%swap3A_68, %swap3A_69], %mul3A_67 {strides = array<i32>} : memref<3200x128xf32, #tpu.memory_space<vmem>>, vector<3200x128xf32>,
    return
  }
  func.func @transform_0(%arg0: i32) -> (i32, i32) {
    %c0_i32 = arith.constant 0 : i32
    %c0_i32_0 = arith.constant 0 : i32
    return %arg0, %c0_i32 : i32, i32
  }
  func.func @transform_1(%arg0: i32) -> (i32, i32) {
    %c0_i32 = arith.constant 0 : i32
    %c0_i32_0 = arith.constant 0 : i32
    return %arg0, %c0_i32 : i32, i32
  }
  func.func @transform_2(%arg0: i32) -> (i32, i32) {
    %add3A = arith.constant 50 : i32
    %add3A_0 = arith.addi %add3A, %arg0 : i32
    %c0_i32 = arith.constant 0 : i32
    %c0_i32_1 = arith.constant 0 : i32
    return %add3A_0, %c0_i32 : i32, i32
  }
  func.func @transform_3(%arg0: i32) -> (i32, i32) {
    %c0_i32 = arith.constant 0 : i32
    %c0_i32_0 = arith.constant 0 : i32
    return %c0_i32, %arg0 : i32, i32
  }
  func.func @transform_4(%arg0: i32) -> (i32, i32) {
    %c0_i32 = arith.constant 0 : i32
    %c0_i32_0 = arith.constant 0 : i32
    %c0_i32_1 = arith.constant 0 : i32
    return %c0_i32, %c0_i32_0 : i32, i32
  }
  func.func @transform_5(%arg0: i32) -> (i32, i32) {
    %c0_i32 = arith.constant 0 : i32
    %c0_i32_0 = arith.constant 0 : i32
    %c0_i32_1 = arith.constant 0 : i32
    return %c0_i32, %c0_i32_0 : i32, i32
  }
  func.func @transform_6(%arg0: i32) -> (i32, i32) {
    %c0_i32 = arith.constant 0 : i32
    %c0_i32_0 = arith.constant 0 : i32
    %c0_i32_1 = arith.constant 0 : i32
    return %c0_i32, %c0_i32_0 : i32, i32
  }
  func.func @transform_7(%arg0: i32) -> (i32, i32) {
    %c0_i32 = arith.constant 0 : i32
    %c0_i32_0 = arith.constant 0 : i32
    %c0_i32_1 = arith.constant 0 : i32
    return %c0_i32, %c0_i32_0 : i32, i32
  }
  func.func @transform_8(%arg0: i32) -> (i32, i32) {
    %c0_i32 = arith.constant 0 : i32
    %c0_i32_0 = arith.constant 0 : i32
    return %arg0, %c0_i32 : i32, i32
  }
  func.func @transform_9(%arg0: i32) -> (i32, i32) {
    %c0_i32 = arith.constant 0 : i32
    %c0_i32_0 = arith.constant 0 : i32
    return %arg0, %c0_i32 : i32, i32
  }
  func.func @transform_10(%arg0: i32) -> (i32, i32) {
    %c0_i32 = arith.constant 0 : i32
    %c0_i32_0 = arith.constant 0 : i32
    return %arg0, %c0_i32 : i32, i32
  }
  func.func @transform_11(%arg0: i32) -> (i32, i32) {
    %c0_i32 = arith.constant 0 : i32
    %c0_i32_0 = arith.constant 0 : i32
    return %arg0, %c0_i32 : i32, i32
  }
}

module attributes {stable_mosaic.version = 14 : i64} {
  func.func @_edge_mlp_kernel(%arg0: i32, %arg1: memref<3200x128xf32, #tpu.memory_space<vmem>>, %arg2: memref<3200x128xf32, #tpu.memory_space<vmem>>, %arg3: memref<3200x128xf32, #tpu.memory_space<vmem>>, %arg4: memref<3x3200xf32, #tpu.memory_space<vmem>>, %arg5: memref<384x256xbf16, #tpu.memory_space<vmem>>, %arg6: memref<1x256xf32, #tpu.memory_space<vmem>>, %arg7: memref<256x256xbf16, #tpu.memory_space<vmem>>, %arg8: memref<1x256xf32, #tpu.memory_space<vmem>>, %arg9: memref<3200x128xf32, #tpu.memory_space<vmem>>, %arg10: memref<3200x128xf32, #tpu.memory_space<vmem>>, %arg11: memref<3200x128xf32, #tpu.memory_space<vmem>>, %arg12: memref<3200x128xf32, #tpu.memory_space<vmem>>) attributes {dimension_semantics = [#tpu.dimension_semantics<arbitrary>], iteration_bounds = array<i64: 50>, scalar_prefetch = 0 : i64, scratch_operands = 0 : i64, tpu.core_type = #tpu.core_type<tc>, window_params = [{transform_indices = @transform_0, window_bounds = array<i64: 3200, 128>}, {transform_indices = @transform_1, window_bounds = array<i64: 3200, 128>}, {transform_indices = @transform_2, window_bounds = array<i64: 3200, 128>}, {transform_indices = @transform_3, window_bounds = array<i64: 3, 3200>}, {pipeline_mode = #tpu.pipeline_mode<synchronous>, transform_indices = @transform_4, window_bounds = array<i64: 384, 256>}, {pipeline_mode = #tpu.pipeline_mode<synchronous>, transform_indices = @transform_5, window_bounds = array<i64: 1, 256>}, {pipeline_mode = #tpu.pipeline_mode<synchronous>, transform_indices = @transform_6, window_bounds = array<i64: 256, 256>}, {pipeline_mode = #tpu.pipeline_mode<synchronous>, transform_indices = @transform_7, window_bounds = array<i64: 1, 256>}, {transform_indices = @transform_8, window_bounds = array<i64: 3200, 128>}, {transform_indices = @transform_9, window_bounds = array<i64: 3200, 128>}, {transform_indices = @transform_10, window_bounds = array<i64: 3200, 128>}, {transform_indices = @transform_11, window_bounds = array<i64: 3200, 128>}]} {
    %get3A = arith.constant 0 : index
    %get3A_0 = arith.constant 0 : index
    %get3A_1 = vector.load %arg1[%get3A, %get3A_0] : memref<3200x128xf32, #tpu.memory_space<vmem>>, vector<3200x128xf32>
    %convert_element_type3A = arith.truncf %get3A_1 : vector<3200x128xf32> to vector<3200x128xbf16>
    %get3A_2 = arith.constant 0 : index
    %get3A_3 = arith.constant 0 : index
    %get3A_4 = vector.load %arg2[%get3A_2, %get3A_3] : memref<3200x128xf32, #tpu.memory_space<vmem>>, vector<3200x128xf32>
    %convert_element_type3A_5 = arith.truncf %get3A_4 : vector<3200x128xf32> to vector<3200x128xbf16>
    %get3A_6 = arith.constant 0 : index
    %get3A_7 = arith.constant 0 : index
    %get3A_8 = vector.load %arg5[%get3A_6, %get3A_7] : memref<384x256xbf16, #tpu.memory_space<vmem>>, vector<128x256xbf16>
    %dot_general3A = arith.constant dense<0.000000e+00> : vector<3200x256xf32>
    %dot_general3A_9 = tpu.matmul %convert_element_type3A, %get3A_8, %dot_general3A {dimension_numbers = #tpu.dot_dimension_numbers<[1], [0], [0], [1], [0, 0, 1, 1], [], []>, transpose_lhs_hint = false} : vector<3200x128xbf16>, vector<128x256xbf16>, vector<3200x256xf32> -> vector<3200x256xf32>
    %get3A_10 = arith.constant 128 : index
    %get3A_11 = arith.constant 0 : index
    %get3A_12 = vector.load %arg5[%get3A_10, %get3A_11] : memref<384x256xbf16, #tpu.memory_space<vmem>>, vector<128x256xbf16>
    %dot_general3A_13 = arith.constant dense<0.000000e+00> : vector<3200x256xf32>
    %dot_general3A_14 = tpu.matmul %convert_element_type3A_5, %get3A_12, %dot_general3A_13 {dimension_numbers = #tpu.dot_dimension_numbers<[1], [0], [0], [1], [0, 0, 1, 1], [], []>, transpose_lhs_hint = false} : vector<3200x128xbf16>, vector<128x256xbf16>, vector<3200x256xf32> -> vector<3200x256xf32>
    %add3A = arith.addf %dot_general3A_9, %dot_general3A_14 : vector<3200x256xf32>
    %get3A_15 = arith.constant 0 : index
    %get3A_16 = arith.constant 0 : index
    %get3A_17 = vector.load %arg3[%get3A_15, %get3A_16] : memref<3200x128xf32, #tpu.memory_space<vmem>>, vector<3200x128xf32>
    %convert_element_type3A_18 = arith.truncf %get3A_17 : vector<3200x128xf32> to vector<3200x128xbf16>
    %get3A_19 = arith.constant 256 : index
    %get3A_20 = arith.constant 0 : index
    %get3A_21 = vector.load %arg5[%get3A_19, %get3A_20] : memref<384x256xbf16, #tpu.memory_space<vmem>>, vector<128x256xbf16>
    %dot_general3A_22 = arith.constant dense<0.000000e+00> : vector<3200x256xf32>
    %dot_general3A_23 = tpu.matmul %convert_element_type3A_18, %get3A_21, %dot_general3A_22 {dimension_numbers = #tpu.dot_dimension_numbers<[1], [0], [0], [1], [0, 0, 1, 1], [], []>, transpose_lhs_hint = false} : vector<3200x128xbf16>, vector<128x256xbf16>, vector<3200x256xf32> -> vector<3200x256xf32>
    %add3A_24 = arith.addf %add3A, %dot_general3A_23 : vector<3200x256xf32>
    %get3A_25 = arith.constant 0 : index
    %get3A_26 = arith.constant 0 : index
    %get3A_27 = vector.load %arg6[%get3A_25, %get3A_26] : memref<1x256xf32, #tpu.memory_space<vmem>>, vector<1x256xf32>
    %add3A_28 = vector.broadcast %get3A_27 : vector<1x256xf32> to vector<3200x256xf32>
    %add3A_29 = arith.addf %add3A_24, %add3A_28 : vector<3200x256xf32>
    %logistic3A = arith.negf %add3A_29 : vector<3200x256xf32>
    %logistic3A_30 = math.exp %logistic3A : vector<3200x256xf32>
    %logistic3A_31 = arith.constant 1.000000e+00 : f32
    %logistic3A_32 = vector.broadcast %logistic3A_31 : f32 to vector<3200x256xf32>
    %logistic3A_33 = arith.addf %logistic3A_32, %logistic3A_30 : vector<3200x256xf32>
    %logistic3A_34 = arith.divf %logistic3A_32, %logistic3A_33 : vector<3200x256xf32>
    %mul3A = arith.mulf %add3A_29, %logistic3A_34 : vector<3200x256xf32>
    %convert_element_type3A_35 = arith.truncf %mul3A : vector<3200x256xf32> to vector<3200x256xbf16>
    %get3A_36 = arith.constant 0 : index
    %get3A_37 = arith.constant 0 : index
    %get3A_38 = vector.load %arg7[%get3A_36, %get3A_37] : memref<256x256xbf16, #tpu.memory_space<vmem>>, vector<256x256xbf16>
    %dot_general3A_39 = arith.constant dense<0.000000e+00> : vector<3200x256xf32>
    %dot_general3A_40 = tpu.matmul %convert_element_type3A_35, %get3A_38, %dot_general3A_39 {dimension_numbers = #tpu.dot_dimension_numbers<[1], [0], [0], [1], [0, 0, 1, 1], [], []>, transpose_lhs_hint = false} : vector<3200x256xbf16>, vector<256x256xbf16>, vector<3200x256xf32> -> vector<3200x256xf32>
    %get3A_41 = arith.constant 0 : index
    %get3A_42 = arith.constant 0 : index
    %get3A_43 = vector.load %arg8[%get3A_41, %get3A_42] : memref<1x256xf32, #tpu.memory_space<vmem>>, vector<1x256xf32>
    %add3A_44 = vector.broadcast %get3A_43 : vector<1x256xf32> to vector<3200x256xf32>
    %add3A_45 = arith.addf %dot_general3A_40, %add3A_44 : vector<3200x256xf32>
    %slice3A = vector.extract_strided_slice %add3A_45 {offsets = [0, 0], sizes = [3200, 128], strides = [1, 1]} : vector<3200x256xf32> to vector<3200x128xf32>
    %mul3A_46 = arith.mulf %slice3A, %get3A_1 : vector<3200x128xf32>
    %swap3A = arith.constant 0 : index
    %swap3A_47 = arith.constant 0 : index
    %swap3A_48 = vector.load %arg9[%swap3A, %swap3A_47] : memref<3200x128xf32, #tpu.memory_space<vmem>>, vector<3200x128xf32>
    tpu.vector_store %arg9[%swap3A, %swap3A_47], %mul3A_46 {strides = array<i32>} : memref<3200x128xf32, #tpu.memory_space<vmem>>, vector<3200x128xf32>,
    %slice3A_49 = vector.extract_strided_slice %add3A_45 {offsets = [0, 128], sizes = [3200, 128], strides = [1, 1]} : vector<3200x256xf32> to vector<3200x128xf32>
    %get3A_50 = arith.constant 0 : index
    %get3A_51 = arith.constant 0 : index
    %get3A_52 = vector.load %arg4[%get3A_50, %get3A_51] : memref<3x3200xf32, #tpu.memory_space<vmem>>, vector<3x3200xf32>
    %transpose3A = tpu.transpose %get3A_52, [1, 0] : vector<3x3200xf32> -> vector<3200x3xf32>
    %slice3A_53 = vector.extract_strided_slice %transpose3A {offsets = [0, 0], sizes = [3200, 1], strides = [1, 1]} : vector<3200x3xf32> to vector<3200x1xf32>
    %mul3A_54 = vector.broadcast %slice3A_53 : vector<3200x1xf32> to vector<3200x128xf32>
    %mul3A_55 = arith.mulf %slice3A_49, %mul3A_54 : vector<3200x128xf32>
    %swap3A_56 = arith.constant 0 : index
    %swap3A_57 = arith.constant 0 : index
    %swap3A_58 = vector.load %arg10[%swap3A_56, %swap3A_57] : memref<3200x128xf32, #tpu.memory_space<vmem>>, vector<3200x128xf32>
    tpu.vector_store %arg10[%swap3A_56, %swap3A_57], %mul3A_55 {strides = array<i32>} : memref<3200x128xf32, #tpu.memory_space<vmem>>, vector<3200x128xf32>,
    %slice3A_59 = vector.extract_strided_slice %transpose3A {offsets = [0, 1], sizes = [3200, 1], strides = [1, 1]} : vector<3200x3xf32> to vector<3200x1xf32>
    %mul3A_60 = vector.broadcast %slice3A_59 : vector<3200x1xf32> to vector<3200x128xf32>
    %mul3A_61 = arith.mulf %slice3A_49, %mul3A_60 : vector<3200x128xf32>
    %swap3A_62 = arith.constant 0 : index
    %swap3A_63 = arith.constant 0 : index
    %swap3A_64 = vector.load %arg11[%swap3A_62, %swap3A_63] : memref<3200x128xf32, #tpu.memory_space<vmem>>, vector<3200x128xf32>
    tpu.vector_store %arg11[%swap3A_62, %swap3A_63], %mul3A_61 {strides = array<i32>} : memref<3200x128xf32, #tpu.memory_space<vmem>>, vector<3200x128xf32>,
    %slice3A_65 = vector.extract_strided_slice %transpose3A {offsets = [0, 2], sizes = [3200, 1], strides = [1, 1]} : vector<3200x3xf32> to vector<3200x1xf32>
    %mul3A_66 = vector.broadcast %slice3A_65 : vector<3200x1xf32> to vector<3200x128xf32>
    %mul3A_67 = arith.mulf %slice3A_49, %mul3A_66 : vector<3200x128xf32>
    %swap3A_68 = arith.constant 0 : index
    %swap3A_69 = arith.constant 0 : index
    %swap3A_70 = vector.load %arg12[%swap3A_68, %swap3A_69] : memref<3200x128xf32, #tpu.memory_space<vmem>>, vector<3200x128xf32>
    tpu.vector_store %arg12[%swap3A_68, %swap3A_69], %mul3A_67 {strides = array<i32>} : memref<3200x128xf32, #tpu.memory_space<vmem>>, vector<3200x128xf32>,
    return
  }
  func.func @transform_0(%arg0: i32) -> (i32, i32) {
    %c0_i32 = arith.constant 0 : i32
    %c0_i32_0 = arith.constant 0 : i32
    return %arg0, %c0_i32 : i32, i32
  }
  func.func @transform_1(%arg0: i32) -> (i32, i32) {
    %c0_i32 = arith.constant 0 : i32
    %c0_i32_0 = arith.constant 0 : i32
    return %arg0, %c0_i32 : i32, i32
  }
  func.func @transform_2(%arg0: i32) -> (i32, i32) {
    %add3A = arith.constant 0 : i32
    %add3A_0 = arith.addi %add3A, %arg0 : i32
    %c0_i32 = arith.constant 0 : i32
    %c0_i32_1 = arith.constant 0 : i32
    return %add3A_0, %c0_i32 : i32, i32
  }
  func.func @transform_3(%arg0: i32) -> (i32, i32) {
    %c0_i32 = arith.constant 0 : i32
    %c0_i32_0 = arith.constant 0 : i32
    return %c0_i32, %arg0 : i32, i32
  }
  func.func @transform_4(%arg0: i32) -> (i32, i32) {
    %c0_i32 = arith.constant 0 : i32
    %c0_i32_0 = arith.constant 0 : i32
    %c0_i32_1 = arith.constant 0 : i32
    return %c0_i32, %c0_i32_0 : i32, i32
  }
  func.func @transform_5(%arg0: i32) -> (i32, i32) {
    %c0_i32 = arith.constant 0 : i32
    %c0_i32_0 = arith.constant 0 : i32
    %c0_i32_1 = arith.constant 0 : i32
    return %c0_i32, %c0_i32_0 : i32, i32
  }
  func.func @transform_6(%arg0: i32) -> (i32, i32) {
    %c0_i32 = arith.constant 0 : i32
    %c0_i32_0 = arith.constant 0 : i32
    %c0_i32_1 = arith.constant 0 : i32
    return %c0_i32, %c0_i32_0 : i32, i32
  }
  func.func @transform_7(%arg0: i32) -> (i32, i32) {
    %c0_i32 = arith.constant 0 : i32
    %c0_i32_0 = arith.constant 0 : i32
    %c0_i32_1 = arith.constant 0 : i32
    return %c0_i32, %c0_i32_0 : i32, i32
  }
  func.func @transform_8(%arg0: i32) -> (i32, i32) {
    %c0_i32 = arith.constant 0 : i32
    %c0_i32_0 = arith.constant 0 : i32
    return %arg0, %c0_i32 : i32, i32
  }
  func.func @transform_9(%arg0: i32) -> (i32, i32) {
    %c0_i32 = arith.constant 0 : i32
    %c0_i32_0 = arith.constant 0 : i32
    return %arg0, %c0_i32 : i32, i32
  }
  func.func @transform_10(%arg0: i32) -> (i32, i32) {
    %c0_i32 = arith.constant 0 : i32
    %c0_i32_0 = arith.constant 0 : i32
    return %arg0, %c0_i32 : i32, i32
  }
  func.func @transform_11(%arg0: i32) -> (i32, i32) {
    %c0_i32 = arith.constant 0 : i32
    %c0_i32_0 = arith.constant 0 : i32
    return %arg0, %c0_i32 : i32, i32
  }
}

module attributes {stable_mosaic.version = 14 : i64} {
  func.func @_final_kernel(%arg0: i32, %arg1: memref<1000x128xf32, #tpu.memory_space<vmem>>, %arg2: memref<4x2x1000x128xf32, #tpu.memory_space<vmem>>, %arg3: memref<4x2x1000x128xf32, #tpu.memory_space<vmem>>, %arg4: memref<256x128xf32, #tpu.memory_space<vmem>>, %arg5: memref<1x128xf32, #tpu.memory_space<vmem>>, %arg6: memref<128x128xf32, #tpu.memory_space<vmem>>, %arg7: memref<1x128xf32, #tpu.memory_space<vmem>>, %arg8: memref<1000x128xf32, #tpu.memory_space<vmem>>, %arg9: memref<1000x128xf32, #tpu.memory_space<vmem>>, %arg10: memref<1000x128xf32, #tpu.memory_space<vmem>>, %arg11: memref<1000x128xf32, #tpu.memory_space<vmem>>) attributes {dimension_semantics = [#tpu.dimension_semantics<arbitrary>], iteration_bounds = array<i64: 10>, scalar_prefetch = 0 : i64, scratch_operands = 0 : i64, tpu.core_type = #tpu.core_type<tc>, window_params = [{transform_indices = @transform_0, window_bounds = array<i64: 1000, 128>}, {transform_indices = @transform_1, window_bounds = array<i64: 4, 2, 1000, 128>}, {transform_indices = @transform_2, window_bounds = array<i64: 4, 2, 1000, 128>}, {pipeline_mode = #tpu.pipeline_mode<synchronous>, transform_indices = @transform_3, window_bounds = array<i64: 256, 128>}, {pipeline_mode = #tpu.pipeline_mode<synchronous>, transform_indices = @transform_4, window_bounds = array<i64: 1, 128>}, {pipeline_mode = #tpu.pipeline_mode<synchronous>, transform_indices = @transform_5, window_bounds = array<i64: 128, 128>}, {pipeline_mode = #tpu.pipeline_mode<synchronous>, transform_indices = @transform_6, window_bounds = array<i64: 1, 128>}, {transform_indices = @transform_7, window_bounds = array<i64: 1000, 128>}, {transform_indices = @transform_8, window_bounds = array<i64: 1000, 128>}, {transform_indices = @transform_9, window_bounds = array<i64: 1000, 128>}, {transform_indices = @transform_10, window_bounds = array<i64: 1000, 128>}]} {
    %get3A = arith.constant 0 : index
    %get3A_0 = arith.constant 0 : index
    %get3A_1 = arith.constant 0 : index
    %get3A_2 = arith.constant 0 : index
    %get3A_3 = vector.load %arg2[%get3A, %get3A_0, %get3A_1, %get3A_2] : memref<4x2x1000x128xf32, #tpu.memory_space<vmem>>, vector<1x1x1000x128xf32>
    %get3A_4 = vector.shape_cast %get3A_3 : vector<1x1x1000x128xf32> to vector<1000x128xf32>
    %get3A_5 = arith.constant 0 : index
    %get3A_6 = arith.constant 1 : index
    %get3A_7 = arith.constant 0 : index
    %get3A_8 = arith.constant 0 : index
    %get3A_9 = vector.load %arg2[%get3A_5, %get3A_6, %get3A_7, %get3A_8] : memref<4x2x1000x128xf32, #tpu.memory_space<vmem>>, vector<1x1x1000x128xf32>
    %get3A_10 = vector.shape_cast %get3A_9 : vector<1x1x1000x128xf32> to vector<1000x128xf32>
    %add3A = arith.addf %get3A_4, %get3A_10 : vector<1000x128xf32>
    %get3A_11 = arith.constant 0 : index
    %get3A_12 = arith.constant 0 : index
    %get3A_13 = arith.constant 0 : index
    %get3A_14 = arith.constant 0 : index
    %get3A_15 = vector.load %arg3[%get3A_11, %get3A_12, %get3A_13, %get3A_14] : memref<4x2x1000x128xf32, #tpu.memory_space<vmem>>, vector<1x1x1000x128xf32>
    %get3A_16 = vector.shape_cast %get3A_15 : vector<1x1x1000x128xf32> to vector<1000x128xf32>
    %get3A_17 = arith.constant 0 : index
    %get3A_18 = arith.constant 1 : index
    %get3A_19 = arith.constant 0 : index
    %get3A_20 = arith.constant 0 : index
    %get3A_21 = vector.load %arg3[%get3A_17, %get3A_18, %get3A_19, %get3A_20] : memref<4x2x1000x128xf32, #tpu.memory_space<vmem>>, vector<1x1x1000x128xf32>
    %get3A_22 = vector.shape_cast %get3A_21 : vector<1x1x1000x128xf32> to vector<1000x128xf32>
    %add3A_23 = arith.addf %get3A_16, %get3A_22 : vector<1000x128xf32>
    %add3A_24 = arith.addf %add3A, %add3A_23 : vector<1000x128xf32>
    %get3A_25 = arith.constant 0 : index
    %get3A_26 = arith.constant 0 : index
    %get3A_27 = vector.load %arg1[%get3A_25, %get3A_26] : memref<1000x128xf32, #tpu.memory_space<vmem>>, vector<1000x128xf32>
    %get3A_28 = arith.constant 0 : index
    %get3A_29 = arith.constant 0 : index
    %get3A_30 = vector.load %arg4[%get3A_28, %get3A_29] : memref<256x128xf32, #tpu.memory_space<vmem>>, vector<128x128xf32>
    %dot_general3A = arith.constant dense<0.000000e+00> : vector<1000x128xf32>
    %dot_general3A_31 = tpu.matmul %get3A_27, %get3A_30, %dot_general3A {dimension_numbers = #tpu.dot_dimension_numbers<[1], [0], [0], [1], [0, 0, 1, 1], [], []>, transpose_lhs_hint = false} : vector<1000x128xf32>, vector<128x128xf32>, vector<1000x128xf32> -> vector<1000x128xf32>
    %get3A_32 = arith.constant 128 : index
    %get3A_33 = arith.constant 0 : index
    %get3A_34 = vector.load %arg4[%get3A_32, %get3A_33] : memref<256x128xf32, #tpu.memory_space<vmem>>, vector<128x128xf32>
    %dot_general3A_35 = arith.constant dense<0.000000e+00> : vector<1000x128xf32>
    %dot_general3A_36 = tpu.matmul %add3A_24, %get3A_34, %dot_general3A_35 {dimension_numbers = #tpu.dot_dimension_numbers<[1], [0], [0], [1], [0, 0, 1, 1], [], []>, transpose_lhs_hint = false} : vector<1000x128xf32>, vector<128x128xf32>, vector<1000x128xf32> -> vector<1000x128xf32>
    %add3A_37 = arith.addf %dot_general3A_31, %dot_general3A_36 : vector<1000x128xf32>
    %get3A_38 = arith.constant 0 : index
    %get3A_39 = arith.constant 0 : index
    %get3A_40 = vector.load %arg5[%get3A_38, %get3A_39] : memref<1x128xf32, #tpu.memory_space<vmem>>, vector<1x128xf32>
    %add3A_41 = vector.broadcast %get3A_40 : vector<1x128xf32> to vector<1000x128xf32>
    %add3A_42 = arith.addf %add3A_37, %add3A_41 : vector<1000x128xf32>
    %logistic3A = arith.negf %add3A_42 : vector<1000x128xf32>
    %logistic3A_43 = math.exp %logistic3A : vector<1000x128xf32>
    %logistic3A_44 = arith.constant 1.000000e+00 : f32
    %logistic3A_45 = vector.broadcast %logistic3A_44 : f32 to vector<1000x128xf32>
    %logistic3A_46 = arith.addf %logistic3A_45, %logistic3A_43 : vector<1000x128xf32>
    %logistic3A_47 = arith.divf %logistic3A_45, %logistic3A_46 : vector<1000x128xf32>
    %mul3A = arith.mulf %add3A_42, %logistic3A_47 : vector<1000x128xf32>
    %get3A_48 = arith.constant 0 : index
    %get3A_49 = arith.constant 0 : index
    %get3A_50 = vector.load %arg6[%get3A_48, %get3A_49] : memref<128x128xf32, #tpu.memory_space<vmem>>, vector<128x128xf32>
    %dot_general3A_51 = arith.constant dense<0.000000e+00> : vector<1000x128xf32>
    %dot_general3A_52 = tpu.matmul %mul3A, %get3A_50, %dot_general3A_51 {dimension_numbers = #tpu.dot_dimension_numbers<[1], [0], [0], [1], [0, 0, 1, 1], [], []>, transpose_lhs_hint = false} : vector<1000x128xf32>, vector<128x128xf32>, vector<1000x128xf32> -> vector<1000x128xf32>
    %get3A_53 = arith.constant 0 : index
    %get3A_54 = arith.constant 0 : index
    %get3A_55 = vector.load %arg7[%get3A_53, %get3A_54] : memref<1x128xf32, #tpu.memory_space<vmem>>, vector<1x128xf32>
    %add3A_56 = vector.broadcast %get3A_55 : vector<1x128xf32> to vector<1000x128xf32>
    %add3A_57 = arith.addf %dot_general3A_52, %add3A_56 : vector<1000x128xf32>
    %swap3A = arith.constant 0 : index
    %swap3A_58 = arith.constant 0 : index
    %swap3A_59 = vector.load %arg8[%swap3A, %swap3A_58] : memref<1000x128xf32, #tpu.memory_space<vmem>>, vector<1000x128xf32>
    tpu.vector_store %arg8[%swap3A, %swap3A_58], %add3A_57 {strides = array<i32>} : memref<1000x128xf32, #tpu.memory_space<vmem>>, vector<1000x128xf32>,
    %get3A_60 = arith.constant 1 : index
    %get3A_61 = arith.constant 0 : index
    %get3A_62 = arith.constant 0 : index
    %get3A_63 = arith.constant 0 : index
    %get3A_64 = vector.load %arg2[%get3A_60, %get3A_61, %get3A_62, %get3A_63] : memref<4x2x1000x128xf32, #tpu.memory_space<vmem>>, vector<1x1x1000x128xf32>
    %get3A_65 = vector.shape_cast %get3A_64 : vector<1x1x1000x128xf32> to vector<1000x128xf32>
    %get3A_66 = arith.constant 1 : index
    %get3A_67 = arith.constant 1 : index
    %get3A_68 = arith.constant 0 : index
    %get3A_69 = arith.constant 0 : index
    %get3A_70 = vector.load %arg2[%get3A_66, %get3A_67, %get3A_68, %get3A_69] : memref<4x2x1000x128xf32, #tpu.memory_space<vmem>>, vector<1x1x1000x128xf32>
    %get3A_71 = vector.shape_cast %get3A_70 : vector<1x1x1000x128xf32> to vector<1000x128xf32>
    %add3A_72 = arith.addf %get3A_65, %get3A_71 : vector<1000x128xf32>
    %get3A_73 = arith.constant 1 : index
    %get3A_74 = arith.constant 0 : index
    %get3A_75 = arith.constant 0 : index
    %get3A_76 = arith.constant 0 : index
    %get3A_77 = vector.load %arg3[%get3A_73, %get3A_74, %get3A_75, %get3A_76] : memref<4x2x1000x128xf32, #tpu.memory_space<vmem>>, vector<1x1x1000x128xf32>
    %get3A_78 = vector.shape_cast %get3A_77 : vector<1x1x1000x128xf32> to vector<1000x128xf32>
    %get3A_79 = arith.constant 1 : index
    %get3A_80 = arith.constant 1 : index
    %get3A_81 = arith.constant 0 : index
    %get3A_82 = arith.constant 0 : index
    %get3A_83 = vector.load %arg3[%get3A_79, %get3A_80, %get3A_81, %get3A_82] : memref<4x2x1000x128xf32, #tpu.memory_space<vmem>>, vector<1x1x1000x128xf32>
    %get3A_84 = vector.shape_cast %get3A_83 : vector<1x1x1000x128xf32> to vector<1000x128xf32>
    %add3A_85 = arith.addf %get3A_78, %get3A_84 : vector<1000x128xf32>
    %add3A_86 = arith.addf %add3A_72, %add3A_85 : vector<1000x128xf32>
    %swap3A_87 = arith.constant 0 : index
    %swap3A_88 = arith.constant 0 : index
    %swap3A_89 = vector.load %arg9[%swap3A_87, %swap3A_88] : memref<1000x128xf32, #tpu.memory_space<vmem>>, vector<1000x128xf32>
    tpu.vector_store %arg9[%swap3A_87, %swap3A_88], %add3A_86 {strides = array<i32>} : memref<1000x128xf32, #tpu.memory_space<vmem>>, vector<1000x128xf32>,
    %get3A_90 = arith.constant 2 : index
    %get3A_91 = arith.constant 0 : index
    %get3A_92 = arith.constant 0 : index
    %get3A_93 = arith.constant 0 : index
    %get3A_94 = vector.load %arg2[%get3A_90, %get3A_91, %get3A_92, %get3A_93] : memref<4x2x1000x128xf32, #tpu.memory_space<vmem>>, vector<1x1x1000x128xf32>
    %get3A_95 = vector.shape_cast %get3A_94 : vector<1x1x1000x128xf32> to vector<1000x128xf32>
    %get3A_96 = arith.constant 2 : index
    %get3A_97 = arith.constant 1 : index
    %get3A_98 = arith.constant 0 : index
    %get3A_99 = arith.constant 0 : index
    %get3A_100 = vector.load %arg2[%get3A_96, %get3A_97, %get3A_98, %get3A_99] : memref<4x2x1000x128xf32, #tpu.memory_space<vmem>>, vector<1x1x1000x128xf32>
    %get3A_101 = vector.shape_cast %get3A_100 : vector<1x1x1000x128xf32> to vector<1000x128xf32>
    %add3A_102 = arith.addf %get3A_95, %get3A_101 : vector<1000x128xf32>
    %get3A_103 = arith.constant 2 : index
    %get3A_104 = arith.constant 0 : index
    %get3A_105 = arith.constant 0 : index
    %get3A_106 = arith.constant 0 : index
    %get3A_107 = vector.load %arg3[%get3A_103, %get3A_104, %get3A_105, %get3A_106] : memref<4x2x1000x128xf32, #tpu.memory_space<vmem>>, vector<1x1x1000x128xf32>
    %get3A_108 = vector.shape_cast %get3A_107 : vector<1x1x1000x128xf32> to vector<1000x128xf32>
    %get3A_109 = arith.constant 2 : index
    %get3A_110 = arith.constant 1 : index
    %get3A_111 = arith.constant 0 : index
    %get3A_112 = arith.constant 0 : index
    %get3A_113 = vector.load %arg3[%get3A_109, %get3A_110, %get3A_111, %get3A_112] : memref<4x2x1000x128xf32, #tpu.memory_space<vmem>>, vector<1x1x1000x128xf32>
    %get3A_114 = vector.shape_cast %get3A_113 : vector<1x1x1000x128xf32> to vector<1000x128xf32>
    %add3A_115 = arith.addf %get3A_108, %get3A_114 : vector<1000x128xf32>
    %add3A_116 = arith.addf %add3A_102, %add3A_115 : vector<1000x128xf32>
    %swap3A_117 = arith.constant 0 : index
    %swap3A_118 = arith.constant 0 : index
    %swap3A_119 = vector.load %arg10[%swap3A_117, %swap3A_118] : memref<1000x128xf32, #tpu.memory_space<vmem>>, vector<1000x128xf32>
    tpu.vector_store %arg10[%swap3A_117, %swap3A_118], %add3A_116 {strides = array<i32>} : memref<1000x128xf32, #tpu.memory_space<vmem>>, vector<1000x128xf32>,
    %get3A_120 = arith.constant 3 : index
    %get3A_121 = arith.constant 0 : index
    %get3A_122 = arith.constant 0 : index
    %get3A_123 = arith.constant 0 : index
    %get3A_124 = vector.load %arg2[%get3A_120, %get3A_121, %get3A_122, %get3A_123] : memref<4x2x1000x128xf32, #tpu.memory_space<vmem>>, vector<1x1x1000x128xf32>
    %get3A_125 = vector.shape_cast %get3A_124 : vector<1x1x1000x128xf32> to vector<1000x128xf32>
    %get3A_126 = arith.constant 3 : index
    %get3A_127 = arith.constant 1 : index
    %get3A_128 = arith.constant 0 : index
    %get3A_129 = arith.constant 0 : index
    %get3A_130 = vector.load %arg2[%get3A_126, %get3A_127, %get3A_128, %get3A_129] : memref<4x2x1000x128xf32, #tpu.memory_space<vmem>>, vector<1x1x1000x128xf32>
    %get3A_131 = vector.shape_cast %get3A_130 : vector<1x1x1000x128xf32> to vector<1000x128xf32>
    %add3A_132 = arith.addf %get3A_125, %get3A_131 : vector<1000x128xf32>
    %get3A_133 = arith.constant 3 : index
    %get3A_134 = arith.constant 0 : index
    %get3A_135 = arith.constant 0 : index
    %get3A_136 = arith.constant 0 : index
    %get3A_137 = vector.load %arg3[%get3A_133, %get3A_134, %get3A_135, %get3A_136] : memref<4x2x1000x128xf32, #tpu.memory_space<vmem>>, vector<1x1x1000x128xf32>
    %get3A_138 = vector.shape_cast %get3A_137 : vector<1x1x1000x128xf32> to vector<1000x128xf32>
    %get3A_139 = arith.constant 3 : index
    %get3A_140 = arith.constant 1 : index
    %get3A_141 = arith.constant 0 : index
    %get3A_142 = arith.constant 0 : index
    %get3A_143 = vector.load %arg3[%get3A_139, %get3A_140, %get3A_141, %get3A_142] : memref<4x2x1000x128xf32, #tpu.memory_space<vmem>>, vector<1x1x1000x128xf32>
    %get3A_144 = vector.shape_cast %get3A_143 : vector<1x1x1000x128xf32> to vector<1000x128xf32>
    %add3A_145 = arith.addf %get3A_138, %get3A_144 : vector<1000x128xf32>
    %add3A_146 = arith.addf %add3A_132, %add3A_145 : vector<1000x128xf32>
    %swap3A_147 = arith.constant 0 : index
    %swap3A_148 = arith.constant 0 : index
    %swap3A_149 = vector.load %arg11[%swap3A_147, %swap3A_148] : memref<1000x128xf32, #tpu.memory_space<vmem>>, vector<1000x128xf32>
    tpu.vector_store %arg11[%swap3A_147, %swap3A_148], %add3A_146 {strides = array<i32>} : memref<1000x128xf32, #tpu.memory_space<vmem>>, vector<1000x128xf32>,
    return
  }
  func.func @transform_0(%arg0: i32) -> (i32, i32) {
    %c0_i32 = arith.constant 0 : i32
    %c0_i32_0 = arith.constant 0 : i32
    return %arg0, %c0_i32 : i32, i32
  }
  func.func @transform_1(%arg0: i32) -> (i32, i32, i32, i32) {
    %c0_i32 = arith.constant 0 : i32
    %c0_i32_0 = arith.constant 0 : i32
    %c0_i32_1 = arith.constant 0 : i32
    %c0_i32_2 = arith.constant 0 : i32
    return %c0_i32, %c0_i32_0, %arg0, %c0_i32_1 : i32, i32, i32, i32
  }
  func.func @transform_2(%arg0: i32) -> (i32, i32, i32, i32) {
    %c0_i32 = arith.constant 0 : i32
    %c0_i32_0 = arith.constant 0 : i32
    %c0_i32_1 = arith.constant 0 : i32
    %c0_i32_2 = arith.constant 0 : i32
    return %c0_i32, %c0_i32_0, %arg0, %c0_i32_1 : i32, i32, i32, i32
  }
  func.func @transform_3(%arg0: i32) -> (i32, i32) {
    %c0_i32 = arith.constant 0 : i32
    %c0_i32_0 = arith.constant 0 : i32
    %c0_i32_1 = arith.constant 0 : i32
    return %c0_i32, %c0_i32_0 : i32, i32
  }
  func.func @transform_4(%arg0: i32) -> (i32, i32) {
    %c0_i32 = arith.constant 0 : i32
    %c0_i32_0 = arith.constant 0 : i32
    %c0_i32_1 = arith.constant 0 : i32
    return %c0_i32, %c0_i32_0 : i32, i32
  }
  func.func @transform_5(%arg0: i32) -> (i32, i32) {
    %c0_i32 = arith.constant 0 : i32
    %c0_i32_0 = arith.constant 0 : i32
    %c0_i32_1 = arith.constant 0 : i32
    return %c0_i32, %c0_i32_0 : i32, i32
  }
  func.func @transform_6(%arg0: i32) -> (i32, i32) {
    %c0_i32 = arith.constant 0 : i32
    %c0_i32_0 = arith.constant 0 : i32
    %c0_i32_1 = arith.constant 0 : i32
    return %c0_i32, %c0_i32_0 : i32, i32
  }
  func.func @transform_7(%arg0: i32) -> (i32, i32) {
    %c0_i32 = arith.constant 0 : i32
    %c0_i32_0 = arith.constant 0 : i32
    return %arg0, %c0_i32 : i32, i32
  }
  func.func @transform_8(%arg0: i32) -> (i32, i32) {
    %c0_i32 = arith.constant 0 : i32
    %c0_i32_0 = arith.constant 0 : i32
    return %arg0, %c0_i32 : i32, i32
  }
  func.func @transform_9(%arg0: i32) -> (i32, i32) {
    %c0_i32 = arith.constant 0 : i32
    %c0_i32_0 = arith.constant 0 : i32
    return %arg0, %c0_i32 : i32, i32
  }
  func.func @transform_10(%arg0: i32) -> (i32, i32) {
    %c0_i32 = arith.constant 0 : i32
    %c0_i32_0 = arith.constant 0 : i32
    return %arg0, %c0_i32 : i32, i32
  }
}

</mosaic_0001>

<sc_bundles>
// kernel: kernel.11.cloned.1.call-start
scs
__scs_entry_jumppad:
0x0: {  	(pc) =	sbr.rel $0x88, $3  }
0x1: {  	(tag) =	ssettag $0x0;
	lr =	simm.s32 $0x1  }
0x2: {  	[smem:$0x3F8B] =	sst lr;
	_ =	strace $0xD0000000  }
0x3: {  	_ = 	snop  }
0x4: {  	_ = 	snop  }
0x5: {  	_ = 	snop  }
0x6: {  	_ = 	snop  }
0x7: {  	_ = 	snop  }
__scs_overlays_trampoline_lowered:
0x8: {  	[smem:$0x3F9A] =	sst s0  }
0x9: {  	[smem:$0x3F9B] =	sst s1  }
0xa: {  	[smem:$0x3F9C] =	sst s2  }
0xb: {  	[smem:$0x3F9D] =	sst s3  }
0xc: {  	[smem:$0x3F9E] =	sst s4  }
0xd: {  	[smem:$0x3F9F] =	sst s5  }
0xe: {  	[smem:$0x3FA0] =	sst s6  }
0xf: {  	[smem:$0x3FA1] =	sst s7  }
0x10: {  	[smem:$0x3FA2] =	sst s8  }
0x11: {  	[smem:$0x3FA3] =	sst s9;
	s0 =	simm.s32 @!p0 $0x0  }
0x12: {  	s1 =	sld [smem:$0x3F89];
	s0 =	simm.s32 @p0 $0x1  }
0x13: {  	[smem:$0x3FA4] =	sst s0;
	s0 =	simm.s32 @!p1 $0x0  }
0x14: {  	s2 =	sld [smem:$0x3F88];
	s0 =	simm.s32 @p1 $0x1  }
0x15: {  	[smem:$0x3FA5] =	sst s0;
	s0 =	simm.s32 @!p2 $0x0  }
0x16: {  	s3 =	sld [smem:$0x3FDB];
	s0 =	simm.s32 @p2 $0x1  }
0x17: {  	s4 =	simm.s32 $0x1BF5;
	[smem:$0x3FA7] =	sst s0  }
0x18: {  	s0 =	sld [smem:$0x3F8A];
	_ =	swait.ge [sflag:s4], $0x0  }
0x19: {  	s7 =	sld [smem:$0x3F8B]  }
0x1a: {  	s8 =	sadd.s32 $0xFFFFE003, lr  }
0x1b: {  	s9 =	sadd.s32 $0xFFFFFEF7, lr;
	s5 =	simm.s32 $0xFFFFFFFF;
	p2 =	slt.u32 s8, $0xFFFFF086  }
0x1c: {  	p1 =	slt.u32 s9, $0xF7A;
	s5 =	simm.s32 @!p2 $0x0  }
0x1d: {  	s5 =	simm.s32 @p1 $0x1;
	p0 =	seq.s32 s7, s2  }
0x1e: {  	s7 =	smul.u32 @!p0 $0xF7A, s2;
	p2 =	seq.s32 @!p0 s5, $0x0  }
0x1f: {  	s9 =	smul.u32 $0xF7A, s1;
	s8 =	simm.s32 @!p0 $0x1BF5;
	p2 =	por !p2, p0  }
0x20: {  	[sflag:s8] =	ssyncset.s32 @!p0 $0xFFFFF086;
	s6 =	sadd.s32 @!p0 s3, s7;
	s7 =	simm.s32 @!p0 $0x108  }
0x21: {  	s3 =	sadd.s32 s3, s9;
	s6 =	sadd.s32 @!p0 $0x88, s6;
	s7 =	simm.s32 @p2 $0x1082  }
0x22: {  	[simem:s7], [sflag:s8] =	dma.local @!p0 [hbm:s6], $0xF7A  }
0x23: {  	s9 =	sor.u32 $0xD0000000, s2;
	s6 =	simm.s32 $0x108;
	_ =	swait.ge @!p0 [sflag:s8], $0x0  }
0x24: {  	s3 =	sadd.s32 $0x88, s3;
	s6 =	simm.s32 @!p1 $0x1082;
	[sflag:s4] =	ssyncset.s32 $0xFFFFF086  }
0x25: {  	[simem:s6], [sflag:s4] =	dma.local [hbm:s3], $0xF7A  }
0x26: {  	[smem:$0x3F8B] =	sst s1;
	(tag) =	ssettag s2;
	_ =	strace s9  }
0x27: {  	s1 =	sld [smem:$0x3F9B]  }
0x28: {  	s2 =	sld [smem:$0x3F9C]  }
0x29: {  	s4 =	sld [smem:$0x3F9E]  }
0x2a: {  	p0 =	seq.s32 s5, $0x0;
	s5 =	sld [smem:$0x3F9F]  }
0x2b: {  	s6 =	sld [smem:$0x3FA0]  }
0x2c: {  	s7 =	sld [smem:$0x3FA1]  }
0x2d: {  	s3 =	simm.s32 $0x108;
	s8 =	sld [smem:$0x3FA2]  }
0x2e: {  	s3 =	simm.s32 @!p0 $0x1082;
	s9 =	sld [smem:$0x3FA3]  }
0x2f: {  	lr =	sadd.s32 s0, s3;
	s0 =	sld [smem:$0x3F9A]  }
0x30: {  	s3 =	sld [smem:$0x3F9D]  }
0x31: {  	[smem:$0x3FA6] =	sst s10  }
0x32: {  	s10 =	sld [smem:$0x3FA4];
	_ =	sdelay $0x3  }
0x33: {  	p0 =	seq.s32 s10, $0x1;
	s10 =	sld [smem:$0x3FA6];
	_ =	sdelay $0x3  }
0x34: {  	[smem:$0x3FA6] =	sst s10  }
0x35: {  	s10 =	sld [smem:$0x3FA5];
	_ =	sdelay $0x3  }
0x36: {  	p1 =	seq.s32 s10, $0x1;
	s10 =	sld [smem:$0x3FA6];
	_ =	sdelay $0x3  }
0x37: {  	[smem:$0x3FA6] =	sst s10  }
0x38: {  	s10 =	sld [smem:$0x3FA7]  }
0x39: {  	_ = 	snop;
	(pc) =	sbr.ind lr, $3  }
0x3a: {  	_ = 	snop  }
0x3b: {  	_ = 	snop  }
0x3c: {  	p2 =	seq.s32 s10, $0x1;
	s10 =	sld [smem:$0x3FA6]  }
0x3d: {  	_ =	shalt  }
0x3e: {  	_ =	shalt  }
0x3f: {  	_ =	shalt  }
0x40: {  	_ =	shalt  }
0x41: {  	_ =	shalt  }
0x42: {  	_ =	shalt  }
0x43: {  	_ =	shalt  }
0x44: {  	_ =	shalt  }
0x45: {  	_ =	shalt  }
0x46: {  	_ =	shalt  }
0x47: {  	_ =	shalt  }
0x48: {  	_ =	shalt  }
0x49: {  	_ =	shalt  }
0x4a: {  	_ =	shalt  }
0x4b: {  	_ =	shalt  }
0x4c: {  	_ =	shalt  }
0x4d: {  	_ =	shalt  }
0x4e: {  	_ =	shalt  }
0x4f: {  	_ =	shalt  }
0x50: {  	_ =	shalt  }
0x51: {  	_ =	shalt  }
0x52: {  	_ =	shalt  }
0x53: {  	_ =	shalt  }
0x54: {  	_ =	shalt  }
0x55: {  	_ =	shalt  }
0x56: {  	_ =	shalt  }
0x57: {  	_ =	shalt  }
0x58: {  	_ =	shalt  }
0x59: {  	_ =	shalt  }
0x5a: {  	_ =	shalt  }
0x5b: {  	_ =	shalt  }
0x5c: {  	_ =	shalt  }
0x5d: {  	_ =	shalt  }
0x5e: {  	_ =	shalt  }
0x5f: {  	_ =	shalt  }
0x60: {  	_ =	shalt  }
0x61: {  	_ =	shalt  }
0x62: {  	_ =	shalt  }
0x63: {  	_ =	shalt  }
0x64: {  	_ =	shalt  }
0x65: {  	_ =	shalt  }
0x66: {  	_ =	shalt  }
0x67: {  	_ =	shalt  }
0x68: {  	_ =	shalt  }
0x69: {  	_ =	shalt  }
0x6a: {  	_ =	shalt  }
0x6b: {  	_ =	shalt  }
0x6c: {  	_ =	shalt  }
0x6d: {  	_ =	shalt  }
0x6e: {  	_ =	shalt  }
0x6f: {  	_ =	shalt  }
0x70: {  	_ =	shalt  }
0x71: {  	_ =	shalt  }
0x72: {  	_ =	shalt  }
0x73: {  	_ =	shalt  }
0x74: {  	_ =	shalt  }
0x75: {  	_ =	shalt  }
0x76: {  	_ =	shalt  }
0x77: {  	_ =	shalt  }
0x78: {  	_ =	shalt  }
0x79: {  	_ =	shalt  }
0x7a: {  	_ =	shalt  }
0x7b: {  	_ =	shalt  }
0x7c: {  	_ =	shalt  }
0x7d: {  	_ =	shalt  }
0x7e: {  	_ =	shalt  }
0x7f: {  	_ =	shalt  }
0x80: {  	_ =	shalt  }
0x81: {  	_ =	shalt  }
0x82: {  	_ =	shalt  }
0x83: {  	_ =	shalt  }
0x84: {  	_ =	shalt  }
0x85: {  	_ =	shalt  }
0x86: {  	_ =	shalt  }
0x87: {  	_ =	shalt  }
.Lfunc_end0:
.L_simem_size_0:
called_computation_lowered:
.L_overlay_start_0:
0x88: {  	s2 =	sld [smem:$0x3FD9]  }
0x89: {  	s3 =	sld [smem:$0x3FFE];
	_ =	sdelay $0x1  }
0x8a: {  	s1 =	srdreg.scid  }
0x8b: {  	s0 =	sand.u32 $0x1, s1  }
0x8c: {  	s15 =	sshll.u32 s0, $0xA;
	s2 =	sadd.s32 s3, s2  }
0x8d: {  	s2 =	sadd.s32 s2, s15  }
0x8e: {  	[smem:$0x3FB2] =	sst s2  }
0x8f: {  	_ = 	snop  }
0x90: {  	s2 =	sld [smem:$0x3FD0];
	_ =	sdelay $0x2  }
0x91: {  	s16 =	simm.s32 $0xB;
	s4 =	simm.s32 $0x10  }
0x92: {  	[smem:s4], [sflag:s16] =	dma.local [hbm:s2], $0x1  }
0x93: {  	_ =	swait.eq [sflag:s16], $0x1  }
0x94: {  	[sflag:s16] =	ssyncset.done $0x0  }
0x95: {  	[sflag:s16] =	ssyncadd.s32 $0xFFFFFFFF  }
0x96: {  	s17 =	sld [smem:$0x10];
	(tm) =	ssettm $0x1  }
0x97: {  	s18 =	sld [smem:$0x3FFB];
	_ =	sdelay $0x3  }
0x98: {  	_ =	strace s18  }
0x99: {  	s2 =	sld [smem:$0x3FFC];
	_ =	sdelay $0x3  }
0x9a: {  	_ =	strace s2  }
0x9b: {  	s2 =	sld [smem:$0x3FFD];
	_ =	sdelay $0x3  }
0x9c: {  	_ =	strace s2  }
0x9d: {  	_ =	strace $0x8FFFFFFF  }
0x9e: {  	s19 =	sld [smem:$0x3FDB];
	_ =	sdelay $0x1  }
0x9f: {  	s20 =	simm.s32 $_scs_section_size  }
0xa0: {  	s5 =	simm.s32 $_size__tile_overlayer_lowered;
	s6 =	simm.s32 $_tile_overlayer_lowered  }
0xa1: {  	s7 =	simm.s32 $0x1BFF;
	s21 =	sshll.u32 s6, $0x1;
	s4 =	sadd.s32 s20, s19  }
0xa2: {  	s22 =	simm.s32 $0x0;
	s5 =	sshll.u32 s5, $0x1;
	s6 =	sadd.s32 s21, s4  }
0xa3: {  	[timem:s22], [sflag:s7] =	dma.local [hbm:s6], s5  }
0xa4: {  	_ =	swait.ge [sflag:s7], s5  }
0xa5: {  	s5 =	ssub.s32 $0x0, s5;
	[sflag:s7] =	ssyncset.done $0x0  }
0xa6: {  	[sflag:s7] =	ssyncadd.s32 s5;
	_ =	sdelay $0x1  }
0xa7: {  	s23 =	simm.s32 $0x1B8B  }
0xa8: {  	_ =	swait.ge [sflag:s23], $0x1  }
0xa9: {  	[sflag:s23] =	ssyncset.done $0x0  }
0xaa: {  	[sflag:s23] =	ssyncadd.s32 $0xFFFFFFFF  }
0xab: {  	s5 =	sld [smem:$0x0]  }
0xac: {  	s6 =	sand.u32 $0xFFFFFFFE, s1  }
0xad: {  	p0 =	sne.s32 s1, s6  }
0xae: {  	s6 =	sshll.u32 @p0 s6, $0xE  }
0xaf: {  	s6 =	sadd.s32 @p0 $0x11B8D, s6;
	s7 =	sshll.u32 @p0 s5, $0x11  }
0xb0: {  	s6 =	sor.u32 @p0 s7, s6  }
0xb1: {  	[sflag:s6] =	ssyncadd.remote.s32 @p0 $0x1;
	_ =	sdelay $0x1  }
0xb2: {  	s6 =	simm.s32 @p0 $0x1B8D  }
0xb3: {  	_ =	swait.eq @p0 [sflag:s6], $0x1  }
0xb4: {  	[sflag:s6] =	ssyncadd.s32 @p0 $0xFFFFFFFF  }
0xb5: {  	s7 =	sshll.u32 @!p0 s1, $0xE  }
0xb6: {  	s7 =	sor.u32 @!p0 $0x4000, s7;
	s6 =	simm.s32 @!p0 $0x1B8D  }
0xb7: {  	s5 =	sshll.u32 @!p0 s5, $0x11;
	s7 =	sadd.s32 @!p0 $0x11B8D, s7;
	_ =	swait.eq @!p0 [sflag:s6], $0x1  }
0xb8: {  	s5 =	sor.u32 @!p0 s5, s7;
	[sflag:s6] =	ssyncadd.s32 @!p0 $0xFFFFFFFF  }
0xb9: {  	s25 =	simm.s32 $0x1B8E;
	s24 =	sld [smem:$0x3FFE];
	[sflag:s5] =	ssyncadd.remote.s32 @!p0 $0x1  }
0xba: {  	s26 =	simm.s32 $execute0_lowered;
	[smem:$0x3FD2] =	sst s25  }
0xbb: {  	s6 =	sshll.u32 s26, $0x1;
	_ =	strace $0x80000049;
	[dreg:$0x1] =	wrdreg $0xFFFFFFFF  }
0xbc: {  	s28 =	simm.s32 $_size_execute0_lowered;
	s4 =	sadd.s32 s4, s6;
	[dreg:$0x0] =	wrdreg $0x0  }
0xbd: {  	s6 =	sshll.u32 s28, $0x1;
	[dreg:$0x2] =	wrdreg s4  }
0xbe: {  	[dreg:$0x3] =	wrdreg s6  }
0xbf: {  	[dreg:$0x4] =	wrdreg $0xC0  }
0xc0: {  	_ =	task [dreg:s22], $0x5FFFF  }
0xc1: {  	[dreg:$0x1] =	wrdreg $0xFFFFFFFF  }
0xc2: {  	[dreg:$0x0] =	wrdreg $0x60  }
0xc3: {  	[dreg:$0x2] =	wrdreg s17  }
0xc4: {  	[dreg:$0x3] =	wrdreg s24  }
0xc5: {  	[dreg:$0x4] =	wrdreg $0x9  }
0xc6: {  	_ =	task.clear_ibuf [dreg:s22], $0x5FFFF;
	_ =	strace $0x90000049  }
0xc7: {  	s29 =	simm.s32 $0x9;
	_ =	strace $0x8000004B  }
0xc8: {  	_ =	swait.ge [sflag:s29], $0x1  }
0xc9: {  	[sflag:s29] =	ssyncadd.s32 $0xFFFFFFFF  }
0xca: {  	_ =	strace $0x9000004B  }
0xcb: {  	_ =	sfence  }
0xcc: {  	s30 =	sld [smem:$0x0];
	_ =	sdelay $0x2  }
0xcd: {  	s31 =	sshll.u32 s1, $0xD;
	s1 =	sshrl.u32 s1, $0x2  }
0xce: {  	s4 =	sand.u32 $0x4000, s31;
	s1 =	sadd.s32 s1, s30  }
0xcf: {  	s0 =	sor.u32 s4, s0;
	s1 =	sshll.u32 s1, $0x11  }
0xd0: {  	s0 =	sor.u32 s1, s0  }
0xd1: {  	s0 =	sadd.s32 $0x8F2B, s0  }
0xd2: {  	[sflag:s0] =	ssyncadd.remote.s32 $0x1  }
0xd3: {  	_ =	sfence.sel $0xFFFF  }
0xd4: {  	[dreg:$0x0] =	wrdreg $0xFFFFFFFF;
	(pc) =	sbr.abs _section_cstart, $3  }
0xd5: {  	[dreg:$0x1] =	wrdreg $0xFFFFFFFF  }
0xd6: {  	_ =	task.clear_ibuf [dreg:s22], $0x2FFFF;
	_ =	strace $0x9FFFFFFF  }
0xd7: {  	(tm) =	ssettm $0x7FFFFFFF  }
tec
execute0_lowered:
.L_overlay_start_1:
0x0: {  	(tag) =	ssettag $0x1  }
0x1: {  	s1 =	rddreg [dreg:$0x0]  }
0x2: {  	s6 =	rddreg [dreg:$0x1];
	s2 =	simm.s32 $0x0;
	s4 =	srdreg.scid  }
0x3: {  	s20 =	simm.s32 $0x1;
	s21 =	simm.s32 $0xA300;
	s22 =	simm.s32 $0x2  }
0x4: {  	s23 =	simm.s32 $0x0;
	[smem:$0x7FF] =	sst s2;
	s3 =	sadd.s32 $0x4F2A00, s6  }
0x5: {  	s5 =	sadd.s32 $0x4EDA00, s6;
	s12 =	sadd.s32 $0x4F7A00, s6;
	s13 =	sand.u32 $0x1, s4  }
0x6: {  	s4 =	stileid.u32;
	s14 =	sadd.s32 $0x768A00, s6;
	s16 =	smul.u32 $0x140000, s13  }
0x7: {  	s6 =	simm.s32 $0x3;
	_ =	strace $0x8000004A;
	s17 =	smul.u32 $0x14000, s4  }
0x8: {  	s7 =	ssub.s32 $0x2, s13;
	s8 =	sshll.u32 s13, $0x4;
	s18 =	smul.u32 $0x14000, s13  }
0x9: {  	s19 =	smul.u32 $0x1400, s4;
	s28 =	sshrl.u32 s7, $0x1;
	s8 =	sor.u32 s4, s8  }
0xa: {  	s9 =	ssub.s32 s7, s28;
	s10 =	smul.u32 $0x1400, s8;
	p0 =	seq.s32 s8, $0x1F  }
0xb: {  	s7 =	simm.s32 $0x3;
	s15 =	smul.u32 $0x14000, s8;
	s29 =	sadd.s32 s16, s12  }
0xc: {  	s16 =	sadd.s32 s16, s14;
	s31 =	sadd.s32 s19, s18;
	s18 =	simm.s32 $0x140  }
0xd: {  	s19 =	simm.s32 $0x300;
	s7 =	simm.s32 @!p0 $0xF;
	s8 =	smax.u32 s9, $0x1  }
0xe: {  	s13 =	sadd.s32 s17, s29;
	s30 =	sadd.s32 s17, s16;
	s16 =	simm.s32 $0x4  }
0xf: {  	s17 =	simm.s32 $0x180;
	s10 =	sshrl.u32 s10, $0x3;
	s11 =	sadd.s32 s12, s15  }
0x10: {  	s12 =	sadd.s32 s14, s15;
	s13 =	sadd.s32 $0x1400, s13;
	s14 =	sadd.s32 $0x1400, s30  }
0x11: {  	s15 =	sor.u32 $0x140, s31;
	s9 =	sadd.s32 s3, s10;
	s10 =	sadd.s32 s5, s10  }
.LBB2_1:
0x12: {  	[tilespmem:s2], [sflag:$0x4] =	stream.linear.gather [hbm4b:s9+s2], $0x140, $0x38;
	[tilespmem:$0x14300] =	vst v63  }
0x13: {  	_ =	swait.ge [sflag:s16], $0x140  }
0x14: {  	[sflag:s16] =	ssyncset.done $0x0  }
0x15: {  	[sflag:s16] =	ssyncadd.s32 $0xFFFFFEC0  }
0x16: {  	[tilespmem:s17], [sflag:$0x4] =	stream.linear.gather [hbm4b:s10+s2], $0x140, $0x38;
	[tilespmem:$0x14300] =	vst v63  }
0x17: {  	_ =	swait.ge [sflag:s16], $0x140  }
0x18: {  	[sflag:s16] =	ssyncset.done $0x0  }
0x19: {  	[sflag:s16] =	ssyncadd.s32 $0xFFFFFEC0  }
0x1a: {  	[tilespmem:s19], [sflag:$0x1] =	stream.indirect.gather [hbm4b:s1+s18], $0x80, s2, s18, $0xb8;
	[tilespmem:$0x14300] =	vst v63  }
0x1b: {  	_ =	swait.ge [sflag:s20], $0xA000  }
0x1c: {  	[sflag:s20] =	ssyncset.done $0x0  }
0x1d: {  	[sflag:s20] =	ssyncadd.s32 $0xFFFF6000  }
0x1e: {  	[hbm4b:s11+s2] =	stream.linear.scatter [tilespmem:s19], [sflag:$0x2], $0xA000, $0x38;
	[tilespmem:$0x14300] =	vst v63  }
0x1f: {  	p1 =	sne.s32 s7, $0x1  }
0x20: {  	[tilespmem:s21], [sflag:$0x1] =	stream.indirect.gather [hbm4b:s1+s18], $0x80, s17, s18, $0xb8;
	[tilespmem:$0x14300] =	vst v63  }
.Ltmp0:
0x21: {  	_ = 	snop;
	(pc) =	sbr.rel @!p1 .LBB2_2-.Ltmp0, $4  }
0x22: {  	_ =	swait.ge [sflag:s20], $0xA000  }
0x23: {  	s26 =	sshrl.u32 s15, $0x3;
	s24 =	sadd.s32 $0xFFFFFFFF, s7;
	[sflag:s20] =	ssyncset.done $0x0  }
0x24: {  	s25 =	sadd.s32 $0x140, s15;
	p0 =	por $0x0, $0x0;
	[sflag:s20] =	ssyncadd.s32 $0xFFFF6000  }
0x25: {  	[hbm4b:s12+s2] =	stream.linear.scatter [tilespmem:s21], [sflag:$0x3], $0xA000, $0x38;
	[tilespmem:$0x14300] =	vst v63  }
0x26: {  	s28 =	sadd.s32 s3, s26  }
0x27: {  	[tilespmem:s2], [sflag:$0x4] =	stream.linear.gather [hbm4b:s28+s2], $0x140, $0x38;
	[tilespmem:$0x14300] =	vst v63  }
0x28: {  	_ =	swait.ge [sflag:s16], $0x140  }
0x29: {  	[sflag:s16] =	ssyncset.done $0x0  }
0x2a: {  	s31 =	sadd.s32 s5, s26;
	[sflag:s16] =	ssyncadd.s32 $0xFFFFFEC0  }
0x2b: {  	[tilespmem:s17], [sflag:$0x4] =	stream.linear.gather [hbm4b:s31+s2], $0x140, $0x38;
	[tilespmem:$0x14300] =	vst v63  }
0x2c: {  	_ =	swait.ge [sflag:s16], $0x140  }
0x2d: {  	[sflag:s16] =	ssyncset.done $0x0  }
0x2e: {  	[sflag:s16] =	ssyncadd.s32 $0xFFFFFEC0  }
0x2f: {  	_ =	swait.ge [sflag:s22], $0xA000  }
0x30: {  	[sflag:s22] =	ssyncset.done $0x0  }
0x31: {  	[sflag:s22] =	ssyncadd.s32 $0xFFFF6000  }
0x32: {  	[tilespmem:s19], [sflag:$0x1] =	stream.indirect.gather [hbm4b:s1+s18], $0x80, s2, s18, $0xb8;
	[tilespmem:$0x14300] =	vst v63  }
0x33: {  	_ =	swait.ge [sflag:s20], $0xA000  }
0x34: {  	[sflag:s20] =	ssyncset.done $0x0  }
0x35: {  	[sflag:s20] =	ssyncadd.s32 $0xFFFF6000  }
0x36: {  	[hbm4b:s13+s2] =	stream.linear.scatter [tilespmem:s19], [sflag:$0x2], $0xA000, $0x38;
	[tilespmem:$0x14300] =	vst v63  }
0x37: {  	_ =	swait.ge [sflag:s6], $0xA000  }
0x38: {  	p1 =	sne.s32 s24, $0x1;
	[sflag:s6] =	ssyncset.done $0x0  }
.Ltmp1:
0x39: {  	s26 =	sshrl.u32 s25, $0x3;
	[sflag:s6] =	ssyncadd.s32 $0xFFFF6000;
	(pc) =	sbr.rel @!p1 .LBB2_4-.Ltmp1, $4  }
0x3a: {  	[tilespmem:s21], [sflag:$0x1] =	stream.indirect.gather [hbm4b:s1+s18], $0x80, s17, s18, $0xb8;
	[tilespmem:$0x14300] =	vst v63  }
0x3b: {  	s29 =	sadd.s32 $0x140, s25;
	s25 =	sadd.s32 $0x1400, s13;
	_ =	swait.ge [sflag:s20], $0xA000  }
0x3c: {  	p0 =	por $0x1, $0x1;
	s30 =	smov.u32 s14;
	[sflag:s20] =	ssyncset.done $0x0  }
0x3d: {  	s28 =	sadd.s32 $0xFFFFFFFF, s24;
	s24 =	sadd.s32 $0x1400, s14;
	[sflag:s20] =	ssyncadd.s32 $0xFFFF6000  }
.LBB2_5:
0x3e: {  	[hbm4b:s30+s2] =	stream.linear.scatter [tilespmem:s21], [sflag:$0x3], $0xA000, $0x38;
	[tilespmem:$0x14300] =	vst v63  }
0x3f: {  	s31 =	sshrl.u32 s29, $0x3;
	p1 =	sne.s32 s28, $0x1;
	s30 =	sadd.s32 s3, s26  }
0x40: {  	[tilespmem:s2], [sflag:$0x4] =	stream.linear.gather [hbm4b:s30+s2], $0x140, $0x38;
	[tilespmem:$0x14300] =	vst v63  }
0x41: {  	s28 =	sadd.s32 $0xFFFFFFFF, s28;
	s30 =	smov.u32 s24;
	_ =	swait.ge [sflag:s16], $0x140  }
0x42: {  	[sflag:s16] =	ssyncset.done $0x0  }
0x43: {  	s0 =	sadd.s32 s5, s26;
	s26 =	smov.u32 s31;
	[sflag:s16] =	ssyncadd.s32 $0xFFFFFEC0  }
0x44: {  	[tilespmem:s17], [sflag:$0x4] =	stream.linear.gather [hbm4b:s0+s2], $0x140, $0x38;
	[tilespmem:$0x14300] =	vst v63  }
0x45: {  	_ =	swait.ge [sflag:s16], $0x140  }
0x46: {  	[sflag:s16] =	ssyncset.done $0x0  }
0x47: {  	[sflag:s16] =	ssyncadd.s32 $0xFFFFFEC0  }
0x48: {  	_ =	swait.ge [sflag:s22], $0xA000  }
0x49: {  	[sflag:s22] =	ssyncset.done $0x0  }
0x4a: {  	[sflag:s22] =	ssyncadd.s32 $0xFFFF6000  }
0x4b: {  	[tilespmem:s19], [sflag:$0x1] =	stream.indirect.gather [hbm4b:s1+s18], $0x80, s2, s18, $0xb8;
	[tilespmem:$0x14300] =	vst v63  }
0x4c: {  	_ =	swait.ge [sflag:s20], $0xA000  }
0x4d: {  	[sflag:s20] =	ssyncset.done $0x0  }
0x4e: {  	[sflag:s20] =	ssyncadd.s32 $0xFFFF6000  }
0x4f: {  	[hbm4b:s25+s2] =	stream.linear.scatter [tilespmem:s19], [sflag:$0x2], $0xA000, $0x38;
	[tilespmem:$0x14300] =	vst v63  }
0x50: {  	_ =	swait.ge [sflag:s6], $0xA000  }
0x51: {  	[sflag:s6] =	ssyncset.done $0x0  }
.Ltmp2:
0x52: {  	[sflag:s6] =	ssyncadd.s32 $0xFFFF6000;
	(pc) =	sbr.rel @p1 .LBB2_5-.Ltmp2, $4  }
0x53: {  	[tilespmem:s21], [sflag:$0x1] =	stream.indirect.gather [hbm4b:s1+s18], $0x80, s17, s18, $0xb8;
	[tilespmem:$0x14300] =	vst v63  }
0x54: {  	_ =	swait.ge [sflag:s20], $0xA000  }
0x55: {  	s24 =	sadd.s32 $0x1400, s24;
	[sflag:s20] =	ssyncset.done $0x0  }
0x56: {  	s29 =	sadd.s32 $0x140, s29;
	s25 =	sadd.s32 $0x1400, s25;
	[sflag:s20] =	ssyncadd.s32 $0xFFFF6000  }
.LBB2_6:
0x57: {  	[hbm4b:s30+s2] =	stream.linear.scatter @p0 [tilespmem:s21], [sflag:$0x3], $0xA000, $0x38;
	[tilespmem:$0x14300] =	vst v63  }
0x58: {  	s0 =	sadd.s32 s3, s26  }
0x59: {  	[tilespmem:s2], [sflag:$0x4] =	stream.linear.gather [hbm4b:s0+s2], $0x140, $0x38;
	[tilespmem:$0x14300] =	vst v63  }
0x5a: {  	_ =	swait.ge [sflag:s16], $0x140  }
0x5b: {  	[sflag:s16] =	ssyncset.done $0x0  }
0x5c: {  	s31 =	sadd.s32 s5, s26;
	[sflag:s16] =	ssyncadd.s32 $0xFFFFFEC0  }
0x5d: {  	[tilespmem:s17], [sflag:$0x4] =	stream.linear.gather [hbm4b:s31+s2], $0x140, $0x38;
	[tilespmem:$0x14300] =	vst v63  }
0x5e: {  	_ =	swait.ge [sflag:s16], $0x140  }
0x5f: {  	[sflag:s16] =	ssyncset.done $0x0  }
0x60: {  	[sflag:s16] =	ssyncadd.s32 $0xFFFFFEC0  }
0x61: {  	_ =	swait.ge [sflag:s22], $0xA000  }
0x62: {  	[sflag:s22] =	ssyncset.done $0x0  }
0x63: {  	[sflag:s22] =	ssyncadd.s32 $0xFFFF6000  }
0x64: {  	[tilespmem:s19], [sflag:$0x1] =	stream.indirect.gather [hbm4b:s1+s18], $0x80, s2, s18, $0xb8;
	[tilespmem:$0x14300] =	vst v63  }
0x65: {  	_ =	swait.ge [sflag:s20], $0xA000  }
0x66: {  	[sflag:s20] =	ssyncset.done $0x0  }
0x67: {  	[sflag:s20] =	ssyncadd.s32 $0xFFFF6000  }
0x68: {  	[hbm4b:s25+s2] =	stream.linear.scatter [tilespmem:s19], [sflag:$0x2], $0xA000, $0x38;
	[tilespmem:$0x14300] =	vst v63  }
0x69: {  	_ =	swait.ge [sflag:s6], $0xA000  }
0x6a: {  	[sflag:s6] =	ssyncset.done $0x0  }
0x6b: {  	[sflag:s6] =	ssyncadd.s32 $0xFFFF6000  }
0x6c: {  	[tilespmem:s21], [sflag:$0x1] =	stream.indirect.gather [hbm4b:s1+s18], $0x80, s17, s18, $0xb8;
	[tilespmem:$0x14300] =	vst v63  }
0x6d: {  	_ =	swait.ge [sflag:s20], $0xA000  }
0x6e: {  	[sflag:s20] =	ssyncset.done $0x0  }
0x6f: {  	s23 =	sadd.s32 $0x1, s23;
	[sflag:s20] =	ssyncadd.s32 $0xFFFF6000  }
0x70: {  	[hbm4b:s24+s2] =	stream.linear.scatter [tilespmem:s21], [sflag:$0x3], $0xA000, $0x38;
	[tilespmem:$0x14300] =	vst v63  }
0x71: {  	p0 =	sne.s32 s23, s8;
	_ =	swait.ge [sflag:s22], $0xA000  }
.Ltmp3:
0x72: {  	[sflag:s22] =	ssyncset.done $0x0;
	(pc) =	sbr.rel @p0 .LBB2_1-.Ltmp3, $4  }
.Ltmp4:
0x73: {  	[sflag:s22] =	ssyncadd.s32 $0xFFFF6000;
	(pc) =	sbr.rel @!p0 .LBB2_7-.Ltmp4, $4  }
0x74: {  	_ =	swait.ge [sflag:s6], $0xA000  }
0x75: {  	[sflag:s6] =	ssyncset.done $0x0  }
0x76: {  	[sflag:s6] =	ssyncadd.s32 $0xFFFF6000  }
0x77: {  	_ = 	snop  }
.LBB2_2:
.Ltmp5:
0x78: {  	(pc) =	sbr.rel .LBB2_6-.Ltmp5, $2  }
0x79: {  	_ =	sdelay $0x2  }
0x7a: {  	s24 =	smov.u32 s14;
	s25 =	smov.u32 s13  }
.LBB2_4:
.Ltmp6:
0x7b: {  	(pc) =	sbr.rel .LBB2_6-.Ltmp6, $2  }
0x7c: {  	_ =	sdelay $0x2  }
0x7d: {  	s30 =	smov.u32 s14  }
.LBB2_7:
0x7e: {  	_ =	sfence.sel $0x180000  }
0x7f: {  	[bflag:$0x0] =	sbarrier.arrive $0xFFFF  }
0x80: {  	_ =	strace $0x9000004A  }
0x81: {  	[bflag:$0x2] =	sbarrier.arrive $0xFFFF  }
0x82: {  	p0 =	sne.s32 s4, $0x0;
	s0 =	rddreg [dreg:$0x2]  }
0x83: {  	s0 =	sadd.s32 @!p0 $0x100000, s0  }
0x84: {  	[sflag:s0] =	ssyncadd.tile.s32 @!p0 $0x1;
	_ =	shalt  }
.Lfunc_end2:
_tile_overlayer_lowered:
.L_overlay_start_2:
0x85: {  	(tag) =	ssettag $0x2  }
0x86: {  	s0 =	rddreg [dreg:$0x0];
	s2 =	stileid.u32  }
0x87: {  	s1 =	rddreg [dreg:$0x1];
	p0 =	sne.s32 s2, $0x0  }
0x88: {  	s3 =	rddreg [dreg:$0x2];
	[bflag:$0x3] =	sbarrier.arrive $0xFFFF;
	s2 =	simm.s32 @!p0 $0x1C04  }
0x89: {  	[timem:s3], [sflag:s2] =	dma.local @!p0 [hbm:s0], s1  }
0x8a: {  	s0 =	simm.s32 @!p0 $0x4  }
0x8b: {  	_ =	swait.ge @!p0 [sflag:s0], s1  }
0x8c: {  	s1 =	ssub.s32 @!p0 $0x0, s1;
	[sflag:s0] =	ssyncset.done @!p0 $0x0  }
0x8d: {  	[sflag:s0] =	ssyncadd.s32 @!p0 s1  }
0x8e: {  	[bflag:$0x3] =	sbarrier.arrive $0xFFFF  }
0x8f: {  	_ =	shalt  }

// kernel: kernel.14.cloned.1.call-start
scs
__scs_entry_jumppad:
0x0: {  	(pc) =	sbr.rel $0x88, $3  }
0x1: {  	(tag) =	ssettag $0x0;
	lr =	simm.s32 $0x1  }
0x2: {  	[smem:$0x3F8B] =	sst lr;
	_ =	strace $0xD0000000  }
0x3: {  	_ = 	snop  }
0x4: {  	_ = 	snop  }
0x5: {  	_ = 	snop  }
0x6: {  	_ = 	snop  }
0x7: {  	_ = 	snop  }
__scs_overlays_trampoline_lowered:
0x8: {  	[smem:$0x3F9A] =	sst s0  }
0x9: {  	[smem:$0x3F9B] =	sst s1  }
0xa: {  	[smem:$0x3F9C] =	sst s2  }
0xb: {  	[smem:$0x3F9D] =	sst s3  }
0xc: {  	[smem:$0x3F9E] =	sst s4  }
0xd: {  	[smem:$0x3F9F] =	sst s5  }
0xe: {  	[smem:$0x3FA0] =	sst s6  }
0xf: {  	[smem:$0x3FA1] =	sst s7  }
0x10: {  	[smem:$0x3FA2] =	sst s8  }
0x11: {  	[smem:$0x3FA3] =	sst s9;
	s0 =	simm.s32 @!p0 $0x0  }
0x12: {  	s1 =	sld [smem:$0x3F89];
	s0 =	simm.s32 @p0 $0x1  }
0x13: {  	[smem:$0x3FA4] =	sst s0;
	s0 =	simm.s32 @!p1 $0x0  }
0x14: {  	s2 =	sld [smem:$0x3F88];
	s0 =	simm.s32 @p1 $0x1  }
0x15: {  	[smem:$0x3FA5] =	sst s0;
	s0 =	simm.s32 @!p2 $0x0  }
0x16: {  	s3 =	sld [smem:$0x3FDB];
	s0 =	simm.s32 @p2 $0x1  }
0x17: {  	s4 =	simm.s32 $0x1BF5;
	[smem:$0x3FA7] =	sst s0  }
0x18: {  	s0 =	sld [smem:$0x3F8A];
	_ =	swait.ge [sflag:s4], $0x0  }
0x19: {  	s7 =	sld [smem:$0x3F8B]  }
0x1a: {  	s8 =	sadd.s32 $0xFFFFE003, lr  }
0x1b: {  	s9 =	sadd.s32 $0xFFFFFEF7, lr;
	s5 =	simm.s32 $0xFFFFFFFF;
	p2 =	slt.u32 s8, $0xFFFFF086  }
0x1c: {  	p1 =	slt.u32 s9, $0xF7A;
	s5 =	simm.s32 @!p2 $0x0  }
0x1d: {  	s5 =	simm.s32 @p1 $0x1;
	p0 =	seq.s32 s7, s2  }
0x1e: {  	s7 =	smul.u32 @!p0 $0xF7A, s2;
	p2 =	seq.s32 @!p0 s5, $0x0  }
0x1f: {  	s9 =	smul.u32 $0xF7A, s1;
	s8 =	simm.s32 @!p0 $0x1BF5;
	p2 =	por !p2, p0  }
0x20: {  	[sflag:s8] =	ssyncset.s32 @!p0 $0xFFFFF086;
	s6 =	sadd.s32 @!p0 s3, s7;
	s7 =	simm.s32 @!p0 $0x108  }
0x21: {  	s3 =	sadd.s32 s3, s9;
	s6 =	sadd.s32 @!p0 $0x88, s6;
	s7 =	simm.s32 @p2 $0x1082  }
0x22: {  	[simem:s7], [sflag:s8] =	dma.local @!p0 [hbm:s6], $0xF7A  }
0x23: {  	s9 =	sor.u32 $0xD0000000, s2;
	s6 =	simm.s32 $0x108;
	_ =	swait.ge @!p0 [sflag:s8], $0x0  }
0x24: {  	s3 =	sadd.s32 $0x88, s3;
	s6 =	simm.s32 @!p1 $0x1082;
	[sflag:s4] =	ssyncset.s32 $0xFFFFF086  }
0x25: {  	[simem:s6], [sflag:s4] =	dma.local [hbm:s3], $0xF7A  }
0x26: {  	[smem:$0x3F8B] =	sst s1;
	(tag) =	ssettag s2;
	_ =	strace s9  }
0x27: {  	s1 =	sld [smem:$0x3F9B]  }
0x28: {  	s2 =	sld [smem:$0x3F9C]  }
0x29: {  	s4 =	sld [smem:$0x3F9E]  }
0x2a: {  	p0 =	seq.s32 s5, $0x0;
	s5 =	sld [smem:$0x3F9F]  }
0x2b: {  	s6 =	sld [smem:$0x3FA0]  }
0x2c: {  	s7 =	sld [smem:$0x3FA1]  }
0x2d: {  	s3 =	simm.s32 $0x108;
	s8 =	sld [smem:$0x3FA2]  }
0x2e: {  	s3 =	simm.s32 @!p0 $0x1082;
	s9 =	sld [smem:$0x3FA3]  }
0x2f: {  	lr =	sadd.s32 s0, s3;
	s0 =	sld [smem:$0x3F9A]  }
0x30: {  	s3 =	sld [smem:$0x3F9D]  }
0x31: {  	[smem:$0x3FA6] =	sst s10  }
0x32: {  	s10 =	sld [smem:$0x3FA4];
	_ =	sdelay $0x3  }
0x33: {  	p0 =	seq.s32 s10, $0x1;
	s10 =	sld [smem:$0x3FA6];
	_ =	sdelay $0x3  }
0x34: {  	[smem:$0x3FA6] =	sst s10  }
0x35: {  	s10 =	sld [smem:$0x3FA5];
	_ =	sdelay $0x3  }
0x36: {  	p1 =	seq.s32 s10, $0x1;
	s10 =	sld [smem:$0x3FA6];
	_ =	sdelay $0x3  }
0x37: {  	[smem:$0x3FA6] =	sst s10  }
0x38: {  	s10 =	sld [smem:$0x3FA7]  }
0x39: {  	_ = 	snop;
	(pc) =	sbr.ind lr, $3  }
0x3a: {  	_ = 	snop  }
0x3b: {  	_ = 	snop  }
0x3c: {  	p2 =	seq.s32 s10, $0x1;
	s10 =	sld [smem:$0x3FA6]  }
0x3d: {  	_ =	shalt  }
0x3e: {  	_ =	shalt  }
0x3f: {  	_ =	shalt  }
0x40: {  	_ =	shalt  }
0x41: {  	_ =	shalt  }
0x42: {  	_ =	shalt  }
0x43: {  	_ =	shalt  }
0x44: {  	_ =	shalt  }
0x45: {  	_ =	shalt  }
0x46: {  	_ =	shalt  }
0x47: {  	_ =	shalt  }
0x48: {  	_ =	shalt  }
0x49: {  	_ =	shalt  }
0x4a: {  	_ =	shalt  }
0x4b: {  	_ =	shalt  }
0x4c: {  	_ =	shalt  }
0x4d: {  	_ =	shalt  }
0x4e: {  	_ =	shalt  }
0x4f: {  	_ =	shalt  }
0x50: {  	_ =	shalt  }
0x51: {  	_ =	shalt  }
0x52: {  	_ =	shalt  }
0x53: {  	_ =	shalt  }
0x54: {  	_ =	shalt  }
0x55: {  	_ =	shalt  }
0x56: {  	_ =	shalt  }
0x57: {  	_ =	shalt  }
0x58: {  	_ =	shalt  }
0x59: {  	_ =	shalt  }
0x5a: {  	_ =	shalt  }
0x5b: {  	_ =	shalt  }
0x5c: {  	_ =	shalt  }
0x5d: {  	_ =	shalt  }
0x5e: {  	_ =	shalt  }
0x5f: {  	_ =	shalt  }
0x60: {  	_ =	shalt  }
0x61: {  	_ =	shalt  }
0x62: {  	_ =	shalt  }
0x63: {  	_ =	shalt  }
0x64: {  	_ =	shalt  }
0x65: {  	_ =	shalt  }
0x66: {  	_ =	shalt  }
0x67: {  	_ =	shalt  }
0x68: {  	_ =	shalt  }
0x69: {  	_ =	shalt  }
0x6a: {  	_ =	shalt  }
0x6b: {  	_ =	shalt  }
0x6c: {  	_ =	shalt  }
0x6d: {  	_ =	shalt  }
0x6e: {  	_ =	shalt  }
0x6f: {  	_ =	shalt  }
0x70: {  	_ =	shalt  }
0x71: {  	_ =	shalt  }
0x72: {  	_ =	shalt  }
0x73: {  	_ =	shalt  }
0x74: {  	_ =	shalt  }
0x75: {  	_ =	shalt  }
0x76: {  	_ =	shalt  }
0x77: {  	_ =	shalt  }
0x78: {  	_ =	shalt  }
0x79: {  	_ =	shalt  }
0x7a: {  	_ =	shalt  }
0x7b: {  	_ =	shalt  }
0x7c: {  	_ =	shalt  }
0x7d: {  	_ =	shalt  }
0x7e: {  	_ =	shalt  }
0x7f: {  	_ =	shalt  }
0x80: {  	_ =	shalt  }
0x81: {  	_ =	shalt  }
0x82: {  	_ =	shalt  }
0x83: {  	_ =	shalt  }
0x84: {  	_ =	shalt  }
0x85: {  	_ =	shalt  }
0x86: {  	_ =	shalt  }
0x87: {  	_ =	shalt  }
.Lfunc_end0:
.L_simem_size_0:
called_computation.1_lowered:
.L_overlay_start_0:
0x88: {  	s2 =	sld [smem:$0x3FD9]  }
0x89: {  	s3 =	sld [smem:$0x3FFE];
	_ =	sdelay $0x1  }
0x8a: {  	s1 =	srdreg.scid  }
0x8b: {  	s0 =	sand.u32 $0x1, s1  }
0x8c: {  	s15 =	sshll.u32 s0, $0xA;
	s2 =	sadd.s32 s3, s2  }
0x8d: {  	s2 =	sadd.s32 s2, s15  }
0x8e: {  	[smem:$0x3FB2] =	sst s2  }
0x8f: {  	_ = 	snop  }
0x90: {  	s2 =	sld [smem:$0x3FD0];
	_ =	sdelay $0x2  }
0x91: {  	s16 =	simm.s32 $0xB;
	s4 =	simm.s32 $0x10  }
0x92: {  	[smem:s4], [sflag:s16] =	dma.local [hbm:s2], $0x1  }
0x93: {  	_ =	swait.eq [sflag:s16], $0x1  }
0x94: {  	[sflag:s16] =	ssyncset.done $0x0  }
0x95: {  	[sflag:s16] =	ssyncadd.s32 $0xFFFFFFFF  }
0x96: {  	s17 =	sld [smem:$0x11];
	(tm) =	ssettm $0x1  }
0x97: {  	s18 =	sld [smem:$0x3FFB];
	_ =	sdelay $0x3  }
0x98: {  	_ =	strace s18  }
0x99: {  	s2 =	sld [smem:$0x3FFC];
	_ =	sdelay $0x3  }
0x9a: {  	_ =	strace s2  }
0x9b: {  	s2 =	sld [smem:$0x3FFD];
	_ =	sdelay $0x3  }
0x9c: {  	_ =	strace s2  }
0x9d: {  	_ =	strace $0x8FFFFFFF  }
0x9e: {  	s19 =	sld [smem:$0x3FDB];
	_ =	sdelay $0x1  }
0x9f: {  	s20 =	simm.s32 $_scs_section_size  }
0xa0: {  	s5 =	simm.s32 $_size__tile_overlayer_lowered;
	s6 =	simm.s32 $_tile_overlayer_lowered  }
0xa1: {  	s7 =	simm.s32 $0x1BFF;
	s21 =	sshll.u32 s6, $0x1;
	s4 =	sadd.s32 s20, s19  }
0xa2: {  	s22 =	simm.s32 $0x0;
	s5 =	sshll.u32 s5, $0x1;
	s6 =	sadd.s32 s21, s4  }
0xa3: {  	[timem:s22], [sflag:s7] =	dma.local [hbm:s6], s5  }
0xa4: {  	_ =	swait.ge [sflag:s7], s5  }
0xa5: {  	s5 =	ssub.s32 $0x0, s5;
	[sflag:s7] =	ssyncset.done $0x0  }
0xa6: {  	[sflag:s7] =	ssyncadd.s32 s5;
	_ =	sdelay $0x1  }
0xa7: {  	s23 =	simm.s32 $0x1B8B  }
0xa8: {  	_ =	swait.ge [sflag:s23], $0x1  }
0xa9: {  	[sflag:s23] =	ssyncset.done $0x0  }
0xaa: {  	[sflag:s23] =	ssyncadd.s32 $0xFFFFFFFF  }
0xab: {  	s5 =	sld [smem:$0x0]  }
0xac: {  	s6 =	sand.u32 $0xFFFFFFFE, s1  }
0xad: {  	p0 =	sne.s32 s1, s6  }
0xae: {  	s6 =	sshll.u32 @p0 s6, $0xE  }
0xaf: {  	s6 =	sadd.s32 @p0 $0x11B8D, s6;
	s7 =	sshll.u32 @p0 s5, $0x11  }
0xb0: {  	s6 =	sor.u32 @p0 s7, s6  }
0xb1: {  	[sflag:s6] =	ssyncadd.remote.s32 @p0 $0x1;
	_ =	sdelay $0x1  }
0xb2: {  	s6 =	simm.s32 @p0 $0x1B8D  }
0xb3: {  	_ =	swait.eq @p0 [sflag:s6], $0x1  }
0xb4: {  	[sflag:s6] =	ssyncadd.s32 @p0 $0xFFFFFFFF  }
0xb5: {  	s7 =	sshll.u32 @!p0 s1, $0xE  }
0xb6: {  	s7 =	sor.u32 @!p0 $0x4000, s7;
	s6 =	simm.s32 @!p0 $0x1B8D  }
0xb7: {  	s5 =	sshll.u32 @!p0 s5, $0x11;
	s7 =	sadd.s32 @!p0 $0x11B8D, s7;
	_ =	swait.eq @!p0 [sflag:s6], $0x1  }
0xb8: {  	s5 =	sor.u32 @!p0 s5, s7;
	[sflag:s6] =	ssyncadd.s32 @!p0 $0xFFFFFFFF  }
0xb9: {  	s25 =	simm.s32 $0x1B8E;
	s24 =	sld [smem:$0x3FFE];
	[sflag:s5] =	ssyncadd.remote.s32 @!p0 $0x1  }
0xba: {  	s26 =	simm.s32 $execute0_lowered;
	[smem:$0x3FD2] =	sst s25  }
0xbb: {  	s6 =	sshll.u32 s26, $0x1;
	_ =	strace $0x8000004F;
	[dreg:$0x1] =	wrdreg $0xFFFFFFFF  }
0xbc: {  	s28 =	simm.s32 $_size_execute0_lowered;
	s4 =	sadd.s32 s4, s6;
	[dreg:$0x0] =	wrdreg $0x0  }
0xbd: {  	s6 =	sshll.u32 s28, $0x1;
	[dreg:$0x2] =	wrdreg s4  }
0xbe: {  	[dreg:$0x3] =	wrdreg s6  }
0xbf: {  	[dreg:$0x4] =	wrdreg $0xC0  }
0xc0: {  	_ =	task [dreg:s22], $0x5FFFF  }
0xc1: {  	[dreg:$0x1] =	wrdreg $0xFFFFFFFF  }
0xc2: {  	[dreg:$0x0] =	wrdreg $0x60  }
0xc3: {  	[dreg:$0x2] =	wrdreg s24  }
0xc4: {  	[dreg:$0x3] =	wrdreg s17  }
0xc5: {  	[dreg:$0x4] =	wrdreg $0x94000  }
0xc6: {  	[dreg:$0x5] =	wrdreg $0x9  }
0xc7: {  	_ =	task.clear_ibuf [dreg:s22], $0x6FFFF;
	_ =	strace $0x9000004F  }
0xc8: {  	s29 =	simm.s32 $0x9;
	_ =	strace $0x80000051  }
0xc9: {  	_ =	swait.ge [sflag:s29], $0x1  }
0xca: {  	[sflag:s29] =	ssyncadd.s32 $0xFFFFFFFF  }
0xcb: {  	_ =	strace $0x90000051  }
0xcc: {  	_ =	sfence  }
0xcd: {  	s30 =	sld [smem:$0x0];
	_ =	sdelay $0x2  }
0xce: {  	s31 =	sshll.u32 s1, $0xD;
	s1 =	sshrl.u32 s1, $0x2  }
0xcf: {  	s4 =	sand.u32 $0x4000, s31;
	s1 =	sadd.s32 s1, s30  }
0xd0: {  	s0 =	sor.u32 s4, s0;
	s1 =	sshll.u32 s1, $0x11  }
0xd1: {  	s0 =	sor.u32 s1, s0  }
0xd2: {  	s0 =	sadd.s32 $0x8F2B, s0  }
0xd3: {  	[sflag:s0] =	ssyncadd.remote.s32 $0x1  }
0xd4: {  	_ =	sfence.sel $0xFFFF  }
0xd5: {  	[dreg:$0x0] =	wrdreg $0xFFFFFFFF;
	(pc) =	sbr.abs _section_cstart, $3  }
0xd6: {  	[dreg:$0x1] =	wrdreg $0xFFFFFFFF  }
0xd7: {  	_ =	task.clear_ibuf [dreg:s22], $0x2FFFF;
	_ =	strace $0x9FFFFFFF  }
0xd8: {  	(tm) =	ssettm $0x7FFFFFFF  }
0xd9: {  	_ =	shalt  }
tec
execute0_lowered:
.L_overlay_start_1:
0x0: {  	(tag) =	ssettag $0x1  }
0x1: {  	s0 =	rddreg [dreg:$0x0]  }
0x2: {  	s1 =	rddreg [dreg:$0x1]  }
0x3: {  	s2 =	rddreg [dreg:$0x2]  }
0x4: {  	s4 =	srdreg.scid;
	s3 =	simm.s32 $0x0;
	s16 =	stileid.u32  }
0x5: {  	s28 =	simm.s32 $0x3;
	s29 =	simm.s32 $0x1400;
	s30 =	simm.s32 $0x5400  }
0x6: {  	s31 =	simm.s32 $0x1;
	s4 =	sand.u32 $0x1, s4;
	[smem:$0x7FF] =	sst s3  }
0x7: {  	s6 =	smul.u32 $0x14000, s16;
	s9 =	sadd.s32 $0x14BA00, s0;
	s11 =	sadd.s32 $0x13B9000, s0  }
0x8: {  	s13 =	sadd.s32 $0x162A000, s0;
	s14 =	sadd.s32 $0x189B000, s0;
	s5 =	sshll.u32 s4, $0x4  }
0x9: {  	_ =	strace $0x80000050;
	s7 =	smul.u32 $0x140000, s4;
	s4 =	ssub.s32 $0x2, s4  }
0xa: {  	s5 =	sor.u32 s16, s5;
	s25 =	sshrl.u32 s4, $0x1;
	s16 =	smul.u32 $0x50000, s16  }
0xb: {  	s12 =	smul.u32 $0x280, s5;
	s7 =	sadd.s32 s6, s7;
	s4 =	ssub.s32 s4, s25  }
0xc: {  	p0 =	seq.s32 s5, $0x1F;
	s5 =	smul.u32 $0x14000, s5;
	s6 =	sshrl.u32 s6, $0x3  }
0xd: {  	s15 =	sshrl.u32 s7, $0x3;
	s16 =	sshrl.u32 s16, $0x2;
	s23 =	smax.u32 s4, $0x1  }
0xe: {  	s6 =	sadd.s32 s1, s6;
	s25 =	sadd.s32 s11, s7;
	[dreg:$0xf] =	wrdreg s23  }
0xf: {  	s1 =	simm.s32 $0x2;
	s26 =	sadd.s32 s16, s2;
	[dreg:$0x10] =	wrdreg s25  }
0x10: {  	s4 =	simm.s32 $0x0;
	s18 =	sadd.s32 s11, s5;
	[dreg:$0x5] =	wrdreg s26  }
0x11: {  	s12 =	sadd.s32 s12, s0;
	s20 =	sadd.s32 s13, s5;
	[dreg:$0x9] =	wrdreg s18  }
0x12: {  	s0 =	sadd.s32 s15, s0;
	s22 =	sadd.s32 s14, s5;
	[dreg:$0xb] =	wrdreg s20  }
0x13: {  	s15 =	simm.s32 $0x5;
	s12 =	sadd.s32 $0x146A00, s12;
	[dreg:$0xd] =	wrdreg s22  }
0x14: {  	s23 =	sadd.s32 s9, s7;
	s17 =	sadd.s32 $0x3BCA00, s0;
	[dreg:$0x4] =	wrdreg s12  }
0x15: {  	s15 =	simm.s32 @!p0 $0x14;
	s19 =	sadd.s32 $0x40CA00, s0;
	[dreg:$0x8] =	wrdreg s17  }
0x16: {  	s21 =	sadd.s32 $0x45CA00, s0;
	s0 =	sadd.s32 $0x4ACA00, s0;
	[dreg:$0xa] =	wrdreg s19  }
0x17: {  	s26 =	sadd.s32 s13, s7;
	s22 =	sadd.s32 s14, s7;
	[dreg:$0xc] =	wrdreg s21  }
0x18: {  	s12 =	sadd.s32 s9, s5;
	s16 =	sadd.s32 $0xFFFFFFFF, s15;
	[dreg:$0xe] =	wrdreg s0  }
0x19: {  	s24 =	sshll.u32 s15, $0xC;
	s17 =	sadd.s32 $0x1000, s25;
	[dreg:$0x11] =	wrdreg s26  }
0x1a: {  	s25 =	sadd.s32 $0x1000, s26;
	s26 =	sadd.s32 $0x1000, s22;
	[dreg:$0x6] =	wrdreg s12  }
0x1b: {  	s0 =	simm.s32 $0x80;
	[dreg:$0x7] =	wrdreg s16;
	s19 =	sadd.s32 $0xFFFFF000, s24  }
.LBB2_1:
0x1c: {  	s5 =	rddreg [dreg:$0x4]  }
0x1d: {  	[tilespmem:s3], [sflag:$0x3] =	stream.linear.gather [hbm4b:s5+s3], $0x1400, $0x38;
	[tilespmem:$0x1D400] =	vst v63  }
0x1e: {  	s24 =	stileid.u32;
	_ =	swait.ge [sflag:s28], $0x1400  }
0x1f: {  	s5 =	sshll.u32 s24, $0x6;
	[sflag:s28] =	ssyncset.done $0x0;
	s7 =	rddreg [dreg:$0x5]  }
0x20: {  	s5 =	sor.u32 $0x1C03, s5;
	[sflag:s28] =	ssyncadd.s32 $0xFFFFEC00;
	s7 =	sshrl.u32 s7, $0x3  }
0x21: {  	[spmem:s7], [sflag:s5] =	dma.local [hbm:s6], $0x2800  }
0x22: {  	_ =	swait.ge [sflag:s28], $0x2800  }
0x23: {  	p0 =	sne.s32 s19, $0x1000;
	[sflag:s28] =	ssyncset.done $0x0  }
.Ltmp0:
0x24: {  	[sflag:s28] =	ssyncadd.s32 $0xFFFFD800;
	(pc) =	sbr.rel @!p0 .LBB2_2-.Ltmp0, $4  }
0x25: {  	[bflag:$0x0] =	sbarrier.arrive $0xFFFF  }
0x26: {  	s11 =	simm.s32 $0xFFFFFFFF;
	s9 =	rddreg [dreg:$0x6]  }
0x27: {  	[tilespmem:s29], [sflag:$0x1] =	stream.linear.gather [hbm4b:s9+s3], $0x4000, $0x38;
	[tilespmem:$0x1D400] =	vst v63  }
0x28: {  	s13 =	sadd.s32 $0x0, s23;
	p2 =	por $0x0, $0x0;
	s9 =	simm.s32 $0x1000  }
0x29: {  	s9 =	sadd.s32 $0x800, s13  }
0x2a: {  	[tilespmem:s30], [sflag:$0x2] =	stream.linear.gather [hbm4b:s9+s3], $0x4000, $0x38;
	[tilespmem:$0x1D400] =	vst v63  }
0x2b: {  	_ =	swait.ge [sflag:s31], $0x4000  }
0x2c: {  	[sflag:s31] =	ssyncset.done $0x0  }
0x2d: {  	s21 =	simm.s32 $0x0;
	[sflag:s31] =	ssyncadd.s32 $0xFFFFC000  }
0x2e: {  	[spmem:s2] =	stream.indirect.scatter.add.f32 [tilespmem:s29], [sflag:$0x3], $0x80, s21, s0, $0xb8;
	[tilespmem:$0x1D400] =	vst v63  }
0x2f: {  	_ =	swait.ge [sflag:s28], $0x4000  }
0x30: {  	[sflag:s28] =	ssyncset.done $0x0  }
0x31: {  	s24 =	sadd.s32 $0x1000, s13;
	[sflag:s28] =	ssyncadd.s32 $0xFFFFC000  }
0x32: {  	[tilespmem:s29], [sflag:$0x1] =	stream.linear.gather [hbm4b:s24+s3], $0x4000, $0x38;
	[tilespmem:$0x1D400] =	vst v63  }
0x33: {  	p1 =	sne.s32 s19, $0x2000;
	_ =	swait.ge [sflag:s1], $0x4000  }
.Ltmp1:
0x34: {  	[sflag:s1] =	ssyncset.done $0x0;
	(pc) =	sbr.rel @!p1 .LBB2_6-.Ltmp1, $4  }
0x35: {  	s12 =	simm.s32 $0x180;
	s14 =	simm.s32 $0x2;
	[sflag:s1] =	ssyncadd.s32 $0xFFFFC000  }
0x36: {  	[spmem:s2] =	stream.indirect.scatter.add.f32 [tilespmem:s30], [sflag:$0x3], $0x80, s0, s0, $0xb8;
	[tilespmem:$0x1D400] =	vst v63  }
0x37: {  	s13 =	sadd.s32 $0x1000, s23;
	s11 =	simm.s32 $0x0;
	_ =	swait.ge [sflag:s28], $0x4000  }
0x38: {  	p0 =	por $0x1, $0x1;
	s9 =	simm.s32 $0x2000;
	[sflag:s28] =	ssyncset.done $0x0  }
.LBB2_4:
0x39: {  	s8 =	sadd.s32 $0x800, s13  }
0x3a: {  	[sflag:s28] =	ssyncadd.s32 $0xFFFFC000;
	s15 =	smov.u32 s9;
	s9 =	sadd.s32 $0x1000, s9  }
0x3b: {  	[tilespmem:s30], [sflag:$0x2] =	stream.linear.gather [hbm4b:s8+s3], $0x4000, $0x38;
	[tilespmem:$0x1D400] =	vst v63  }
0x3c: {  	p1 =	sne.s32 s19, s9;
	_ =	swait.ge [sflag:s31], $0x4000  }
0x3d: {  	[sflag:s31] =	ssyncset.done $0x0  }
0x3e: {  	s8 =	sadd.s32 $0xFFFFFF80, s12;
	[sflag:s31] =	ssyncadd.s32 $0xFFFFC000  }
0x3f: {  	[spmem:s2] =	stream.indirect.scatter.add.f32 [tilespmem:s29], [sflag:$0x3], $0x80, s8, s0, $0xb8;
	[tilespmem:$0x1D400] =	vst v63  }
0x40: {  	_ =	swait.ge [sflag:s28], $0x4000  }
0x41: {  	[sflag:s28] =	ssyncset.done $0x0  }
0x42: {  	s8 =	sadd.s32 $0x1000, s13;
	[sflag:s28] =	ssyncadd.s32 $0xFFFFC000  }
0x43: {  	[tilespmem:s29], [sflag:$0x1] =	stream.linear.gather [hbm4b:s8+s3], $0x4000, $0x38;
	[tilespmem:$0x1D400] =	vst v63  }
0x44: {  	_ =	swait.ge [sflag:s1], $0x4000  }
.Ltmp2:
0x45: {  	[sflag:s1] =	ssyncset.done $0x0;
	(pc) =	sbr.rel @p1 .LBB2_4-.Ltmp2, $4  }
0x46: {  	s10 =	sadd.s32 $0x1, s14;
	s11 =	sadd.s32 $0x1, s11;
	[sflag:s1] =	ssyncadd.s32 $0xFFFFC000  }
0x47: {  	[spmem:s2] =	stream.indirect.scatter.add.f32 [tilespmem:s30], [sflag:$0x3], $0x80, s12, s0, $0xb8;
	[tilespmem:$0x1D400] =	vst v63  }
0x48: {  	s14 =	smov.u32 s10;
	s8 =	sadd.s32 $0x100, s12;
	_ =	swait.ge [sflag:s28], $0x4000  }
0x49: {  	s13 =	sadd.s32 s15, s23;
	s12 =	smov.u32 s8;
	[sflag:s28] =	ssyncset.done $0x0  }
0x4a: {  	s12 =	smov.u32 s8  }
.LBB2_6:
0x4b: {  	s14 =	sadd.s32 $0x800, s13;
	[sflag:s28] =	ssyncadd.s32 @p0 $0xFFFFC000  }
0x4c: {  	[tilespmem:s30], [sflag:$0x2] =	stream.linear.gather [hbm4b:s14+s3], $0x4000, $0x38;
	[tilespmem:$0x1D400] =	vst v63  }
0x4d: {  	_ =	swait.ge [sflag:s31], $0x4000  }
0x4e: {  	[sflag:s31] =	ssyncset.done $0x0  }
0x4f: {  	s24 =	sadd.s32 $0xFFFFFF80, s12;
	[sflag:s31] =	ssyncadd.s32 $0xFFFFC000  }
0x50: {  	[spmem:s2] =	stream.indirect.scatter.add.f32 [tilespmem:s29], [sflag:$0x3], $0x80, s24, s0, $0xb8;
	[tilespmem:$0x1D400] =	vst v63  }
0x51: {  	_ =	swait.ge [sflag:s28], $0x4000  }
0x52: {  	[sflag:s28] =	ssyncset.done $0x0  }
0x53: {  	s15 =	sadd.s32 $0x1000, s13;
	[sflag:s28] =	ssyncadd.s32 $0xFFFFC000  }
0x54: {  	[tilespmem:s29], [sflag:$0x1] =	stream.linear.gather [hbm4b:s15+s3], $0x4000, $0x38;
	[tilespmem:$0x1D400] =	vst v63  }
0x55: {  	_ =	swait.ge [sflag:s1], $0x4000  }
0x56: {  	[sflag:s1] =	ssyncset.done $0x0  }
0x57: {  	[sflag:s1] =	ssyncadd.s32 $0xFFFFC000  }
0x58: {  	[spmem:s2] =	stream.indirect.scatter.add.f32 [tilespmem:s30], [sflag:$0x3], $0x80, s12, s0, $0xb8;
	[tilespmem:$0x1D400] =	vst v63  }
0x59: {  	_ =	swait.ge [sflag:s28], $0x4000  }
0x5a: {  	s16 =	sadd.s32 s9, s23;
	[sflag:s28] =	ssyncset.done $0x0  }
0x5b: {  	s13 =	sadd.s32 $0x800, s16;
	[sflag:s28] =	ssyncadd.s32 $0xFFFFC000  }
0x5c: {  	[tilespmem:s30], [sflag:$0x2] =	stream.linear.gather [hbm4b:s13+s3], $0x4000, $0x38;
	[tilespmem:$0x1D400] =	vst v63  }
0x5d: {  	_ =	swait.ge [sflag:s31], $0x4000  }
0x5e: {  	[sflag:s31] =	ssyncset.done $0x0  }
0x5f: {  	s18 =	sadd.s32 $0x1, s11;
	s11 =	sadd.s32 $0x80, s8;
	[sflag:s31] =	ssyncadd.s32 $0xFFFFC000  }
0x60: {  	[spmem:s2] =	stream.indirect.scatter.add.f32 [tilespmem:s29], [sflag:$0x3], $0x80, s11, s0, $0xb8;
	[tilespmem:$0x1D400] =	vst v63  }
0x61: {  	_ =	swait.ge [sflag:s28], $0x4000  }
0x62: {  	s13 =	sadd.s32 $0x1, s18;
	s20 =	rddreg [dreg:$0x7]  }
0x63: {  	[sflag:s28] =	ssyncset.done $0x0;
	p0 =	sge.u32 s13, s20  }
0x64: {  	[sflag:s28] =	ssyncadd.s32 $0xFFFFC000;
	s13 =	sadd.s32 @!p0 s9, s23  }
0x65: {  	s15 =	simm.s32 @!p0 $0x0;
	s16 =	simm.s32 @!p0 $0x1400;
	s13 =	sadd.s32 @!p0 $0x1000, s13  }
0x66: {  	[tilespmem:s16], [sflag:$0x1] =	stream.linear.gather @!p0 [hbm4b:s13+s15], $0x4000, $0x38;
	[tilespmem:$0x1D400] =	vst v63  }
0x67: {  	_ =	swait.ge [sflag:s1], $0x4000  }
0x68: {  	[sflag:s1] =	ssyncset.done $0x0  }
0x69: {  	s12 =	sadd.s32 $0x100, s12;
	[sflag:s1] =	ssyncadd.s32 $0xFFFFC000  }
0x6a: {  	[spmem:s2] =	stream.indirect.scatter.add.f32 [tilespmem:s30], [sflag:$0x3], $0x80, s12, s0, $0xb8;
	[tilespmem:$0x1D400] =	vst v63  }
0x6b: {  	_ =	swait.ge [sflag:s28], $0x4000  }
0x6c: {  	[sflag:s28] =	ssyncset.done $0x0  }
0x6d: {  	[sflag:s28] =	ssyncadd.s32 $0xFFFFC000  }
0x6e: {  	[bflag:$0x0] =	sbarrier.arrive $0xFFFF  }
0x6f: {  	s21 =	rddreg [dreg:$0x8]  }
0x70: {  	[hbm:s21], [sflag:s5] =	dma.local [spmem:s7], $0x2800  }
0x71: {  	_ =	swait.ge [sflag:s28], $0x2800  }
0x72: {  	[sflag:s28] =	ssyncset.done $0x0  }
0x73: {  	[sflag:s28] =	ssyncadd.s32 $0xFFFFD800  }
0x74: {  	[bflag:$0x0] =	sbarrier.arrive $0xFFFF  }
0x75: {  	[spmem:s7], [sflag:s5] =	dma.local [hbm:s6], $0x2800  }
0x76: {  	_ =	swait.ge [sflag:s28], $0x2800  }
0x77: {  	p1 =	sne.s32 s10, $0x1;
	[sflag:s28] =	ssyncset.done $0x0  }
.Ltmp3:
0x78: {  	[sflag:s28] =	ssyncadd.s32 $0xFFFFD800;
	(pc) =	sbr.rel @!p1 .LBB2_10-.Ltmp3, $4  }
0x79: {  	[bflag:$0x0] =	sbarrier.arrive $0xFFFF  }
0x7a: {  	s14 =	simm.s32 $0x0;
	s24 =	rddreg [dreg:$0x9]  }
0x7b: {  	[tilespmem:s29], [sflag:$0x1] =	stream.linear.gather [hbm4b:s24+s14], $0x4000, $0x38;
	[tilespmem:$0x1D400] =	vst v63  }
0x7c: {  	s18 =	simm.s32 $0x0;
	s13 =	sadd.s32 $0xFFFFFFFF, s10;
	s24 =	smov.u32 s17  }
0x7d: {  	s18 =	sadd.s32 $0xFFFFF800, s17  }
0x7e: {  	[tilespmem:s30], [sflag:$0x2] =	stream.linear.gather [hbm4b:s18+s3], $0x4000, $0x38;
	[tilespmem:$0x1D400] =	vst v63  }
0x7f: {  	_ =	swait.ge [sflag:s31], $0x4000  }
0x80: {  	[sflag:s31] =	ssyncset.done $0x0  }
0x81: {  	[sflag:s31] =	ssyncadd.s32 $0xFFFFC000  }
0x82: {  	[spmem:s2] =	stream.indirect.scatter.add.f32 [tilespmem:s29], [sflag:$0x3], $0x80, s14, s0, $0xb8;
	[tilespmem:$0x1D400] =	vst v63  }
0x83: {  	_ =	swait.ge [sflag:s28], $0x4000  }
0x84: {  	[sflag:s28] =	ssyncset.done $0x0  }
0x85: {  	[sflag:s28] =	ssyncadd.s32 $0xFFFFC000  }
0x86: {  	[tilespmem:s29], [sflag:$0x1] =	stream.linear.gather [hbm4b:s17+s3], $0x4000, $0x38;
	[tilespmem:$0x1D400] =	vst v63  }
0x87: {  	p3 =	sne.s32 s13, $0x1;
	_ =	swait.ge [sflag:s1], $0x4000  }
.Ltmp4:
0x88: {  	[sflag:s1] =	ssyncset.done $0x0;
	(pc) =	sbr.rel @!p3 .LBB2_8-.Ltmp4, $4  }
0x89: {  	s24 =	simm.s32 $0x80;
	[sflag:s1] =	ssyncadd.s32 $0xFFFFC000  }
0x8a: {  	[spmem:s2] =	stream.indirect.scatter.add.f32 [tilespmem:s30], [sflag:$0x3], $0x80, s24, s0, $0xb8;
	[tilespmem:$0x1D400] =	vst v63  }
0x8b: {  	s20 =	sadd.s32 $0xFFFFFFFF, s13;
	p2 =	por $0x1, $0x1;
	_ =	swait.ge [sflag:s28], $0x4000  }
0x8c: {  	s18 =	simm.s32 $0x0;
	s24 =	sadd.s32 $0x1000, s17;
	[sflag:s28] =	ssyncset.done $0x0  }
.LBB2_9:
0x8d: {  	s21 =	sadd.s32 $0xFFFFF800, s24;
	[sflag:s28] =	ssyncadd.s32 $0xFFFFC000;
	s18 =	sadd.s32 $0x100, s18  }
0x8e: {  	[tilespmem:s30], [sflag:$0x2] =	stream.linear.gather [hbm4b:s21+s3], $0x4000, $0x38;
	[tilespmem:$0x1D400] =	vst v63  }
0x8f: {  	p3 =	sne.s32 s20, $0x1;
	s20 =	sadd.s32 $0xFFFFFFFF, s20;
	_ =	swait.ge [sflag:s31], $0x4000  }
0x90: {  	[sflag:s31] =	ssyncset.done $0x0  }
0x91: {  	[sflag:s31] =	ssyncadd.s32 $0xFFFFC000  }
0x92: {  	[spmem:s2] =	stream.indirect.scatter.add.f32 [tilespmem:s29], [sflag:$0x3], $0x80, s18, s0, $0xb8;
	[tilespmem:$0x1D400] =	vst v63  }
0x93: {  	_ =	swait.ge [sflag:s28], $0x4000  }
0x94: {  	[sflag:s28] =	ssyncset.done $0x0  }
0x95: {  	[sflag:s28] =	ssyncadd.s32 $0xFFFFC000  }
0x96: {  	[tilespmem:s29], [sflag:$0x1] =	stream.linear.gather [hbm4b:s24+s3], $0x4000, $0x38;
	[tilespmem:$0x1D400] =	vst v63  }
0x97: {  	_ =	swait.ge [sflag:s1], $0x4000  }
.Ltmp5:
0x98: {  	[sflag:s1] =	ssyncset.done $0x0;
	(pc) =	sbr.rel @p3 .LBB2_9-.Ltmp5, $4  }
0x99: {  	s21 =	sadd.s32 $0x80, s18;
	[sflag:s1] =	ssyncadd.s32 $0xFFFFC000  }
0x9a: {  	[spmem:s2] =	stream.indirect.scatter.add.f32 [tilespmem:s30], [sflag:$0x3], $0x80, s21, s0, $0xb8;
	[tilespmem:$0x1D400] =	vst v63  }
0x9b: {  	_ =	swait.ge [sflag:s28], $0x4000  }
0x9c: {  	s24 =	sadd.s32 $0x1000, s24;
	[sflag:s28] =	ssyncset.done $0x0  }
.LBB2_10:
0x9d: {  	s20 =	sadd.s32 $0xFFFFF800, s24;
	[sflag:s28] =	ssyncadd.s32 @p2 $0xFFFFC000  }
0x9e: {  	[tilespmem:s30], [sflag:$0x2] =	stream.linear.gather [hbm4b:s20+s3], $0x4000, $0x38;
	[tilespmem:$0x1D400] =	vst v63  }
0x9f: {  	_ =	swait.ge [sflag:s31], $0x4000  }
0xa0: {  	s18 =	sadd.s32 @p2 $0x100, s18;
	s20 =	simm.s32 $0x0;
	[sflag:s31] =	ssyncset.done $0x0  }
0xa1: {  	s20 =	smov.u32 @p2 s18;
	[sflag:s31] =	ssyncadd.s32 $0xFFFFC000  }
0xa2: {  	[spmem:s2] =	stream.indirect.scatter.add.f32 [tilespmem:s29], [sflag:$0x3], $0x80, s20, s0, $0xb8;
	[tilespmem:$0x1D400] =	vst v63  }
0xa3: {  	_ =	swait.ge [sflag:s28], $0x4000  }
0xa4: {  	[sflag:s28] =	ssyncset.done $0x0  }
0xa5: {  	[sflag:s28] =	ssyncadd.s32 $0xFFFFC000  }
0xa6: {  	[tilespmem:s29], [sflag:$0x1] =	stream.linear.gather [hbm4b:s24+s3], $0x4000, $0x38;
	[tilespmem:$0x1D400] =	vst v63  }
0xa7: {  	_ =	swait.ge [sflag:s1], $0x4000  }
0xa8: {  	[sflag:s1] =	ssyncset.done $0x0  }
0xa9: {  	s18 =	sadd.s32 $0x80, s20;
	[sflag:s1] =	ssyncadd.s32 $0xFFFFC000  }
0xaa: {  	[spmem:s2] =	stream.indirect.scatter.add.f32 [tilespmem:s30], [sflag:$0x3], $0x80, s18, s0, $0xb8;
	[tilespmem:$0x1D400] =	vst v63  }
0xab: {  	_ =	swait.ge [sflag:s28], $0x4000  }
0xac: {  	s20 =	rddreg [dreg:$0x10]  }
0xad: {  	[sflag:s28] =	ssyncset.done $0x0;
	s24 =	sadd.s32 s9, s20  }
0xae: {  	[sflag:s28] =	ssyncadd.s32 $0xFFFFC000;
	s18 =	sadd.s32 $0x800, s24  }
0xaf: {  	[tilespmem:s30], [sflag:$0x2] =	stream.linear.gather [hbm4b:s18+s3], $0x4000, $0x38;
	[tilespmem:$0x1D400] =	vst v63  }
0xb0: {  	_ =	swait.ge [sflag:s31], $0x4000  }
0xb1: {  	[sflag:s31] =	ssyncset.done $0x0  }
0xb2: {  	[sflag:s31] =	ssyncadd.s32 $0xFFFFC000  }
0xb3: {  	[spmem:s2] =	stream.indirect.scatter.add.f32 [tilespmem:s29], [sflag:$0x3], $0x80, s11, s0, $0xb8;
	[tilespmem:$0x1D400] =	vst v63  }
0xb4: {  	_ =	swait.ge [sflag:s28], $0x4000  }
0xb5: {  	s18 =	sadd.s32 @!p0 s9, s20;
	[sflag:s28] =	ssyncset.done $0x0  }
0xb6: {  	s18 =	sadd.s32 @!p0 $0x1000, s18;
	[sflag:s28] =	ssyncadd.s32 $0xFFFFC000  }
0xb7: {  	[tilespmem:s16], [sflag:$0x1] =	stream.linear.gather @!p0 [hbm4b:s18+s15], $0x4000, $0x38;
	[tilespmem:$0x1D400] =	vst v63  }
0xb8: {  	_ =	swait.ge [sflag:s1], $0x4000  }
0xb9: {  	[sflag:s1] =	ssyncset.done $0x0  }
0xba: {  	[sflag:s1] =	ssyncadd.s32 $0xFFFFC000  }
0xbb: {  	[spmem:s2] =	stream.indirect.scatter.add.f32 [tilespmem:s30], [sflag:$0x3], $0x80, s12, s0, $0xb8;
	[tilespmem:$0x1D400] =	vst v63  }
0xbc: {  	_ =	swait.ge [sflag:s28], $0x4000  }
0xbd: {  	[sflag:s28] =	ssyncset.done $0x0  }
0xbe: {  	[sflag:s28] =	ssyncadd.s32 $0xFFFFC000  }
0xbf: {  	[bflag:$0x0] =	sbarrier.arrive $0xFFFF  }
0xc0: {  	s21 =	rddreg [dreg:$0xa]  }
0xc1: {  	[hbm:s21], [sflag:s5] =	dma.local [spmem:s7], $0x2800  }
0xc2: {  	_ =	swait.ge [sflag:s28], $0x2800  }
0xc3: {  	[sflag:s28] =	ssyncset.done $0x0  }
0xc4: {  	[sflag:s28] =	ssyncadd.s32 $0xFFFFD800  }
0xc5: {  	[bflag:$0x0] =	sbarrier.arrive $0xFFFF  }
0xc6: {  	[spmem:s7], [sflag:s5] =	dma.local [hbm:s6], $0x2800  }
0xc7: {  	_ =	swait.ge [sflag:s28], $0x2800  }
.Ltmp6:
0xc8: {  	[sflag:s28] =	ssyncset.done $0x0;
	(pc) =	sbr.rel @!p1 .LBB2_14-.Ltmp6, $4  }
0xc9: {  	[sflag:s28] =	ssyncadd.s32 $0xFFFFD800  }
0xca: {  	p3 =	por $0x0, $0x0;
	p2 =	por $0x0, $0x0;
	[bflag:$0x0] =	sbarrier.arrive $0xFFFF  }
0xcb: {  	s15 =	smov.u32 s25;
	s16 =	simm.s32 $0x0;
	s24 =	rddreg [dreg:$0xb]  }
0xcc: {  	[tilespmem:s29], [sflag:$0x1] =	stream.linear.gather [hbm4b:s24+s14], $0x4000, $0x38;
	[tilespmem:$0x1D400] =	vst v63  }
0xcd: {  	s15 =	sadd.s32 $0xFFFFF800, s25  }
0xce: {  	[tilespmem:s30], [sflag:$0x2] =	stream.linear.gather [hbm4b:s15+s3], $0x4000, $0x38;
	[tilespmem:$0x1D400] =	vst v63  }
0xcf: {  	_ =	swait.ge [sflag:s31], $0x4000  }
0xd0: {  	[sflag:s31] =	ssyncset.done $0x0  }
0xd1: {  	[sflag:s31] =	ssyncadd.s32 $0xFFFFC000  }
0xd2: {  	[spmem:s2] =	stream.indirect.scatter.add.f32 [tilespmem:s29], [sflag:$0x3], $0x80, s14, s0, $0xb8;
	[tilespmem:$0x1D400] =	vst v63  }
0xd3: {  	_ =	swait.ge [sflag:s28], $0x4000  }
0xd4: {  	[sflag:s28] =	ssyncset.done $0x0  }
0xd5: {  	[sflag:s28] =	ssyncadd.s32 $0xFFFFC000  }
0xd6: {  	[tilespmem:s29], [sflag:$0x1] =	stream.linear.gather [hbm4b:s25+s3], $0x4000, $0x38;
	[tilespmem:$0x1D400] =	vst v63  }
0xd7: {  	p4 =	sne.s32 s13, $0x1;
	_ =	swait.ge [sflag:s1], $0x4000  }
.Ltmp7:
0xd8: {  	[sflag:s1] =	ssyncset.done $0x0;
	(pc) =	sbr.rel @!p4 .LBB2_12-.Ltmp7, $4  }
0xd9: {  	s24 =	simm.s32 $0x80;
	[sflag:s1] =	ssyncadd.s32 $0xFFFFC000  }
0xda: {  	[spmem:s2] =	stream.indirect.scatter.add.f32 [tilespmem:s30], [sflag:$0x3], $0x80, s24, s0, $0xb8;
	[tilespmem:$0x1D400] =	vst v63  }
0xdb: {  	s18 =	sadd.s32 $0xFFFFFFFF, s13;
	p3 =	por $0x1, $0x1;
	_ =	swait.ge [sflag:s28], $0x4000  }
0xdc: {  	s16 =	simm.s32 $0x0;
	s15 =	sadd.s32 $0x1000, s25;
	[sflag:s28] =	ssyncset.done $0x0  }
.LBB2_13:
0xdd: {  	s20 =	sadd.s32 $0xFFFFF800, s15;
	[sflag:s28] =	ssyncadd.s32 $0xFFFFC000;
	s16 =	sadd.s32 $0x100, s16  }
0xde: {  	[tilespmem:s30], [sflag:$0x2] =	stream.linear.gather [hbm4b:s20+s3], $0x4000, $0x38;
	[tilespmem:$0x1D400] =	vst v63  }
0xdf: {  	p4 =	sne.s32 s18, $0x1;
	s18 =	sadd.s32 $0xFFFFFFFF, s18;
	_ =	swait.ge [sflag:s31], $0x4000  }
0xe0: {  	[sflag:s31] =	ssyncset.done $0x0  }
0xe1: {  	[sflag:s31] =	ssyncadd.s32 $0xFFFFC000  }
0xe2: {  	[spmem:s2] =	stream.indirect.scatter.add.f32 [tilespmem:s29], [sflag:$0x3], $0x80, s16, s0, $0xb8;
	[tilespmem:$0x1D400] =	vst v63  }
0xe3: {  	_ =	swait.ge [sflag:s28], $0x4000  }
0xe4: {  	[sflag:s28] =	ssyncset.done $0x0  }
0xe5: {  	[sflag:s28] =	ssyncadd.s32 $0xFFFFC000  }
0xe6: {  	[tilespmem:s29], [sflag:$0x1] =	stream.linear.gather [hbm4b:s15+s3], $0x4000, $0x38;
	[tilespmem:$0x1D400] =	vst v63  }
0xe7: {  	_ =	swait.ge [sflag:s1], $0x4000  }
.Ltmp8:
0xe8: {  	[sflag:s1] =	ssyncset.done $0x0;
	(pc) =	sbr.rel @p4 .LBB2_13-.Ltmp8, $4  }
0xe9: {  	s20 =	sadd.s32 $0x80, s16;
	[sflag:s1] =	ssyncadd.s32 $0xFFFFC000  }
0xea: {  	[spmem:s2] =	stream.indirect.scatter.add.f32 [tilespmem:s30], [sflag:$0x3], $0x80, s20, s0, $0xb8;
	[tilespmem:$0x1D400] =	vst v63  }
0xeb: {  	_ =	swait.ge [sflag:s28], $0x4000  }
0xec: {  	s15 =	sadd.s32 $0x1000, s15;
	[sflag:s28] =	ssyncset.done $0x0  }
.LBB2_14:
0xed: {  	s18 =	sadd.s32 $0xFFFFF800, s15;
	[sflag:s28] =	ssyncadd.s32 @p3 $0xFFFFC000  }
0xee: {  	[tilespmem:s30], [sflag:$0x2] =	stream.linear.gather [hbm4b:s18+s3], $0x4000, $0x38;
	[tilespmem:$0x1D400] =	vst v63  }
0xef: {  	_ =	swait.ge [sflag:s31], $0x4000  }
0xf0: {  	s16 =	sadd.s32 @p3 $0x100, s16;
	[sflag:s31] =	ssyncset.done $0x0  }
0xf1: {  	s14 =	smov.u32 @p3 s16;
	[sflag:s31] =	ssyncadd.s32 $0xFFFFC000  }
0xf2: {  	[spmem:s2] =	stream.indirect.scatter.add.f32 [tilespmem:s29], [sflag:$0x3], $0x80, s14, s0, $0xb8;
	[tilespmem:$0x1D400] =	vst v63  }
0xf3: {  	_ =	swait.ge [sflag:s28], $0x4000  }
0xf4: {  	[sflag:s28] =	ssyncset.done $0x0  }
0xf5: {  	[sflag:s28] =	ssyncadd.s32 $0xFFFFC000  }
0xf6: {  	[tilespmem:s29], [sflag:$0x1] =	stream.linear.gather [hbm4b:s15+s3], $0x4000, $0x38;
	[tilespmem:$0x1D400] =	vst v63  }
0xf7: {  	_ =	swait.ge [sflag:s1], $0x4000  }
0xf8: {  	[sflag:s1] =	ssyncset.done $0x0  }
0xf9: {  	s14 =	sadd.s32 $0x80, s14;
	[sflag:s1] =	ssyncadd.s32 $0xFFFFC000  }
0xfa: {  	[spmem:s2] =	stream.indirect.scatter.add.f32 [tilespmem:s30], [sflag:$0x3], $0x80, s14, s0, $0xb8;
	[tilespmem:$0x1D400] =	vst v63  }
0xfb: {  	_ =	swait.ge [sflag:s28], $0x4000  }
0xfc: {  	s15 =	rddreg [dreg:$0x11]  }
0xfd: {  	[sflag:s28] =	ssyncset.done $0x0;
	s20 =	sadd.s32 s9, s15  }
0xfe: {  	[sflag:s28] =	ssyncadd.s32 $0xFFFFC000;
	s14 =	sadd.s32 $0x800, s20  }
0xff: {  	[tilespmem:s30], [sflag:$0x2] =	stream.linear.gather [hbm4b:s14+s3], $0x4000, $0x38;
	[tilespmem:$0x1D400] =	vst v63  }
0x100: {  	_ =	swait.ge [sflag:s31], $0x4000  }
0x101: {  	[sflag:s31] =	ssyncset.done $0x0  }
0x102: {  	[sflag:s31] =	ssyncadd.s32 $0xFFFFC000  }
0x103: {  	[spmem:s2] =	stream.indirect.scatter.add.f32 [tilespmem:s29], [sflag:$0x3], $0x80, s11, s0, $0xb8;
	[tilespmem:$0x1D400] =	vst v63  }
0x104: {  	_ =	swait.ge [sflag:s28], $0x4000  }
0x105: {  	s14 =	sadd.s32 @!p0 s9, s15;
	s15 =	simm.s32 @!p0 $0x1400;
	[sflag:s28] =	ssyncset.done $0x0  }
0x106: {  	s16 =	sadd.s32 @!p0 $0x1000, s14;
	s14 =	simm.s32 @!p0 $0x0;
	[sflag:s28] =	ssyncadd.s32 $0xFFFFC000  }
0x107: {  	[tilespmem:s15], [sflag:$0x1] =	stream.linear.gather @!p0 [hbm4b:s16+s14], $0x4000, $0x38;
	[tilespmem:$0x1D400] =	vst v63  }
0x108: {  	_ =	swait.ge [sflag:s1], $0x4000  }
0x109: {  	[sflag:s1] =	ssyncset.done $0x0  }
0x10a: {  	[sflag:s1] =	ssyncadd.s32 $0xFFFFC000  }
0x10b: {  	[spmem:s2] =	stream.indirect.scatter.add.f32 [tilespmem:s30], [sflag:$0x3], $0x80, s12, s0, $0xb8;
	[tilespmem:$0x1D400] =	vst v63  }
0x10c: {  	_ =	swait.ge [sflag:s28], $0x4000  }
0x10d: {  	[sflag:s28] =	ssyncset.done $0x0  }
0x10e: {  	[sflag:s28] =	ssyncadd.s32 $0xFFFFC000  }
0x10f: {  	[bflag:$0x0] =	sbarrier.arrive $0xFFFF  }
0x110: {  	s21 =	rddreg [dreg:$0xc]  }
0x111: {  	[hbm:s21], [sflag:s5] =	dma.local [spmem:s7], $0x2800  }
0x112: {  	_ =	swait.ge [sflag:s28], $0x2800  }
0x113: {  	[sflag:s28] =	ssyncset.done $0x0  }
0x114: {  	[sflag:s28] =	ssyncadd.s32 $0xFFFFD800  }
0x115: {  	[bflag:$0x0] =	sbarrier.arrive $0xFFFF  }
0x116: {  	[spmem:s7], [sflag:s5] =	dma.local [hbm:s6], $0x2800  }
0x117: {  	_ =	swait.ge [sflag:s28], $0x2800  }
0x118: {  	[sflag:s28] =	ssyncset.done $0x0  }
.Ltmp9:
0x119: {  	[sflag:s28] =	ssyncadd.s32 $0xFFFFD800;
	(pc) =	sbr.rel @!p1 .LBB2_18-.Ltmp9, $4  }
0x11a: {  	[bflag:$0x0] =	sbarrier.arrive $0xFFFF  }
0x11b: {  	s16 =	simm.s32 $0x0;
	s24 =	rddreg [dreg:$0xd]  }
0x11c: {  	[tilespmem:s29], [sflag:$0x1] =	stream.linear.gather [hbm4b:s24+s16], $0x4000, $0x38;
	[tilespmem:$0x1D400] =	vst v63  }
0x11d: {  	s18 =	simm.s32 $0x0;
	s24 =	smov.u32 s26  }
0x11e: {  	s18 =	sadd.s32 $0xFFFFF800, s26  }
0x11f: {  	[tilespmem:s30], [sflag:$0x2] =	stream.linear.gather [hbm4b:s18+s3], $0x4000, $0x38;
	[tilespmem:$0x1D400] =	vst v63  }
0x120: {  	_ =	swait.ge [sflag:s31], $0x4000  }
0x121: {  	[sflag:s31] =	ssyncset.done $0x0  }
0x122: {  	[sflag:s31] =	ssyncadd.s32 $0xFFFFC000  }
0x123: {  	[spmem:s2] =	stream.indirect.scatter.add.f32 [tilespmem:s29], [sflag:$0x3], $0x80, s16, s0, $0xb8;
	[tilespmem:$0x1D400] =	vst v63  }
0x124: {  	_ =	swait.ge [sflag:s28], $0x4000  }
0x125: {  	[sflag:s28] =	ssyncset.done $0x0  }
0x126: {  	[sflag:s28] =	ssyncadd.s32 $0xFFFFC000  }
0x127: {  	[tilespmem:s29], [sflag:$0x1] =	stream.linear.gather [hbm4b:s26+s3], $0x4000, $0x38;
	[tilespmem:$0x1D400] =	vst v63  }
0x128: {  	p1 =	sne.s32 s13, $0x1;
	_ =	swait.ge [sflag:s1], $0x4000  }
.Ltmp10:
0x129: {  	[sflag:s1] =	ssyncset.done $0x0;
	(pc) =	sbr.rel @!p1 .LBB2_16-.Ltmp10, $4  }
0x12a: {  	s24 =	simm.s32 $0x80;
	[sflag:s1] =	ssyncadd.s32 $0xFFFFC000  }
0x12b: {  	[spmem:s2] =	stream.indirect.scatter.add.f32 [tilespmem:s30], [sflag:$0x3], $0x80, s24, s0, $0xb8;
	[tilespmem:$0x1D400] =	vst v63  }
0x12c: {  	s13 =	sadd.s32 $0xFFFFFFFF, s13;
	p2 =	por $0x1, $0x1;
	_ =	swait.ge [sflag:s28], $0x4000  }
0x12d: {  	s18 =	simm.s32 $0x0;
	s24 =	sadd.s32 $0x1000, s26;
	[sflag:s28] =	ssyncset.done $0x0  }
.LBB2_17:
0x12e: {  	s20 =	sadd.s32 $0xFFFFF800, s24;
	[sflag:s28] =	ssyncadd.s32 $0xFFFFC000;
	s18 =	sadd.s32 $0x100, s18  }
0x12f: {  	[tilespmem:s30], [sflag:$0x2] =	stream.linear.gather [hbm4b:s20+s3], $0x4000, $0x38;
	[tilespmem:$0x1D400] =	vst v63  }
0x130: {  	p1 =	sne.s32 s13, $0x1;
	s13 =	sadd.s32 $0xFFFFFFFF, s13;
	_ =	swait.ge [sflag:s31], $0x4000  }
0x131: {  	[sflag:s31] =	ssyncset.done $0x0  }
0x132: {  	[sflag:s31] =	ssyncadd.s32 $0xFFFFC000  }
0x133: {  	[spmem:s2] =	stream.indirect.scatter.add.f32 [tilespmem:s29], [sflag:$0x3], $0x80, s18, s0, $0xb8;
	[tilespmem:$0x1D400] =	vst v63  }
0x134: {  	_ =	swait.ge [sflag:s28], $0x4000  }
0x135: {  	[sflag:s28] =	ssyncset.done $0x0  }
0x136: {  	[sflag:s28] =	ssyncadd.s32 $0xFFFFC000  }
0x137: {  	[tilespmem:s29], [sflag:$0x1] =	stream.linear.gather [hbm4b:s24+s3], $0x4000, $0x38;
	[tilespmem:$0x1D400] =	vst v63  }
0x138: {  	_ =	swait.ge [sflag:s1], $0x4000  }
.Ltmp11:
0x139: {  	[sflag:s1] =	ssyncset.done $0x0;
	(pc) =	sbr.rel @p1 .LBB2_17-.Ltmp11, $4  }
0x13a: {  	s20 =	sadd.s32 $0x80, s18;
	[sflag:s1] =	ssyncadd.s32 $0xFFFFC000  }
0x13b: {  	[spmem:s2] =	stream.indirect.scatter.add.f32 [tilespmem:s30], [sflag:$0x3], $0x80, s20, s0, $0xb8;
	[tilespmem:$0x1D400] =	vst v63  }
0x13c: {  	_ =	swait.ge [sflag:s28], $0x4000  }
0x13d: {  	s24 =	sadd.s32 $0x1000, s24;
	[sflag:s28] =	ssyncset.done $0x0  }
.LBB2_18:
0x13e: {  	s13 =	sadd.s32 $0xFFFFF800, s24;
	[sflag:s28] =	ssyncadd.s32 @p2 $0xFFFFC000  }
0x13f: {  	[tilespmem:s30], [sflag:$0x2] =	stream.linear.gather [hbm4b:s13+s3], $0x4000, $0x38;
	[tilespmem:$0x1D400] =	vst v63  }
0x140: {  	_ =	swait.ge [sflag:s31], $0x4000  }
0x141: {  	s13 =	sadd.s32 @p2 $0x100, s18;
	[sflag:s31] =	ssyncset.done $0x0  }
0x142: {  	s16 =	smov.u32 @p2 s13;
	[sflag:s31] =	ssyncadd.s32 $0xFFFFC000  }
0x143: {  	[spmem:s2] =	stream.indirect.scatter.add.f32 [tilespmem:s29], [sflag:$0x3], $0x80, s16, s0, $0xb8;
	[tilespmem:$0x1D400] =	vst v63  }
0x144: {  	_ =	swait.ge [sflag:s28], $0x4000  }
0x145: {  	[sflag:s28] =	ssyncset.done $0x0  }
0x146: {  	[sflag:s28] =	ssyncadd.s32 $0xFFFFC000  }
0x147: {  	[tilespmem:s29], [sflag:$0x1] =	stream.linear.gather [hbm4b:s24+s3], $0x4000, $0x38;
	[tilespmem:$0x1D400] =	vst v63  }
0x148: {  	_ =	swait.ge [sflag:s1], $0x4000  }
0x149: {  	[sflag:s1] =	ssyncset.done $0x0  }
0x14a: {  	s13 =	sadd.s32 $0x80, s16;
	[sflag:s1] =	ssyncadd.s32 $0xFFFFC000  }
0x14b: {  	[spmem:s2] =	stream.indirect.scatter.add.f32 [tilespmem:s30], [sflag:$0x3], $0x80, s13, s0, $0xb8;
	[tilespmem:$0x1D400] =	vst v63  }
0x14c: {  	_ =	swait.ge [sflag:s28], $0x4000  }
0x14d: {  	s20 =	sadd.s32 s9, s22;
	[sflag:s28] =	ssyncset.done $0x0  }
0x14e: {  	s13 =	sadd.s32 $0x800, s20;
	[sflag:s28] =	ssyncadd.s32 $0xFFFFC000  }
0x14f: {  	[tilespmem:s30], [sflag:$0x2] =	stream.linear.gather [hbm4b:s13+s3], $0x4000, $0x38;
	[tilespmem:$0x1D400] =	vst v63  }
0x150: {  	_ =	swait.ge [sflag:s31], $0x4000  }
0x151: {  	[sflag:s31] =	ssyncset.done $0x0  }
0x152: {  	[sflag:s31] =	ssyncadd.s32 $0xFFFFC000  }
0x153: {  	[spmem:s2] =	stream.indirect.scatter.add.f32 [tilespmem:s29], [sflag:$0x3], $0x80, s11, s0, $0xb8;
	[tilespmem:$0x1D400] =	vst v63  }
0x154: {  	_ =	swait.ge [sflag:s28], $0x4000  }
0x155: {  	s9 =	sadd.s32 @!p0 s9, s22;
	[sflag:s28] =	ssyncset.done $0x0  }
0x156: {  	s9 =	sadd.s32 @!p0 $0x1000, s9;
	[sflag:s28] =	ssyncadd.s32 $0xFFFFC000  }
0x157: {  	[tilespmem:s15], [sflag:$0x1] =	stream.linear.gather @!p0 [hbm4b:s9+s14], $0x4000, $0x38;
	[tilespmem:$0x1D400] =	vst v63  }
0x158: {  	_ =	swait.ge [sflag:s1], $0x4000  }
0x159: {  	[sflag:s1] =	ssyncset.done $0x0  }
0x15a: {  	[sflag:s1] =	ssyncadd.s32 $0xFFFFC000  }
0x15b: {  	[spmem:s2] =	stream.indirect.scatter.add.f32 [tilespmem:s30], [sflag:$0x3], $0x80, s12, s0, $0xb8;
	[tilespmem:$0x1D400] =	vst v63  }
0x15c: {  	_ =	swait.ge [sflag:s28], $0x4000  }
0x15d: {  	[sflag:s28] =	ssyncset.done $0x0  }
0x15e: {  	[sflag:s28] =	ssyncadd.s32 $0xFFFFC000  }
0x15f: {  	[bflag:$0x0] =	sbarrier.arrive $0xFFFF  }
0x160: {  	s21 =	rddreg [dreg:$0xe]  }
0x161: {  	[hbm:s21], [sflag:s5] =	dma.local [spmem:s7], $0x2800  }
0x162: {  	_ =	swait.ge [sflag:s28], $0x2800  }
0x163: {  	s4 =	sadd.s32 $0x1, s4;
	s24 =	rddreg [dreg:$0xf]  }
0x164: {  	p0 =	sne.s32 s4, s24  }
.Ltmp12:
0x165: {  	_ = 	snop;
	(pc) =	sbr.rel @p0 .LBB2_1-.Ltmp12, $4  }
.Ltmp13:
0x166: {  	[sflag:s28] =	ssyncset.done $0x0;
	(pc) =	sbr.rel @!p0 .LBB2_19-.Ltmp13, $4  }
0x167: {  	[sflag:s28] =	ssyncadd.s32 $0xFFFFD800  }
0x168: {  	[bflag:$0x0] =	sbarrier.arrive $0xFFFF  }
0x169: {  	_ = 	snop  }
0x16a: {  	_ = 	snop  }
.LBB2_2:
.Ltmp14:
0x16b: {  	(pc) =	sbr.rel .LBB2_6-.Ltmp14, $2  }
0x16c: {  	_ =	sdelay $0x2  }
0x16d: {  	s12 =	simm.s32 $0x80;
	p0 =	por $0x0, $0x0  }
.LBB2_8:
.Ltmp15:
0x16e: {  	(pc) =	sbr.rel .LBB2_10-.Ltmp15, $2  }
0x16f: {  	_ =	sdelay $0x2  }
0x170: {  	s18 =	simm.s32 $0x0  }
.LBB2_12:
.Ltmp16:
0x171: {  	(pc) =	sbr.rel .LBB2_14-.Ltmp16, $2  }
0x172: {  	_ =	sdelay $0x2  }
0x173: {  	s16 =	simm.s32 $0x0  }
.LBB2_16:
.Ltmp17:
0x174: {  	(pc) =	sbr.rel .LBB2_18-.Ltmp17, $2  }
0x175: {  	_ =	sdelay $0x2  }
0x176: {  	s18 =	simm.s32 $0x0  }
.LBB2_19:
0x177: {  	_ =	sfence.sel $0x180000  }
0x178: {  	[bflag:$0x0] =	sbarrier.arrive $0xFFFF  }
0x179: {  	_ =	strace $0x90000050  }
0x17a: {  	s0 =	stileid.u32;
	[bflag:$0x2] =	sbarrier.arrive $0xFFFF  }
0x17b: {  	p0 =	sne.s32 s0, $0x0;
	s0 =	rddreg [dreg:$0x3]  }
0x17c: {  	s0 =	sadd.s32 @!p0 $0x100000, s0  }
0x17d: {  	[sflag:s0] =	ssyncadd.tile.s32 @!p0 $0x1;
	_ =	shalt  }
.Lfunc_end2:
_tile_overlayer_lowered:
.L_overlay_start_2:
0x17e: {  	(tag) =	ssettag $0x2  }
0x17f: {  	s0 =	rddreg [dreg:$0x0];
	s2 =	stileid.u32  }
0x180: {  	s1 =	rddreg [dreg:$0x1];
	p0 =	sne.s32 s2, $0x0  }
0x181: {  	s3 =	rddreg [dreg:$0x2];
	[bflag:$0x3] =	sbarrier.arrive $0xFFFF;
	s2 =	simm.s32 @!p0 $0x1C03  }
0x182: {  	[timem:s3], [sflag:s2] =	dma.local @!p0 [hbm:s0], s1  }
0x183: {  	s0 =	simm.s32 @!p0 $0x3  }
0x184: {  	_ =	swait.ge @!p0 [sflag:s0], s1  }
0x185: {  	s1 =	ssub.s32 @!p0 $0x0, s1;
	[sflag:s0] =	ssyncset.done @!p0 $0x0  }
0x186: {  	[sflag:s0] =	ssyncadd.s32 @!p0 s1  }
0x187: {  	[bflag:$0x3] =	sbarrier.arrive $0xFFFF  }
0x188: {  	_ =	shalt  }

// kernel: kernel.17.cloned.1.call-start
scs
__scs_entry_jumppad:
0x0: {  	(pc) =	sbr.rel $0x88, $3  }
0x1: {  	(tag) =	ssettag $0x0;
	lr =	simm.s32 $0x1  }
0x2: {  	[smem:$0x3F8B] =	sst lr;
	_ =	strace $0xD0000000  }
0x3: {  	_ = 	snop  }
0x4: {  	_ = 	snop  }
0x5: {  	_ = 	snop  }
0x6: {  	_ = 	snop  }
0x7: {  	_ = 	snop  }
__scs_overlays_trampoline_lowered:
0x8: {  	[smem:$0x3F9A] =	sst s0  }
0x9: {  	[smem:$0x3F9B] =	sst s1  }
0xa: {  	[smem:$0x3F9C] =	sst s2  }
0xb: {  	[smem:$0x3F9D] =	sst s3  }
0xc: {  	[smem:$0x3F9E] =	sst s4  }
0xd: {  	[smem:$0x3F9F] =	sst s5  }
0xe: {  	[smem:$0x3FA0] =	sst s6  }
0xf: {  	[smem:$0x3FA1] =	sst s7  }
0x10: {  	[smem:$0x3FA2] =	sst s8  }
0x11: {  	[smem:$0x3FA3] =	sst s9;
	s0 =	simm.s32 @!p0 $0x0  }
0x12: {  	s1 =	sld [smem:$0x3F89];
	s0 =	simm.s32 @p0 $0x1  }
0x13: {  	[smem:$0x3FA4] =	sst s0;
	s0 =	simm.s32 @!p1 $0x0  }
0x14: {  	s2 =	sld [smem:$0x3F88];
	s0 =	simm.s32 @p1 $0x1  }
0x15: {  	[smem:$0x3FA5] =	sst s0;
	s0 =	simm.s32 @!p2 $0x0  }
0x16: {  	s3 =	sld [smem:$0x3FDB];
	s0 =	simm.s32 @p2 $0x1  }
0x17: {  	s4 =	simm.s32 $0x1BF5;
	[smem:$0x3FA7] =	sst s0  }
0x18: {  	s0 =	sld [smem:$0x3F8A];
	_ =	swait.ge [sflag:s4], $0x0  }
0x19: {  	s7 =	sld [smem:$0x3F8B]  }
0x1a: {  	s8 =	sadd.s32 $0xFFFFE003, lr  }
0x1b: {  	s9 =	sadd.s32 $0xFFFFFEF7, lr;
	s5 =	simm.s32 $0xFFFFFFFF;
	p2 =	slt.u32 s8, $0xFFFFF086  }
0x1c: {  	p1 =	slt.u32 s9, $0xF7A;
	s5 =	simm.s32 @!p2 $0x0  }
0x1d: {  	s5 =	simm.s32 @p1 $0x1;
	p0 =	seq.s32 s7, s2  }
0x1e: {  	s7 =	smul.u32 @!p0 $0xF7A, s2;
	p2 =	seq.s32 @!p0 s5, $0x0  }
0x1f: {  	s9 =	smul.u32 $0xF7A, s1;
	s8 =	simm.s32 @!p0 $0x1BF5;
	p2 =	por !p2, p0  }
0x20: {  	[sflag:s8] =	ssyncset.s32 @!p0 $0xFFFFF086;
	s6 =	sadd.s32 @!p0 s3, s7;
	s7 =	simm.s32 @!p0 $0x108  }
0x21: {  	s3 =	sadd.s32 s3, s9;
	s6 =	sadd.s32 @!p0 $0x88, s6;
	s7 =	simm.s32 @p2 $0x1082  }
0x22: {  	[simem:s7], [sflag:s8] =	dma.local @!p0 [hbm:s6], $0xF7A  }
0x23: {  	s9 =	sor.u32 $0xD0000000, s2;
	s6 =	simm.s32 $0x108;
	_ =	swait.ge @!p0 [sflag:s8], $0x0  }
0x24: {  	s3 =	sadd.s32 $0x88, s3;
	s6 =	simm.s32 @!p1 $0x1082;
	[sflag:s4] =	ssyncset.s32 $0xFFFFF086  }
0x25: {  	[simem:s6], [sflag:s4] =	dma.local [hbm:s3], $0xF7A  }
0x26: {  	[smem:$0x3F8B] =	sst s1;
	(tag) =	ssettag s2;
	_ =	strace s9  }
0x27: {  	s1 =	sld [smem:$0x3F9B]  }
0x28: {  	s2 =	sld [smem:$0x3F9C]  }
0x29: {  	s4 =	sld [smem:$0x3F9E]  }
0x2a: {  	p0 =	seq.s32 s5, $0x0;
	s5 =	sld [smem:$0x3F9F]  }
0x2b: {  	s6 =	sld [smem:$0x3FA0]  }
0x2c: {  	s7 =	sld [smem:$0x3FA1]  }
0x2d: {  	s3 =	simm.s32 $0x108;
	s8 =	sld [smem:$0x3FA2]  }
0x2e: {  	s3 =	simm.s32 @!p0 $0x1082;
	s9 =	sld [smem:$0x3FA3]  }
0x2f: {  	lr =	sadd.s32 s0, s3;
	s0 =	sld [smem:$0x3F9A]  }
0x30: {  	s3 =	sld [smem:$0x3F9D]  }
0x31: {  	[smem:$0x3FA6] =	sst s10  }
0x32: {  	s10 =	sld [smem:$0x3FA4];
	_ =	sdelay $0x3  }
0x33: {  	p0 =	seq.s32 s10, $0x1;
	s10 =	sld [smem:$0x3FA6];
	_ =	sdelay $0x3  }
0x34: {  	[smem:$0x3FA6] =	sst s10  }
0x35: {  	s10 =	sld [smem:$0x3FA5];
	_ =	sdelay $0x3  }
0x36: {  	p1 =	seq.s32 s10, $0x1;
	s10 =	sld [smem:$0x3FA6];
	_ =	sdelay $0x3  }
0x37: {  	[smem:$0x3FA6] =	sst s10  }
0x38: {  	s10 =	sld [smem:$0x3FA7]  }
0x39: {  	_ = 	snop;
	(pc) =	sbr.ind lr, $3  }
0x3a: {  	_ = 	snop  }
0x3b: {  	_ = 	snop  }
0x3c: {  	p2 =	seq.s32 s10, $0x1;
	s10 =	sld [smem:$0x3FA6]  }
0x3d: {  	_ =	shalt  }
0x3e: {  	_ =	shalt  }
0x3f: {  	_ =	shalt  }
0x40: {  	_ =	shalt  }
0x41: {  	_ =	shalt  }
0x42: {  	_ =	shalt  }
0x43: {  	_ =	shalt  }
0x44: {  	_ =	shalt  }
0x45: {  	_ =	shalt  }
0x46: {  	_ =	shalt  }
0x47: {  	_ =	shalt  }
0x48: {  	_ =	shalt  }
0x49: {  	_ =	shalt  }
0x4a: {  	_ =	shalt  }
0x4b: {  	_ =	shalt  }
0x4c: {  	_ =	shalt  }
0x4d: {  	_ =	shalt  }
0x4e: {  	_ =	shalt  }
0x4f: {  	_ =	shalt  }
0x50: {  	_ =	shalt  }
0x51: {  	_ =	shalt  }
0x52: {  	_ =	shalt  }
0x53: {  	_ =	shalt  }
0x54: {  	_ =	shalt  }
0x55: {  	_ =	shalt  }
0x56: {  	_ =	shalt  }
0x57: {  	_ =	shalt  }
0x58: {  	_ =	shalt  }
0x59: {  	_ =	shalt  }
0x5a: {  	_ =	shalt  }
0x5b: {  	_ =	shalt  }
0x5c: {  	_ =	shalt  }
0x5d: {  	_ =	shalt  }
0x5e: {  	_ =	shalt  }
0x5f: {  	_ =	shalt  }
0x60: {  	_ =	shalt  }
0x61: {  	_ =	shalt  }
0x62: {  	_ =	shalt  }
0x63: {  	_ =	shalt  }
0x64: {  	_ =	shalt  }
0x65: {  	_ =	shalt  }
0x66: {  	_ =	shalt  }
0x67: {  	_ =	shalt  }
0x68: {  	_ =	shalt  }
0x69: {  	_ =	shalt  }
0x6a: {  	_ =	shalt  }
0x6b: {  	_ =	shalt  }
0x6c: {  	_ =	shalt  }
0x6d: {  	_ =	shalt  }
0x6e: {  	_ =	shalt  }
0x6f: {  	_ =	shalt  }
0x70: {  	_ =	shalt  }
0x71: {  	_ =	shalt  }
0x72: {  	_ =	shalt  }
0x73: {  	_ =	shalt  }
0x74: {  	_ =	shalt  }
0x75: {  	_ =	shalt  }
0x76: {  	_ =	shalt  }
0x77: {  	_ =	shalt  }
0x78: {  	_ =	shalt  }
0x79: {  	_ =	shalt  }
0x7a: {  	_ =	shalt  }
0x7b: {  	_ =	shalt  }
0x7c: {  	_ =	shalt  }
0x7d: {  	_ =	shalt  }
0x7e: {  	_ =	shalt  }
0x7f: {  	_ =	shalt  }
0x80: {  	_ =	shalt  }
0x81: {  	_ =	shalt  }
0x82: {  	_ =	shalt  }
0x83: {  	_ =	shalt  }
0x84: {  	_ =	shalt  }
0x85: {  	_ =	shalt  }
0x86: {  	_ =	shalt  }
0x87: {  	_ =	shalt  }
.Lfunc_end0:
.L_simem_size_0:
called_computation.2_lowered:
.L_overlay_start_0:
0x88: {  	s2 =	sld [smem:$0x3FD9]  }
0x89: {  	s3 =	sld [smem:$0x3FFE];
	_ =	sdelay $0x1  }
0x8a: {  	s1 =	srdreg.scid  }
0x8b: {  	s0 =	sand.u32 $0x1, s1  }
0x8c: {  	s14 =	sshll.u32 s0, $0xA;
	s2 =	sadd.s32 s3, s2  }
0x8d: {  	s2 =	sadd.s32 s2, s14  }
0x8e: {  	[smem:$0x3FB2] =	sst s2  }
0x8f: {  	_ = 	snop  }
0x90: {  	s2 =	sld [smem:$0x3FD0];
	_ =	sdelay $0x2  }
0x91: {  	s15 =	simm.s32 $0xB;
	s4 =	simm.s32 $0x10  }
0x92: {  	[smem:s4], [sflag:s15] =	dma.local [hbm:s2], $0x1  }
0x93: {  	_ =	swait.eq [sflag:s15], $0x1  }
0x94: {  	[sflag:s15] =	ssyncset.done $0x0  }
0x95: {  	s16 =	sld [smem:$0x10];
	[sflag:s15] =	ssyncadd.s32 $0xFFFFFFFF  }
0x96: {  	s17 =	sld [smem:$0x11];
	(tm) =	ssettm $0x1  }
0x97: {  	s18 =	sld [smem:$0x3FFB];
	_ =	sdelay $0x3  }
0x98: {  	_ =	strace s18  }
0x99: {  	s4 =	sld [smem:$0x3FFC];
	_ =	sdelay $0x3  }
0x9a: {  	_ =	strace s4  }
0x9b: {  	s4 =	sld [smem:$0x3FFD];
	_ =	sdelay $0x3  }
0x9c: {  	_ =	strace s4  }
0x9d: {  	_ =	strace $0x8FFFFFFF  }
0x9e: {  	s19 =	sld [smem:$0x3FDB];
	_ =	sdelay $0x1  }
0x9f: {  	s5 =	simm.s32 $_scs_section_size  }
0xa0: {  	s6 =	simm.s32 $_size__tile_overlayer_lowered;
	s7 =	simm.s32 $_tile_overlayer_lowered  }
0xa1: {  	s22 =	simm.s32 $0x1BFF;
	s21 =	sshll.u32 s7, $0x1;
	s4 =	sadd.s32 s5, s19  }
0xa2: {  	s8 =	simm.s32 $0x0;
	s20 =	sshll.u32 s6, $0x1;
	s6 =	sadd.s32 s21, s4  }
0xa3: {  	[timem:s8], [sflag:s22] =	dma.local [hbm:s6], s20  }
0xa4: {  	_ =	swait.ge [sflag:s22], s20  }
0xa5: {  	s5 =	ssub.s32 $0x0, s20;
	[sflag:s22] =	ssyncset.done $0x0  }
0xa6: {  	[sflag:s22] =	ssyncadd.s32 s5;
	_ =	sdelay $0x1  }
0xa7: {  	s23 =	simm.s32 $0x1B8B  }
0xa8: {  	_ =	swait.ge [sflag:s23], $0x1  }
0xa9: {  	[sflag:s23] =	ssyncset.done $0x0  }
0xaa: {  	s25 =	simm.s32 $0x1B8E;
	s24 =	sld [smem:$0x3FFE];
	[sflag:s23] =	ssyncadd.s32 $0xFFFFFFFF  }
0xab: {  	s26 =	simm.s32 $execute0_lowered;
	[smem:$0x3FD2] =	sst s25  }
0xac: {  	s6 =	sshll.u32 s26, $0x1;
	_ =	strace $0x80000046;
	[dreg:$0x1] =	wrdreg $0xFFFFFFFF  }
0xad: {  	s28 =	simm.s32 $_size_execute0_lowered;
	s4 =	sadd.s32 s4, s6;
	[dreg:$0x0] =	wrdreg $0x0  }
0xae: {  	s6 =	sshll.u32 s28, $0x1;
	[dreg:$0x2] =	wrdreg s4  }
0xaf: {  	[dreg:$0x3] =	wrdreg s6  }
0xb0: {  	[dreg:$0x4] =	wrdreg $0xC0  }
0xb1: {  	_ =	task [dreg:s8], $0x5FFFF  }
0xb2: {  	[dreg:$0x1] =	wrdreg $0xFFFFFFFF  }
0xb3: {  	[dreg:$0x0] =	wrdreg $0x60  }
0xb4: {  	[dreg:$0x2] =	wrdreg s16  }
0xb5: {  	[dreg:$0x3] =	wrdreg s17  }
0xb6: {  	[dreg:$0x4] =	wrdreg s24  }
0xb7: {  	[dreg:$0x5] =	wrdreg $0xA  }
0xb8: {  	_ =	task.clear_ibuf [dreg:s8], $0x6FFFF;
	_ =	strace $0x90000046  }
0xb9: {  	s29 =	simm.s32 $0xA;
	_ =	strace $0x80000048  }
0xba: {  	_ =	swait.ge [sflag:s29], $0x1  }
0xbb: {  	[sflag:s29] =	ssyncadd.s32 $0xFFFFFFFF  }
0xbc: {  	_ =	strace $0x90000048  }
0xbd: {  	_ =	sfence  }
0xbe: {  	s30 =	sld [smem:$0x0];
	_ =	sdelay $0x2  }
0xbf: {  	s31 =	sshll.u32 s1, $0xD;
	s1 =	sshrl.u32 s1, $0x2  }
0xc0: {  	s3 =	sand.u32 $0x4000, s31;
	s1 =	sadd.s32 s1, s30  }
0xc1: {  	s0 =	sor.u32 s3, s0;
	s1 =	sshll.u32 s1, $0x11  }
0xc2: {  	s0 =	sor.u32 s1, s0  }
0xc3: {  	s0 =	sadd.s32 $0x8F2B, s0  }
0xc4: {  	[sflag:s0] =	ssyncadd.remote.s32 $0x1  }
0xc5: {  	_ =	sfence.sel $0xFFFF  }
0xc6: {  	[dreg:$0x0] =	wrdreg $0xFFFFFFFF;
	(pc) =	sbr.abs _section_cstart, $3  }
0xc7: {  	[dreg:$0x1] =	wrdreg $0xFFFFFFFF  }
0xc8: {  	_ =	task.clear_ibuf [dreg:s8], $0x2FFFF;
	_ =	strace $0x9FFFFFFF  }
0xc9: {  	(tm) =	ssettm $0x7FFFFFFF  }
tec
execute0_lowered:
.L_overlay_start_1:
0x0: {  	(tag) =	ssettag $0x1  }
0x1: {  	s1 =	rddreg [dreg:$0x0]  }
0x2: {  	s2 =	rddreg [dreg:$0x1]  }
0x3: {  	s6 =	rddreg [dreg:$0x2];
	s3 =	simm.s32 $0x0  }
0x4: {  	s4 =	srdreg.scid;
	s20 =	simm.s32 $0x1;
	s21 =	simm.s32 $0xA300  }
0x5: {  	s22 =	simm.s32 $0x2;
	s23 =	simm.s32 $0x0;
	[smem:$0x7FF] =	sst s3  }
0x6: {  	s5 =	sadd.s32 $0x6A00, s6;
	s12 =	sadd.s32 $0xBA00, s6;
	s13 =	sand.u32 $0x1, s4  }
0x7: {  	s4 =	stileid.u32;
	s14 =	sadd.s32 $0x27CA00, s6;
	s16 =	smul.u32 $0x140000, s13  }
0x8: {  	s6 =	simm.s32 $0x3;
	_ =	strace $0x80000047;
	s17 =	smul.u32 $0x14000, s4  }
0x9: {  	s7 =	ssub.s32 $0x2, s13;
	s8 =	sshll.u32 s13, $0x4;
	s18 =	smul.u32 $0x14000, s13  }
0xa: {  	s19 =	smul.u32 $0x1400, s4;
	s28 =	sshrl.u32 s7, $0x1;
	s8 =	sor.u32 s4, s8  }
0xb: {  	s9 =	ssub.s32 s7, s28;
	s10 =	smul.u32 $0x1400, s8;
	p0 =	seq.s32 s8, $0x1F  }
0xc: {  	s7 =	simm.s32 $0x3;
	s15 =	smul.u32 $0x14000, s8;
	s29 =	sadd.s32 s16, s12  }
0xd: {  	s16 =	sadd.s32 s16, s14;
	s31 =	sadd.s32 s19, s18;
	s18 =	simm.s32 $0x140  }
0xe: {  	s19 =	simm.s32 $0x300;
	s7 =	simm.s32 @!p0 $0xF;
	s8 =	smax.u32 s9, $0x1  }
0xf: {  	s13 =	sadd.s32 s17, s29;
	s30 =	sadd.s32 s17, s16;
	s16 =	simm.s32 $0x4  }
0x10: {  	s17 =	simm.s32 $0x180;
	s10 =	sshrl.u32 s10, $0x3;
	s11 =	sadd.s32 s12, s15  }
0x11: {  	s12 =	sadd.s32 s14, s15;
	s13 =	sadd.s32 $0x1400, s13;
	s14 =	sadd.s32 $0x1400, s30  }
0x12: {  	s15 =	sor.u32 $0x140, s31;
	s9 =	sadd.s32 s2, s10;
	s10 =	sadd.s32 s5, s10  }
.LBB2_1:
0x13: {  	[tilespmem:s3], [sflag:$0x4] =	stream.linear.gather [hbm4b:s9+s3], $0x140, $0x38;
	[tilespmem:$0x14300] =	vst v63  }
0x14: {  	_ =	swait.ge [sflag:s16], $0x140  }
0x15: {  	[sflag:s16] =	ssyncset.done $0x0  }
0x16: {  	[sflag:s16] =	ssyncadd.s32 $0xFFFFFEC0  }
0x17: {  	[tilespmem:s17], [sflag:$0x4] =	stream.linear.gather [hbm4b:s10+s3], $0x140, $0x38;
	[tilespmem:$0x14300] =	vst v63  }
0x18: {  	_ =	swait.ge [sflag:s16], $0x140  }
0x19: {  	[sflag:s16] =	ssyncset.done $0x0  }
0x1a: {  	[sflag:s16] =	ssyncadd.s32 $0xFFFFFEC0  }
0x1b: {  	[tilespmem:s19], [sflag:$0x1] =	stream.indirect.gather [hbm4b:s1+s18], $0x80, s3, s18, $0xb8;
	[tilespmem:$0x14300] =	vst v63  }
0x1c: {  	_ =	swait.ge [sflag:s20], $0xA000  }
0x1d: {  	[sflag:s20] =	ssyncset.done $0x0  }
0x1e: {  	[sflag:s20] =	ssyncadd.s32 $0xFFFF6000  }
0x1f: {  	[hbm4b:s11+s3] =	stream.linear.scatter [tilespmem:s19], [sflag:$0x2], $0xA000, $0x38;
	[tilespmem:$0x14300] =	vst v63  }
0x20: {  	p1 =	sne.s32 s7, $0x1  }
0x21: {  	[tilespmem:s21], [sflag:$0x1] =	stream.indirect.gather [hbm4b:s1+s18], $0x80, s17, s18, $0xb8;
	[tilespmem:$0x14300] =	vst v63  }
.Ltmp0:
0x22: {  	_ = 	snop;
	(pc) =	sbr.rel @!p1 .LBB2_2-.Ltmp0, $4  }
0x23: {  	_ =	swait.ge [sflag:s20], $0xA000  }
0x24: {  	s26 =	sshrl.u32 s15, $0x3;
	s24 =	sadd.s32 $0xFFFFFFFF, s7;
	[sflag:s20] =	ssyncset.done $0x0  }
0x25: {  	s25 =	sadd.s32 $0x140, s15;
	p0 =	por $0x0, $0x0;
	[sflag:s20] =	ssyncadd.s32 $0xFFFF6000  }
0x26: {  	[hbm4b:s12+s3] =	stream.linear.scatter [tilespmem:s21], [sflag:$0x3], $0xA000, $0x38;
	[tilespmem:$0x14300] =	vst v63  }
0x27: {  	s28 =	sadd.s32 s2, s26  }
0x28: {  	[tilespmem:s3], [sflag:$0x4] =	stream.linear.gather [hbm4b:s28+s3], $0x140, $0x38;
	[tilespmem:$0x14300] =	vst v63  }
0x29: {  	_ =	swait.ge [sflag:s16], $0x140  }
0x2a: {  	[sflag:s16] =	ssyncset.done $0x0  }
0x2b: {  	s31 =	sadd.s32 s5, s26;
	[sflag:s16] =	ssyncadd.s32 $0xFFFFFEC0  }
0x2c: {  	[tilespmem:s17], [sflag:$0x4] =	stream.linear.gather [hbm4b:s31+s3], $0x140, $0x38;
	[tilespmem:$0x14300] =	vst v63  }
0x2d: {  	_ =	swait.ge [sflag:s16], $0x140  }
0x2e: {  	[sflag:s16] =	ssyncset.done $0x0  }
0x2f: {  	[sflag:s16] =	ssyncadd.s32 $0xFFFFFEC0  }
0x30: {  	_ =	swait.ge [sflag:s22], $0xA000  }
0x31: {  	[sflag:s22] =	ssyncset.done $0x0  }
0x32: {  	[sflag:s22] =	ssyncadd.s32 $0xFFFF6000  }
0x33: {  	[tilespmem:s19], [sflag:$0x1] =	stream.indirect.gather [hbm4b:s1+s18], $0x80, s3, s18, $0xb8;
	[tilespmem:$0x14300] =	vst v63  }
0x34: {  	_ =	swait.ge [sflag:s20], $0xA000  }
0x35: {  	[sflag:s20] =	ssyncset.done $0x0  }
0x36: {  	[sflag:s20] =	ssyncadd.s32 $0xFFFF6000  }
0x37: {  	[hbm4b:s13+s3] =	stream.linear.scatter [tilespmem:s19], [sflag:$0x2], $0xA000, $0x38;
	[tilespmem:$0x14300] =	vst v63  }
0x38: {  	_ =	swait.ge [sflag:s6], $0xA000  }
0x39: {  	p1 =	sne.s32 s24, $0x1;
	[sflag:s6] =	ssyncset.done $0x0  }
.Ltmp1:
0x3a: {  	s26 =	sshrl.u32 s25, $0x3;
	[sflag:s6] =	ssyncadd.s32 $0xFFFF6000;
	(pc) =	sbr.rel @!p1 .LBB2_4-.Ltmp1, $4  }
0x3b: {  	[tilespmem:s21], [sflag:$0x1] =	stream.indirect.gather [hbm4b:s1+s18], $0x80, s17, s18, $0xb8;
	[tilespmem:$0x14300] =	vst v63  }
0x3c: {  	s29 =	sadd.s32 $0x140, s25;
	s25 =	sadd.s32 $0x1400, s13;
	_ =	swait.ge [sflag:s20], $0xA000  }
0x3d: {  	p0 =	por $0x1, $0x1;
	s30 =	smov.u32 s14;
	[sflag:s20] =	ssyncset.done $0x0  }
0x3e: {  	s28 =	sadd.s32 $0xFFFFFFFF, s24;
	s24 =	sadd.s32 $0x1400, s14;
	[sflag:s20] =	ssyncadd.s32 $0xFFFF6000  }
.LBB2_5:
0x3f: {  	[hbm4b:s30+s3] =	stream.linear.scatter [tilespmem:s21], [sflag:$0x3], $0xA000, $0x38;
	[tilespmem:$0x14300] =	vst v63  }
0x40: {  	s31 =	sshrl.u32 s29, $0x3;
	p1 =	sne.s32 s28, $0x1;
	s30 =	sadd.s32 s2, s26  }
0x41: {  	[tilespmem:s3], [sflag:$0x4] =	stream.linear.gather [hbm4b:s30+s3], $0x140, $0x38;
	[tilespmem:$0x14300] =	vst v63  }
0x42: {  	s28 =	sadd.s32 $0xFFFFFFFF, s28;
	s30 =	smov.u32 s24;
	_ =	swait.ge [sflag:s16], $0x140  }
0x43: {  	[sflag:s16] =	ssyncset.done $0x0  }
0x44: {  	s0 =	sadd.s32 s5, s26;
	s26 =	smov.u32 s31;
	[sflag:s16] =	ssyncadd.s32 $0xFFFFFEC0  }
0x45: {  	[tilespmem:s17], [sflag:$0x4] =	stream.linear.gather [hbm4b:s0+s3], $0x140, $0x38;
	[tilespmem:$0x14300] =	vst v63  }
0x46: {  	_ =	swait.ge [sflag:s16], $0x140  }
0x47: {  	[sflag:s16] =	ssyncset.done $0x0  }
0x48: {  	[sflag:s16] =	ssyncadd.s32 $0xFFFFFEC0  }
0x49: {  	_ =	swait.ge [sflag:s22], $0xA000  }
0x4a: {  	[sflag:s22] =	ssyncset.done $0x0  }
0x4b: {  	[sflag:s22] =	ssyncadd.s32 $0xFFFF6000  }
0x4c: {  	[tilespmem:s19], [sflag:$0x1] =	stream.indirect.gather [hbm4b:s1+s18], $0x80, s3, s18, $0xb8;
	[tilespmem:$0x14300] =	vst v63  }
0x4d: {  	_ =	swait.ge [sflag:s20], $0xA000  }
0x4e: {  	[sflag:s20] =	ssyncset.done $0x0  }
0x4f: {  	[sflag:s20] =	ssyncadd.s32 $0xFFFF6000  }
0x50: {  	[hbm4b:s25+s3] =	stream.linear.scatter [tilespmem:s19], [sflag:$0x2], $0xA000, $0x38;
	[tilespmem:$0x14300] =	vst v63  }
0x51: {  	_ =	swait.ge [sflag:s6], $0xA000  }
0x52: {  	[sflag:s6] =	ssyncset.done $0x0  }
.Ltmp2:
0x53: {  	[sflag:s6] =	ssyncadd.s32 $0xFFFF6000;
	(pc) =	sbr.rel @p1 .LBB2_5-.Ltmp2, $4  }
0x54: {  	[tilespmem:s21], [sflag:$0x1] =	stream.indirect.gather [hbm4b:s1+s18], $0x80, s17, s18, $0xb8;
	[tilespmem:$0x14300] =	vst v63  }
0x55: {  	_ =	swait.ge [sflag:s20], $0xA000  }
0x56: {  	s24 =	sadd.s32 $0x1400, s24;
	[sflag:s20] =	ssyncset.done $0x0  }
0x57: {  	s29 =	sadd.s32 $0x140, s29;
	s25 =	sadd.s32 $0x1400, s25;
	[sflag:s20] =	ssyncadd.s32 $0xFFFF6000  }
.LBB2_6:
0x58: {  	[hbm4b:s30+s3] =	stream.linear.scatter @p0 [tilespmem:s21], [sflag:$0x3], $0xA000, $0x38;
	[tilespmem:$0x14300] =	vst v63  }
0x59: {  	s0 =	sadd.s32 s2, s26  }
0x5a: {  	[tilespmem:s3], [sflag:$0x4] =	stream.linear.gather [hbm4b:s0+s3], $0x140, $0x38;
	[tilespmem:$0x14300] =	vst v63  }
0x5b: {  	_ =	swait.ge [sflag:s16], $0x140  }
0x5c: {  	[sflag:s16] =	ssyncset.done $0x0  }
0x5d: {  	s31 =	sadd.s32 s5, s26;
	[sflag:s16] =	ssyncadd.s32 $0xFFFFFEC0  }
0x5e: {  	[tilespmem:s17], [sflag:$0x4] =	stream.linear.gather [hbm4b:s31+s3], $0x140, $0x38;
	[tilespmem:$0x14300] =	vst v63  }
0x5f: {  	_ =	swait.ge [sflag:s16], $0x140  }
0x60: {  	[sflag:s16] =	ssyncset.done $0x0  }
0x61: {  	[sflag:s16] =	ssyncadd.s32 $0xFFFFFEC0  }
0x62: {  	_ =	swait.ge [sflag:s22], $0xA000  }
0x63: {  	[sflag:s22] =	ssyncset.done $0x0  }
0x64: {  	[sflag:s22] =	ssyncadd.s32 $0xFFFF6000  }
0x65: {  	[tilespmem:s19], [sflag:$0x1] =	stream.indirect.gather [hbm4b:s1+s18], $0x80, s3, s18, $0xb8;
	[tilespmem:$0x14300] =	vst v63  }
0x66: {  	_ =	swait.ge [sflag:s20], $0xA000  }
0x67: {  	[sflag:s20] =	ssyncset.done $0x0  }
0x68: {  	[sflag:s20] =	ssyncadd.s32 $0xFFFF6000  }
0x69: {  	[hbm4b:s25+s3] =	stream.linear.scatter [tilespmem:s19], [sflag:$0x2], $0xA000, $0x38;
	[tilespmem:$0x14300] =	vst v63  }
0x6a: {  	_ =	swait.ge [sflag:s6], $0xA000  }
0x6b: {  	[sflag:s6] =	ssyncset.done $0x0  }
0x6c: {  	[sflag:s6] =	ssyncadd.s32 $0xFFFF6000  }
0x6d: {  	[tilespmem:s21], [sflag:$0x1] =	stream.indirect.gather [hbm4b:s1+s18], $0x80, s17, s18, $0xb8;
	[tilespmem:$0x14300] =	vst v63  }
0x6e: {  	_ =	swait.ge [sflag:s20], $0xA000  }
0x6f: {  	[sflag:s20] =	ssyncset.done $0x0  }
0x70: {  	s23 =	sadd.s32 $0x1, s23;
	[sflag:s20] =	ssyncadd.s32 $0xFFFF6000  }
0x71: {  	[hbm4b:s24+s3] =	stream.linear.scatter [tilespmem:s21], [sflag:$0x3], $0xA000, $0x38;
	[tilespmem:$0x14300] =	vst v63  }
0x72: {  	p0 =	sne.s32 s23, s8;
	_ =	swait.ge [sflag:s22], $0xA000  }
.Ltmp3:
0x73: {  	[sflag:s22] =	ssyncset.done $0x0;
	(pc) =	sbr.rel @p0 .LBB2_1-.Ltmp3, $4  }
.Ltmp4:
0x74: {  	[sflag:s22] =	ssyncadd.s32 $0xFFFF6000;
	(pc) =	sbr.rel @!p0 .LBB2_7-.Ltmp4, $4  }
0x75: {  	_ =	swait.ge [sflag:s6], $0xA000  }
0x76: {  	[sflag:s6] =	ssyncset.done $0x0  }
0x77: {  	[sflag:s6] =	ssyncadd.s32 $0xFFFF6000  }
0x78: {  	_ = 	snop  }
.LBB2_2:
.Ltmp5:
0x79: {  	(pc) =	sbr.rel .LBB2_6-.Ltmp5, $2  }
0x7a: {  	_ =	sdelay $0x2  }
0x7b: {  	s24 =	smov.u32 s14;
	s25 =	smov.u32 s13  }
.LBB2_4:
.Ltmp6:
0x7c: {  	(pc) =	sbr.rel .LBB2_6-.Ltmp6, $2  }
0x7d: {  	_ =	sdelay $0x2  }
0x7e: {  	s30 =	smov.u32 s14  }
.LBB2_7:
0x7f: {  	_ =	sfence.sel $0x180000  }
0x80: {  	[bflag:$0x0] =	sbarrier.arrive $0xFFFF  }
0x81: {  	_ =	strace $0x90000047  }
0x82: {  	[bflag:$0x2] =	sbarrier.arrive $0xFFFF  }
0x83: {  	p0 =	sne.s32 s4, $0x0;
	s0 =	rddreg [dreg:$0x3]  }
0x84: {  	s0 =	sadd.s32 @!p0 $0x100000, s0  }
0x85: {  	[sflag:s0] =	ssyncadd.tile.s32 @!p0 $0x1;
	_ =	shalt  }
.Lfunc_end2:
_tile_overlayer_lowered:
.L_overlay_start_2:
0x86: {  	(tag) =	ssettag $0x2  }
0x87: {  	s0 =	rddreg [dreg:$0x0];
	s2 =	stileid.u32  }
0x88: {  	s1 =	rddreg [dreg:$0x1];
	p0 =	sne.s32 s2, $0x0  }
0x89: {  	s3 =	rddreg [dreg:$0x2];
	[bflag:$0x3] =	sbarrier.arrive $0xFFFF;
	s2 =	simm.s32 @!p0 $0x1C04  }
0x8a: {  	[timem:s3], [sflag:s2] =	dma.local @!p0 [hbm:s0], s1  }
0x8b: {  	s0 =	simm.s32 @!p0 $0x4  }
0x8c: {  	_ =	swait.ge @!p0 [sflag:s0], s1  }
0x8d: {  	s1 =	ssub.s32 @!p0 $0x0, s1;
	[sflag:s0] =	ssyncset.done @!p0 $0x0  }
0x8e: {  	[sflag:s0] =	ssyncadd.s32 @!p0 s1  }
0x8f: {  	[bflag:$0x3] =	sbarrier.arrive $0xFFFF  }
0x90: {  	_ =	shalt  }

// kernel: kernel.20.cloned.1.call-start
scs
__scs_entry_jumppad:
0x0: {  	(pc) =	sbr.rel $0x88, $3  }
0x1: {  	(tag) =	ssettag $0x0;
	lr =	simm.s32 $0x1  }
0x2: {  	[smem:$0x3F8B] =	sst lr;
	_ =	strace $0xD0000000  }
0x3: {  	_ = 	snop  }
0x4: {  	_ = 	snop  }
0x5: {  	_ = 	snop  }
0x6: {  	_ = 	snop  }
0x7: {  	_ = 	snop  }
__scs_overlays_trampoline_lowered:
0x8: {  	[smem:$0x3F9A] =	sst s0  }
0x9: {  	[smem:$0x3F9B] =	sst s1  }
0xa: {  	[smem:$0x3F9C] =	sst s2  }
0xb: {  	[smem:$0x3F9D] =	sst s3  }
0xc: {  	[smem:$0x3F9E] =	sst s4  }
0xd: {  	[smem:$0x3F9F] =	sst s5  }
0xe: {  	[smem:$0x3FA0] =	sst s6  }
0xf: {  	[smem:$0x3FA1] =	sst s7  }
0x10: {  	[smem:$0x3FA2] =	sst s8  }
0x11: {  	[smem:$0x3FA3] =	sst s9;
	s0 =	simm.s32 @!p0 $0x0  }
0x12: {  	s1 =	sld [smem:$0x3F89];
	s0 =	simm.s32 @p0 $0x1  }
0x13: {  	[smem:$0x3FA4] =	sst s0;
	s0 =	simm.s32 @!p1 $0x0  }
0x14: {  	s2 =	sld [smem:$0x3F88];
	s0 =	simm.s32 @p1 $0x1  }
0x15: {  	[smem:$0x3FA5] =	sst s0;
	s0 =	simm.s32 @!p2 $0x0  }
0x16: {  	s3 =	sld [smem:$0x3FDB];
	s0 =	simm.s32 @p2 $0x1  }
0x17: {  	s4 =	simm.s32 $0x1BF5;
	[smem:$0x3FA7] =	sst s0  }
0x18: {  	s0 =	sld [smem:$0x3F8A];
	_ =	swait.ge [sflag:s4], $0x0  }
0x19: {  	s7 =	sld [smem:$0x3F8B]  }
0x1a: {  	s8 =	sadd.s32 $0xFFFFE003, lr  }
0x1b: {  	s9 =	sadd.s32 $0xFFFFFEF7, lr;
	s5 =	simm.s32 $0xFFFFFFFF;
	p2 =	slt.u32 s8, $0xFFFFF086  }
0x1c: {  	p1 =	slt.u32 s9, $0xF7A;
	s5 =	simm.s32 @!p2 $0x0  }
0x1d: {  	s5 =	simm.s32 @p1 $0x1;
	p0 =	seq.s32 s7, s2  }
0x1e: {  	s7 =	smul.u32 @!p0 $0xF7A, s2;
	p2 =	seq.s32 @!p0 s5, $0x0  }
0x1f: {  	s9 =	smul.u32 $0xF7A, s1;
	s8 =	simm.s32 @!p0 $0x1BF5;
	p2 =	por !p2, p0  }
0x20: {  	[sflag:s8] =	ssyncset.s32 @!p0 $0xFFFFF086;
	s6 =	sadd.s32 @!p0 s3, s7;
	s7 =	simm.s32 @!p0 $0x108  }
0x21: {  	s3 =	sadd.s32 s3, s9;
	s6 =	sadd.s32 @!p0 $0x88, s6;
	s7 =	simm.s32 @p2 $0x1082  }
0x22: {  	[simem:s7], [sflag:s8] =	dma.local @!p0 [hbm:s6], $0xF7A  }
0x23: {  	s9 =	sor.u32 $0xD0000000, s2;
	s6 =	simm.s32 $0x108;
	_ =	swait.ge @!p0 [sflag:s8], $0x0  }
0x24: {  	s3 =	sadd.s32 $0x88, s3;
	s6 =	simm.s32 @!p1 $0x1082;
	[sflag:s4] =	ssyncset.s32 $0xFFFFF086  }
0x25: {  	[simem:s6], [sflag:s4] =	dma.local [hbm:s3], $0xF7A  }
0x26: {  	[smem:$0x3F8B] =	sst s1;
	(tag) =	ssettag s2;
	_ =	strace s9  }
0x27: {  	s1 =	sld [smem:$0x3F9B]  }
0x28: {  	s2 =	sld [smem:$0x3F9C]  }
0x29: {  	s4 =	sld [smem:$0x3F9E]  }
0x2a: {  	p0 =	seq.s32 s5, $0x0;
	s5 =	sld [smem:$0x3F9F]  }
0x2b: {  	s6 =	sld [smem:$0x3FA0]  }
0x2c: {  	s7 =	sld [smem:$0x3FA1]  }
0x2d: {  	s3 =	simm.s32 $0x108;
	s8 =	sld [smem:$0x3FA2]  }
0x2e: {  	s3 =	simm.s32 @!p0 $0x1082;
	s9 =	sld [smem:$0x3FA3]  }
0x2f: {  	lr =	sadd.s32 s0, s3;
	s0 =	sld [smem:$0x3F9A]  }
0x30: {  	s3 =	sld [smem:$0x3F9D]  }
0x31: {  	[smem:$0x3FA6] =	sst s10  }
0x32: {  	s10 =	sld [smem:$0x3FA4];
	_ =	sdelay $0x3  }
0x33: {  	p0 =	seq.s32 s10, $0x1;
	s10 =	sld [smem:$0x3FA6];
	_ =	sdelay $0x3  }
0x34: {  	[smem:$0x3FA6] =	sst s10  }
0x35: {  	s10 =	sld [smem:$0x3FA5];
	_ =	sdelay $0x3  }
0x36: {  	p1 =	seq.s32 s10, $0x1;
	s10 =	sld [smem:$0x3FA6];
	_ =	sdelay $0x3  }
0x37: {  	[smem:$0x3FA6] =	sst s10  }
0x38: {  	s10 =	sld [smem:$0x3FA7]  }
0x39: {  	_ = 	snop;
	(pc) =	sbr.ind lr, $3  }
0x3a: {  	_ = 	snop  }
0x3b: {  	_ = 	snop  }
0x3c: {  	p2 =	seq.s32 s10, $0x1;
	s10 =	sld [smem:$0x3FA6]  }
0x3d: {  	_ =	shalt  }
0x3e: {  	_ =	shalt  }
0x3f: {  	_ =	shalt  }
0x40: {  	_ =	shalt  }
0x41: {  	_ =	shalt  }
0x42: {  	_ =	shalt  }
0x43: {  	_ =	shalt  }
0x44: {  	_ =	shalt  }
0x45: {  	_ =	shalt  }
0x46: {  	_ =	shalt  }
0x47: {  	_ =	shalt  }
0x48: {  	_ =	shalt  }
0x49: {  	_ =	shalt  }
0x4a: {  	_ =	shalt  }
0x4b: {  	_ =	shalt  }
0x4c: {  	_ =	shalt  }
0x4d: {  	_ =	shalt  }
0x4e: {  	_ =	shalt  }
0x4f: {  	_ =	shalt  }
0x50: {  	_ =	shalt  }
0x51: {  	_ =	shalt  }
0x52: {  	_ =	shalt  }
0x53: {  	_ =	shalt  }
0x54: {  	_ =	shalt  }
0x55: {  	_ =	shalt  }
0x56: {  	_ =	shalt  }
0x57: {  	_ =	shalt  }
0x58: {  	_ =	shalt  }
0x59: {  	_ =	shalt  }
0x5a: {  	_ =	shalt  }
0x5b: {  	_ =	shalt  }
0x5c: {  	_ =	shalt  }
0x5d: {  	_ =	shalt  }
0x5e: {  	_ =	shalt  }
0x5f: {  	_ =	shalt  }
0x60: {  	_ =	shalt  }
0x61: {  	_ =	shalt  }
0x62: {  	_ =	shalt  }
0x63: {  	_ =	shalt  }
0x64: {  	_ =	shalt  }
0x65: {  	_ =	shalt  }
0x66: {  	_ =	shalt  }
0x67: {  	_ =	shalt  }
0x68: {  	_ =	shalt  }
0x69: {  	_ =	shalt  }
0x6a: {  	_ =	shalt  }
0x6b: {  	_ =	shalt  }
0x6c: {  	_ =	shalt  }
0x6d: {  	_ =	shalt  }
0x6e: {  	_ =	shalt  }
0x6f: {  	_ =	shalt  }
0x70: {  	_ =	shalt  }
0x71: {  	_ =	shalt  }
0x72: {  	_ =	shalt  }
0x73: {  	_ =	shalt  }
0x74: {  	_ =	shalt  }
0x75: {  	_ =	shalt  }
0x76: {  	_ =	shalt  }
0x77: {  	_ =	shalt  }
0x78: {  	_ =	shalt  }
0x79: {  	_ =	shalt  }
0x7a: {  	_ =	shalt  }
0x7b: {  	_ =	shalt  }
0x7c: {  	_ =	shalt  }
0x7d: {  	_ =	shalt  }
0x7e: {  	_ =	shalt  }
0x7f: {  	_ =	shalt  }
0x80: {  	_ =	shalt  }
0x81: {  	_ =	shalt  }
0x82: {  	_ =	shalt  }
0x83: {  	_ =	shalt  }
0x84: {  	_ =	shalt  }
0x85: {  	_ =	shalt  }
0x86: {  	_ =	shalt  }
0x87: {  	_ =	shalt  }
.Lfunc_end0:
.L_simem_size_0:
called_computation.3_lowered:
.L_overlay_start_0:
0x88: {  	s2 =	sld [smem:$0x3FD9]  }
0x89: {  	s3 =	sld [smem:$0x3FFE];
	_ =	sdelay $0x1  }
0x8a: {  	s1 =	srdreg.scid  }
0x8b: {  	s0 =	sand.u32 $0x1, s1  }
0x8c: {  	s15 =	sshll.u32 s0, $0xA;
	s2 =	sadd.s32 s3, s2  }
0x8d: {  	s2 =	sadd.s32 s2, s15  }
0x8e: {  	[smem:$0x3FB2] =	sst s2  }
0x8f: {  	_ = 	snop  }
0x90: {  	s2 =	sld [smem:$0x3FD0];
	_ =	sdelay $0x2  }
0x91: {  	s16 =	simm.s32 $0xB;
	s4 =	simm.s32 $0x10  }
0x92: {  	[smem:s4], [sflag:s16] =	dma.local [hbm:s2], $0x1  }
0x93: {  	_ =	swait.eq [sflag:s16], $0x1  }
0x94: {  	[sflag:s16] =	ssyncset.done $0x0  }
0x95: {  	[sflag:s16] =	ssyncadd.s32 $0xFFFFFFFF  }
0x96: {  	s17 =	sld [smem:$0x11];
	(tm) =	ssettm $0x1  }
0x97: {  	s18 =	sld [smem:$0x3FFB];
	_ =	sdelay $0x3  }
0x98: {  	_ =	strace s18  }
0x99: {  	s2 =	sld [smem:$0x3FFC];
	_ =	sdelay $0x3  }
0x9a: {  	_ =	strace s2  }
0x9b: {  	s2 =	sld [smem:$0x3FFD];
	_ =	sdelay $0x3  }
0x9c: {  	_ =	strace s2  }
0x9d: {  	_ =	strace $0x8FFFFFFF  }
0x9e: {  	s19 =	sld [smem:$0x3FDB];
	_ =	sdelay $0x1  }
0x9f: {  	s20 =	simm.s32 $_scs_section_size  }
0xa0: {  	s5 =	simm.s32 $_size__tile_overlayer_lowered;
	s6 =	simm.s32 $_tile_overlayer_lowered  }
0xa1: {  	s7 =	simm.s32 $0x1BFF;
	s21 =	sshll.u32 s6, $0x1;
	s4 =	sadd.s32 s20, s19  }
0xa2: {  	s22 =	simm.s32 $0x0;
	s5 =	sshll.u32 s5, $0x1;
	s6 =	sadd.s32 s21, s4  }
0xa3: {  	[timem:s22], [sflag:s7] =	dma.local [hbm:s6], s5  }
0xa4: {  	_ =	swait.ge [sflag:s7], s5  }
0xa5: {  	s5 =	ssub.s32 $0x0, s5;
	[sflag:s7] =	ssyncset.done $0x0  }
0xa6: {  	[sflag:s7] =	ssyncadd.s32 s5;
	_ =	sdelay $0x1  }
0xa7: {  	s23 =	simm.s32 $0x1B8B  }
0xa8: {  	_ =	swait.ge [sflag:s23], $0x1  }
0xa9: {  	[sflag:s23] =	ssyncset.done $0x0  }
0xaa: {  	[sflag:s23] =	ssyncadd.s32 $0xFFFFFFFF  }
0xab: {  	s5 =	sld [smem:$0x0]  }
0xac: {  	s6 =	sand.u32 $0xFFFFFFFE, s1  }
0xad: {  	p0 =	sne.s32 s1, s6  }
0xae: {  	s6 =	sshll.u32 @p0 s6, $0xE  }
0xaf: {  	s6 =	sadd.s32 @p0 $0x11B8D, s6;
	s7 =	sshll.u32 @p0 s5, $0x11  }
0xb0: {  	s6 =	sor.u32 @p0 s7, s6  }
0xb1: {  	[sflag:s6] =	ssyncadd.remote.s32 @p0 $0x1;
	_ =	sdelay $0x1  }
0xb2: {  	s6 =	simm.s32 @p0 $0x1B8D  }
0xb3: {  	_ =	swait.eq @p0 [sflag:s6], $0x1  }
0xb4: {  	[sflag:s6] =	ssyncadd.s32 @p0 $0xFFFFFFFF  }
0xb5: {  	s7 =	sshll.u32 @!p0 s1, $0xE  }
0xb6: {  	s7 =	sor.u32 @!p0 $0x4000, s7;
	s6 =	simm.s32 @!p0 $0x1B8D  }
0xb7: {  	s5 =	sshll.u32 @!p0 s5, $0x11;
	s7 =	sadd.s32 @!p0 $0x11B8D, s7;
	_ =	swait.eq @!p0 [sflag:s6], $0x1  }
0xb8: {  	s5 =	sor.u32 @!p0 s5, s7;
	[sflag:s6] =	ssyncadd.s32 @!p0 $0xFFFFFFFF  }
0xb9: {  	s25 =	simm.s32 $0x1B8E;
	s24 =	sld [smem:$0x3FFE];
	[sflag:s5] =	ssyncadd.remote.s32 @!p0 $0x1  }
0xba: {  	s26 =	simm.s32 $execute0_lowered;
	[smem:$0x3FD2] =	sst s25  }
0xbb: {  	s6 =	sshll.u32 s26, $0x1;
	_ =	strace $0x8000004C;
	[dreg:$0x1] =	wrdreg $0xFFFFFFFF  }
0xbc: {  	s28 =	simm.s32 $_size_execute0_lowered;
	s4 =	sadd.s32 s4, s6;
	[dreg:$0x0] =	wrdreg $0x0  }
0xbd: {  	s6 =	sshll.u32 s28, $0x1;
	[dreg:$0x2] =	wrdreg s4  }
0xbe: {  	[dreg:$0x3] =	wrdreg s6  }
0xbf: {  	[dreg:$0x4] =	wrdreg $0xC0  }
0xc0: {  	_ =	task [dreg:s22], $0x5FFFF  }
0xc1: {  	[dreg:$0x1] =	wrdreg $0xFFFFFFFF  }
0xc2: {  	[dreg:$0x0] =	wrdreg $0x60  }
0xc3: {  	[dreg:$0x2] =	wrdreg s24  }
0xc4: {  	[dreg:$0x3] =	wrdreg s17  }
0xc5: {  	[dreg:$0x4] =	wrdreg $0x94000  }
0xc6: {  	[dreg:$0x5] =	wrdreg $0xA  }
0xc7: {  	_ =	task.clear_ibuf [dreg:s22], $0x6FFFF;
	_ =	strace $0x9000004C  }
0xc8: {  	s29 =	simm.s32 $0xA;
	_ =	strace $0x8000004E  }
0xc9: {  	_ =	swait.ge [sflag:s29], $0x1  }
0xca: {  	[sflag:s29] =	ssyncadd.s32 $0xFFFFFFFF  }
0xcb: {  	_ =	strace $0x9000004E  }
0xcc: {  	_ =	sfence  }
0xcd: {  	s30 =	sld [smem:$0x0];
	_ =	sdelay $0x2  }
0xce: {  	s31 =	sshll.u32 s1, $0xD;
	s1 =	sshrl.u32 s1, $0x2  }
0xcf: {  	s4 =	sand.u32 $0x4000, s31;
	s1 =	sadd.s32 s1, s30  }
0xd0: {  	s0 =	sor.u32 s4, s0;
	s1 =	sshll.u32 s1, $0x11  }
0xd1: {  	s0 =	sor.u32 s1, s0  }
0xd2: {  	s0 =	sadd.s32 $0x8F2B, s0  }
0xd3: {  	[sflag:s0] =	ssyncadd.remote.s32 $0x1  }
0xd4: {  	_ =	sfence.sel $0xFFFF  }
0xd5: {  	[dreg:$0x0] =	wrdreg $0xFFFFFFFF;
	(pc) =	sbr.abs _section_cstart, $3  }
0xd6: {  	[dreg:$0x1] =	wrdreg $0xFFFFFFFF  }
0xd7: {  	_ =	task.clear_ibuf [dreg:s22], $0x2FFFF;
	_ =	strace $0x9FFFFFFF  }
0xd8: {  	(tm) =	ssettm $0x7FFFFFFF  }
0xd9: {  	_ =	shalt  }
tec
execute0_lowered:
.L_overlay_start_1:
0x0: {  	(tag) =	ssettag $0x1  }
0x1: {  	s0 =	rddreg [dreg:$0x0]  }
0x2: {  	s1 =	rddreg [dreg:$0x1]  }
0x3: {  	s2 =	rddreg [dreg:$0x2]  }
0x4: {  	s4 =	srdreg.scid;
	s3 =	simm.s32 $0x0;
	s16 =	stileid.u32  }
0x5: {  	s28 =	simm.s32 $0x3;
	s29 =	simm.s32 $0x1400;
	s30 =	simm.s32 $0x5400  }
0x6: {  	s31 =	simm.s32 $0x1;
	s4 =	sand.u32 $0x1, s4;
	[smem:$0x7FF] =	sst s3  }
0x7: {  	s6 =	smul.u32 $0x14000, s16;
	s9 =	sadd.s32 $0x9F5000, s0;
	s11 =	sadd.s32 $0xC66000, s0  }
0x8: {  	s13 =	sadd.s32 $0xED7000, s0;
	s14 =	sadd.s32 $0x1148000, s0;
	s5 =	sshll.u32 s4, $0x4  }
0x9: {  	_ =	strace $0x8000004D;
	s7 =	smul.u32 $0x140000, s4;
	s4 =	ssub.s32 $0x2, s4  }
0xa: {  	s5 =	sor.u32 s16, s5;
	s25 =	sshrl.u32 s4, $0x1;
	s16 =	smul.u32 $0x50000, s16  }
0xb: {  	s12 =	smul.u32 $0x280, s5;
	s7 =	sadd.s32 s6, s7;
	s4 =	ssub.s32 s4, s25  }
0xc: {  	p0 =	seq.s32 s5, $0x1F;
	s5 =	smul.u32 $0x14000, s5;
	s6 =	sshrl.u32 s6, $0x3  }
0xd: {  	s15 =	sshrl.u32 s7, $0x3;
	s16 =	sshrl.u32 s16, $0x2;
	s23 =	smax.u32 s4, $0x1  }
0xe: {  	s6 =	sadd.s32 s1, s6;
	s25 =	sadd.s32 s11, s7;
	[dreg:$0xf] =	wrdreg s23  }
0xf: {  	s1 =	simm.s32 $0x2;
	s26 =	sadd.s32 s16, s2;
	[dreg:$0x10] =	wrdreg s25  }
0x10: {  	s4 =	simm.s32 $0x0;
	s18 =	sadd.s32 s11, s5;
	[dreg:$0x5] =	wrdreg s26  }
0x11: {  	s12 =	sadd.s32 s12, s0;
	s20 =	sadd.s32 s13, s5;
	[dreg:$0x9] =	wrdreg s18  }
0x12: {  	s0 =	sadd.s32 s15, s0;
	s22 =	sadd.s32 s14, s5;
	[dreg:$0xb] =	wrdreg s20  }
0x13: {  	s15 =	simm.s32 $0x5;
	s12 =	sadd.s32 $0x9DC600, s12;
	[dreg:$0xd] =	wrdreg s22  }
0x14: {  	s23 =	sadd.s32 s9, s7;
	s17 =	sadd.s32 $0x6A00, s0;
	[dreg:$0x4] =	wrdreg s12  }
0x15: {  	s15 =	simm.s32 @!p0 $0x14;
	s19 =	sadd.s32 $0x56A00, s0;
	[dreg:$0x8] =	wrdreg s17  }
0x16: {  	s21 =	sadd.s32 $0xA6A00, s0;
	s0 =	sadd.s32 $0xF6A00, s0;
	[dreg:$0xa] =	wrdreg s19  }
0x17: {  	s26 =	sadd.s32 s13, s7;
	s22 =	sadd.s32 s14, s7;
	[dreg:$0xc] =	wrdreg s21  }
0x18: {  	s12 =	sadd.s32 s9, s5;
	s16 =	sadd.s32 $0xFFFFFFFF, s15;
	[dreg:$0xe] =	wrdreg s0  }
0x19: {  	s24 =	sshll.u32 s15, $0xC;
	s17 =	sadd.s32 $0x1000, s25;
	[dreg:$0x11] =	wrdreg s26  }
0x1a: {  	s25 =	sadd.s32 $0x1000, s26;
	s26 =	sadd.s32 $0x1000, s22;
	[dreg:$0x6] =	wrdreg s12  }
0x1b: {  	s0 =	simm.s32 $0x80;
	[dreg:$0x7] =	wrdreg s16;
	s19 =	sadd.s32 $0xFFFFF000, s24  }
.LBB2_1:
0x1c: {  	s5 =	rddreg [dreg:$0x4]  }
0x1d: {  	[tilespmem:s3], [sflag:$0x3] =	stream.linear.gather [hbm4b:s5+s3], $0x1400, $0x38;
	[tilespmem:$0x1D400] =	vst v63  }
0x1e: {  	s24 =	stileid.u32;
	_ =	swait.ge [sflag:s28], $0x1400  }
0x1f: {  	s5 =	sshll.u32 s24, $0x6;
	[sflag:s28] =	ssyncset.done $0x0;
	s7 =	rddreg [dreg:$0x5]  }
0x20: {  	s5 =	sor.u32 $0x1C03, s5;
	[sflag:s28] =	ssyncadd.s32 $0xFFFFEC00;
	s7 =	sshrl.u32 s7, $0x3  }
0x21: {  	[spmem:s7], [sflag:s5] =	dma.local [hbm:s6], $0x2800  }
0x22: {  	_ =	swait.ge [sflag:s28], $0x2800  }
0x23: {  	p0 =	sne.s32 s19, $0x1000;
	[sflag:s28] =	ssyncset.done $0x0  }
.Ltmp0:
0x24: {  	[sflag:s28] =	ssyncadd.s32 $0xFFFFD800;
	(pc) =	sbr.rel @!p0 .LBB2_2-.Ltmp0, $4  }
0x25: {  	[bflag:$0x0] =	sbarrier.arrive $0xFFFF  }
0x26: {  	s11 =	simm.s32 $0xFFFFFFFF;
	s9 =	rddreg [dreg:$0x6]  }
0x27: {  	[tilespmem:s29], [sflag:$0x1] =	stream.linear.gather [hbm4b:s9+s3], $0x4000, $0x38;
	[tilespmem:$0x1D400] =	vst v63  }
0x28: {  	s13 =	sadd.s32 $0x0, s23;
	p2 =	por $0x0, $0x0;
	s9 =	simm.s32 $0x1000  }
0x29: {  	s9 =	sadd.s32 $0x800, s13  }
0x2a: {  	[tilespmem:s30], [sflag:$0x2] =	stream.linear.gather [hbm4b:s9+s3], $0x4000, $0x38;
	[tilespmem:$0x1D400] =	vst v63  }
0x2b: {  	_ =	swait.ge [sflag:s31], $0x4000  }
0x2c: {  	[sflag:s31] =	ssyncset.done $0x0  }
0x2d: {  	s21 =	simm.s32 $0x0;
	[sflag:s31] =	ssyncadd.s32 $0xFFFFC000  }
0x2e: {  	[spmem:s2] =	stream.indirect.scatter.add.f32 [tilespmem:s29], [sflag:$0x3], $0x80, s21, s0, $0xb8;
	[tilespmem:$0x1D400] =	vst v63  }
0x2f: {  	_ =	swait.ge [sflag:s28], $0x4000  }
0x30: {  	[sflag:s28] =	ssyncset.done $0x0  }
0x31: {  	s24 =	sadd.s32 $0x1000, s13;
	[sflag:s28] =	ssyncadd.s32 $0xFFFFC000  }
0x32: {  	[tilespmem:s29], [sflag:$0x1] =	stream.linear.gather [hbm4b:s24+s3], $0x4000, $0x38;
	[tilespmem:$0x1D400] =	vst v63  }
0x33: {  	p1 =	sne.s32 s19, $0x2000;
	_ =	swait.ge [sflag:s1], $0x4000  }
.Ltmp1:
0x34: {  	[sflag:s1] =	ssyncset.done $0x0;
	(pc) =	sbr.rel @!p1 .LBB2_6-.Ltmp1, $4  }
0x35: {  	s12 =	simm.s32 $0x180;
	s14 =	simm.s32 $0x2;
	[sflag:s1] =	ssyncadd.s32 $0xFFFFC000  }
0x36: {  	[spmem:s2] =	stream.indirect.scatter.add.f32 [tilespmem:s30], [sflag:$0x3], $0x80, s0, s0, $0xb8;
	[tilespmem:$0x1D400] =	vst v63  }
0x37: {  	s13 =	sadd.s32 $0x1000, s23;
	s11 =	simm.s32 $0x0;
	_ =	swait.ge [sflag:s28], $0x4000  }
0x38: {  	p0 =	por $0x1, $0x1;
	s9 =	simm.s32 $0x2000;
	[sflag:s28] =	ssyncset.done $0x0  }
.LBB2_4:
0x39: {  	s8 =	sadd.s32 $0x800, s13  }
0x3a: {  	[sflag:s28] =	ssyncadd.s32 $0xFFFFC000;
	s15 =	smov.u32 s9;
	s9 =	sadd.s32 $0x1000, s9  }
0x3b: {  	[tilespmem:s30], [sflag:$0x2] =	stream.linear.gather [hbm4b:s8+s3], $0x4000, $0x38;
	[tilespmem:$0x1D400] =	vst v63  }
0x3c: {  	p1 =	sne.s32 s19, s9;
	_ =	swait.ge [sflag:s31], $0x4000  }
0x3d: {  	[sflag:s31] =	ssyncset.done $0x0  }
0x3e: {  	s8 =	sadd.s32 $0xFFFFFF80, s12;
	[sflag:s31] =	ssyncadd.s32 $0xFFFFC000  }
0x3f: {  	[spmem:s2] =	stream.indirect.scatter.add.f32 [tilespmem:s29], [sflag:$0x3], $0x80, s8, s0, $0xb8;
	[tilespmem:$0x1D400] =	vst v63  }
0x40: {  	_ =	swait.ge [sflag:s28], $0x4000  }
0x41: {  	[sflag:s28] =	ssyncset.done $0x0  }
0x42: {  	s8 =	sadd.s32 $0x1000, s13;
	[sflag:s28] =	ssyncadd.s32 $0xFFFFC000  }
0x43: {  	[tilespmem:s29], [sflag:$0x1] =	stream.linear.gather [hbm4b:s8+s3], $0x4000, $0x38;
	[tilespmem:$0x1D400] =	vst v63  }
0x44: {  	_ =	swait.ge [sflag:s1], $0x4000  }
.Ltmp2:
0x45: {  	[sflag:s1] =	ssyncset.done $0x0;
	(pc) =	sbr.rel @p1 .LBB2_4-.Ltmp2, $4  }
0x46: {  	s10 =	sadd.s32 $0x1, s14;
	s11 =	sadd.s32 $0x1, s11;
	[sflag:s1] =	ssyncadd.s32 $0xFFFFC000  }
0x47: {  	[spmem:s2] =	stream.indirect.scatter.add.f32 [tilespmem:s30], [sflag:$0x3], $0x80, s12, s0, $0xb8;
	[tilespmem:$0x1D400] =	vst v63  }
0x48: {  	s14 =	smov.u32 s10;
	s8 =	sadd.s32 $0x100, s12;
	_ =	swait.ge [sflag:s28], $0x4000  }
0x49: {  	s13 =	sadd.s32 s15, s23;
	s12 =	smov.u32 s8;
	[sflag:s28] =	ssyncset.done $0x0  }
0x4a: {  	s12 =	smov.u32 s8  }
.LBB2_6:
0x4b: {  	s14 =	sadd.s32 $0x800, s13;
	[sflag:s28] =	ssyncadd.s32 @p0 $0xFFFFC000  }
0x4c: {  	[tilespmem:s30], [sflag:$0x2] =	stream.linear.gather [hbm4b:s14+s3], $0x4000, $0x38;
	[tilespmem:$0x1D400] =	vst v63  }
0x4d: {  	_ =	swait.ge [sflag:s31], $0x4000  }
0x4e: {  	[sflag:s31] =	ssyncset.done $0x0  }
0x4f: {  	s24 =	sadd.s32 $0xFFFFFF80, s12;
	[sflag:s31] =	ssyncadd.s32 $0xFFFFC000  }
0x50: {  	[spmem:s2] =	stream.indirect.scatter.add.f32 [tilespmem:s29], [sflag:$0x3], $0x80, s24, s0, $0xb8;
	[tilespmem:$0x1D400] =	vst v63  }
0x51: {  	_ =	swait.ge [sflag:s28], $0x4000  }
0x52: {  	[sflag:s28] =	ssyncset.done $0x0  }
0x53: {  	s15 =	sadd.s32 $0x1000, s13;
	[sflag:s28] =	ssyncadd.s32 $0xFFFFC000  }
0x54: {  	[tilespmem:s29], [sflag:$0x1] =	stream.linear.gather [hbm4b:s15+s3], $0x4000, $0x38;
	[tilespmem:$0x1D400] =	vst v63  }
0x55: {  	_ =	swait.ge [sflag:s1], $0x4000  }
0x56: {  	[sflag:s1] =	ssyncset.done $0x0  }
0x57: {  	[sflag:s1] =	ssyncadd.s32 $0xFFFFC000  }
0x58: {  	[spmem:s2] =	stream.indirect.scatter.add.f32 [tilespmem:s30], [sflag:$0x3], $0x80, s12, s0, $0xb8;
	[tilespmem:$0x1D400] =	vst v63  }
0x59: {  	_ =	swait.ge [sflag:s28], $0x4000  }
0x5a: {  	s16 =	sadd.s32 s9, s23;
	[sflag:s28] =	ssyncset.done $0x0  }
0x5b: {  	s13 =	sadd.s32 $0x800, s16;
	[sflag:s28] =	ssyncadd.s32 $0xFFFFC000  }
0x5c: {  	[tilespmem:s30], [sflag:$0x2] =	stream.linear.gather [hbm4b:s13+s3], $0x4000, $0x38;
	[tilespmem:$0x1D400] =	vst v63  }
0x5d: {  	_ =	swait.ge [sflag:s31], $0x4000  }
0x5e: {  	[sflag:s31] =	ssyncset.done $0x0  }
0x5f: {  	s18 =	sadd.s32 $0x1, s11;
	s11 =	sadd.s32 $0x80, s8;
	[sflag:s31] =	ssyncadd.s32 $0xFFFFC000  }
0x60: {  	[spmem:s2] =	stream.indirect.scatter.add.f32 [tilespmem:s29], [sflag:$0x3], $0x80, s11, s0, $0xb8;
	[tilespmem:$0x1D400] =	vst v63  }
0x61: {  	_ =	swait.ge [sflag:s28], $0x4000  }
0x62: {  	s13 =	sadd.s32 $0x1, s18;
	s20 =	rddreg [dreg:$0x7]  }
0x63: {  	[sflag:s28] =	ssyncset.done $0x0;
	p0 =	sge.u32 s13, s20  }
0x64: {  	[sflag:s28] =	ssyncadd.s32 $0xFFFFC000;
	s13 =	sadd.s32 @!p0 s9, s23  }
0x65: {  	s15 =	simm.s32 @!p0 $0x0;
	s16 =	simm.s32 @!p0 $0x1400;
	s13 =	sadd.s32 @!p0 $0x1000, s13  }
0x66: {  	[tilespmem:s16], [sflag:$0x1] =	stream.linear.gather @!p0 [hbm4b:s13+s15], $0x4000, $0x38;
	[tilespmem:$0x1D400] =	vst v63  }
0x67: {  	_ =	swait.ge [sflag:s1], $0x4000  }
0x68: {  	[sflag:s1] =	ssyncset.done $0x0  }
0x69: {  	s12 =	sadd.s32 $0x100, s12;
	[sflag:s1] =	ssyncadd.s32 $0xFFFFC000  }
0x6a: {  	[spmem:s2] =	stream.indirect.scatter.add.f32 [tilespmem:s30], [sflag:$0x3], $0x80, s12, s0, $0xb8;
	[tilespmem:$0x1D400] =	vst v63  }
0x6b: {  	_ =	swait.ge [sflag:s28], $0x4000  }
0x6c: {  	[sflag:s28] =	ssyncset.done $0x0  }
0x6d: {  	[sflag:s28] =	ssyncadd.s32 $0xFFFFC000  }
0x6e: {  	[bflag:$0x0] =	sbarrier.arrive $0xFFFF  }
0x6f: {  	s21 =	rddreg [dreg:$0x8]  }
0x70: {  	[hbm:s21], [sflag:s5] =	dma.local [spmem:s7], $0x2800  }
0x71: {  	_ =	swait.ge [sflag:s28], $0x2800  }
0x72: {  	[sflag:s28] =	ssyncset.done $0x0  }
0x73: {  	[sflag:s28] =	ssyncadd.s32 $0xFFFFD800  }
0x74: {  	[bflag:$0x0] =	sbarrier.arrive $0xFFFF  }
0x75: {  	[spmem:s7], [sflag:s5] =	dma.local [hbm:s6], $0x2800  }
0x76: {  	_ =	swait.ge [sflag:s28], $0x2800  }
0x77: {  	p1 =	sne.s32 s10, $0x1;
	[sflag:s28] =	ssyncset.done $0x0  }
.Ltmp3:
0x78: {  	[sflag:s28] =	ssyncadd.s32 $0xFFFFD800;
	(pc) =	sbr.rel @!p1 .LBB2_10-.Ltmp3, $4  }
0x79: {  	[bflag:$0x0] =	sbarrier.arrive $0xFFFF  }
0x7a: {  	s14 =	simm.s32 $0x0;
	s24 =	rddreg [dreg:$0x9]  }
0x7b: {  	[tilespmem:s29], [sflag:$0x1] =	stream.linear.gather [hbm4b:s24+s14], $0x4000, $0x38;
	[tilespmem:$0x1D400] =	vst v63  }
0x7c: {  	s18 =	simm.s32 $0x0;
	s13 =	sadd.s32 $0xFFFFFFFF, s10;
	s24 =	smov.u32 s17  }
0x7d: {  	s18 =	sadd.s32 $0xFFFFF800, s17  }
0x7e: {  	[tilespmem:s30], [sflag:$0x2] =	stream.linear.gather [hbm4b:s18+s3], $0x4000, $0x38;
	[tilespmem:$0x1D400] =	vst v63  }
0x7f: {  	_ =	swait.ge [sflag:s31], $0x4000  }
0x80: {  	[sflag:s31] =	ssyncset.done $0x0  }
0x81: {  	[sflag:s31] =	ssyncadd.s32 $0xFFFFC000  }
0x82: {  	[spmem:s2] =	stream.indirect.scatter.add.f32 [tilespmem:s29], [sflag:$0x3], $0x80, s14, s0, $0xb8;
	[tilespmem:$0x1D400] =	vst v63  }
0x83: {  	_ =	swait.ge [sflag:s28], $0x4000  }
0x84: {  	[sflag:s28] =	ssyncset.done $0x0  }
0x85: {  	[sflag:s28] =	ssyncadd.s32 $0xFFFFC000  }
0x86: {  	[tilespmem:s29], [sflag:$0x1] =	stream.linear.gather [hbm4b:s17+s3], $0x4000, $0x38;
	[tilespmem:$0x1D400] =	vst v63  }
0x87: {  	p3 =	sne.s32 s13, $0x1;
	_ =	swait.ge [sflag:s1], $0x4000  }
.Ltmp4:
0x88: {  	[sflag:s1] =	ssyncset.done $0x0;
	(pc) =	sbr.rel @!p3 .LBB2_8-.Ltmp4, $4  }
0x89: {  	s24 =	simm.s32 $0x80;
	[sflag:s1] =	ssyncadd.s32 $0xFFFFC000  }
0x8a: {  	[spmem:s2] =	stream.indirect.scatter.add.f32 [tilespmem:s30], [sflag:$0x3], $0x80, s24, s0, $0xb8;
	[tilespmem:$0x1D400] =	vst v63  }
0x8b: {  	s20 =	sadd.s32 $0xFFFFFFFF, s13;
	p2 =	por $0x1, $0x1;
	_ =	swait.ge [sflag:s28], $0x4000  }
0x8c: {  	s18 =	simm.s32 $0x0;
	s24 =	sadd.s32 $0x1000, s17;
	[sflag:s28] =	ssyncset.done $0x0  }
.LBB2_9:
0x8d: {  	s21 =	sadd.s32 $0xFFFFF800, s24;
	[sflag:s28] =	ssyncadd.s32 $0xFFFFC000;
	s18 =	sadd.s32 $0x100, s18  }
0x8e: {  	[tilespmem:s30], [sflag:$0x2] =	stream.linear.gather [hbm4b:s21+s3], $0x4000, $0x38;
	[tilespmem:$0x1D400] =	vst v63  }
0x8f: {  	p3 =	sne.s32 s20, $0x1;
	s20 =	sadd.s32 $0xFFFFFFFF, s20;
	_ =	swait.ge [sflag:s31], $0x4000  }
0x90: {  	[sflag:s31] =	ssyncset.done $0x0  }
0x91: {  	[sflag:s31] =	ssyncadd.s32 $0xFFFFC000  }
0x92: {  	[spmem:s2] =	stream.indirect.scatter.add.f32 [tilespmem:s29], [sflag:$0x3], $0x80, s18, s0, $0xb8;
	[tilespmem:$0x1D400] =	vst v63  }
0x93: {  	_ =	swait.ge [sflag:s28], $0x4000  }
0x94: {  	[sflag:s28] =	ssyncset.done $0x0  }
0x95: {  	[sflag:s28] =	ssyncadd.s32 $0xFFFFC000  }
0x96: {  	[tilespmem:s29], [sflag:$0x1] =	stream.linear.gather [hbm4b:s24+s3], $0x4000, $0x38;
	[tilespmem:$0x1D400] =	vst v63  }
0x97: {  	_ =	swait.ge [sflag:s1], $0x4000  }
.Ltmp5:
0x98: {  	[sflag:s1] =	ssyncset.done $0x0;
	(pc) =	sbr.rel @p3 .LBB2_9-.Ltmp5, $4  }
0x99: {  	s21 =	sadd.s32 $0x80, s18;
	[sflag:s1] =	ssyncadd.s32 $0xFFFFC000  }
0x9a: {  	[spmem:s2] =	stream.indirect.scatter.add.f32 [tilespmem:s30], [sflag:$0x3], $0x80, s21, s0, $0xb8;
	[tilespmem:$0x1D400] =	vst v63  }
0x9b: {  	_ =	swait.ge [sflag:s28], $0x4000  }
0x9c: {  	s24 =	sadd.s32 $0x1000, s24;
	[sflag:s28] =	ssyncset.done $0x0  }
.LBB2_10:
0x9d: {  	s20 =	sadd.s32 $0xFFFFF800, s24;
	[sflag:s28] =	ssyncadd.s32 @p2 $0xFFFFC000  }
0x9e: {  	[tilespmem:s30], [sflag:$0x2] =	stream.linear.gather [hbm4b:s20+s3], $0x4000, $0x38;
	[tilespmem:$0x1D400] =	vst v63  }
0x9f: {  	_ =	swait.ge [sflag:s31], $0x4000  }
0xa0: {  	s18 =	sadd.s32 @p2 $0x100, s18;
	s20 =	simm.s32 $0x0;
	[sflag:s31] =	ssyncset.done $0x0  }
0xa1: {  	s20 =	smov.u32 @p2 s18;
	[sflag:s31] =	ssyncadd.s32 $0xFFFFC000  }
0xa2: {  	[spmem:s2] =	stream.indirect.scatter.add.f32 [tilespmem:s29], [sflag:$0x3], $0x80, s20, s0, $0xb8;
	[tilespmem:$0x1D400] =	vst v63  }
0xa3: {  	_ =	swait.ge [sflag:s28], $0x4000  }
0xa4: {  	[sflag:s28] =	ssyncset.done $0x0  }
0xa5: {  	[sflag:s28] =	ssyncadd.s32 $0xFFFFC000  }
0xa6: {  	[tilespmem:s29], [sflag:$0x1] =	stream.linear.gather [hbm4b:s24+s3], $0x4000, $0x38;
	[tilespmem:$0x1D400] =	vst v63  }
0xa7: {  	_ =	swait.ge [sflag:s1], $0x4000  }
0xa8: {  	[sflag:s1] =	ssyncset.done $0x0  }
0xa9: {  	s18 =	sadd.s32 $0x80, s20;
	[sflag:s1] =	ssyncadd.s32 $0xFFFFC000  }
0xaa: {  	[spmem:s2] =	stream.indirect.scatter.add.f32 [tilespmem:s30], [sflag:$0x3], $0x80, s18, s0, $0xb8;
	[tilespmem:$0x1D400] =	vst v63  }
0xab: {  	_ =	swait.ge [sflag:s28], $0x4000  }
0xac: {  	s20 =	rddreg [dreg:$0x10]  }
0xad: {  	[sflag:s28] =	ssyncset.done $0x0;
	s24 =	sadd.s32 s9, s20  }
0xae: {  	[sflag:s28] =	ssyncadd.s32 $0xFFFFC000;
	s18 =	sadd.s32 $0x800, s24  }
0xaf: {  	[tilespmem:s30], [sflag:$0x2] =	stream.linear.gather [hbm4b:s18+s3], $0x4000, $0x38;
	[tilespmem:$0x1D400] =	vst v63  }
0xb0: {  	_ =	swait.ge [sflag:s31], $0x4000  }
0xb1: {  	[sflag:s31] =	ssyncset.done $0x0  }
0xb2: {  	[sflag:s31] =	ssyncadd.s32 $0xFFFFC000  }
0xb3: {  	[spmem:s2] =	stream.indirect.scatter.add.f32 [tilespmem:s29], [sflag:$0x3], $0x80, s11, s0, $0xb8;
	[tilespmem:$0x1D400] =	vst v63  }
0xb4: {  	_ =	swait.ge [sflag:s28], $0x4000  }
0xb5: {  	s18 =	sadd.s32 @!p0 s9, s20;
	[sflag:s28] =	ssyncset.done $0x0  }
0xb6: {  	s18 =	sadd.s32 @!p0 $0x1000, s18;
	[sflag:s28] =	ssyncadd.s32 $0xFFFFC000  }
0xb7: {  	[tilespmem:s16], [sflag:$0x1] =	stream.linear.gather @!p0 [hbm4b:s18+s15], $0x4000, $0x38;
	[tilespmem:$0x1D400] =	vst v63  }
0xb8: {  	_ =	swait.ge [sflag:s1], $0x4000  }
0xb9: {  	[sflag:s1] =	ssyncset.done $0x0  }
0xba: {  	[sflag:s1] =	ssyncadd.s32 $0xFFFFC000  }
0xbb: {  	[spmem:s2] =	stream.indirect.scatter.add.f32 [tilespmem:s30], [sflag:$0x3], $0x80, s12, s0, $0xb8;
	[tilespmem:$0x1D400] =	vst v63  }
0xbc: {  	_ =	swait.ge [sflag:s28], $0x4000  }
0xbd: {  	[sflag:s28] =	ssyncset.done $0x0  }
0xbe: {  	[sflag:s28] =	ssyncadd.s32 $0xFFFFC000  }
0xbf: {  	[bflag:$0x0] =	sbarrier.arrive $0xFFFF  }
0xc0: {  	s21 =	rddreg [dreg:$0xa]  }
0xc1: {  	[hbm:s21], [sflag:s5] =	dma.local [spmem:s7], $0x2800  }
0xc2: {  	_ =	swait.ge [sflag:s28], $0x2800  }
0xc3: {  	[sflag:s28] =	ssyncset.done $0x0  }
0xc4: {  	[sflag:s28] =	ssyncadd.s32 $0xFFFFD800  }
0xc5: {  	[bflag:$0x0] =	sbarrier.arrive $0xFFFF  }
0xc6: {  	[spmem:s7], [sflag:s5] =	dma.local [hbm:s6], $0x2800  }
0xc7: {  	_ =	swait.ge [sflag:s28], $0x2800  }
.Ltmp6:
0xc8: {  	[sflag:s28] =	ssyncset.done $0x0;
	(pc) =	sbr.rel @!p1 .LBB2_14-.Ltmp6, $4  }
0xc9: {  	[sflag:s28] =	ssyncadd.s32 $0xFFFFD800  }
0xca: {  	p3 =	por $0x0, $0x0;
	p2 =	por $0x0, $0x0;
	[bflag:$0x0] =	sbarrier.arrive $0xFFFF  }
0xcb: {  	s15 =	smov.u32 s25;
	s16 =	simm.s32 $0x0;
	s24 =	rddreg [dreg:$0xb]  }
0xcc: {  	[tilespmem:s29], [sflag:$0x1] =	stream.linear.gather [hbm4b:s24+s14], $0x4000, $0x38;
	[tilespmem:$0x1D400] =	vst v63  }
0xcd: {  	s15 =	sadd.s32 $0xFFFFF800, s25  }
0xce: {  	[tilespmem:s30], [sflag:$0x2] =	stream.linear.gather [hbm4b:s15+s3], $0x4000, $0x38;
	[tilespmem:$0x1D400] =	vst v63  }
0xcf: {  	_ =	swait.ge [sflag:s31], $0x4000  }
0xd0: {  	[sflag:s31] =	ssyncset.done $0x0  }
0xd1: {  	[sflag:s31] =	ssyncadd.s32 $0xFFFFC000  }
0xd2: {  	[spmem:s2] =	stream.indirect.scatter.add.f32 [tilespmem:s29], [sflag:$0x3], $0x80, s14, s0, $0xb8;
	[tilespmem:$0x1D400] =	vst v63  }
0xd3: {  	_ =	swait.ge [sflag:s28], $0x4000  }
0xd4: {  	[sflag:s28] =	ssyncset.done $0x0  }
0xd5: {  	[sflag:s28] =	ssyncadd.s32 $0xFFFFC000  }
0xd6: {  	[tilespmem:s29], [sflag:$0x1] =	stream.linear.gather [hbm4b:s25+s3], $0x4000, $0x38;
	[tilespmem:$0x1D400] =	vst v63  }
0xd7: {  	p4 =	sne.s32 s13, $0x1;
	_ =	swait.ge [sflag:s1], $0x4000  }
.Ltmp7:
0xd8: {  	[sflag:s1] =	ssyncset.done $0x0;
	(pc) =	sbr.rel @!p4 .LBB2_12-.Ltmp7, $4  }
0xd9: {  	s24 =	simm.s32 $0x80;
	[sflag:s1] =	ssyncadd.s32 $0xFFFFC000  }
0xda: {  	[spmem:s2] =	stream.indirect.scatter.add.f32 [tilespmem:s30], [sflag:$0x3], $0x80, s24, s0, $0xb8;
	[tilespmem:$0x1D400] =	vst v63  }
0xdb: {  	s18 =	sadd.s32 $0xFFFFFFFF, s13;
	p3 =	por $0x1, $0x1;
	_ =	swait.ge [sflag:s28], $0x4000  }
0xdc: {  	s16 =	simm.s32 $0x0;
	s15 =	sadd.s32 $0x1000, s25;
	[sflag:s28] =	ssyncset.done $0x0  }
.LBB2_13:
0xdd: {  	s20 =	sadd.s32 $0xFFFFF800, s15;
	[sflag:s28] =	ssyncadd.s32 $0xFFFFC000;
	s16 =	sadd.s32 $0x100, s16  }
0xde: {  	[tilespmem:s30], [sflag:$0x2] =	stream.linear.gather [hbm4b:s20+s3], $0x4000, $0x38;
	[tilespmem:$0x1D400] =	vst v63  }
0xdf: {  	p4 =	sne.s32 s18, $0x1;
	s18 =	sadd.s32 $0xFFFFFFFF, s18;
	_ =	swait.ge [sflag:s31], $0x4000  }
0xe0: {  	[sflag:s31] =	ssyncset.done $0x0  }
0xe1: {  	[sflag:s31] =	ssyncadd.s32 $0xFFFFC000  }
0xe2: {  	[spmem:s2] =	stream.indirect.scatter.add.f32 [tilespmem:s29], [sflag:$0x3], $0x80, s16, s0, $0xb8;
	[tilespmem:$0x1D400] =	vst v63  }
0xe3: {  	_ =	swait.ge [sflag:s28], $0x4000  }
0xe4: {  	[sflag:s28] =	ssyncset.done $0x0  }
0xe5: {  	[sflag:s28] =	ssyncadd.s32 $0xFFFFC000  }
0xe6: {  	[tilespmem:s29], [sflag:$0x1] =	stream.linear.gather [hbm4b:s15+s3], $0x4000, $0x38;
	[tilespmem:$0x1D400] =	vst v63  }
0xe7: {  	_ =	swait.ge [sflag:s1], $0x4000  }
.Ltmp8:
0xe8: {  	[sflag:s1] =	ssyncset.done $0x0;
	(pc) =	sbr.rel @p4 .LBB2_13-.Ltmp8, $4  }
0xe9: {  	s20 =	sadd.s32 $0x80, s16;
	[sflag:s1] =	ssyncadd.s32 $0xFFFFC000  }
0xea: {  	[spmem:s2] =	stream.indirect.scatter.add.f32 [tilespmem:s30], [sflag:$0x3], $0x80, s20, s0, $0xb8;
	[tilespmem:$0x1D400] =	vst v63  }
0xeb: {  	_ =	swait.ge [sflag:s28], $0x4000  }
0xec: {  	s15 =	sadd.s32 $0x1000, s15;
	[sflag:s28] =	ssyncset.done $0x0  }
.LBB2_14:
0xed: {  	s18 =	sadd.s32 $0xFFFFF800, s15;
	[sflag:s28] =	ssyncadd.s32 @p3 $0xFFFFC000  }
0xee: {  	[tilespmem:s30], [sflag:$0x2] =	stream.linear.gather [hbm4b:s18+s3], $0x4000, $0x38;
	[tilespmem:$0x1D400] =	vst v63  }
0xef: {  	_ =	swait.ge [sflag:s31], $0x4000  }
0xf0: {  	s16 =	sadd.s32 @p3 $0x100, s16;
	[sflag:s31] =	ssyncset.done $0x0  }
0xf1: {  	s14 =	smov.u32 @p3 s16;
	[sflag:s31] =	ssyncadd.s32 $0xFFFFC000  }
0xf2: {  	[spmem:s2] =	stream.indirect.scatter.add.f32 [tilespmem:s29], [sflag:$0x3], $0x80, s14, s0, $0xb8;
	[tilespmem:$0x1D400] =	vst v63  }
0xf3: {  	_ =	swait.ge [sflag:s28], $0x4000  }
0xf4: {  	[sflag:s28] =	ssyncset.done $0x0  }
0xf5: {  	[sflag:s28] =	ssyncadd.s32 $0xFFFFC000  }
0xf6: {  	[tilespmem:s29], [sflag:$0x1] =	stream.linear.gather [hbm4b:s15+s3], $0x4000, $0x38;
	[tilespmem:$0x1D400] =	vst v63  }
0xf7: {  	_ =	swait.ge [sflag:s1], $0x4000  }
0xf8: {  	[sflag:s1] =	ssyncset.done $0x0  }
0xf9: {  	s14 =	sadd.s32 $0x80, s14;
	[sflag:s1] =	ssyncadd.s32 $0xFFFFC000  }
0xfa: {  	[spmem:s2] =	stream.indirect.scatter.add.f32 [tilespmem:s30], [sflag:$0x3], $0x80, s14, s0, $0xb8;
	[tilespmem:$0x1D400] =	vst v63  }
0xfb: {  	_ =	swait.ge [sflag:s28], $0x4000  }
0xfc: {  	s15 =	rddreg [dreg:$0x11]  }
0xfd: {  	[sflag:s28] =	ssyncset.done $0x0;
	s20 =	sadd.s32 s9, s15  }
0xfe: {  	[sflag:s28] =	ssyncadd.s32 $0xFFFFC000;
	s14 =	sadd.s32 $0x800, s20  }
0xff: {  	[tilespmem:s30], [sflag:$0x2] =	stream.linear.gather [hbm4b:s14+s3], $0x4000, $0x38;
	[tilespmem:$0x1D400] =	vst v63  }
0x100: {  	_ =	swait.ge [sflag:s31], $0x4000  }
0x101: {  	[sflag:s31] =	ssyncset.done $0x0  }
0x102: {  	[sflag:s31] =	ssyncadd.s32 $0xFFFFC000  }
0x103: {  	[spmem:s2] =	stream.indirect.scatter.add.f32 [tilespmem:s29], [sflag:$0x3], $0x80, s11, s0, $0xb8;
	[tilespmem:$0x1D400] =	vst v63  }
0x104: {  	_ =	swait.ge [sflag:s28], $0x4000  }
0x105: {  	s14 =	sadd.s32 @!p0 s9, s15;
	s15 =	simm.s32 @!p0 $0x1400;
	[sflag:s28] =	ssyncset.done $0x0  }
0x106: {  	s16 =	sadd.s32 @!p0 $0x1000, s14;
	s14 =	simm.s32 @!p0 $0x0;
	[sflag:s28] =	ssyncadd.s32 $0xFFFFC000  }
0x107: {  	[tilespmem:s15], [sflag:$0x1] =	stream.linear.gather @!p0 [hbm4b:s16+s14], $0x4000, $0x38;
	[tilespmem:$0x1D400] =	vst v63  }
0x108: {  	_ =	swait.ge [sflag:s1], $0x4000  }
0x109: {  	[sflag:s1] =	ssyncset.done $0x0  }
0x10a: {  	[sflag:s1] =	ssyncadd.s32 $0xFFFFC000  }
0x10b: {  	[spmem:s2] =	stream.indirect.scatter.add.f32 [tilespmem:s30], [sflag:$0x3], $0x80, s12, s0, $0xb8;
	[tilespmem:$0x1D400] =	vst v63  }
0x10c: {  	_ =	swait.ge [sflag:s28], $0x4000  }
0x10d: {  	[sflag:s28] =	ssyncset.done $0x0  }
0x10e: {  	[sflag:s28] =	ssyncadd.s32 $0xFFFFC000  }
0x10f: {  	[bflag:$0x0] =	sbarrier.arrive $0xFFFF  }
0x110: {  	s21 =	rddreg [dreg:$0xc]  }
0x111: {  	[hbm:s21], [sflag:s5] =	dma.local [spmem:s7], $0x2800  }
0x112: {  	_ =	swait.ge [sflag:s28], $0x2800  }
0x113: {  	[sflag:s28] =	ssyncset.done $0x0  }
0x114: {  	[sflag:s28] =	ssyncadd.s32 $0xFFFFD800  }
0x115: {  	[bflag:$0x0] =	sbarrier.arrive $0xFFFF  }
0x116: {  	[spmem:s7], [sflag:s5] =	dma.local [hbm:s6], $0x2800  }
0x117: {  	_ =	swait.ge [sflag:s28], $0x2800  }
0x118: {  	[sflag:s28] =	ssyncset.done $0x0  }
.Ltmp9:
0x119: {  	[sflag:s28] =	ssyncadd.s32 $0xFFFFD800;
	(pc) =	sbr.rel @!p1 .LBB2_18-.Ltmp9, $4  }
0x11a: {  	[bflag:$0x0] =	sbarrier.arrive $0xFFFF  }
0x11b: {  	s16 =	simm.s32 $0x0;
	s24 =	rddreg [dreg:$0xd]  }
0x11c: {  	[tilespmem:s29], [sflag:$0x1] =	stream.linear.gather [hbm4b:s24+s16], $0x4000, $0x38;
	[tilespmem:$0x1D400] =	vst v63  }
0x11d: {  	s18 =	simm.s32 $0x0;
	s24 =	smov.u32 s26  }
0x11e: {  	s18 =	sadd.s32 $0xFFFFF800, s26  }
0x11f: {  	[tilespmem:s30], [sflag:$0x2] =	stream.linear.gather [hbm4b:s18+s3], $0x4000, $0x38;
	[tilespmem:$0x1D400] =	vst v63  }
0x120: {  	_ =	swait.ge [sflag:s31], $0x4000  }
0x121: {  	[sflag:s31] =	ssyncset.done $0x0  }
0x122: {  	[sflag:s31] =	ssyncadd.s32 $0xFFFFC000  }
0x123: {  	[spmem:s2] =	stream.indirect.scatter.add.f32 [tilespmem:s29], [sflag:$0x3], $0x80, s16, s0, $0xb8;
	[tilespmem:$0x1D400] =	vst v63  }
0x124: {  	_ =	swait.ge [sflag:s28], $0x4000  }
0x125: {  	[sflag:s28] =	ssyncset.done $0x0  }
0x126: {  	[sflag:s28] =	ssyncadd.s32 $0xFFFFC000  }
0x127: {  	[tilespmem:s29], [sflag:$0x1] =	stream.linear.gather [hbm4b:s26+s3], $0x4000, $0x38;
	[tilespmem:$0x1D400] =	vst v63  }
0x128: {  	p1 =	sne.s32 s13, $0x1;
	_ =	swait.ge [sflag:s1], $0x4000  }
.Ltmp10:
0x129: {  	[sflag:s1] =	ssyncset.done $0x0;
	(pc) =	sbr.rel @!p1 .LBB2_16-.Ltmp10, $4  }
0x12a: {  	s24 =	simm.s32 $0x80;
	[sflag:s1] =	ssyncadd.s32 $0xFFFFC000  }
0x12b: {  	[spmem:s2] =	stream.indirect.scatter.add.f32 [tilespmem:s30], [sflag:$0x3], $0x80, s24, s0, $0xb8;
	[tilespmem:$0x1D400] =	vst v63  }
0x12c: {  	s13 =	sadd.s32 $0xFFFFFFFF, s13;
	p2 =	por $0x1, $0x1;
	_ =	swait.ge [sflag:s28], $0x4000  }
0x12d: {  	s18 =	simm.s32 $0x0;
	s24 =	sadd.s32 $0x1000, s26;
	[sflag:s28] =	ssyncset.done $0x0  }
.LBB2_17:
0x12e: {  	s20 =	sadd.s32 $0xFFFFF800, s24;
	[sflag:s28] =	ssyncadd.s32 $0xFFFFC000;
	s18 =	sadd.s32 $0x100, s18  }
0x12f: {  	[tilespmem:s30], [sflag:$0x2] =	stream.linear.gather [hbm4b:s20+s3], $0x4000, $0x38;
	[tilespmem:$0x1D400] =	vst v63  }
0x130: {  	p1 =	sne.s32 s13, $0x1;
	s13 =	sadd.s32 $0xFFFFFFFF, s13;
	_ =	swait.ge [sflag:s31], $0x4000  }
0x131: {  	[sflag:s31] =	ssyncset.done $0x0  }
0x132: {  	[sflag:s31] =	ssyncadd.s32 $0xFFFFC000  }
0x133: {  	[spmem:s2] =	stream.indirect.scatter.add.f32 [tilespmem:s29], [sflag:$0x3], $0x80, s18, s0, $0xb8;
	[tilespmem:$0x1D400] =	vst v63  }
0x134: {  	_ =	swait.ge [sflag:s28], $0x4000  }
0x135: {  	[sflag:s28] =	ssyncset.done $0x0  }
0x136: {  	[sflag:s28] =	ssyncadd.s32 $0xFFFFC000  }
0x137: {  	[tilespmem:s29], [sflag:$0x1] =	stream.linear.gather [hbm4b:s24+s3], $0x4000, $0x38;
	[tilespmem:$0x1D400] =	vst v63  }
0x138: {  	_ =	swait.ge [sflag:s1], $0x4000  }
.Ltmp11:
0x139: {  	[sflag:s1] =	ssyncset.done $0x0;
	(pc) =	sbr.rel @p1 .LBB2_17-.Ltmp11, $4  }
0x13a: {  	s20 =	sadd.s32 $0x80, s18;
	[sflag:s1] =	ssyncadd.s32 $0xFFFFC000  }
0x13b: {  	[spmem:s2] =	stream.indirect.scatter.add.f32 [tilespmem:s30], [sflag:$0x3], $0x80, s20, s0, $0xb8;
	[tilespmem:$0x1D400] =	vst v63  }
0x13c: {  	_ =	swait.ge [sflag:s28], $0x4000  }
0x13d: {  	s24 =	sadd.s32 $0x1000, s24;
	[sflag:s28] =	ssyncset.done $0x0  }
.LBB2_18:
0x13e: {  	s13 =	sadd.s32 $0xFFFFF800, s24;
	[sflag:s28] =	ssyncadd.s32 @p2 $0xFFFFC000  }
0x13f: {  	[tilespmem:s30], [sflag:$0x2] =	stream.linear.gather [hbm4b:s13+s3], $0x4000, $0x38;
	[tilespmem:$0x1D400] =	vst v63  }
0x140: {  	_ =	swait.ge [sflag:s31], $0x4000  }
0x141: {  	s13 =	sadd.s32 @p2 $0x100, s18;
	[sflag:s31] =	ssyncset.done $0x0  }
0x142: {  	s16 =	smov.u32 @p2 s13;
	[sflag:s31] =	ssyncadd.s32 $0xFFFFC000  }
0x143: {  	[spmem:s2] =	stream.indirect.scatter.add.f32 [tilespmem:s29], [sflag:$0x3], $0x80, s16, s0, $0xb8;
	[tilespmem:$0x1D400] =	vst v63  }
0x144: {  	_ =	swait.ge [sflag:s28], $0x4000  }
0x145: {  	[sflag:s28] =	ssyncset.done $0x0  }
0x146: {  	[sflag:s28] =	ssyncadd.s32 $0xFFFFC000  }
0x147: {  	[tilespmem:s29], [sflag:$0x1] =	stream.linear.gather [hbm4b:s24+s3], $0x4000, $0x38;
	[tilespmem:$0x1D400] =	vst v63  }
0x148: {  	_ =	swait.ge [sflag:s1], $0x4000  }
0x149: {  	[sflag:s1] =	ssyncset.done $0x0  }
0x14a: {  	s13 =	sadd.s32 $0x80, s16;
	[sflag:s1] =	ssyncadd.s32 $0xFFFFC000  }
0x14b: {  	[spmem:s2] =	stream.indirect.scatter.add.f32 [tilespmem:s30], [sflag:$0x3], $0x80, s13, s0, $0xb8;
	[tilespmem:$0x1D400] =	vst v63  }
0x14c: {  	_ =	swait.ge [sflag:s28], $0x4000  }
0x14d: {  	s20 =	sadd.s32 s9, s22;
	[sflag:s28] =	ssyncset.done $0x0  }
0x14e: {  	s13 =	sadd.s32 $0x800, s20;
	[sflag:s28] =	ssyncadd.s32 $0xFFFFC000  }
0x14f: {  	[tilespmem:s30], [sflag:$0x2] =	stream.linear.gather [hbm4b:s13+s3], $0x4000, $0x38;
	[tilespmem:$0x1D400] =	vst v63  }
0x150: {  	_ =	swait.ge [sflag:s31], $0x4000  }
0x151: {  	[sflag:s31] =	ssyncset.done $0x0  }
0x152: {  	[sflag:s31] =	ssyncadd.s32 $0xFFFFC000  }
0x153: {  	[spmem:s2] =	stream.indirect.scatter.add.f32 [tilespmem:s29], [sflag:$0x3], $0x80, s11, s0, $0xb8;
	[tilespmem:$0x1D400] =	vst v63  }
0x154: {  	_ =	swait.ge [sflag:s28], $0x4000  }
0x155: {  	s9 =	sadd.s32 @!p0 s9, s22;
	[sflag:s28] =	ssyncset.done $0x0  }
0x156: {  	s9 =	sadd.s32 @!p0 $0x1000, s9;
	[sflag:s28] =	ssyncadd.s32 $0xFFFFC000  }
0x157: {  	[tilespmem:s15], [sflag:$0x1] =	stream.linear.gather @!p0 [hbm4b:s9+s14], $0x4000, $0x38;
	[tilespmem:$0x1D400] =	vst v63  }
0x158: {  	_ =	swait.ge [sflag:s1], $0x4000  }
0x159: {  	[sflag:s1] =	ssyncset.done $0x0  }
0x15a: {  	[sflag:s1] =	ssyncadd.s32 $0xFFFFC000  }
0x15b: {  	[spmem:s2] =	stream.indirect.scatter.add.f32 [tilespmem:s30], [sflag:$0x3], $0x80, s12, s0, $0xb8;
	[tilespmem:$0x1D400] =	vst v63  }
0x15c: {  	_ =	swait.ge [sflag:s28], $0x4000  }
0x15d: {  	[sflag:s28] =	ssyncset.done $0x0  }
0x15e: {  	[sflag:s28] =	ssyncadd.s32 $0xFFFFC000  }
0x15f: {  	[bflag:$0x0] =	sbarrier.arrive $0xFFFF  }
0x160: {  	s21 =	rddreg [dreg:$0xe]  }
0x161: {  	[hbm:s21], [sflag:s5] =	dma.local [spmem:s7], $0x2800  }
0x162: {  	_ =	swait.ge [sflag:s28], $0x2800  }
0x163: {  	s4 =	sadd.s32 $0x1, s4;
	s24 =	rddreg [dreg:$0xf]  }
0x164: {  	p0 =	sne.s32 s4, s24  }
.Ltmp12:
0x165: {  	_ = 	snop;
	(pc) =	sbr.rel @p0 .LBB2_1-.Ltmp12, $4  }
.Ltmp13:
0x166: {  	[sflag:s28] =	ssyncset.done $0x0;
	(pc) =	sbr.rel @!p0 .LBB2_19-.Ltmp13, $4  }
0x167: {  	[sflag:s28] =	ssyncadd.s32 $0xFFFFD800  }
0x168: {  	[bflag:$0x0] =	sbarrier.arrive $0xFFFF  }
0x169: {  	_ = 	snop  }
0x16a: {  	_ = 	snop  }
.LBB2_2:
.Ltmp14:
0x16b: {  	(pc) =	sbr.rel .LBB2_6-.Ltmp14, $2  }
0x16c: {  	_ =	sdelay $0x2  }
0x16d: {  	s12 =	simm.s32 $0x80;
	p0 =	por $0x0, $0x0  }
.LBB2_8:
.Ltmp15:
0x16e: {  	(pc) =	sbr.rel .LBB2_10-.Ltmp15, $2  }
0x16f: {  	_ =	sdelay $0x2  }
0x170: {  	s18 =	simm.s32 $0x0  }
.LBB2_12:
.Ltmp16:
0x171: {  	(pc) =	sbr.rel .LBB2_14-.Ltmp16, $2  }
0x172: {  	_ =	sdelay $0x2  }
0x173: {  	s16 =	simm.s32 $0x0  }
.LBB2_16:
.Ltmp17:
0x174: {  	(pc) =	sbr.rel .LBB2_18-.Ltmp17, $2  }
0x175: {  	_ =	sdelay $0x2  }
0x176: {  	s18 =	simm.s32 $0x0  }
.LBB2_19:
0x177: {  	_ =	sfence.sel $0x180000  }
0x178: {  	[bflag:$0x0] =	sbarrier.arrive $0xFFFF  }
0x179: {  	_ =	strace $0x9000004D  }
0x17a: {  	s0 =	stileid.u32;
	[bflag:$0x2] =	sbarrier.arrive $0xFFFF  }
0x17b: {  	p0 =	sne.s32 s0, $0x0;
	s0 =	rddreg [dreg:$0x3]  }
0x17c: {  	s0 =	sadd.s32 @!p0 $0x100000, s0  }
0x17d: {  	[sflag:s0] =	ssyncadd.tile.s32 @!p0 $0x1;
	_ =	shalt  }
.Lfunc_end2:
_tile_overlayer_lowered:
.L_overlay_start_2:
0x17e: {  	(tag) =	ssettag $0x2  }
0x17f: {  	s0 =	rddreg [dreg:$0x0];
	s2 =	stileid.u32  }
0x180: {  	s1 =	rddreg [dreg:$0x1];
	p0 =	sne.s32 s2, $0x0  }
0x181: {  	s3 =	rddreg [dreg:$0x2];
	[bflag:$0x3] =	sbarrier.arrive $0xFFFF;
	s2 =	simm.s32 @!p0 $0x1C03  }
0x182: {  	[timem:s3], [sflag:s2] =	dma.local @!p0 [hbm:s0], s1  }
0x183: {  	s0 =	simm.s32 @!p0 $0x3  }
0x184: {  	_ =	swait.ge @!p0 [sflag:s0], s1  }
0x185: {  	s1 =	ssub.s32 @!p0 $0x0, s1;
	[sflag:s0] =	ssyncset.done @!p0 $0x0  }
0x186: {  	[sflag:s0] =	ssyncadd.s32 @!p0 s1  }
0x187: {  	[bflag:$0x3] =	sbarrier.arrive $0xFFFF  }
0x188: {  	_ =	shalt  }

</sc_bundles>
